<compile_context>
chip_gen: v7x
topology: tpu7x:2x2x1
jax: 0.10.2.dev20260603
libtpu: 0.0.44.dev20260713+nightly
codegen_flags: <defaults>
</compile_context>

<pallas_src>
import jax
import jax.numpy as jnp
from jax import lax
from jax.experimental import pallas as pl
from jax.experimental.pallas import tpu as pltpu
from jax.experimental.pallas import tpu_sc as plsc

import functools

ROWS = 128
COLS = 32768
K = 64
L = 16
NC = 2
NS = 16
NW = NC * NS
RPW = ROWS // NW
NB = 4096
BSHIFT = 32 - 12
BOFF = NB // 2
CAP = 4096
NCHUNK = COLS // L
MARGIN = 0.25


def _fkey(v):
    b = lax.bitcast_convert_type(v, jnp.int32)
    return b ^ (lax.shift_right_arithmetic(b, 31) & jnp.int32(0x7FFFFFFF))


def _ikey(key):
    f = key ^ (lax.shift_right_arithmetic(key, 31) & jnp.int32(0x7FFFFFFF))
    return lax.bitcast_convert_type(f, jnp.float32)


def _tec_body(scores_hbm, out_hbm, rowa_v, rowb_v, out_v, hist_v, cval_v,
              cidx_v, pcnt_v, cflag_v, sema, semb, osem):
    c = lax.axis_index("c")
    s = lax.axis_index("s")
    wid = s * NC + c
    lanes = lax.iota(jnp.int32, L)
    lane0 = lanes == 0
    ones = jnp.ones((L,), jnp.int32)
    zi = jnp.zeros((L,), jnp.int32)
    zf = jnp.zeros((L,), jnp.float32)

    row0 = wid * RPW
    bufs = [(rowa_v, sema), (rowb_v, semb)]
    pltpu.async_copy(scores_hbm.at[row0], rowa_v, sema)

    @plsc.parallel_loop(0, COLS // L, unroll=4)
    def zero_out(i):
        out_v[pl.ds(i * L, L)] = zf

    def count_ge(cand, cnt, nch):
        @plsc.parallel_loop(0, nch, carry=zi)
        def acc(ch, acc_v):
            kv = _fkey(cval_v[pl.ds(ch * L, L)])
            ge = (kv >= cand) & ((ch * L + lanes) < cnt)
            return acc_v + ge.astype(jnp.int32)
        return jnp.sum(acc)

    def refine(prefix_init, nbits, cnt):
        nch = lax.div(cnt + (L - 1), jnp.int32(L))

        def bit_step(j, prefix):
            cand = prefix + lax.shift_left(jnp.int32(1), nbits - 1 - j)
            cge = count_ge(cand, cnt, nch)
            return jnp.where(cge >= K, cand, prefix)
        return lax.fori_loop(0, nbits, bit_step, prefix_init)

    def collect_pre(row_v, floor_v):
        @plsc.parallel_loop(0, NCHUNK, unroll=4)
        def flag_pass(i):
            v = row_v[pl.ds(i * L, L)]
            pc = plsc.all_reduce_population_count(v >= floor_v)
            plsc.store_scatter(pcnt_v, [zi + i], pc, mask=lane0)

        @plsc.parallel_loop(0, NCHUNK // L, unroll=2, carry=zi)
        def fcomp(g, fcnt_v):
            pcs = pcnt_v[pl.ds(g * L, L)]
            m = pcs > 0
            pos = plsc.cumsum(m.astype(jnp.int32))
            tgt = fcnt_v + pos - 1
            plsc.store_scatter(cflag_v, [tgt], g * L + lanes, mask=m)
            return fcnt_v + plsc.all_reduce_population_count(m)
        return jnp.max(fcomp)

    def collect_gather(row_v, floor_v, nflag):
        @plsc.parallel_loop(0, nflag, carry=zi)
        def coll(ch, cnt_v):
            fid = cflag_v[pl.ds(ch, L)][0]
            v = row_v[pl.ds(fid * L, L)]
            m = (v >= floor_v) & (cnt_v <= CAP - 2 * L)
            pos = plsc.cumsum(m.astype(jnp.int32))
            tgt = cnt_v + pos - 1
            plsc.store_scatter(cval_v, [tgt], v, mask=m)
            plsc.store_scatter(cidx_v, [tgt], fid * L + lanes, mask=m)
            return cnt_v + plsc.all_reduce_population_count(m)
        return jnp.max(coll)

    def collect(row_v, floor_v):
        return collect_gather(row_v, floor_v, collect_pre(row_v, floor_v))

    def full_select(row_v):
        @plsc.parallel_loop(0, NB // L, unroll=4)
        def zero_hist(i):
            hist_v[pl.ds(i * L, L)] = zi

        @plsc.parallel_loop(0, COLS // L, unroll=4)
        def hist_pass(i):
            key = _fkey(row_v[pl.ds(i * L, L)])
            bucket = lax.shift_right_arithmetic(key, BSHIFT) + BOFF
            plsc.addupdate_scatter(hist_v, [bucket], ones)

        def scan_cond(carry):
            j, total, b_star, found = carry
            return (found == 0) & (j < NB // L)

        def scan_step(carry):
            j, total, b_star, found = carry
            base = NB - (j + 1) * L
            h = hist_v[pl.ds(base, L)]
            hr = lax.rev(h, (0,))
            cs = plsc.cumsum(hr)
            hit = (total + cs) >= K
            anyhit = jnp.any(hit)
            ffs = jnp.int32(L) - jnp.sum(hit.astype(jnp.int32))
            nb_id = base + (L - 1) - ffs
            b_star = jnp.where(anyhit, nb_id, b_star)
            found = jnp.where(anyhit, 1, found)
            return j + 1, total + jnp.sum(h), b_star, found
        _, _, b_star, _ = lax.while_loop(
            scan_cond, scan_step,
            (jnp.int32(0), jnp.int32(0), jnp.int32(0), jnp.int32(0)))

        prefix0 = lax.shift_left(b_star - BOFF, BSHIFT)
        cnt = collect(row_v, _ikey(zi + prefix0))
        t_key = refine(prefix0, BSHIFT, cnt)
        return t_key, cnt

    def spec_select(cnt):
        nch = lax.div(cnt + (L - 1), jnp.int32(L))
        nonneg = count_ge(jnp.int32(0), cnt, nch)
        prefix_init = jnp.where(nonneg >= K, jnp.int32(0),
                                jnp.int32(-2**31))
        return refine(prefix_init, 31, cnt)

    def restore_zeros(cnt):
        nch = lax.div(cnt + (L - 1), jnp.int32(L))

        def unscat(ch, carry):
            sl = pl.ds(ch * L, L)
            iv = cidx_v[sl]
            m = (ch * L + lanes) < cnt
            plsc.store_scatter(out_v, [iv], zf, mask=m)
            return carry
        lax.fori_loop(0, nch, unscat, 0)

    f_v = zf
    cnt_prev = jnp.int32(0)
    for r in range(RPW):
        row_v, sem = bufs[r % 2]
        pltpu.make_async_copy(scores_hbm.at[row0 + r], row_v, sem).wait()
        if r + 1 < RPW:
            nrow_v, nsem = bufs[(r + 1) % 2]
            pltpu.async_copy(scores_hbm.at[row0 + r + 1], nrow_v, nsem)

        if r == 0:
            t_key, cnt = full_select(row_v)
        else:
            nflag = collect_pre(row_v, f_v)
            pltpu.make_async_copy(out_v, out_hbm.at[row0 + r - 1],
                                  osem).wait()
            restore_zeros(cnt_prev)
            cnt_s = collect_gather(row_v, f_v, nflag)
            ok = (cnt_s >= K) & (cnt_s <= CAP - 2 * L)
            t_key, cnt = lax.cond(
                ok,
                lambda: (spec_select(cnt_s), cnt_s),
                lambda: full_select(row_v))

        t_val_v = _ikey(zi + t_key)
        nch = lax.div(cnt + (L - 1), jnp.int32(L))

        def scat(ch, carry):
            sl = pl.ds(ch * L, L)
            vv = cval_v[sl]
            iv = cidx_v[sl]
            m = (vv >= t_val_v) & ((ch * L + lanes) < cnt)
            plsc.store_scatter(out_v, [iv], vv, mask=m)
            return carry
        lax.fori_loop(0, nch, scat, 0)

        pltpu.async_copy(out_v, out_hbm.at[row0 + r], osem)
        cnt_prev = cnt

        f_v = t_val_v - jnp.float32(MARGIN)

    pltpu.make_async_copy(out_v, out_hbm.at[row0 + RPW - 1], osem).wait()


@functools.partial(
    pl.kernel,
    out_type=jax.ShapeDtypeStruct((ROWS, COLS), jnp.float32),
    mesh=plsc.VectorSubcoreMesh(core_axis_name="c", subcore_axis_name="s"),
    compiler_params=pltpu.CompilerParams(needs_layout_passes=False),
    scratch_types=[
        pltpu.VMEM((COLS,), jnp.float32),
        pltpu.VMEM((COLS,), jnp.float32),
        pltpu.VMEM((COLS,), jnp.float32),
        pltpu.VMEM((NB,), jnp.int32),
        pltpu.VMEM((CAP,), jnp.float32),
        pltpu.VMEM((CAP,), jnp.int32),
        pltpu.VMEM((NCHUNK,), jnp.int32),
        pltpu.VMEM((NCHUNK + L,), jnp.int32),
        pltpu.SemaphoreType.DMA,
        pltpu.SemaphoreType.DMA,
        pltpu.SemaphoreType.DMA,
    ],
)
def _topk_mask_sc(scores_hbm, out_hbm, rowa_v, rowb_v, out_v, hist_v,
                  cval_v, cidx_v, pcnt_v, cflag_v, sema, semb, osem):
    _tec_body(scores_hbm, out_hbm, rowa_v, rowb_v, out_v, hist_v, cval_v,
              cidx_v, pcnt_v, cflag_v, sema, semb, osem)


def kernel(scores, k):
    del k
    return _topk_mask_sc(scores)

# --- scband reference (transcript-rebuilt; emitter-appended) ---
"""Pipeline reference for scband-supernode-learn-29068338659474 (READ-ONLY COPY).

The authoritative reference and input builder live on the scoring server;
editing this copy changes nothing except your own understanding.
"""

import jax, jax.numpy as jnp
import numpy as np


def setup_inputs(seed: int = 0) -> dict:
    key = jax.random.key(seed)
    scores = jax.random.normal(key, (128, 32768), dtype=jnp.float32)
    return {"scores": scores, "k": 64}


def reference(scores, k):
    # SupernodeLearn / GetSubgraph core: keep top-k (neigh_size) highest-similarity
    # neighbors per row of the score/similarity matrix, zero out the rest
    # (matching the zero-fill semantics used on the similarity matrices, e.g.
    # fill_diagonal_(0) style masking in SimMatrix followed by top-k neighbor
    # selection with neigh_size).
    vals, _ = jax.lax.top_k(scores, 64)
    thresh = vals[:, -1:] + jnp.zeros_like(vals[:, -1:]) * k
    mask = scores >= thresh
    masked = jnp.where(mask, scores, jnp.zeros_like(scores))
    return masked

if __name__ == "__main__":
    import jax
    _d = setup_inputs()
    print(jax.jit(kernel)(*tuple(_d.values())))

</pallas_src>

<mosaic_0001>
#map = affine_map<(d0, d1) -> (0, 0)>
module attributes {stable_mosaic.version = 14 : i64} {
  func.func @_topk_mask_sc(%arg0: i32, %arg1: i32, %arg2: memref<128x32768xf32, #tpu.memory_space<hbm>>, %arg3: memref<128x32768xf32, #tpu.memory_space<hbm>>, %arg4: memref<32768xf32, #tpu.memory_space<vmem>>, %arg5: memref<32768xf32, #tpu.memory_space<vmem>>, %arg6: memref<32768xf32, #tpu.memory_space<vmem>>, %arg7: memref<4096xi32, #tpu.memory_space<vmem>>, %arg8: memref<4096xf32, #tpu.memory_space<vmem>>, %arg9: memref<4096xi32, #tpu.memory_space<vmem>>, %arg10: memref<2048xi32, #tpu.memory_space<vmem>>, %arg11: memref<2064xi32, #tpu.memory_space<vmem>>, %arg12: memref<!tpu.dma_semaphore, #tpu.memory_space<semaphore_mem>>, %arg13: memref<!tpu.dma_semaphore, #tpu.memory_space<semaphore_mem>>, %arg14: memref<!tpu.dma_semaphore, #tpu.memory_space<semaphore_mem>>) attributes {dimension_semantics = [#tpu.dimension_semantics<core_parallel>, #tpu.dimension_semantics<subcore_parallel>], iteration_bounds = array<i64: 2, 16>, scalar_prefetch = 0 : i64, scratch_operands = 11 : i64, tpu.core_type = #tpu.core_type<sc_vector_subcore>, window_params = [{transform_indices = #map}, {transform_indices = #map}]} {
    %mul3A = arith.constant 2 : i32
    %mul3A_0 = arith.muli %arg1, %mul3A : i32
    %add3A = arith.addi %mul3A_0, %arg0 : i32
    %iota3A = tpu.iota {dimensions = array<i32: 0>} : vector<16xi32>
    %eq3A = arith.constant 0 : i32
    %eq3A_1 = vector.broadcast %eq3A : i32 to vector<16xi32>
    %eq3A_2 = arith.cmpi eq, %iota3A, %eq3A_1 : vector<16xi32>
    %broadcast_in_dim3A = arith.constant 1 : i32
    %broadcast_in_dim3A_3 = vector.broadcast %broadcast_in_dim3A : i32 to vector<16xi32>
    %broadcast_in_dim3A_4 = arith.constant 0 : i32
    %broadcast_in_dim3A_5 = vector.broadcast %broadcast_in_dim3A_4 : i32 to vector<16xi32>
    %broadcast_in_dim3A_6 = arith.constant 0.000000e+00 : f32
    %broadcast_in_dim3A_7 = vector.broadcast %broadcast_in_dim3A_6 : f32 to vector<16xf32>
    %mul3A_8 = arith.constant 4 : i32
    %mul3A_9 = arith.muli %add3A, %mul3A_8 : i32
    %dma_start3A = arith.constant 0 : i32
    %dma_start3A_10 = tpu.memref_slice %arg2[%mul3A_9, %dma_start3A] : memref<128x32768xf32, #tpu.memory_space<hbm>> -> memref<1x32768xf32, #tpu.memory_space<hbm>>
    %dma_start3A_11 = tpu.memref_squeeze %dma_start3A_10 : memref<1x32768xf32, #tpu.memory_space<hbm>> -> memref<32768xf32, #tpu.memory_space<hbm>>
    %dma_start3A_12 = arith.constant 0 : i32
    %dma_start3A_13 = tpu.memref_slice %arg2[%mul3A_9, %dma_start3A_12] : memref<128x32768xf32, #tpu.memory_space<hbm>> -> memref<1x32768xf32, #tpu.memory_space<hbm>>
    %dma_start3A_14 = tpu.memref_squeeze %dma_start3A_13 : memref<1x32768xf32, #tpu.memory_space<hbm>> -> memref<32768xf32, #tpu.memory_space<hbm>>
    tpu.enqueue_dma source(%dma_start3A_14 : memref<32768xf32, #tpu.memory_space<hbm>>) target(%arg4 : memref<32768xf32, #tpu.memory_space<vmem>>) target_semaphore(%arg12 : memref<!tpu.dma_semaphore, #tpu.memory_space<semaphore_mem>>)
    %parallel_loop3A = arith.constant 0 : i32
    %parallel_loop3A_15 = arith.constant 2048 : i32
    %parallel_loop3A_16 = arith.constant 1 : i32
    scf.for %parallel_loop3A_452 = %parallel_loop3A to %parallel_loop3A_15 step %parallel_loop3A_16  : i32 {
      %parallel_loop3A_453 = arith.constant 16 : i32
      %parallel_loop3A_454 = arith.muli %parallel_loop3A_452, %parallel_loop3A_453 : i32
      %parallel_loop3A_455 = arith.index_cast %parallel_loop3A_454 : i32 to index
      %parallel_loop3A_456 = tpu.vector_load %arg6[%parallel_loop3A_455] {strides = array<i32>} : memref<32768xf32, #tpu.memory_space<vmem>>, vector<16xf32>,
      tpu.vector_store %arg6[%parallel_loop3A_455], %broadcast_in_dim3A_7 {strides = array<i32>} : memref<32768xf32, #tpu.memory_space<vmem>>, vector<16xf32>,
    } {sc.loop_unroll_factor = 4 : i64, sc.parallel_access}
    %add3A_17 = arith.constant 0 : i32
    %add3A_18 = arith.addi %mul3A_9, %add3A_17 : i32
    %dma_wait3A = arith.constant 0 : i32
    %dma_wait3A_19 = tpu.memref_slice %arg2[%add3A_18, %dma_wait3A] : memref<128x32768xf32, #tpu.memory_space<hbm>> -> memref<1x32768xf32, #tpu.memory_space<hbm>>
    %dma_wait3A_20 = tpu.memref_squeeze %dma_wait3A_19 : memref<1x32768xf32, #tpu.memory_space<hbm>> -> memref<32768xf32, #tpu.memory_space<hbm>>
    %dma_wait3A_21 = arith.constant 0 : i32
    %dma_wait3A_22 = tpu.memref_slice %arg2[%add3A_18, %dma_wait3A_21] : memref<128x32768xf32, #tpu.memory_space<hbm>> -> memref<1x32768xf32, #tpu.memory_space<hbm>>
    %dma_wait3A_23 = tpu.memref_squeeze %dma_wait3A_22 : memref<1x32768xf32, #tpu.memory_space<hbm>> -> memref<32768xf32, #tpu.memory_space<hbm>>
    tpu.wait_dma2 semaphore(%arg12 : memref<!tpu.dma_semaphore, #tpu.memory_space<semaphore_mem>>) src(%dma_wait3A_23 : memref<32768xf32, #tpu.memory_space<hbm>>) dst(%arg4 : memref<32768xf32, #tpu.memory_space<vmem>>)
    %add3A_24 = arith.constant 0 : i32
    %add3A_25 = arith.addi %mul3A_9, %add3A_24 : i32
    %add3A_26 = arith.constant 1 : i32
    %add3A_27 = arith.addi %add3A_25, %add3A_26 : i32
    %dma_start3A_28 = arith.constant 0 : i32
    %dma_start3A_29 = tpu.memref_slice %arg2[%add3A_27, %dma_start3A_28] : memref<128x32768xf32, #tpu.memory_space<hbm>> -> memref<1x32768xf32, #tpu.memory_space<hbm>>
    %dma_start3A_30 = tpu.memref_squeeze %dma_start3A_29 : memref<1x32768xf32, #tpu.memory_space<hbm>> -> memref<32768xf32, #tpu.memory_space<hbm>>
    %dma_start3A_31 = arith.constant 0 : i32
    %dma_start3A_32 = tpu.memref_slice %arg2[%add3A_27, %dma_start3A_31] : memref<128x32768xf32, #tpu.memory_space<hbm>> -> memref<1x32768xf32, #tpu.memory_space<hbm>>
    %dma_start3A_33 = tpu.memref_squeeze %dma_start3A_32 : memref<1x32768xf32, #tpu.memory_space<hbm>> -> memref<32768xf32, #tpu.memory_space<hbm>>
    tpu.enqueue_dma source(%dma_start3A_33 : memref<32768xf32, #tpu.memory_space<hbm>>) target(%arg5 : memref<32768xf32, #tpu.memory_space<vmem>>) target_semaphore(%arg13 : memref<!tpu.dma_semaphore, #tpu.memory_space<semaphore_mem>>)
    %parallel_loop3A_34 = arith.constant 0 : i32
    %parallel_loop3A_35 = arith.constant 256 : i32
    %parallel_loop3A_36 = arith.constant 1 : i32
    scf.for %parallel_loop3A_452 = %parallel_loop3A_34 to %parallel_loop3A_35 step %parallel_loop3A_36  : i32 {
      %parallel_loop3A_453 = arith.constant 16 : i32
      %parallel_loop3A_454 = arith.muli %parallel_loop3A_452, %parallel_loop3A_453 : i32
      %parallel_loop3A_455 = arith.index_cast %parallel_loop3A_454 : i32 to index
      %parallel_loop3A_456 = tpu.vector_load %arg7[%parallel_loop3A_455] {strides = array<i32>} : memref<4096xi32, #tpu.memory_space<vmem>>, vector<16xi32>,
      tpu.vector_store %arg7[%parallel_loop3A_455], %broadcast_in_dim3A_5 {strides = array<i32>} : memref<4096xi32, #tpu.memory_space<vmem>>, vector<16xi32>,
    } {sc.loop_unroll_factor = 4 : i64, sc.parallel_access}
    %parallel_loop3A_37 = arith.constant 0 : i32
    %parallel_loop3A_38 = arith.constant 2048 : i32
    %parallel_loop3A_39 = arith.constant 1 : i32
    scf.for %parallel_loop3A_452 = %parallel_loop3A_37 to %parallel_loop3A_38 step %parallel_loop3A_39  : i32 {
      %parallel_loop3A_453 = arith.constant 16 : i32
      %parallel_loop3A_454 = arith.muli %parallel_loop3A_452, %parallel_loop3A_453 : i32
      %parallel_loop3A_455 = arith.index_cast %parallel_loop3A_454 : i32 to index
      %parallel_loop3A_456 = tpu.vector_load %arg4[%parallel_loop3A_455] {strides = array<i32>} : memref<32768xf32, #tpu.memory_space<vmem>>, vector<16xf32>,
      %parallel_loop3A_457 = tpu.bitcast %parallel_loop3A_456 : vector<16xf32> -> vector<16xi32>
      %parallel_loop3A_458 = arith.constant 31 : i32
      %parallel_loop3A_459 = vector.broadcast %parallel_loop3A_458 : i32 to vector<16xi32>
      %parallel_loop3A_460 = arith.shrsi %parallel_loop3A_457, %parallel_loop3A_459 : vector<16xi32>
      %parallel_loop3A_461 = arith.constant 2147483647 : i32
      %parallel_loop3A_462 = vector.broadcast %parallel_loop3A_461 : i32 to vector<16xi32>
      %parallel_loop3A_463 = arith.andi %parallel_loop3A_460, %parallel_loop3A_462 : vector<16xi32>
      %parallel_loop3A_464 = arith.xori %parallel_loop3A_457, %parallel_loop3A_463 : vector<16xi32>
      %parallel_loop3A_465 = arith.constant 20 : i32
      %parallel_loop3A_466 = vector.broadcast %parallel_loop3A_465 : i32 to vector<16xi32>
      %parallel_loop3A_467 = arith.shrsi %parallel_loop3A_464, %parallel_loop3A_466 : vector<16xi32>
      %parallel_loop3A_468 = arith.constant 2048 : i32
      %parallel_loop3A_469 = vector.broadcast %parallel_loop3A_468 : i32 to vector<16xi32>
      %parallel_loop3A_470 = arith.addi %parallel_loop3A_467, %parallel_loop3A_469 : vector<16xi32>
      tpu.vector_store_idx %arg7[%parallel_loop3A_470], %broadcast_in_dim3A_3 {add = true} : memref<4096xi32, #tpu.memory_space<vmem>>[vector<16xi32>], vector<16xi32>,
    } {sc.loop_unroll_factor = 4 : i64, sc.parallel_access}
    %while3A = arith.constant 0 : i32
    %while3A_40 = arith.constant 0 : i32
    %while3A_41 = arith.constant 0 : i32
    %while3A_42 = arith.constant 0 : i32
    %while3A_43:4 = scf.while (%while3A_452 = %while3A, %while3A_453 = %while3A_40, %while3A_454 = %while3A_41, %while3A_455 = %while3A_42) : (i32, i32, i32, i32) -> (i32, i32, i32, i32) {
      %eq3A_456 = arith.constant 0 : i32
      %eq3A_457 = arith.cmpi eq, %while3A_455, %eq3A_456 : i32
      %lt3A = arith.constant 256 : i32
      %lt3A_458 = arith.cmpi slt, %while3A_452, %lt3A : i32
      %and3A_459 = arith.andi %eq3A_457, %lt3A_458 : i1
      scf.condition(%and3A_459) %while3A_452, %while3A_453, %while3A_454, %while3A_455 : i32, i32, i32, i32
    } do {
    ^bb0(%while3A_452: i32, %while3A_453: i32, %while3A_454: i32, %while3A_455: i32):
      %add3A_456 = arith.constant 1 : i32
      %add3A_457 = arith.addi %while3A_452, %add3A_456 : i32
      %mul3A_458 = arith.constant 16 : i32
      %mul3A_459 = arith.muli %add3A_457, %mul3A_458 : i32
      %sub3A_460 = arith.constant 4096 : i32
      %sub3A_461 = arith.subi %sub3A_460, %mul3A_459 : i32
      %get3A = arith.index_cast %sub3A_461 : i32 to index
      %get3A_462 = tpu.vector_load %arg7[%get3A] {strides = array<i32>} : memref<4096xi32, #tpu.memory_space<vmem>>, vector<16xi32>,
      %rev3A = arith.constant 15 : i32
      %rev3A_463 = vector.broadcast %rev3A : i32 to vector<16xi32>
      %rev3A_464 = tpu.iota {dimensions = array<i32: 0>} : vector<16xi32>
      %rev3A_465 = arith.subi %rev3A_463, %rev3A_464 : vector<16xi32>
      %rev3A_466 = tpu.dynamic_gather %get3A_462[%rev3A_465] in [0] : vector<16xi32>, vector<16xi32> -> vector<16xi32>
      %broadcast_in_dim3A_467 = arith.constant true
      %broadcast_in_dim3A_468 = vector.broadcast %broadcast_in_dim3A_467 : i1 to vector<16xi1>
      %masked_cumsum3A = tpu.scan <sum>, %rev3A_466 masked %broadcast_in_dim3A_468 : vector<16xi32>, vector<16xi1> -> vector<16xi32>
      %add3A_469 = vector.broadcast %while3A_453 : i32 to vector<16xi32>
      %add3A_470 = arith.addi %add3A_469, %masked_cumsum3A : vector<16xi32>
      %ge3A_471 = arith.constant 64 : i32
      %ge3A_472 = vector.broadcast %ge3A_471 : i32 to vector<16xi32>
      %ge3A_473 = arith.cmpi sge, %add3A_470, %ge3A_472 : vector<16xi32>
      %reduce_or3A = arith.constant 1.000000e+00 : f32
      %reduce_or3A_474 = arith.constant 0.000000e+00 : f32
      %reduce_or3A_475 = vector.broadcast %reduce_or3A : f32 to vector<16xf32>
      %reduce_or3A_476 = vector.broadcast %reduce_or3A_474 : f32 to vector<16xf32>
      %reduce_or3A_477 = arith.select %ge3A_473, %reduce_or3A_475, %reduce_or3A_476 : vector<16xi1>, vector<16xf32>
      %reduce_or3A_478 = arith.constant true
      %reduce_or3A_479 = vector.broadcast %reduce_or3A_478 : i1 to vector<16xi1>
      %reduce_or3A_480 = tpu.scan <max>, %reduce_or3A_477 masked %reduce_or3A_479 : vector<16xf32>, vector<16xi1> -> vector<16xf32>
      %reduce_or3A_481 = vector.extract %reduce_or3A_480[15] : f32 from vector<16xf32>
      %reduce_or3A_482 = arith.constant 0.000000e+00 : f32
      %reduce_or3A_483 = arith.cmpf ogt, %reduce_or3A_481, %reduce_or3A_482 : f32
      %convert_element_type3A_484 = arith.extui %ge3A_473 : vector<16xi1> to vector<16xi32>
      %reduce_sum3A = arith.constant true
      %reduce_sum3A_485 = vector.broadcast %reduce_sum3A : i1 to vector<16xi1>
      %reduce_sum3A_486 = tpu.scan <sum>, %convert_element_type3A_484 masked %reduce_sum3A_485 : vector<16xi32>, vector<16xi1> -> vector<16xi32>
      %reduce_sum3A_487 = vector.extract %reduce_sum3A_486[15] : i32 from vector<16xi32>
      %sub3A_488 = arith.constant 16 : i32
      %sub3A_489 = arith.subi %sub3A_488, %reduce_sum3A_487 : i32
      %add3A_490 = arith.constant 15 : i32
      %add3A_491 = arith.addi %sub3A_461, %add3A_490 : i32
      %sub3A_492 = arith.subi %add3A_491, %sub3A_489 : i32
      %select_n3A = arith.select %reduce_or3A_483, %sub3A_492, %while3A_454 : i32
      %jit3A = arith.constant 1 : i32
      %select_n3A_493 = arith.select %reduce_or3A_483, %jit3A, %while3A_455 : i32
      %add3A_494 = arith.constant 1 : i32
      %add3A_495 = arith.addi %while3A_452, %add3A_494 : i32
      %reduce_sum3A_496 = arith.constant true
      %reduce_sum3A_497 = vector.broadcast %reduce_sum3A_496 : i1 to vector<16xi1>
      %reduce_sum3A_498 = tpu.scan <sum>, %get3A_462 masked %reduce_sum3A_497 : vector<16xi32>, vector<16xi1> -> vector<16xi32>
      %reduce_sum3A_499 = vector.extract %reduce_sum3A_498[15] : i32 from vector<16xi32>
      %add3A_500 = arith.addi %while3A_453, %reduce_sum3A_499 : i32
      scf.yield %add3A_495, %add3A_500, %select_n3A, %select_n3A_493 : i32, i32, i32, i32
    }
    %sub3A = arith.constant 2048 : i32
    %sub3A_44 = arith.subi %while3A_43#2, %sub3A : i32
    %shift_left3A = arith.constant 20 : i32
    %shift_left3A_45 = arith.shli %sub3A_44, %shift_left3A : i32
    %add3A_46 = vector.broadcast %shift_left3A_45 : i32 to vector<16xi32>
    %add3A_47 = arith.addi %broadcast_in_dim3A_5, %add3A_46 : vector<16xi32>
    %shift_right_arithmetic3A = arith.constant 31 : i32
    %shift_right_arithmetic3A_48 = vector.broadcast %shift_right_arithmetic3A : i32 to vector<16xi32>
    %shift_right_arithmetic3A_49 = arith.shrsi %add3A_47, %shift_right_arithmetic3A_48 : vector<16xi32>
    %and3A = arith.constant 2147483647 : i32
    %and3A_50 = vector.broadcast %and3A : i32 to vector<16xi32>
    %and3A_51 = arith.andi %shift_right_arithmetic3A_49, %and3A_50 : vector<16xi32>
    %xor3A = arith.xori %add3A_47, %and3A_51 : vector<16xi32>
    %bitcast_convert_type3A = tpu.bitcast %xor3A : vector<16xi32> -> vector<16xf32>
    %parallel_loop3A_52 = arith.constant 0 : i32
    %parallel_loop3A_53 = arith.constant 2048 : i32
    %parallel_loop3A_54 = arith.constant 1 : i32
    scf.for %parallel_loop3A_452 = %parallel_loop3A_52 to %parallel_loop3A_53 step %parallel_loop3A_54  : i32 {
      %parallel_loop3A_453 = arith.constant 16 : i32
      %parallel_loop3A_454 = arith.muli %parallel_loop3A_452, %parallel_loop3A_453 : i32
      %parallel_loop3A_455 = arith.index_cast %parallel_loop3A_454 : i32 to index
      %parallel_loop3A_456 = tpu.vector_load %arg4[%parallel_loop3A_455] {strides = array<i32>} : memref<32768xf32, #tpu.memory_space<vmem>>, vector<16xf32>,
      %parallel_loop3A_457 = arith.cmpf oge, %parallel_loop3A_456, %bitcast_convert_type3A : vector<16xf32>
      %parallel_loop3A_458 = tpu.all_reduce %parallel_loop3A_457 {dim = 0 : i64, kind = #tpu.reduction_kind<sum>} : vector<16xi1> -> vector<16xi32>
      %parallel_loop3A_459 = vector.broadcast %parallel_loop3A_452 : i32 to vector<16xi32>
      %parallel_loop3A_460 = arith.addi %broadcast_in_dim3A_5, %parallel_loop3A_459 : vector<16xi32>
      tpu.vector_store_idx %arg10[%parallel_loop3A_460], %parallel_loop3A_458 masked %eq3A_2 : memref<2048xi32, #tpu.memory_space<vmem>>[vector<16xi32>], vector<16xi32>, vector<16xi1>
    } {sc.loop_unroll_factor = 4 : i64, sc.parallel_access}
    %parallel_loop3A_55 = arith.constant 0 : i32
    %parallel_loop3A_56 = arith.constant 128 : i32
    %parallel_loop3A_57 = arith.constant 1 : i32
    %parallel_loop3A_58 = scf.for %parallel_loop3A_452 = %parallel_loop3A_55 to %parallel_loop3A_56 step %parallel_loop3A_57 iter_args(%parallel_loop3A_453 = %broadcast_in_dim3A_5) -> (vector<16xi32>)  : i32 {
      %parallel_loop3A_454 = arith.constant 16 : i32
      %parallel_loop3A_455 = arith.muli %parallel_loop3A_452, %parallel_loop3A_454 : i32
      %parallel_loop3A_456 = arith.index_cast %parallel_loop3A_455 : i32 to index
      %parallel_loop3A_457 = tpu.vector_load %arg10[%parallel_loop3A_456] {strides = array<i32>} : memref<2048xi32, #tpu.memory_space<vmem>>, vector<16xi32>,
      %parallel_loop3A_458 = arith.constant 0 : i32
      %parallel_loop3A_459 = vector.broadcast %parallel_loop3A_458 : i32 to vector<16xi32>
      %parallel_loop3A_460 = arith.cmpi sgt, %parallel_loop3A_457, %parallel_loop3A_459 : vector<16xi32>
      %parallel_loop3A_461 = arith.extui %parallel_loop3A_460 : vector<16xi1> to vector<16xi32>
      %parallel_loop3A_462 = arith.constant true
      %parallel_loop3A_463 = vector.broadcast %parallel_loop3A_462 : i1 to vector<16xi1>
      %parallel_loop3A_464 = tpu.scan <sum>, %parallel_loop3A_461 masked %parallel_loop3A_463 : vector<16xi32>, vector<16xi1> -> vector<16xi32>
      %parallel_loop3A_465 = arith.addi %parallel_loop3A_453, %parallel_loop3A_464 : vector<16xi32>
      %parallel_loop3A_466 = arith.constant 1 : i32
      %parallel_loop3A_467 = vector.broadcast %parallel_loop3A_466 : i32 to vector<16xi32>
      %parallel_loop3A_468 = arith.subi %parallel_loop3A_465, %parallel_loop3A_467 : vector<16xi32>
      %parallel_loop3A_469 = arith.constant 16 : i32
      %parallel_loop3A_470 = arith.muli %parallel_loop3A_452, %parallel_loop3A_469 : i32
      %parallel_loop3A_471 = vector.broadcast %parallel_loop3A_470 : i32 to vector<16xi32>
      %parallel_loop3A_472 = arith.addi %parallel_loop3A_471, %iota3A : vector<16xi32>
      tpu.vector_store_idx %arg11[%parallel_loop3A_468], %parallel_loop3A_472 masked %parallel_loop3A_460 : memref<2064xi32, #tpu.memory_space<vmem>>[vector<16xi32>], vector<16xi32>, vector<16xi1>
      %parallel_loop3A_473 = tpu.all_reduce %parallel_loop3A_460 {dim = 0 : i64, kind = #tpu.reduction_kind<sum>} : vector<16xi1> -> vector<16xi32>
      %parallel_loop3A_474 = arith.addi %parallel_loop3A_453, %parallel_loop3A_473 : vector<16xi32>
      scf.yield %parallel_loop3A_474 : vector<16xi32>
    } {sc.loop_unroll_factor = 2 : i64, sc.parallel_access}
    %reduce_max3A = arith.constant true
    %reduce_max3A_59 = vector.broadcast %reduce_max3A : i1 to vector<16xi1>
    %reduce_max3A_60 = arith.constant -2147483648 : i32
    %reduce_max3A_61 = vector.broadcast %reduce_max3A_60 : i32 to vector<16xi32>
    %reduce_max3A_62 = arith.xori %parallel_loop3A_58, %reduce_max3A_61 : vector<16xi32>
    %reduce_max3A_63 = tpu.scan <max>, %reduce_max3A_62 masked %reduce_max3A_59 : vector<16xi32>, vector<16xi1> -> vector<16xi32>
    %reduce_max3A_64 = arith.xori %reduce_max3A_63, %reduce_max3A_61 : vector<16xi32>
    %reduce_max3A_65 = vector.extract %reduce_max3A_64[15] : i32 from vector<16xi32>
    %parallel_loop3A_66 = arith.constant 0 : i32
    %parallel_loop3A_67 = arith.constant 1 : i32
    %parallel_loop3A_68 = scf.for %parallel_loop3A_452 = %parallel_loop3A_66 to %reduce_max3A_65 step %parallel_loop3A_67 iter_args(%parallel_loop3A_453 = %broadcast_in_dim3A_5) -> (vector<16xi32>)  : i32 {
      %parallel_loop3A_454 = arith.index_cast %parallel_loop3A_452 : i32 to index
      %parallel_loop3A_455 = tpu.vector_load %arg11[%parallel_loop3A_454] {strides = array<i32>} : memref<2064xi32, #tpu.memory_space<vmem>>, vector<16xi32>,
      %parallel_loop3A_456 = vector.extract_strided_slice %parallel_loop3A_455 {offsets = [0], sizes = [1], strides = [1]} : vector<16xi32> to vector<1xi32>
      %parallel_loop3A_457 = vector.extract %parallel_loop3A_456[0] : i32 from vector<1xi32>
      %parallel_loop3A_458 = arith.constant 16 : i32
      %parallel_loop3A_459 = arith.muli %parallel_loop3A_457, %parallel_loop3A_458 : i32
      %parallel_loop3A_460 = arith.index_cast %parallel_loop3A_459 : i32 to index
      %parallel_loop3A_461 = tpu.vector_load %arg4[%parallel_loop3A_460] {strides = array<i32>} : memref<32768xf32, #tpu.memory_space<vmem>>, vector<16xf32>,
      %parallel_loop3A_462 = arith.cmpf oge, %parallel_loop3A_461, %bitcast_convert_type3A : vector<16xf32>
      %parallel_loop3A_463 = arith.constant 4064 : i32
      %parallel_loop3A_464 = vector.broadcast %parallel_loop3A_463 : i32 to vector<16xi32>
      %parallel_loop3A_465 = arith.cmpi sle, %parallel_loop3A_453, %parallel_loop3A_464 : vector<16xi32>
      %parallel_loop3A_466 = arith.andi %parallel_loop3A_462, %parallel_loop3A_465 : vector<16xi1>
      %parallel_loop3A_467 = arith.extui %parallel_loop3A_466 : vector<16xi1> to vector<16xi32>
      %parallel_loop3A_468 = arith.constant true
      %parallel_loop3A_469 = vector.broadcast %parallel_loop3A_468 : i1 to vector<16xi1>
      %parallel_loop3A_470 = tpu.scan <sum>, %parallel_loop3A_467 masked %parallel_loop3A_469 : vector<16xi32>, vector<16xi1> -> vector<16xi32>
      %parallel_loop3A_471 = arith.addi %parallel_loop3A_453, %parallel_loop3A_470 : vector<16xi32>
      %parallel_loop3A_472 = arith.constant 1 : i32
      %parallel_loop3A_473 = vector.broadcast %parallel_loop3A_472 : i32 to vector<16xi32>
      %parallel_loop3A_474 = arith.subi %parallel_loop3A_471, %parallel_loop3A_473 : vector<16xi32>
      tpu.vector_store_idx %arg8[%parallel_loop3A_474], %parallel_loop3A_461 masked %parallel_loop3A_466 : memref<4096xf32, #tpu.memory_space<vmem>>[vector<16xi32>], vector<16xf32>, vector<16xi1>
      %parallel_loop3A_475 = arith.constant 16 : i32
      %parallel_loop3A_476 = arith.muli %parallel_loop3A_457, %parallel_loop3A_475 : i32
      %parallel_loop3A_477 = vector.broadcast %parallel_loop3A_476 : i32 to vector<16xi32>
      %parallel_loop3A_478 = arith.addi %parallel_loop3A_477, %iota3A : vector<16xi32>
      tpu.vector_store_idx %arg9[%parallel_loop3A_474], %parallel_loop3A_478 masked %parallel_loop3A_466 : memref<4096xi32, #tpu.memory_space<vmem>>[vector<16xi32>], vector<16xi32>, vector<16xi1>
      %parallel_loop3A_479 = tpu.all_reduce %parallel_loop3A_466 {dim = 0 : i64, kind = #tpu.reduction_kind<sum>} : vector<16xi1> -> vector<16xi32>
      %parallel_loop3A_480 = arith.addi %parallel_loop3A_453, %parallel_loop3A_479 : vector<16xi32>
      scf.yield %parallel_loop3A_480 : vector<16xi32>
    } {sc.loop_unroll_factor = 1 : i64, sc.parallel_access}
    %reduce_max3A_69 = arith.constant true
    %reduce_max3A_70 = vector.broadcast %reduce_max3A_69 : i1 to vector<16xi1>
    %reduce_max3A_71 = arith.constant -2147483648 : i32
    %reduce_max3A_72 = vector.broadcast %reduce_max3A_71 : i32 to vector<16xi32>
    %reduce_max3A_73 = arith.xori %parallel_loop3A_68, %reduce_max3A_72 : vector<16xi32>
    %reduce_max3A_74 = tpu.scan <max>, %reduce_max3A_73 masked %reduce_max3A_70 : vector<16xi32>, vector<16xi1> -> vector<16xi32>
    %reduce_max3A_75 = arith.xori %reduce_max3A_74, %reduce_max3A_72 : vector<16xi32>
    %reduce_max3A_76 = vector.extract %reduce_max3A_75[15] : i32 from vector<16xi32>
    %add3A_77 = arith.constant 15 : i32
    %add3A_78 = arith.addi %reduce_max3A_76, %add3A_77 : i32
    %div3A = arith.constant 16 : i32
    %div3A_79 = arith.divsi %add3A_78, %div3A : i32
    %scan3A = arith.constant 0 : i32
    %scan3A_80 = arith.constant 20 : i32
    %scan3A_81 = arith.addi %scan3A, %scan3A_80 : i32
    %scan3A_82 = arith.constant 1 : i32
    %scan3A_83 = scf.for %scan3A_452 = %scan3A to %scan3A_81 step %scan3A_82 iter_args(%scan3A_453 = %shift_left3A_45) -> (i32)  : i32 {
      %sub3A_454 = arith.constant 19 : i32
      %sub3A_455 = arith.subi %sub3A_454, %scan3A_452 : i32
      %shift_left3A_456 = arith.constant 1 : i32
      %shift_left3A_457 = arith.shli %shift_left3A_456, %sub3A_455 : i32
      %add3A_458 = arith.addi %scan3A_453, %shift_left3A_457 : i32
      %parallel_loop3A_459 = arith.constant 0 : i32
      %parallel_loop3A_460 = arith.constant 1 : i32
      %parallel_loop3A_461 = scf.for %parallel_loop3A_467 = %parallel_loop3A_459 to %div3A_79 step %parallel_loop3A_460 iter_args(%parallel_loop3A_468 = %broadcast_in_dim3A_5) -> (vector<16xi32>)  : i32 {
        %parallel_loop3A_469 = arith.constant 16 : i32
        %parallel_loop3A_470 = arith.muli %parallel_loop3A_467, %parallel_loop3A_469 : i32
        %parallel_loop3A_471 = arith.index_cast %parallel_loop3A_470 : i32 to index
        %parallel_loop3A_472 = tpu.vector_load %arg8[%parallel_loop3A_471] {strides = array<i32>} : memref<4096xf32, #tpu.memory_space<vmem>>, vector<16xf32>,
        %parallel_loop3A_473 = tpu.bitcast %parallel_loop3A_472 : vector<16xf32> -> vector<16xi32>
        %parallel_loop3A_474 = arith.constant 31 : i32
        %parallel_loop3A_475 = vector.broadcast %parallel_loop3A_474 : i32 to vector<16xi32>
        %parallel_loop3A_476 = arith.shrsi %parallel_loop3A_473, %parallel_loop3A_475 : vector<16xi32>
        %parallel_loop3A_477 = arith.constant 2147483647 : i32
        %parallel_loop3A_478 = vector.broadcast %parallel_loop3A_477 : i32 to vector<16xi32>
        %parallel_loop3A_479 = arith.andi %parallel_loop3A_476, %parallel_loop3A_478 : vector<16xi32>
        %parallel_loop3A_480 = arith.xori %parallel_loop3A_473, %parallel_loop3A_479 : vector<16xi32>
        %parallel_loop3A_481 = vector.broadcast %add3A_458 : i32 to vector<16xi32>
        %parallel_loop3A_482 = arith.cmpi sge, %parallel_loop3A_480, %parallel_loop3A_481 : vector<16xi32>
        %parallel_loop3A_483 = arith.constant 16 : i32
        %parallel_loop3A_484 = arith.muli %parallel_loop3A_467, %parallel_loop3A_483 : i32
        %parallel_loop3A_485 = vector.broadcast %parallel_loop3A_484 : i32 to vector<16xi32>
        %parallel_loop3A_486 = arith.addi %parallel_loop3A_485, %iota3A : vector<16xi32>
        %parallel_loop3A_487 = vector.broadcast %reduce_max3A_76 : i32 to vector<16xi32>
        %parallel_loop3A_488 = arith.cmpi slt, %parallel_loop3A_486, %parallel_loop3A_487 : vector<16xi32>
        %parallel_loop3A_489 = arith.andi %parallel_loop3A_482, %parallel_loop3A_488 : vector<16xi1>
        %parallel_loop3A_490 = arith.extui %parallel_loop3A_489 : vector<16xi1> to vector<16xi32>
        %parallel_loop3A_491 = arith.addi %parallel_loop3A_468, %parallel_loop3A_490 : vector<16xi32>
        scf.yield %parallel_loop3A_491 : vector<16xi32>
      } {sc.loop_unroll_factor = 1 : i64, sc.parallel_access}
      %reduce_sum3A = arith.constant true
      %reduce_sum3A_462 = vector.broadcast %reduce_sum3A : i1 to vector<16xi1>
      %reduce_sum3A_463 = tpu.scan <sum>, %parallel_loop3A_461 masked %reduce_sum3A_462 : vector<16xi32>, vector<16xi1> -> vector<16xi32>
      %reduce_sum3A_464 = vector.extract %reduce_sum3A_463[15] : i32 from vector<16xi32>
      %ge3A_465 = arith.constant 64 : i32
      %ge3A_466 = arith.cmpi sge, %reduce_sum3A_464, %ge3A_465 : i32
      %select_n3A = arith.select %ge3A_466, %add3A_458, %scan3A_453 : i32
      scf.yield %select_n3A : i32
    }
    %scan3A_84 = arith.constant 20 : i32
    %add3A_85 = vector.broadcast %scan3A_83 : i32 to vector<16xi32>
    %add3A_86 = arith.addi %broadcast_in_dim3A_5, %add3A_85 : vector<16xi32>
    %shift_right_arithmetic3A_87 = arith.constant 31 : i32
    %shift_right_arithmetic3A_88 = vector.broadcast %shift_right_arithmetic3A_87 : i32 to vector<16xi32>
    %shift_right_arithmetic3A_89 = arith.shrsi %add3A_86, %shift_right_arithmetic3A_88 : vector<16xi32>
    %and3A_90 = arith.constant 2147483647 : i32
    %and3A_91 = vector.broadcast %and3A_90 : i32 to vector<16xi32>
    %and3A_92 = arith.andi %shift_right_arithmetic3A_89, %and3A_91 : vector<16xi32>
    %xor3A_93 = arith.xori %add3A_86, %and3A_92 : vector<16xi32>
    %bitcast_convert_type3A_94 = tpu.bitcast %xor3A_93 : vector<16xi32> -> vector<16xf32>
    %add3A_95 = arith.constant 15 : i32
    %add3A_96 = arith.addi %reduce_max3A_76, %add3A_95 : i32
    %div3A_97 = arith.constant 16 : i32
    %div3A_98 = arith.divsi %add3A_96, %div3A_97 : i32
    %while3A_99 = arith.constant 0 : i32
    %while3A_100 = arith.constant 0 : i32
    %while3A_101 = arith.subi %div3A_98, %while3A_100 : i32
    %while3A_102 = arith.addi %while3A_100, %while3A_101 : i32
    %while3A_103 = arith.constant 1 : i32
    %while3A_104 = arith.divsi %while3A_101, %while3A_103 : i32
    %while3A_105 = arith.muli %while3A_104, %while3A_103 : i32
    %while3A_106 = arith.addi %while3A_100, %while3A_105 : i32
    %while3A_107 = arith.constant 1 : i32
    scf.for %while3A_452 = %while3A_100 to %while3A_106 step %while3A_107  : i32 {
      %mul3A_453 = arith.constant 16 : i32
      %mul3A_454 = arith.muli %while3A_452, %mul3A_453 : i32
      %get3A = arith.index_cast %mul3A_454 : i32 to index
      %get3A_455 = tpu.vector_load %arg8[%get3A] {strides = array<i32>} : memref<4096xf32, #tpu.memory_space<vmem>>, vector<16xf32>,
      %get3A_456 = arith.index_cast %mul3A_454 : i32 to index
      %get3A_457 = tpu.vector_load %arg9[%get3A_456] {strides = array<i32>} : memref<4096xi32, #tpu.memory_space<vmem>>, vector<16xi32>,
      %ge3A_458 = arith.cmpf oge, %get3A_455, %bitcast_convert_type3A_94 : vector<16xf32>
      %mul3A_459 = arith.constant 16 : i32
      %mul3A_460 = arith.muli %while3A_452, %mul3A_459 : i32
      %add3A_461 = vector.broadcast %mul3A_460 : i32 to vector<16xi32>
      %add3A_462 = arith.addi %add3A_461, %iota3A : vector<16xi32>
      %lt3A = vector.broadcast %reduce_max3A_76 : i32 to vector<16xi32>
      %lt3A_463 = arith.cmpi slt, %add3A_462, %lt3A : vector<16xi32>
      %and3A_464 = arith.andi %ge3A_458, %lt3A_463 : vector<16xi1>
      tpu.vector_store_idx %arg6[%get3A_457], %get3A_455 masked %and3A_464 : memref<32768xf32, #tpu.memory_space<vmem>>[vector<16xi32>], vector<16xf32>, vector<16xi1>
    }
    %while3A_108 = arith.constant 1 : i32
    scf.for %while3A_452 = %while3A_106 to %while3A_102 step %while3A_108  : i32 {
      %mul3A_453 = arith.constant 16 : i32
      %mul3A_454 = arith.muli %while3A_452, %mul3A_453 : i32
      %get3A = arith.index_cast %mul3A_454 : i32 to index
      %get3A_455 = tpu.vector_load %arg8[%get3A] {strides = array<i32>} : memref<4096xf32, #tpu.memory_space<vmem>>, vector<16xf32>,
      %get3A_456 = arith.index_cast %mul3A_454 : i32 to index
      %get3A_457 = tpu.vector_load %arg9[%get3A_456] {strides = array<i32>} : memref<4096xi32, #tpu.memory_space<vmem>>, vector<16xi32>,
      %ge3A_458 = arith.cmpf oge, %get3A_455, %bitcast_convert_type3A_94 : vector<16xf32>
      %mul3A_459 = arith.constant 16 : i32
      %mul3A_460 = arith.muli %while3A_452, %mul3A_459 : i32
      %add3A_461 = vector.broadcast %mul3A_460 : i32 to vector<16xi32>
      %add3A_462 = arith.addi %add3A_461, %iota3A : vector<16xi32>
      %lt3A = vector.broadcast %reduce_max3A_76 : i32 to vector<16xi32>
      %lt3A_463 = arith.cmpi slt, %add3A_462, %lt3A : vector<16xi32>
      %and3A_464 = arith.andi %ge3A_458, %lt3A_463 : vector<16xi1>
      tpu.vector_store_idx %arg6[%get3A_457], %get3A_455 masked %and3A_464 : memref<32768xf32, #tpu.memory_space<vmem>>[vector<16xi32>], vector<16xf32>, vector<16xi1>
    }
    %add3A_109 = arith.constant 0 : i32
    %add3A_110 = arith.addi %mul3A_9, %add3A_109 : i32
    %dma_start3A_111 = arith.constant 0 : i32
    %dma_start3A_112 = tpu.memref_slice %arg3[%add3A_110, %dma_start3A_111] : memref<128x32768xf32, #tpu.memory_space<hbm>> -> memref<1x32768xf32, #tpu.memory_space<hbm>>
    %dma_start3A_113 = tpu.memref_squeeze %dma_start3A_112 : memref<1x32768xf32, #tpu.memory_space<hbm>> -> memref<32768xf32, #tpu.memory_space<hbm>>
    %dma_start3A_114 = arith.constant 0 : i32
    %dma_start3A_115 = tpu.memref_slice %arg3[%add3A_110, %dma_start3A_114] : memref<128x32768xf32, #tpu.memory_space<hbm>> -> memref<1x32768xf32, #tpu.memory_space<hbm>>
    %dma_start3A_116 = tpu.memref_squeeze %dma_start3A_115 : memref<1x32768xf32, #tpu.memory_space<hbm>> -> memref<32768xf32, #tpu.memory_space<hbm>>
    tpu.enqueue_dma source(%arg6 : memref<32768xf32, #tpu.memory_space<vmem>>) target(%dma_start3A_116 : memref<32768xf32, #tpu.memory_space<hbm>>) target_semaphore(%arg14 : memref<!tpu.dma_semaphore, #tpu.memory_space<semaphore_mem>>)
    %sub3A_117 = arith.constant 2.500000e-01 : f32
    %sub3A_118 = vector.broadcast %sub3A_117 : f32 to vector<16xf32>
    %sub3A_119 = arith.subf %bitcast_convert_type3A_94, %sub3A_118 : vector<16xf32>
    %add3A_120 = arith.constant 1 : i32
    %add3A_121 = arith.addi %mul3A_9, %add3A_120 : i32
    %dma_wait3A_122 = arith.constant 0 : i32
    %dma_wait3A_123 = tpu.memref_slice %arg2[%add3A_121, %dma_wait3A_122] : memref<128x32768xf32, #tpu.memory_space<hbm>> -> memref<1x32768xf32, #tpu.memory_space<hbm>>
    %dma_wait3A_124 = tpu.memref_squeeze %dma_wait3A_123 : memref<1x32768xf32, #tpu.memory_space<hbm>> -> memref<32768xf32, #tpu.memory_space<hbm>>
    %dma_wait3A_125 = arith.constant 0 : i32
    %dma_wait3A_126 = tpu.memref_slice %arg2[%add3A_121, %dma_wait3A_125] : memref<128x32768xf32, #tpu.memory_space<hbm>> -> memref<1x32768xf32, #tpu.memory_space<hbm>>
    %dma_wait3A_127 = tpu.memref_squeeze %dma_wait3A_126 : memref<1x32768xf32, #tpu.memory_space<hbm>> -> memref<32768xf32, #tpu.memory_space<hbm>>
    tpu.wait_dma2 semaphore(%arg13 : memref<!tpu.dma_semaphore, #tpu.memory_space<semaphore_mem>>) src(%dma_wait3A_127 : memref<32768xf32, #tpu.memory_space<hbm>>) dst(%arg5 : memref<32768xf32, #tpu.memory_space<vmem>>)
    %add3A_128 = arith.constant 1 : i32
    %add3A_129 = arith.addi %mul3A_9, %add3A_128 : i32
    %add3A_130 = arith.constant 1 : i32
    %add3A_131 = arith.addi %add3A_129, %add3A_130 : i32
    %dma_start3A_132 = arith.constant 0 : i32
    %dma_start3A_133 = tpu.memref_slice %arg2[%add3A_131, %dma_start3A_132] : memref<128x32768xf32, #tpu.memory_space<hbm>> -> memref<1x32768xf32, #tpu.memory_space<hbm>>
    %dma_start3A_134 = tpu.memref_squeeze %dma_start3A_133 : memref<1x32768xf32, #tpu.memory_space<hbm>> -> memref<32768xf32, #tpu.memory_space<hbm>>
    %dma_start3A_135 = arith.constant 0 : i32
    %dma_start3A_136 = tpu.memref_slice %arg2[%add3A_131, %dma_start3A_135] : memref<128x32768xf32, #tpu.memory_space<hbm>> -> memref<1x32768xf32, #tpu.memory_space<hbm>>
    %dma_start3A_137 = tpu.memref_squeeze %dma_start3A_136 : memref<1x32768xf32, #tpu.memory_space<hbm>> -> memref<32768xf32, #tpu.memory_space<hbm>>
    tpu.enqueue_dma source(%dma_start3A_137 : memref<32768xf32, #tpu.memory_space<hbm>>) target(%arg4 : memref<32768xf32, #tpu.memory_space<vmem>>) target_semaphore(%arg12 : memref<!tpu.dma_semaphore, #tpu.memory_space<semaphore_mem>>)
    %parallel_loop3A_138 = arith.constant 0 : i32
    %parallel_loop3A_139 = arith.constant 2048 : i32
    %parallel_loop3A_140 = arith.constant 1 : i32
    scf.for %parallel_loop3A_452 = %parallel_loop3A_138 to %parallel_loop3A_139 step %parallel_loop3A_140  : i32 {
      %parallel_loop3A_453 = arith.constant 16 : i32
      %parallel_loop3A_454 = arith.muli %parallel_loop3A_452, %parallel_loop3A_453 : i32
      %parallel_loop3A_455 = arith.index_cast %parallel_loop3A_454 : i32 to index
      %parallel_loop3A_456 = tpu.vector_load %arg5[%parallel_loop3A_455] {strides = array<i32>} : memref<32768xf32, #tpu.memory_space<vmem>>, vector<16xf32>,
      %parallel_loop3A_457 = arith.cmpf oge, %parallel_loop3A_456, %sub3A_119 : vector<16xf32>
      %parallel_loop3A_458 = tpu.all_reduce %parallel_loop3A_457 {dim = 0 : i64, kind = #tpu.reduction_kind<sum>} : vector<16xi1> -> vector<16xi32>
      %parallel_loop3A_459 = vector.broadcast %parallel_loop3A_452 : i32 to vector<16xi32>
      %parallel_loop3A_460 = arith.addi %broadcast_in_dim3A_5, %parallel_loop3A_459 : vector<16xi32>
      tpu.vector_store_idx %arg10[%parallel_loop3A_460], %parallel_loop3A_458 masked %eq3A_2 : memref<2048xi32, #tpu.memory_space<vmem>>[vector<16xi32>], vector<16xi32>, vector<16xi1>
    } {sc.loop_unroll_factor = 4 : i64, sc.parallel_access}
    %parallel_loop3A_141 = arith.constant 0 : i32
    %parallel_loop3A_142 = arith.constant 128 : i32
    %parallel_loop3A_143 = arith.constant 1 : i32
    %parallel_loop3A_144 = scf.for %parallel_loop3A_452 = %parallel_loop3A_141 to %parallel_loop3A_142 step %parallel_loop3A_143 iter_args(%parallel_loop3A_453 = %broadcast_in_dim3A_5) -> (vector<16xi32>)  : i32 {
      %parallel_loop3A_454 = arith.constant 16 : i32
      %parallel_loop3A_455 = arith.muli %parallel_loop3A_452, %parallel_loop3A_454 : i32
      %parallel_loop3A_456 = arith.index_cast %parallel_loop3A_455 : i32 to index
      %parallel_loop3A_457 = tpu.vector_load %arg10[%parallel_loop3A_456] {strides = array<i32>} : memref<2048xi32, #tpu.memory_space<vmem>>, vector<16xi32>,
      %parallel_loop3A_458 = arith.constant 0 : i32
      %parallel_loop3A_459 = vector.broadcast %parallel_loop3A_458 : i32 to vector<16xi32>
      %parallel_loop3A_460 = arith.cmpi sgt, %parallel_loop3A_457, %parallel_loop3A_459 : vector<16xi32>
      %parallel_loop3A_461 = arith.extui %parallel_loop3A_460 : vector<16xi1> to vector<16xi32>
      %parallel_loop3A_462 = arith.constant true
      %parallel_loop3A_463 = vector.broadcast %parallel_loop3A_462 : i1 to vector<16xi1>
      %parallel_loop3A_464 = tpu.scan <sum>, %parallel_loop3A_461 masked %parallel_loop3A_463 : vector<16xi32>, vector<16xi1> -> vector<16xi32>
      %parallel_loop3A_465 = arith.addi %parallel_loop3A_453, %parallel_loop3A_464 : vector<16xi32>
      %parallel_loop3A_466 = arith.constant 1 : i32
      %parallel_loop3A_467 = vector.broadcast %parallel_loop3A_466 : i32 to vector<16xi32>
      %parallel_loop3A_468 = arith.subi %parallel_loop3A_465, %parallel_loop3A_467 : vector<16xi32>
      %parallel_loop3A_469 = arith.constant 16 : i32
      %parallel_loop3A_470 = arith.muli %parallel_loop3A_452, %parallel_loop3A_469 : i32
      %parallel_loop3A_471 = vector.broadcast %parallel_loop3A_470 : i32 to vector<16xi32>
      %parallel_loop3A_472 = arith.addi %parallel_loop3A_471, %iota3A : vector<16xi32>
      tpu.vector_store_idx %arg11[%parallel_loop3A_468], %parallel_loop3A_472 masked %parallel_loop3A_460 : memref<2064xi32, #tpu.memory_space<vmem>>[vector<16xi32>], vector<16xi32>, vector<16xi1>
      %parallel_loop3A_473 = tpu.all_reduce %parallel_loop3A_460 {dim = 0 : i64, kind = #tpu.reduction_kind<sum>} : vector<16xi1> -> vector<16xi32>
      %parallel_loop3A_474 = arith.addi %parallel_loop3A_453, %parallel_loop3A_473 : vector<16xi32>
      scf.yield %parallel_loop3A_474 : vector<16xi32>
    } {sc.loop_unroll_factor = 2 : i64, sc.parallel_access}
    %reduce_max3A_145 = arith.constant true
    %reduce_max3A_146 = vector.broadcast %reduce_max3A_145 : i1 to vector<16xi1>
    %reduce_max3A_147 = arith.constant -2147483648 : i32
    %reduce_max3A_148 = vector.broadcast %reduce_max3A_147 : i32 to vector<16xi32>
    %reduce_max3A_149 = arith.xori %parallel_loop3A_144, %reduce_max3A_148 : vector<16xi32>
    %reduce_max3A_150 = tpu.scan <max>, %reduce_max3A_149 masked %reduce_max3A_146 : vector<16xi32>, vector<16xi1> -> vector<16xi32>
    %reduce_max3A_151 = arith.xori %reduce_max3A_150, %reduce_max3A_148 : vector<16xi32>
    %reduce_max3A_152 = vector.extract %reduce_max3A_151[15] : i32 from vector<16xi32>
    %add3A_153 = arith.constant 1 : i32
    %add3A_154 = arith.addi %mul3A_9, %add3A_153 : i32
    %sub3A_155 = arith.constant 1 : i32
    %sub3A_156 = arith.subi %add3A_154, %sub3A_155 : i32
    %dma_wait3A_157 = arith.constant 0 : i32
    %dma_wait3A_158 = tpu.memref_slice %arg3[%sub3A_156, %dma_wait3A_157] : memref<128x32768xf32, #tpu.memory_space<hbm>> -> memref<1x32768xf32, #tpu.memory_space<hbm>>
    %dma_wait3A_159 = tpu.memref_squeeze %dma_wait3A_158 : memref<1x32768xf32, #tpu.memory_space<hbm>> -> memref<32768xf32, #tpu.memory_space<hbm>>
    %dma_wait3A_160 = arith.constant 0 : i32
    %dma_wait3A_161 = tpu.memref_slice %arg3[%sub3A_156, %dma_wait3A_160] : memref<128x32768xf32, #tpu.memory_space<hbm>> -> memref<1x32768xf32, #tpu.memory_space<hbm>>
    %dma_wait3A_162 = tpu.memref_squeeze %dma_wait3A_161 : memref<1x32768xf32, #tpu.memory_space<hbm>> -> memref<32768xf32, #tpu.memory_space<hbm>>
    tpu.wait_dma2 semaphore(%arg14 : memref<!tpu.dma_semaphore, #tpu.memory_space<semaphore_mem>>) src(%arg6 : memref<32768xf32, #tpu.memory_space<vmem>>) dst(%dma_wait3A_162 : memref<32768xf32, #tpu.memory_space<hbm>>)
    %add3A_163 = arith.constant 15 : i32
    %add3A_164 = arith.addi %reduce_max3A_76, %add3A_163 : i32
    %div3A_165 = arith.constant 16 : i32
    %div3A_166 = arith.divsi %add3A_164, %div3A_165 : i32
    %while3A_167 = arith.constant 0 : i32
    %while3A_168 = arith.constant 0 : i32
    %while3A_169 = arith.subi %div3A_166, %while3A_168 : i32
    %while3A_170 = arith.addi %while3A_168, %while3A_169 : i32
    %while3A_171 = arith.constant 1 : i32
    %while3A_172 = arith.divsi %while3A_169, %while3A_171 : i32
    %while3A_173 = arith.muli %while3A_172, %while3A_171 : i32
    %while3A_174 = arith.addi %while3A_168, %while3A_173 : i32
    %while3A_175 = arith.constant 1 : i32
    scf.for %while3A_452 = %while3A_168 to %while3A_174 step %while3A_175  : i32 {
      %mul3A_453 = arith.constant 16 : i32
      %mul3A_454 = arith.muli %while3A_452, %mul3A_453 : i32
      %get3A = arith.index_cast %mul3A_454 : i32 to index
      %get3A_455 = tpu.vector_load %arg9[%get3A] {strides = array<i32>} : memref<4096xi32, #tpu.memory_space<vmem>>, vector<16xi32>,
      %mul3A_456 = arith.constant 16 : i32
      %mul3A_457 = arith.muli %while3A_452, %mul3A_456 : i32
      %add3A_458 = vector.broadcast %mul3A_457 : i32 to vector<16xi32>
      %add3A_459 = arith.addi %add3A_458, %iota3A : vector<16xi32>
      %lt3A = vector.broadcast %reduce_max3A_76 : i32 to vector<16xi32>
      %lt3A_460 = arith.cmpi slt, %add3A_459, %lt3A : vector<16xi32>
      tpu.vector_store_idx %arg6[%get3A_455], %broadcast_in_dim3A_7 masked %lt3A_460 : memref<32768xf32, #tpu.memory_space<vmem>>[vector<16xi32>], vector<16xf32>, vector<16xi1>
    }
    %while3A_176 = arith.constant 1 : i32
    scf.for %while3A_452 = %while3A_174 to %while3A_170 step %while3A_176  : i32 {
      %mul3A_453 = arith.constant 16 : i32
      %mul3A_454 = arith.muli %while3A_452, %mul3A_453 : i32
      %get3A = arith.index_cast %mul3A_454 : i32 to index
      %get3A_455 = tpu.vector_load %arg9[%get3A] {strides = array<i32>} : memref<4096xi32, #tpu.memory_space<vmem>>, vector<16xi32>,
      %mul3A_456 = arith.constant 16 : i32
      %mul3A_457 = arith.muli %while3A_452, %mul3A_456 : i32
      %add3A_458 = vector.broadcast %mul3A_457 : i32 to vector<16xi32>
      %add3A_459 = arith.addi %add3A_458, %iota3A : vector<16xi32>
      %lt3A = vector.broadcast %reduce_max3A_76 : i32 to vector<16xi32>
      %lt3A_460 = arith.cmpi slt, %add3A_459, %lt3A : vector<16xi32>
      tpu.vector_store_idx %arg6[%get3A_455], %broadcast_in_dim3A_7 masked %lt3A_460 : memref<32768xf32, #tpu.memory_space<vmem>>[vector<16xi32>], vector<16xf32>, vector<16xi1>
    }
    %parallel_loop3A_177 = arith.constant 0 : i32
    %parallel_loop3A_178 = arith.constant 1 : i32
    %parallel_loop3A_179 = scf.for %parallel_loop3A_452 = %parallel_loop3A_177 to %reduce_max3A_152 step %parallel_loop3A_178 iter_args(%parallel_loop3A_453 = %broadcast_in_dim3A_5) -> (vector<16xi32>)  : i32 {
      %parallel_loop3A_454 = arith.index_cast %parallel_loop3A_452 : i32 to index
      %parallel_loop3A_455 = tpu.vector_load %arg11[%parallel_loop3A_454] {strides = array<i32>} : memref<2064xi32, #tpu.memory_space<vmem>>, vector<16xi32>,
      %parallel_loop3A_456 = vector.extract_strided_slice %parallel_loop3A_455 {offsets = [0], sizes = [1], strides = [1]} : vector<16xi32> to vector<1xi32>
      %parallel_loop3A_457 = vector.extract %parallel_loop3A_456[0] : i32 from vector<1xi32>
      %parallel_loop3A_458 = arith.constant 16 : i32
      %parallel_loop3A_459 = arith.muli %parallel_loop3A_457, %parallel_loop3A_458 : i32
      %parallel_loop3A_460 = arith.index_cast %parallel_loop3A_459 : i32 to index
      %parallel_loop3A_461 = tpu.vector_load %arg5[%parallel_loop3A_460] {strides = array<i32>} : memref<32768xf32, #tpu.memory_space<vmem>>, vector<16xf32>,
      %parallel_loop3A_462 = arith.cmpf oge, %parallel_loop3A_461, %sub3A_119 : vector<16xf32>
      %parallel_loop3A_463 = arith.constant 4064 : i32
      %parallel_loop3A_464 = vector.broadcast %parallel_loop3A_463 : i32 to vector<16xi32>
      %parallel_loop3A_465 = arith.cmpi sle, %parallel_loop3A_453, %parallel_loop3A_464 : vector<16xi32>
      %parallel_loop3A_466 = arith.andi %parallel_loop3A_462, %parallel_loop3A_465 : vector<16xi1>
      %parallel_loop3A_467 = arith.extui %parallel_loop3A_466 : vector<16xi1> to vector<16xi32>
      %parallel_loop3A_468 = arith.constant true
      %parallel_loop3A_469 = vector.broadcast %parallel_loop3A_468 : i1 to vector<16xi1>
      %parallel_loop3A_470 = tpu.scan <sum>, %parallel_loop3A_467 masked %parallel_loop3A_469 : vector<16xi32>, vector<16xi1> -> vector<16xi32>
      %parallel_loop3A_471 = arith.addi %parallel_loop3A_453, %parallel_loop3A_470 : vector<16xi32>
      %parallel_loop3A_472 = arith.constant 1 : i32
      %parallel_loop3A_473 = vector.broadcast %parallel_loop3A_472 : i32 to vector<16xi32>
      %parallel_loop3A_474 = arith.subi %parallel_loop3A_471, %parallel_loop3A_473 : vector<16xi32>
      tpu.vector_store_idx %arg8[%parallel_loop3A_474], %parallel_loop3A_461 masked %parallel_loop3A_466 : memref<4096xf32, #tpu.memory_space<vmem>>[vector<16xi32>], vector<16xf32>, vector<16xi1>
      %parallel_loop3A_475 = arith.constant 16 : i32
      %parallel_loop3A_476 = arith.muli %parallel_loop3A_457, %parallel_loop3A_475 : i32
      %parallel_loop3A_477 = vector.broadcast %parallel_loop3A_476 : i32 to vector<16xi32>
      %parallel_loop3A_478 = arith.addi %parallel_loop3A_477, %iota3A : vector<16xi32>
      tpu.vector_store_idx %arg9[%parallel_loop3A_474], %parallel_loop3A_478 masked %parallel_loop3A_466 : memref<4096xi32, #tpu.memory_space<vmem>>[vector<16xi32>], vector<16xi32>, vector<16xi1>
      %parallel_loop3A_479 = tpu.all_reduce %parallel_loop3A_466 {dim = 0 : i64, kind = #tpu.reduction_kind<sum>} : vector<16xi1> -> vector<16xi32>
      %parallel_loop3A_480 = arith.addi %parallel_loop3A_453, %parallel_loop3A_479 : vector<16xi32>
      scf.yield %parallel_loop3A_480 : vector<16xi32>
    } {sc.loop_unroll_factor = 1 : i64, sc.parallel_access}
    %reduce_max3A_180 = arith.constant true
    %reduce_max3A_181 = vector.broadcast %reduce_max3A_180 : i1 to vector<16xi1>
    %reduce_max3A_182 = arith.constant -2147483648 : i32
    %reduce_max3A_183 = vector.broadcast %reduce_max3A_182 : i32 to vector<16xi32>
    %reduce_max3A_184 = arith.xori %parallel_loop3A_179, %reduce_max3A_183 : vector<16xi32>
    %reduce_max3A_185 = tpu.scan <max>, %reduce_max3A_184 masked %reduce_max3A_181 : vector<16xi32>, vector<16xi1> -> vector<16xi32>
    %reduce_max3A_186 = arith.xori %reduce_max3A_185, %reduce_max3A_183 : vector<16xi32>
    %reduce_max3A_187 = vector.extract %reduce_max3A_186[15] : i32 from vector<16xi32>
    %ge3A = arith.constant 64 : i32
    %ge3A_188 = arith.cmpi sge, %reduce_max3A_187, %ge3A : i32
    %le3A = arith.constant 4064 : i32
    %le3A_189 = arith.cmpi sle, %reduce_max3A_187, %le3A : i32
    %and3A_190 = arith.andi %ge3A_188, %le3A_189 : i1
    %convert_element_type3A = arith.extui %and3A_190 : i1 to i32
    %cond3A = arith.constant 0 : i32
    %cond3A_191 = arith.cmpi ne, %convert_element_type3A, %cond3A : i32
    %cond3A_192:2 = scf.if %cond3A_191 -> (i32, i32) {
      %add3A_452 = arith.constant 15 : i32
      %add3A_453 = arith.addi %reduce_max3A_187, %add3A_452 : i32
      %div3A_454 = arith.constant 16 : i32
      %div3A_455 = arith.divsi %add3A_453, %div3A_454 : i32
      %parallel_loop3A_456 = arith.constant 0 : i32
      %parallel_loop3A_457 = arith.constant 1 : i32
      %parallel_loop3A_458 = arith.constant 0 : i32
      %parallel_loop3A_459 = scf.for %parallel_loop3A_476 = %parallel_loop3A_456 to %div3A_455 step %parallel_loop3A_457 iter_args(%parallel_loop3A_477 = %broadcast_in_dim3A_5) -> (vector<16xi32>)  : i32 {
        %parallel_loop3A_478 = arith.constant 16 : i32
        %parallel_loop3A_479 = arith.muli %parallel_loop3A_476, %parallel_loop3A_478 : i32
        %parallel_loop3A_480 = arith.index_cast %parallel_loop3A_479 : i32 to index
        %parallel_loop3A_481 = tpu.vector_load %arg8[%parallel_loop3A_480] {strides = array<i32>} : memref<4096xf32, #tpu.memory_space<vmem>>, vector<16xf32>,
        %parallel_loop3A_482 = tpu.bitcast %parallel_loop3A_481 : vector<16xf32> -> vector<16xi32>
        %parallel_loop3A_483 = arith.constant 31 : i32
        %parallel_loop3A_484 = vector.broadcast %parallel_loop3A_483 : i32 to vector<16xi32>
        %parallel_loop3A_485 = arith.shrsi %parallel_loop3A_482, %parallel_loop3A_484 : vector<16xi32>
        %parallel_loop3A_486 = arith.constant 2147483647 : i32
        %parallel_loop3A_487 = vector.broadcast %parallel_loop3A_486 : i32 to vector<16xi32>
        %parallel_loop3A_488 = arith.andi %parallel_loop3A_485, %parallel_loop3A_487 : vector<16xi32>
        %parallel_loop3A_489 = arith.xori %parallel_loop3A_482, %parallel_loop3A_488 : vector<16xi32>
        %parallel_loop3A_490 = vector.broadcast %parallel_loop3A_458 : i32 to vector<16xi32>
        %parallel_loop3A_491 = arith.cmpi sge, %parallel_loop3A_489, %parallel_loop3A_490 : vector<16xi32>
        %parallel_loop3A_492 = arith.constant 16 : i32
        %parallel_loop3A_493 = arith.muli %parallel_loop3A_476, %parallel_loop3A_492 : i32
        %parallel_loop3A_494 = vector.broadcast %parallel_loop3A_493 : i32 to vector<16xi32>
        %parallel_loop3A_495 = arith.addi %parallel_loop3A_494, %iota3A : vector<16xi32>
        %parallel_loop3A_496 = vector.broadcast %reduce_max3A_187 : i32 to vector<16xi32>
        %parallel_loop3A_497 = arith.cmpi slt, %parallel_loop3A_495, %parallel_loop3A_496 : vector<16xi32>
        %parallel_loop3A_498 = arith.andi %parallel_loop3A_491, %parallel_loop3A_497 : vector<16xi1>
        %parallel_loop3A_499 = arith.extui %parallel_loop3A_498 : vector<16xi1> to vector<16xi32>
        %parallel_loop3A_500 = arith.addi %parallel_loop3A_477, %parallel_loop3A_499 : vector<16xi32>
        scf.yield %parallel_loop3A_500 : vector<16xi32>
      } {sc.loop_unroll_factor = 1 : i64, sc.parallel_access}
      %reduce_sum3A = arith.constant true
      %reduce_sum3A_460 = vector.broadcast %reduce_sum3A : i1 to vector<16xi1>
      %reduce_sum3A_461 = tpu.scan <sum>, %parallel_loop3A_459 masked %reduce_sum3A_460 : vector<16xi32>, vector<16xi1> -> vector<16xi32>
      %reduce_sum3A_462 = vector.extract %reduce_sum3A_461[15] : i32 from vector<16xi32>
      %ge3A_463 = arith.constant 64 : i32
      %ge3A_464 = arith.cmpi sge, %reduce_sum3A_462, %ge3A_463 : i32
      %jit3A = arith.constant 0 : i32
      %jit3A_465 = arith.constant -2147483648 : i32
      %select_n3A = arith.select %ge3A_464, %jit3A, %jit3A_465 : i32
      %add3A_466 = arith.constant 15 : i32
      %add3A_467 = arith.addi %reduce_max3A_187, %add3A_466 : i32
      %div3A_468 = arith.constant 16 : i32
      %div3A_469 = arith.divsi %add3A_467, %div3A_468 : i32
      %scan3A_470 = arith.constant 0 : i32
      %scan3A_471 = arith.constant 31 : i32
      %scan3A_472 = arith.addi %scan3A_470, %scan3A_471 : i32
      %scan3A_473 = arith.constant 1 : i32
      %scan3A_474 = scf.for %scan3A_476 = %scan3A_470 to %scan3A_472 step %scan3A_473 iter_args(%scan3A_477 = %select_n3A) -> (i32)  : i32 {
        %sub3A_478 = arith.constant 30 : i32
        %sub3A_479 = arith.subi %sub3A_478, %scan3A_476 : i32
        %shift_left3A_480 = arith.constant 1 : i32
        %shift_left3A_481 = arith.shli %shift_left3A_480, %sub3A_479 : i32
        %add3A_482 = arith.addi %scan3A_477, %shift_left3A_481 : i32
        %parallel_loop3A_483 = arith.constant 0 : i32
        %parallel_loop3A_484 = arith.constant 1 : i32
        %parallel_loop3A_485 = scf.for %parallel_loop3A_493 = %parallel_loop3A_483 to %div3A_469 step %parallel_loop3A_484 iter_args(%parallel_loop3A_494 = %broadcast_in_dim3A_5) -> (vector<16xi32>)  : i32 {
          %parallel_loop3A_495 = arith.constant 16 : i32
          %parallel_loop3A_496 = arith.muli %parallel_loop3A_493, %parallel_loop3A_495 : i32
          %parallel_loop3A_497 = arith.index_cast %parallel_loop3A_496 : i32 to index
          %parallel_loop3A_498 = tpu.vector_load %arg8[%parallel_loop3A_497] {strides = array<i32>} : memref<4096xf32, #tpu.memory_space<vmem>>, vector<16xf32>,
          %parallel_loop3A_499 = tpu.bitcast %parallel_loop3A_498 : vector<16xf32> -> vector<16xi32>
          %parallel_loop3A_500 = arith.constant 31 : i32
          %parallel_loop3A_501 = vector.broadcast %parallel_loop3A_500 : i32 to vector<16xi32>
          %parallel_loop3A_502 = arith.shrsi %parallel_loop3A_499, %parallel_loop3A_501 : vector<16xi32>
          %parallel_loop3A_503 = arith.constant 2147483647 : i32
          %parallel_loop3A_504 = vector.broadcast %parallel_loop3A_503 : i32 to vector<16xi32>
          %parallel_loop3A_505 = arith.andi %parallel_loop3A_502, %parallel_loop3A_504 : vector<16xi32>
          %parallel_loop3A_506 = arith.xori %parallel_loop3A_499, %parallel_loop3A_505 : vector<16xi32>
          %parallel_loop3A_507 = vector.broadcast %add3A_482 : i32 to vector<16xi32>
          %parallel_loop3A_508 = arith.cmpi sge, %parallel_loop3A_506, %parallel_loop3A_507 : vector<16xi32>
          %parallel_loop3A_509 = arith.constant 16 : i32
          %parallel_loop3A_510 = arith.muli %parallel_loop3A_493, %parallel_loop3A_509 : i32
          %parallel_loop3A_511 = vector.broadcast %parallel_loop3A_510 : i32 to vector<16xi32>
          %parallel_loop3A_512 = arith.addi %parallel_loop3A_511, %iota3A : vector<16xi32>
          %parallel_loop3A_513 = vector.broadcast %reduce_max3A_187 : i32 to vector<16xi32>
          %parallel_loop3A_514 = arith.cmpi slt, %parallel_loop3A_512, %parallel_loop3A_513 : vector<16xi32>
          %parallel_loop3A_515 = arith.andi %parallel_loop3A_508, %parallel_loop3A_514 : vector<16xi1>
          %parallel_loop3A_516 = arith.extui %parallel_loop3A_515 : vector<16xi1> to vector<16xi32>
          %parallel_loop3A_517 = arith.addi %parallel_loop3A_494, %parallel_loop3A_516 : vector<16xi32>
          scf.yield %parallel_loop3A_517 : vector<16xi32>
        } {sc.loop_unroll_factor = 1 : i64, sc.parallel_access}
        %reduce_sum3A_486 = arith.constant true
        %reduce_sum3A_487 = vector.broadcast %reduce_sum3A_486 : i1 to vector<16xi1>
        %reduce_sum3A_488 = tpu.scan <sum>, %parallel_loop3A_485 masked %reduce_sum3A_487 : vector<16xi32>, vector<16xi1> -> vector<16xi32>
        %reduce_sum3A_489 = vector.extract %reduce_sum3A_488[15] : i32 from vector<16xi32>
        %ge3A_490 = arith.constant 64 : i32
        %ge3A_491 = arith.cmpi sge, %reduce_sum3A_489, %ge3A_490 : i32
        %select_n3A_492 = arith.select %ge3A_491, %add3A_482, %scan3A_477 : i32
        scf.yield %select_n3A_492 : i32
      }
      %scan3A_475 = arith.constant 31 : i32
      scf.yield %scan3A_474, %reduce_max3A_187 : i32, i32
    } else {
      %parallel_loop3A_452 = arith.constant 0 : i32
      %parallel_loop3A_453 = arith.constant 256 : i32
      %parallel_loop3A_454 = arith.constant 1 : i32
      scf.for %parallel_loop3A_513 = %parallel_loop3A_452 to %parallel_loop3A_453 step %parallel_loop3A_454  : i32 {
        %parallel_loop3A_514 = arith.constant 16 : i32
        %parallel_loop3A_515 = arith.muli %parallel_loop3A_513, %parallel_loop3A_514 : i32
        %parallel_loop3A_516 = arith.index_cast %parallel_loop3A_515 : i32 to index
        %parallel_loop3A_517 = tpu.vector_load %arg7[%parallel_loop3A_516] {strides = array<i32>} : memref<4096xi32, #tpu.memory_space<vmem>>, vector<16xi32>,
        tpu.vector_store %arg7[%parallel_loop3A_516], %broadcast_in_dim3A_5 {strides = array<i32>} : memref<4096xi32, #tpu.memory_space<vmem>>, vector<16xi32>,
      } {sc.loop_unroll_factor = 4 : i64, sc.parallel_access}
      %parallel_loop3A_455 = arith.constant 0 : i32
      %parallel_loop3A_456 = arith.constant 2048 : i32
      %parallel_loop3A_457 = arith.constant 1 : i32
      scf.for %parallel_loop3A_513 = %parallel_loop3A_455 to %parallel_loop3A_456 step %parallel_loop3A_457  : i32 {
        %parallel_loop3A_514 = arith.constant 16 : i32
        %parallel_loop3A_515 = arith.muli %parallel_loop3A_513, %parallel_loop3A_514 : i32
        %parallel_loop3A_516 = arith.index_cast %parallel_loop3A_515 : i32 to index
        %parallel_loop3A_517 = tpu.vector_load %arg5[%parallel_loop3A_516] {strides = array<i32>} : memref<32768xf32, #tpu.memory_space<vmem>>, vector<16xf32>,
        %parallel_loop3A_518 = tpu.bitcast %parallel_loop3A_517 : vector<16xf32> -> vector<16xi32>
        %parallel_loop3A_519 = arith.constant 31 : i32
        %parallel_loop3A_520 = vector.broadcast %parallel_loop3A_519 : i32 to vector<16xi32>
        %parallel_loop3A_521 = arith.shrsi %parallel_loop3A_518, %parallel_loop3A_520 : vector<16xi32>
        %parallel_loop3A_522 = arith.constant 2147483647 : i32
        %parallel_loop3A_523 = vector.broadcast %parallel_loop3A_522 : i32 to vector<16xi32>
        %parallel_loop3A_524 = arith.andi %parallel_loop3A_521, %parallel_loop3A_523 : vector<16xi32>
        %parallel_loop3A_525 = arith.xori %parallel_loop3A_518, %parallel_loop3A_524 : vector<16xi32>
        %parallel_loop3A_526 = arith.constant 20 : i32
        %parallel_loop3A_527 = vector.broadcast %parallel_loop3A_526 : i32 to vector<16xi32>
        %parallel_loop3A_528 = arith.shrsi %parallel_loop3A_525, %parallel_loop3A_527 : vector<16xi32>
        %parallel_loop3A_529 = arith.constant 2048 : i32
        %parallel_loop3A_530 = vector.broadcast %parallel_loop3A_529 : i32 to vector<16xi32>
        %parallel_loop3A_531 = arith.addi %parallel_loop3A_528, %parallel_loop3A_530 : vector<16xi32>
        tpu.vector_store_idx %arg7[%parallel_loop3A_531], %broadcast_in_dim3A_3 {add = true} : memref<4096xi32, #tpu.memory_space<vmem>>[vector<16xi32>], vector<16xi32>,
      } {sc.loop_unroll_factor = 4 : i64, sc.parallel_access}
      %while3A_458 = arith.constant 0 : i32
      %while3A_459 = arith.constant 0 : i32
      %while3A_460 = arith.constant 0 : i32
      %while3A_461 = arith.constant 0 : i32
      %while3A_462:4 = scf.while (%while3A_513 = %while3A_458, %while3A_514 = %while3A_459, %while3A_515 = %while3A_460, %while3A_516 = %while3A_461) : (i32, i32, i32, i32) -> (i32, i32, i32, i32) {
        %eq3A_517 = arith.constant 0 : i32
        %eq3A_518 = arith.cmpi eq, %while3A_516, %eq3A_517 : i32
        %lt3A = arith.constant 256 : i32
        %lt3A_519 = arith.cmpi slt, %while3A_513, %lt3A : i32
        %and3A_520 = arith.andi %eq3A_518, %lt3A_519 : i1
        scf.condition(%and3A_520) %while3A_513, %while3A_514, %while3A_515, %while3A_516 : i32, i32, i32, i32
      } do {
      ^bb0(%while3A_513: i32, %while3A_514: i32, %while3A_515: i32, %while3A_516: i32):
        %add3A_517 = arith.constant 1 : i32
        %add3A_518 = arith.addi %while3A_513, %add3A_517 : i32
        %mul3A_519 = arith.constant 16 : i32
        %mul3A_520 = arith.muli %add3A_518, %mul3A_519 : i32
        %sub3A_521 = arith.constant 4096 : i32
        %sub3A_522 = arith.subi %sub3A_521, %mul3A_520 : i32
        %get3A = arith.index_cast %sub3A_522 : i32 to index
        %get3A_523 = tpu.vector_load %arg7[%get3A] {strides = array<i32>} : memref<4096xi32, #tpu.memory_space<vmem>>, vector<16xi32>,
        %rev3A = arith.constant 15 : i32
        %rev3A_524 = vector.broadcast %rev3A : i32 to vector<16xi32>
        %rev3A_525 = tpu.iota {dimensions = array<i32: 0>} : vector<16xi32>
        %rev3A_526 = arith.subi %rev3A_524, %rev3A_525 : vector<16xi32>
        %rev3A_527 = tpu.dynamic_gather %get3A_523[%rev3A_526] in [0] : vector<16xi32>, vector<16xi32> -> vector<16xi32>
        %broadcast_in_dim3A_528 = arith.constant true
        %broadcast_in_dim3A_529 = vector.broadcast %broadcast_in_dim3A_528 : i1 to vector<16xi1>
        %masked_cumsum3A = tpu.scan <sum>, %rev3A_527 masked %broadcast_in_dim3A_529 : vector<16xi32>, vector<16xi1> -> vector<16xi32>
        %add3A_530 = vector.broadcast %while3A_514 : i32 to vector<16xi32>
        %add3A_531 = arith.addi %add3A_530, %masked_cumsum3A : vector<16xi32>
        %ge3A_532 = arith.constant 64 : i32
        %ge3A_533 = vector.broadcast %ge3A_532 : i32 to vector<16xi32>
        %ge3A_534 = arith.cmpi sge, %add3A_531, %ge3A_533 : vector<16xi32>
        %reduce_or3A = arith.constant 1.000000e+00 : f32
        %reduce_or3A_535 = arith.constant 0.000000e+00 : f32
        %reduce_or3A_536 = vector.broadcast %reduce_or3A : f32 to vector<16xf32>
        %reduce_or3A_537 = vector.broadcast %reduce_or3A_535 : f32 to vector<16xf32>
        %reduce_or3A_538 = arith.select %ge3A_534, %reduce_or3A_536, %reduce_or3A_537 : vector<16xi1>, vector<16xf32>
        %reduce_or3A_539 = arith.constant true
        %reduce_or3A_540 = vector.broadcast %reduce_or3A_539 : i1 to vector<16xi1>
        %reduce_or3A_541 = tpu.scan <max>, %reduce_or3A_538 masked %reduce_or3A_540 : vector<16xf32>, vector<16xi1> -> vector<16xf32>
        %reduce_or3A_542 = vector.extract %reduce_or3A_541[15] : f32 from vector<16xf32>
        %reduce_or3A_543 = arith.constant 0.000000e+00 : f32
        %reduce_or3A_544 = arith.cmpf ogt, %reduce_or3A_542, %reduce_or3A_543 : f32
        %convert_element_type3A_545 = arith.extui %ge3A_534 : vector<16xi1> to vector<16xi32>
        %reduce_sum3A = arith.constant true
        %reduce_sum3A_546 = vector.broadcast %reduce_sum3A : i1 to vector<16xi1>
        %reduce_sum3A_547 = tpu.scan <sum>, %convert_element_type3A_545 masked %reduce_sum3A_546 : vector<16xi32>, vector<16xi1> -> vector<16xi32>
        %reduce_sum3A_548 = vector.extract %reduce_sum3A_547[15] : i32 from vector<16xi32>
        %sub3A_549 = arith.constant 16 : i32
        %sub3A_550 = arith.subi %sub3A_549, %reduce_sum3A_548 : i32
        %add3A_551 = arith.constant 15 : i32
        %add3A_552 = arith.addi %sub3A_522, %add3A_551 : i32
        %sub3A_553 = arith.subi %add3A_552, %sub3A_550 : i32
        %select_n3A = arith.select %reduce_or3A_544, %sub3A_553, %while3A_515 : i32
        %jit3A = arith.constant 1 : i32
        %select_n3A_554 = arith.select %reduce_or3A_544, %jit3A, %while3A_516 : i32
        %add3A_555 = arith.constant 1 : i32
        %add3A_556 = arith.addi %while3A_513, %add3A_555 : i32
        %reduce_sum3A_557 = arith.constant true
        %reduce_sum3A_558 = vector.broadcast %reduce_sum3A_557 : i1 to vector<16xi1>
        %reduce_sum3A_559 = tpu.scan <sum>, %get3A_523 masked %reduce_sum3A_558 : vector<16xi32>, vector<16xi1> -> vector<16xi32>
        %reduce_sum3A_560 = vector.extract %reduce_sum3A_559[15] : i32 from vector<16xi32>
        %add3A_561 = arith.addi %while3A_514, %reduce_sum3A_560 : i32
        scf.yield %add3A_556, %add3A_561, %select_n3A, %select_n3A_554 : i32, i32, i32, i32
      }
      %sub3A_463 = arith.constant 2048 : i32
      %sub3A_464 = arith.subi %while3A_462#2, %sub3A_463 : i32
      %shift_left3A_465 = arith.constant 20 : i32
      %shift_left3A_466 = arith.shli %sub3A_464, %shift_left3A_465 : i32
      %add3A_467 = vector.broadcast %shift_left3A_466 : i32 to vector<16xi32>
      %add3A_468 = arith.addi %broadcast_in_dim3A_5, %add3A_467 : vector<16xi32>
      %shift_right_arithmetic3A_469 = arith.constant 31 : i32
      %shift_right_arithmetic3A_470 = vector.broadcast %shift_right_arithmetic3A_469 : i32 to vector<16xi32>
      %shift_right_arithmetic3A_471 = arith.shrsi %add3A_468, %shift_right_arithmetic3A_470 : vector<16xi32>
      %and3A_472 = arith.constant 2147483647 : i32
      %and3A_473 = vector.broadcast %and3A_472 : i32 to vector<16xi32>
      %and3A_474 = arith.andi %shift_right_arithmetic3A_471, %and3A_473 : vector<16xi32>
      %xor3A_475 = arith.xori %add3A_468, %and3A_474 : vector<16xi32>
      %bitcast_convert_type3A_476 = tpu.bitcast %xor3A_475 : vector<16xi32> -> vector<16xf32>
      %parallel_loop3A_477 = arith.constant 0 : i32
      %parallel_loop3A_478 = arith.constant 2048 : i32
      %parallel_loop3A_479 = arith.constant 1 : i32
      scf.for %parallel_loop3A_513 = %parallel_loop3A_477 to %parallel_loop3A_478 step %parallel_loop3A_479  : i32 {
        %parallel_loop3A_514 = arith.constant 16 : i32
        %parallel_loop3A_515 = arith.muli %parallel_loop3A_513, %parallel_loop3A_514 : i32
        %parallel_loop3A_516 = arith.index_cast %parallel_loop3A_515 : i32 to index
        %parallel_loop3A_517 = tpu.vector_load %arg5[%parallel_loop3A_516] {strides = array<i32>} : memref<32768xf32, #tpu.memory_space<vmem>>, vector<16xf32>,
        %parallel_loop3A_518 = arith.cmpf oge, %parallel_loop3A_517, %bitcast_convert_type3A_476 : vector<16xf32>
        %parallel_loop3A_519 = tpu.all_reduce %parallel_loop3A_518 {dim = 0 : i64, kind = #tpu.reduction_kind<sum>} : vector<16xi1> -> vector<16xi32>
        %parallel_loop3A_520 = vector.broadcast %parallel_loop3A_513 : i32 to vector<16xi32>
        %parallel_loop3A_521 = arith.addi %broadcast_in_dim3A_5, %parallel_loop3A_520 : vector<16xi32>
        tpu.vector_store_idx %arg10[%parallel_loop3A_521], %parallel_loop3A_519 masked %eq3A_2 : memref<2048xi32, #tpu.memory_space<vmem>>[vector<16xi32>], vector<16xi32>, vector<16xi1>
      } {sc.loop_unroll_factor = 4 : i64, sc.parallel_access}
      %parallel_loop3A_480 = arith.constant 0 : i32
      %parallel_loop3A_481 = arith.constant 128 : i32
      %parallel_loop3A_482 = arith.constant 1 : i32
      %parallel_loop3A_483 = scf.for %parallel_loop3A_513 = %parallel_loop3A_480 to %parallel_loop3A_481 step %parallel_loop3A_482 iter_args(%parallel_loop3A_514 = %broadcast_in_dim3A_5) -> (vector<16xi32>)  : i32 {
        %parallel_loop3A_515 = arith.constant 16 : i32
        %parallel_loop3A_516 = arith.muli %parallel_loop3A_513, %parallel_loop3A_515 : i32
        %parallel_loop3A_517 = arith.index_cast %parallel_loop3A_516 : i32 to index
        %parallel_loop3A_518 = tpu.vector_load %arg10[%parallel_loop3A_517] {strides = array<i32>} : memref<2048xi32, #tpu.memory_space<vmem>>, vector<16xi32>,
        %parallel_loop3A_519 = arith.constant 0 : i32
        %parallel_loop3A_520 = vector.broadcast %parallel_loop3A_519 : i32 to vector<16xi32>
        %parallel_loop3A_521 = arith.cmpi sgt, %parallel_loop3A_518, %parallel_loop3A_520 : vector<16xi32>
        %parallel_loop3A_522 = arith.extui %parallel_loop3A_521 : vector<16xi1> to vector<16xi32>
        %parallel_loop3A_523 = arith.constant true
        %parallel_loop3A_524 = vector.broadcast %parallel_loop3A_523 : i1 to vector<16xi1>
        %parallel_loop3A_525 = tpu.scan <sum>, %parallel_loop3A_522 masked %parallel_loop3A_524 : vector<16xi32>, vector<16xi1> -> vector<16xi32>
        %parallel_loop3A_526 = arith.addi %parallel_loop3A_514, %parallel_loop3A_525 : vector<16xi32>
        %parallel_loop3A_527 = arith.constant 1 : i32
        %parallel_loop3A_528 = vector.broadcast %parallel_loop3A_527 : i32 to vector<16xi32>
        %parallel_loop3A_529 = arith.subi %parallel_loop3A_526, %parallel_loop3A_528 : vector<16xi32>
        %parallel_loop3A_530 = arith.constant 16 : i32
        %parallel_loop3A_531 = arith.muli %parallel_loop3A_513, %parallel_loop3A_530 : i32
        %parallel_loop3A_532 = vector.broadcast %parallel_loop3A_531 : i32 to vector<16xi32>
        %parallel_loop3A_533 = arith.addi %parallel_loop3A_532, %iota3A : vector<16xi32>
        tpu.vector_store_idx %arg11[%parallel_loop3A_529], %parallel_loop3A_533 masked %parallel_loop3A_521 : memref<2064xi32, #tpu.memory_space<vmem>>[vector<16xi32>], vector<16xi32>, vector<16xi1>
        %parallel_loop3A_534 = tpu.all_reduce %parallel_loop3A_521 {dim = 0 : i64, kind = #tpu.reduction_kind<sum>} : vector<16xi1> -> vector<16xi32>
        %parallel_loop3A_535 = arith.addi %parallel_loop3A_514, %parallel_loop3A_534 : vector<16xi32>
        scf.yield %parallel_loop3A_535 : vector<16xi32>
      } {sc.loop_unroll_factor = 2 : i64, sc.parallel_access}
      %reduce_max3A_484 = arith.constant true
      %reduce_max3A_485 = vector.broadcast %reduce_max3A_484 : i1 to vector<16xi1>
      %reduce_max3A_486 = arith.constant -2147483648 : i32
      %reduce_max3A_487 = vector.broadcast %reduce_max3A_486 : i32 to vector<16xi32>
      %reduce_max3A_488 = arith.xori %parallel_loop3A_483, %reduce_max3A_487 : vector<16xi32>
      %reduce_max3A_489 = tpu.scan <max>, %reduce_max3A_488 masked %reduce_max3A_485 : vector<16xi32>, vector<16xi1> -> vector<16xi32>
      %reduce_max3A_490 = arith.xori %reduce_max3A_489, %reduce_max3A_487 : vector<16xi32>
      %reduce_max3A_491 = vector.extract %reduce_max3A_490[15] : i32 from vector<16xi32>
      %parallel_loop3A_492 = arith.constant 0 : i32
      %parallel_loop3A_493 = arith.constant 1 : i32
      %parallel_loop3A_494 = scf.for %parallel_loop3A_513 = %parallel_loop3A_492 to %reduce_max3A_491 step %parallel_loop3A_493 iter_args(%parallel_loop3A_514 = %broadcast_in_dim3A_5) -> (vector<16xi32>)  : i32 {
        %parallel_loop3A_515 = arith.index_cast %parallel_loop3A_513 : i32 to index
        %parallel_loop3A_516 = tpu.vector_load %arg11[%parallel_loop3A_515] {strides = array<i32>} : memref<2064xi32, #tpu.memory_space<vmem>>, vector<16xi32>,
        %parallel_loop3A_517 = vector.extract_strided_slice %parallel_loop3A_516 {offsets = [0], sizes = [1], strides = [1]} : vector<16xi32> to vector<1xi32>
        %parallel_loop3A_518 = vector.extract %parallel_loop3A_517[0] : i32 from vector<1xi32>
        %parallel_loop3A_519 = arith.constant 16 : i32
        %parallel_loop3A_520 = arith.muli %parallel_loop3A_518, %parallel_loop3A_519 : i32
        %parallel_loop3A_521 = arith.index_cast %parallel_loop3A_520 : i32 to index
        %parallel_loop3A_522 = tpu.vector_load %arg5[%parallel_loop3A_521] {strides = array<i32>} : memref<32768xf32, #tpu.memory_space<vmem>>, vector<16xf32>,
        %parallel_loop3A_523 = arith.cmpf oge, %parallel_loop3A_522, %bitcast_convert_type3A_476 : vector<16xf32>
        %parallel_loop3A_524 = arith.constant 4064 : i32
        %parallel_loop3A_525 = vector.broadcast %parallel_loop3A_524 : i32 to vector<16xi32>
        %parallel_loop3A_526 = arith.cmpi sle, %parallel_loop3A_514, %parallel_loop3A_525 : vector<16xi32>
        %parallel_loop3A_527 = arith.andi %parallel_loop3A_523, %parallel_loop3A_526 : vector<16xi1>
        %parallel_loop3A_528 = arith.extui %parallel_loop3A_527 : vector<16xi1> to vector<16xi32>
        %parallel_loop3A_529 = arith.constant true
        %parallel_loop3A_530 = vector.broadcast %parallel_loop3A_529 : i1 to vector<16xi1>
        %parallel_loop3A_531 = tpu.scan <sum>, %parallel_loop3A_528 masked %parallel_loop3A_530 : vector<16xi32>, vector<16xi1> -> vector<16xi32>
        %parallel_loop3A_532 = arith.addi %parallel_loop3A_514, %parallel_loop3A_531 : vector<16xi32>
        %parallel_loop3A_533 = arith.constant 1 : i32
        %parallel_loop3A_534 = vector.broadcast %parallel_loop3A_533 : i32 to vector<16xi32>
        %parallel_loop3A_535 = arith.subi %parallel_loop3A_532, %parallel_loop3A_534 : vector<16xi32>
        tpu.vector_store_idx %arg8[%parallel_loop3A_535], %parallel_loop3A_522 masked %parallel_loop3A_527 : memref<4096xf32, #tpu.memory_space<vmem>>[vector<16xi32>], vector<16xf32>, vector<16xi1>
        %parallel_loop3A_536 = arith.constant 16 : i32
        %parallel_loop3A_537 = arith.muli %parallel_loop3A_518, %parallel_loop3A_536 : i32
        %parallel_loop3A_538 = vector.broadcast %parallel_loop3A_537 : i32 to vector<16xi32>
        %parallel_loop3A_539 = arith.addi %parallel_loop3A_538, %iota3A : vector<16xi32>
        tpu.vector_store_idx %arg9[%parallel_loop3A_535], %parallel_loop3A_539 masked %parallel_loop3A_527 : memref<4096xi32, #tpu.memory_space<vmem>>[vector<16xi32>], vector<16xi32>, vector<16xi1>
        %parallel_loop3A_540 = tpu.all_reduce %parallel_loop3A_527 {dim = 0 : i64, kind = #tpu.reduction_kind<sum>} : vector<16xi1> -> vector<16xi32>
        %parallel_loop3A_541 = arith.addi %parallel_loop3A_514, %parallel_loop3A_540 : vector<16xi32>
        scf.yield %parallel_loop3A_541 : vector<16xi32>
      } {sc.loop_unroll_factor = 1 : i64, sc.parallel_access}
      %reduce_max3A_495 = arith.constant true
      %reduce_max3A_496 = vector.broadcast %reduce_max3A_495 : i1 to vector<16xi1>
      %reduce_max3A_497 = arith.constant -2147483648 : i32
      %reduce_max3A_498 = vector.broadcast %reduce_max3A_497 : i32 to vector<16xi32>
      %reduce_max3A_499 = arith.xori %parallel_loop3A_494, %reduce_max3A_498 : vector<16xi32>
      %reduce_max3A_500 = tpu.scan <max>, %reduce_max3A_499 masked %reduce_max3A_496 : vector<16xi32>, vector<16xi1> -> vector<16xi32>
      %reduce_max3A_501 = arith.xori %reduce_max3A_500, %reduce_max3A_498 : vector<16xi32>
      %reduce_max3A_502 = vector.extract %reduce_max3A_501[15] : i32 from vector<16xi32>
      %add3A_503 = arith.constant 15 : i32
      %add3A_504 = arith.addi %reduce_max3A_502, %add3A_503 : i32
      %div3A_505 = arith.constant 16 : i32
      %div3A_506 = arith.divsi %add3A_504, %div3A_505 : i32
      %scan3A_507 = arith.constant 0 : i32
      %scan3A_508 = arith.constant 20 : i32
      %scan3A_509 = arith.addi %scan3A_507, %scan3A_508 : i32
      %scan3A_510 = arith.constant 1 : i32
      %scan3A_511 = scf.for %scan3A_513 = %scan3A_507 to %scan3A_509 step %scan3A_510 iter_args(%scan3A_514 = %shift_left3A_466) -> (i32)  : i32 {
        %sub3A_515 = arith.constant 19 : i32
        %sub3A_516 = arith.subi %sub3A_515, %scan3A_513 : i32
        %shift_left3A_517 = arith.constant 1 : i32
        %shift_left3A_518 = arith.shli %shift_left3A_517, %sub3A_516 : i32
        %add3A_519 = arith.addi %scan3A_514, %shift_left3A_518 : i32
        %parallel_loop3A_520 = arith.constant 0 : i32
        %parallel_loop3A_521 = arith.constant 1 : i32
        %parallel_loop3A_522 = scf.for %parallel_loop3A_528 = %parallel_loop3A_520 to %div3A_506 step %parallel_loop3A_521 iter_args(%parallel_loop3A_529 = %broadcast_in_dim3A_5) -> (vector<16xi32>)  : i32 {
          %parallel_loop3A_530 = arith.constant 16 : i32
          %parallel_loop3A_531 = arith.muli %parallel_loop3A_528, %parallel_loop3A_530 : i32
          %parallel_loop3A_532 = arith.index_cast %parallel_loop3A_531 : i32 to index
          %parallel_loop3A_533 = tpu.vector_load %arg8[%parallel_loop3A_532] {strides = array<i32>} : memref<4096xf32, #tpu.memory_space<vmem>>, vector<16xf32>,
          %parallel_loop3A_534 = tpu.bitcast %parallel_loop3A_533 : vector<16xf32> -> vector<16xi32>
          %parallel_loop3A_535 = arith.constant 31 : i32
          %parallel_loop3A_536 = vector.broadcast %parallel_loop3A_535 : i32 to vector<16xi32>
          %parallel_loop3A_537 = arith.shrsi %parallel_loop3A_534, %parallel_loop3A_536 : vector<16xi32>
          %parallel_loop3A_538 = arith.constant 2147483647 : i32
          %parallel_loop3A_539 = vector.broadcast %parallel_loop3A_538 : i32 to vector<16xi32>
          %parallel_loop3A_540 = arith.andi %parallel_loop3A_537, %parallel_loop3A_539 : vector<16xi32>
          %parallel_loop3A_541 = arith.xori %parallel_loop3A_534, %parallel_loop3A_540 : vector<16xi32>
          %parallel_loop3A_542 = vector.broadcast %add3A_519 : i32 to vector<16xi32>
          %parallel_loop3A_543 = arith.cmpi sge, %parallel_loop3A_541, %parallel_loop3A_542 : vector<16xi32>
          %parallel_loop3A_544 = arith.constant 16 : i32
          %parallel_loop3A_545 = arith.muli %parallel_loop3A_528, %parallel_loop3A_544 : i32
          %parallel_loop3A_546 = vector.broadcast %parallel_loop3A_545 : i32 to vector<16xi32>
          %parallel_loop3A_547 = arith.addi %parallel_loop3A_546, %iota3A : vector<16xi32>
          %parallel_loop3A_548 = vector.broadcast %reduce_max3A_502 : i32 to vector<16xi32>
          %parallel_loop3A_549 = arith.cmpi slt, %parallel_loop3A_547, %parallel_loop3A_548 : vector<16xi32>
          %parallel_loop3A_550 = arith.andi %parallel_loop3A_543, %parallel_loop3A_549 : vector<16xi1>
          %parallel_loop3A_551 = arith.extui %parallel_loop3A_550 : vector<16xi1> to vector<16xi32>
          %parallel_loop3A_552 = arith.addi %parallel_loop3A_529, %parallel_loop3A_551 : vector<16xi32>
          scf.yield %parallel_loop3A_552 : vector<16xi32>
        } {sc.loop_unroll_factor = 1 : i64, sc.parallel_access}
        %reduce_sum3A = arith.constant true
        %reduce_sum3A_523 = vector.broadcast %reduce_sum3A : i1 to vector<16xi1>
        %reduce_sum3A_524 = tpu.scan <sum>, %parallel_loop3A_522 masked %reduce_sum3A_523 : vector<16xi32>, vector<16xi1> -> vector<16xi32>
        %reduce_sum3A_525 = vector.extract %reduce_sum3A_524[15] : i32 from vector<16xi32>
        %ge3A_526 = arith.constant 64 : i32
        %ge3A_527 = arith.cmpi sge, %reduce_sum3A_525, %ge3A_526 : i32
        %select_n3A = arith.select %ge3A_527, %add3A_519, %scan3A_514 : i32
        scf.yield %select_n3A : i32
      }
      %scan3A_512 = arith.constant 20 : i32
      scf.yield %scan3A_511, %reduce_max3A_502 : i32, i32
    }
    %add3A_193 = vector.broadcast %cond3A_192#0 : i32 to vector<16xi32>
    %add3A_194 = arith.addi %broadcast_in_dim3A_5, %add3A_193 : vector<16xi32>
    %shift_right_arithmetic3A_195 = arith.constant 31 : i32
    %shift_right_arithmetic3A_196 = vector.broadcast %shift_right_arithmetic3A_195 : i32 to vector<16xi32>
    %shift_right_arithmetic3A_197 = arith.shrsi %add3A_194, %shift_right_arithmetic3A_196 : vector<16xi32>
    %and3A_198 = arith.constant 2147483647 : i32
    %and3A_199 = vector.broadcast %and3A_198 : i32 to vector<16xi32>
    %and3A_200 = arith.andi %shift_right_arithmetic3A_197, %and3A_199 : vector<16xi32>
    %xor3A_201 = arith.xori %add3A_194, %and3A_200 : vector<16xi32>
    %bitcast_convert_type3A_202 = tpu.bitcast %xor3A_201 : vector<16xi32> -> vector<16xf32>
    %add3A_203 = arith.constant 15 : i32
    %add3A_204 = arith.addi %cond3A_192#1, %add3A_203 : i32
    %div3A_205 = arith.constant 16 : i32
    %div3A_206 = arith.divsi %add3A_204, %div3A_205 : i32
    %while3A_207 = arith.constant 0 : i32
    %while3A_208 = arith.constant 0 : i32
    %while3A_209 = arith.subi %div3A_206, %while3A_208 : i32
    %while3A_210 = arith.addi %while3A_208, %while3A_209 : i32
    %while3A_211 = arith.constant 1 : i32
    %while3A_212 = arith.divsi %while3A_209, %while3A_211 : i32
    %while3A_213 = arith.muli %while3A_212, %while3A_211 : i32
    %while3A_214 = arith.addi %while3A_208, %while3A_213 : i32
    %while3A_215 = arith.constant 1 : i32
    scf.for %while3A_452 = %while3A_208 to %while3A_214 step %while3A_215  : i32 {
      %mul3A_453 = arith.constant 16 : i32
      %mul3A_454 = arith.muli %while3A_452, %mul3A_453 : i32
      %get3A = arith.index_cast %mul3A_454 : i32 to index
      %get3A_455 = tpu.vector_load %arg8[%get3A] {strides = array<i32>} : memref<4096xf32, #tpu.memory_space<vmem>>, vector<16xf32>,
      %get3A_456 = arith.index_cast %mul3A_454 : i32 to index
      %get3A_457 = tpu.vector_load %arg9[%get3A_456] {strides = array<i32>} : memref<4096xi32, #tpu.memory_space<vmem>>, vector<16xi32>,
      %ge3A_458 = arith.cmpf oge, %get3A_455, %bitcast_convert_type3A_202 : vector<16xf32>
      %mul3A_459 = arith.constant 16 : i32
      %mul3A_460 = arith.muli %while3A_452, %mul3A_459 : i32
      %add3A_461 = vector.broadcast %mul3A_460 : i32 to vector<16xi32>
      %add3A_462 = arith.addi %add3A_461, %iota3A : vector<16xi32>
      %lt3A = vector.broadcast %cond3A_192#1 : i32 to vector<16xi32>
      %lt3A_463 = arith.cmpi slt, %add3A_462, %lt3A : vector<16xi32>
      %and3A_464 = arith.andi %ge3A_458, %lt3A_463 : vector<16xi1>
      tpu.vector_store_idx %arg6[%get3A_457], %get3A_455 masked %and3A_464 : memref<32768xf32, #tpu.memory_space<vmem>>[vector<16xi32>], vector<16xf32>, vector<16xi1>
    }
    %while3A_216 = arith.constant 1 : i32
    scf.for %while3A_452 = %while3A_214 to %while3A_210 step %while3A_216  : i32 {
      %mul3A_453 = arith.constant 16 : i32
      %mul3A_454 = arith.muli %while3A_452, %mul3A_453 : i32
      %get3A = arith.index_cast %mul3A_454 : i32 to index
      %get3A_455 = tpu.vector_load %arg8[%get3A] {strides = array<i32>} : memref<4096xf32, #tpu.memory_space<vmem>>, vector<16xf32>,
      %get3A_456 = arith.index_cast %mul3A_454 : i32 to index
      %get3A_457 = tpu.vector_load %arg9[%get3A_456] {strides = array<i32>} : memref<4096xi32, #tpu.memory_space<vmem>>, vector<16xi32>,
      %ge3A_458 = arith.cmpf oge, %get3A_455, %bitcast_convert_type3A_202 : vector<16xf32>
      %mul3A_459 = arith.constant 16 : i32
      %mul3A_460 = arith.muli %while3A_452, %mul3A_459 : i32
      %add3A_461 = vector.broadcast %mul3A_460 : i32 to vector<16xi32>
      %add3A_462 = arith.addi %add3A_461, %iota3A : vector<16xi32>
      %lt3A = vector.broadcast %cond3A_192#1 : i32 to vector<16xi32>
      %lt3A_463 = arith.cmpi slt, %add3A_462, %lt3A : vector<16xi32>
      %and3A_464 = arith.andi %ge3A_458, %lt3A_463 : vector<16xi1>
      tpu.vector_store_idx %arg6[%get3A_457], %get3A_455 masked %and3A_464 : memref<32768xf32, #tpu.memory_space<vmem>>[vector<16xi32>], vector<16xf32>, vector<16xi1>
    }
    %add3A_217 = arith.constant 1 : i32
    %add3A_218 = arith.addi %mul3A_9, %add3A_217 : i32
    %dma_start3A_219 = arith.constant 0 : i32
    %dma_start3A_220 = tpu.memref_slice %arg3[%add3A_218, %dma_start3A_219] : memref<128x32768xf32, #tpu.memory_space<hbm>> -> memref<1x32768xf32, #tpu.memory_space<hbm>>
    %dma_start3A_221 = tpu.memref_squeeze %dma_start3A_220 : memref<1x32768xf32, #tpu.memory_space<hbm>> -> memref<32768xf32, #tpu.memory_space<hbm>>
    %dma_start3A_222 = arith.constant 0 : i32
    %dma_start3A_223 = tpu.memref_slice %arg3[%add3A_218, %dma_start3A_222] : memref<128x32768xf32, #tpu.memory_space<hbm>> -> memref<1x32768xf32, #tpu.memory_space<hbm>>
    %dma_start3A_224 = tpu.memref_squeeze %dma_start3A_223 : memref<1x32768xf32, #tpu.memory_space<hbm>> -> memref<32768xf32, #tpu.memory_space<hbm>>
    tpu.enqueue_dma source(%arg6 : memref<32768xf32, #tpu.memory_space<vmem>>) target(%dma_start3A_224 : memref<32768xf32, #tpu.memory_space<hbm>>) target_semaphore(%arg14 : memref<!tpu.dma_semaphore, #tpu.memory_space<semaphore_mem>>)
    %sub3A_225 = arith.constant 2.500000e-01 : f32
    %sub3A_226 = vector.broadcast %sub3A_225 : f32 to vector<16xf32>
    %sub3A_227 = arith.subf %bitcast_convert_type3A_202, %sub3A_226 : vector<16xf32>
    %add3A_228 = arith.constant 2 : i32
    %add3A_229 = arith.addi %mul3A_9, %add3A_228 : i32
    %dma_wait3A_230 = arith.constant 0 : i32
    %dma_wait3A_231 = tpu.memref_slice %arg2[%add3A_229, %dma_wait3A_230] : memref<128x32768xf32, #tpu.memory_space<hbm>> -> memref<1x32768xf32, #tpu.memory_space<hbm>>
    %dma_wait3A_232 = tpu.memref_squeeze %dma_wait3A_231 : memref<1x32768xf32, #tpu.memory_space<hbm>> -> memref<32768xf32, #tpu.memory_space<hbm>>
    %dma_wait3A_233 = arith.constant 0 : i32
    %dma_wait3A_234 = tpu.memref_slice %arg2[%add3A_229, %dma_wait3A_233] : memref<128x32768xf32, #tpu.memory_space<hbm>> -> memref<1x32768xf32, #tpu.memory_space<hbm>>
    %dma_wait3A_235 = tpu.memref_squeeze %dma_wait3A_234 : memref<1x32768xf32, #tpu.memory_space<hbm>> -> memref<32768xf32, #tpu.memory_space<hbm>>
    tpu.wait_dma2 semaphore(%arg12 : memref<!tpu.dma_semaphore, #tpu.memory_space<semaphore_mem>>) src(%dma_wait3A_235 : memref<32768xf32, #tpu.memory_space<hbm>>) dst(%arg4 : memref<32768xf32, #tpu.memory_space<vmem>>)
    %add3A_236 = arith.constant 2 : i32
    %add3A_237 = arith.addi %mul3A_9, %add3A_236 : i32
    %add3A_238 = arith.constant 1 : i32
    %add3A_239 = arith.addi %add3A_237, %add3A_238 : i32
    %dma_start3A_240 = arith.constant 0 : i32
    %dma_start3A_241 = tpu.memref_slice %arg2[%add3A_239, %dma_start3A_240] : memref<128x32768xf32, #tpu.memory_space<hbm>> -> memref<1x32768xf32, #tpu.memory_space<hbm>>
    %dma_start3A_242 = tpu.memref_squeeze %dma_start3A_241 : memref<1x32768xf32, #tpu.memory_space<hbm>> -> memref<32768xf32, #tpu.memory_space<hbm>>
    %dma_start3A_243 = arith.constant 0 : i32
    %dma_start3A_244 = tpu.memref_slice %arg2[%add3A_239, %dma_start3A_243] : memref<128x32768xf32, #tpu.memory_space<hbm>> -> memref<1x32768xf32, #tpu.memory_space<hbm>>
    %dma_start3A_245 = tpu.memref_squeeze %dma_start3A_244 : memref<1x32768xf32, #tpu.memory_space<hbm>> -> memref<32768xf32, #tpu.memory_space<hbm>>
    tpu.enqueue_dma source(%dma_start3A_245 : memref<32768xf32, #tpu.memory_space<hbm>>) target(%arg5 : memref<32768xf32, #tpu.memory_space<vmem>>) target_semaphore(%arg13 : memref<!tpu.dma_semaphore, #tpu.memory_space<semaphore_mem>>)
    %parallel_loop3A_246 = arith.constant 0 : i32
    %parallel_loop3A_247 = arith.constant 2048 : i32
    %parallel_loop3A_248 = arith.constant 1 : i32
    scf.for %parallel_loop3A_452 = %parallel_loop3A_246 to %parallel_loop3A_247 step %parallel_loop3A_248  : i32 {
      %parallel_loop3A_453 = arith.constant 16 : i32
      %parallel_loop3A_454 = arith.muli %parallel_loop3A_452, %parallel_loop3A_453 : i32
      %parallel_loop3A_455 = arith.index_cast %parallel_loop3A_454 : i32 to index
      %parallel_loop3A_456 = tpu.vector_load %arg4[%parallel_loop3A_455] {strides = array<i32>} : memref<32768xf32, #tpu.memory_space<vmem>>, vector<16xf32>,
      %parallel_loop3A_457 = arith.cmpf oge, %parallel_loop3A_456, %sub3A_227 : vector<16xf32>
      %parallel_loop3A_458 = tpu.all_reduce %parallel_loop3A_457 {dim = 0 : i64, kind = #tpu.reduction_kind<sum>} : vector<16xi1> -> vector<16xi32>
      %parallel_loop3A_459 = vector.broadcast %parallel_loop3A_452 : i32 to vector<16xi32>
      %parallel_loop3A_460 = arith.addi %broadcast_in_dim3A_5, %parallel_loop3A_459 : vector<16xi32>
      tpu.vector_store_idx %arg10[%parallel_loop3A_460], %parallel_loop3A_458 masked %eq3A_2 : memref<2048xi32, #tpu.memory_space<vmem>>[vector<16xi32>], vector<16xi32>, vector<16xi1>
    } {sc.loop_unroll_factor = 4 : i64, sc.parallel_access}
    %parallel_loop3A_249 = arith.constant 0 : i32
    %parallel_loop3A_250 = arith.constant 128 : i32
    %parallel_loop3A_251 = arith.constant 1 : i32
    %parallel_loop3A_252 = scf.for %parallel_loop3A_452 = %parallel_loop3A_249 to %parallel_loop3A_250 step %parallel_loop3A_251 iter_args(%parallel_loop3A_453 = %broadcast_in_dim3A_5) -> (vector<16xi32>)  : i32 {
      %parallel_loop3A_454 = arith.constant 16 : i32
      %parallel_loop3A_455 = arith.muli %parallel_loop3A_452, %parallel_loop3A_454 : i32
      %parallel_loop3A_456 = arith.index_cast %parallel_loop3A_455 : i32 to index
      %parallel_loop3A_457 = tpu.vector_load %arg10[%parallel_loop3A_456] {strides = array<i32>} : memref<2048xi32, #tpu.memory_space<vmem>>, vector<16xi32>,
      %parallel_loop3A_458 = arith.constant 0 : i32
      %parallel_loop3A_459 = vector.broadcast %parallel_loop3A_458 : i32 to vector<16xi32>
      %parallel_loop3A_460 = arith.cmpi sgt, %parallel_loop3A_457, %parallel_loop3A_459 : vector<16xi32>
      %parallel_loop3A_461 = arith.extui %parallel_loop3A_460 : vector<16xi1> to vector<16xi32>
      %parallel_loop3A_462 = arith.constant true
      %parallel_loop3A_463 = vector.broadcast %parallel_loop3A_462 : i1 to vector<16xi1>
      %parallel_loop3A_464 = tpu.scan <sum>, %parallel_loop3A_461 masked %parallel_loop3A_463 : vector<16xi32>, vector<16xi1> -> vector<16xi32>
      %parallel_loop3A_465 = arith.addi %parallel_loop3A_453, %parallel_loop3A_464 : vector<16xi32>
      %parallel_loop3A_466 = arith.constant 1 : i32
      %parallel_loop3A_467 = vector.broadcast %parallel_loop3A_466 : i32 to vector<16xi32>
      %parallel_loop3A_468 = arith.subi %parallel_loop3A_465, %parallel_loop3A_467 : vector<16xi32>
      %parallel_loop3A_469 = arith.constant 16 : i32
      %parallel_loop3A_470 = arith.muli %parallel_loop3A_452, %parallel_loop3A_469 : i32
      %parallel_loop3A_471 = vector.broadcast %parallel_loop3A_470 : i32 to vector<16xi32>
      %parallel_loop3A_472 = arith.addi %parallel_loop3A_471, %iota3A : vector<16xi32>
      tpu.vector_store_idx %arg11[%parallel_loop3A_468], %parallel_loop3A_472 masked %parallel_loop3A_460 : memref<2064xi32, #tpu.memory_space<vmem>>[vector<16xi32>], vector<16xi32>, vector<16xi1>
      %parallel_loop3A_473 = tpu.all_reduce %parallel_loop3A_460 {dim = 0 : i64, kind = #tpu.reduction_kind<sum>} : vector<16xi1> -> vector<16xi32>
      %parallel_loop3A_474 = arith.addi %parallel_loop3A_453, %parallel_loop3A_473 : vector<16xi32>
      scf.yield %parallel_loop3A_474 : vector<16xi32>
    } {sc.loop_unroll_factor = 2 : i64, sc.parallel_access}
    %reduce_max3A_253 = arith.constant true
    %reduce_max3A_254 = vector.broadcast %reduce_max3A_253 : i1 to vector<16xi1>
    %reduce_max3A_255 = arith.constant -2147483648 : i32
    %reduce_max3A_256 = vector.broadcast %reduce_max3A_255 : i32 to vector<16xi32>
    %reduce_max3A_257 = arith.xori %parallel_loop3A_252, %reduce_max3A_256 : vector<16xi32>
    %reduce_max3A_258 = tpu.scan <max>, %reduce_max3A_257 masked %reduce_max3A_254 : vector<16xi32>, vector<16xi1> -> vector<16xi32>
    %reduce_max3A_259 = arith.xori %reduce_max3A_258, %reduce_max3A_256 : vector<16xi32>
    %reduce_max3A_260 = vector.extract %reduce_max3A_259[15] : i32 from vector<16xi32>
    %add3A_261 = arith.constant 2 : i32
    %add3A_262 = arith.addi %mul3A_9, %add3A_261 : i32
    %sub3A_263 = arith.constant 1 : i32
    %sub3A_264 = arith.subi %add3A_262, %sub3A_263 : i32
    %dma_wait3A_265 = arith.constant 0 : i32
    %dma_wait3A_266 = tpu.memref_slice %arg3[%sub3A_264, %dma_wait3A_265] : memref<128x32768xf32, #tpu.memory_space<hbm>> -> memref<1x32768xf32, #tpu.memory_space<hbm>>
    %dma_wait3A_267 = tpu.memref_squeeze %dma_wait3A_266 : memref<1x32768xf32, #tpu.memory_space<hbm>> -> memref<32768xf32, #tpu.memory_space<hbm>>
    %dma_wait3A_268 = arith.constant 0 : i32
    %dma_wait3A_269 = tpu.memref_slice %arg3[%sub3A_264, %dma_wait3A_268] : memref<128x32768xf32, #tpu.memory_space<hbm>> -> memref<1x32768xf32, #tpu.memory_space<hbm>>
    %dma_wait3A_270 = tpu.memref_squeeze %dma_wait3A_269 : memref<1x32768xf32, #tpu.memory_space<hbm>> -> memref<32768xf32, #tpu.memory_space<hbm>>
    tpu.wait_dma2 semaphore(%arg14 : memref<!tpu.dma_semaphore, #tpu.memory_space<semaphore_mem>>) src(%arg6 : memref<32768xf32, #tpu.memory_space<vmem>>) dst(%dma_wait3A_270 : memref<32768xf32, #tpu.memory_space<hbm>>)
    %add3A_271 = arith.constant 15 : i32
    %add3A_272 = arith.addi %cond3A_192#1, %add3A_271 : i32
    %div3A_273 = arith.constant 16 : i32
    %div3A_274 = arith.divsi %add3A_272, %div3A_273 : i32
    %while3A_275 = arith.constant 0 : i32
    %while3A_276 = arith.constant 0 : i32
    %while3A_277 = arith.subi %div3A_274, %while3A_276 : i32
    %while3A_278 = arith.addi %while3A_276, %while3A_277 : i32
    %while3A_279 = arith.constant 1 : i32
    %while3A_280 = arith.divsi %while3A_277, %while3A_279 : i32
    %while3A_281 = arith.muli %while3A_280, %while3A_279 : i32
    %while3A_282 = arith.addi %while3A_276, %while3A_281 : i32
    %while3A_283 = arith.constant 1 : i32
    scf.for %while3A_452 = %while3A_276 to %while3A_282 step %while3A_283  : i32 {
      %mul3A_453 = arith.constant 16 : i32
      %mul3A_454 = arith.muli %while3A_452, %mul3A_453 : i32
      %get3A = arith.index_cast %mul3A_454 : i32 to index
      %get3A_455 = tpu.vector_load %arg9[%get3A] {strides = array<i32>} : memref<4096xi32, #tpu.memory_space<vmem>>, vector<16xi32>,
      %mul3A_456 = arith.constant 16 : i32
      %mul3A_457 = arith.muli %while3A_452, %mul3A_456 : i32
      %add3A_458 = vector.broadcast %mul3A_457 : i32 to vector<16xi32>
      %add3A_459 = arith.addi %add3A_458, %iota3A : vector<16xi32>
      %lt3A = vector.broadcast %cond3A_192#1 : i32 to vector<16xi32>
      %lt3A_460 = arith.cmpi slt, %add3A_459, %lt3A : vector<16xi32>
      tpu.vector_store_idx %arg6[%get3A_455], %broadcast_in_dim3A_7 masked %lt3A_460 : memref<32768xf32, #tpu.memory_space<vmem>>[vector<16xi32>], vector<16xf32>, vector<16xi1>
    }
    %while3A_284 = arith.constant 1 : i32
    scf.for %while3A_452 = %while3A_282 to %while3A_278 step %while3A_284  : i32 {
      %mul3A_453 = arith.constant 16 : i32
      %mul3A_454 = arith.muli %while3A_452, %mul3A_453 : i32
      %get3A = arith.index_cast %mul3A_454 : i32 to index
      %get3A_455 = tpu.vector_load %arg9[%get3A] {strides = array<i32>} : memref<4096xi32, #tpu.memory_space<vmem>>, vector<16xi32>,
      %mul3A_456 = arith.constant 16 : i32
      %mul3A_457 = arith.muli %while3A_452, %mul3A_456 : i32
      %add3A_458 = vector.broadcast %mul3A_457 : i32 to vector<16xi32>
      %add3A_459 = arith.addi %add3A_458, %iota3A : vector<16xi32>
      %lt3A = vector.broadcast %cond3A_192#1 : i32 to vector<16xi32>
      %lt3A_460 = arith.cmpi slt, %add3A_459, %lt3A : vector<16xi32>
      tpu.vector_store_idx %arg6[%get3A_455], %broadcast_in_dim3A_7 masked %lt3A_460 : memref<32768xf32, #tpu.memory_space<vmem>>[vector<16xi32>], vector<16xf32>, vector<16xi1>
    }
    %parallel_loop3A_285 = arith.constant 0 : i32
    %parallel_loop3A_286 = arith.constant 1 : i32
    %parallel_loop3A_287 = scf.for %parallel_loop3A_452 = %parallel_loop3A_285 to %reduce_max3A_260 step %parallel_loop3A_286 iter_args(%parallel_loop3A_453 = %broadcast_in_dim3A_5) -> (vector<16xi32>)  : i32 {
      %parallel_loop3A_454 = arith.index_cast %parallel_loop3A_452 : i32 to index
      %parallel_loop3A_455 = tpu.vector_load %arg11[%parallel_loop3A_454] {strides = array<i32>} : memref<2064xi32, #tpu.memory_space<vmem>>, vector<16xi32>,
      %parallel_loop3A_456 = vector.extract_strided_slice %parallel_loop3A_455 {offsets = [0], sizes = [1], strides = [1]} : vector<16xi32> to vector<1xi32>
      %parallel_loop3A_457 = vector.extract %parallel_loop3A_456[0] : i32 from vector<1xi32>
      %parallel_loop3A_458 = arith.constant 16 : i32
      %parallel_loop3A_459 = arith.muli %parallel_loop3A_457, %parallel_loop3A_458 : i32
      %parallel_loop3A_460 = arith.index_cast %parallel_loop3A_459 : i32 to index
      %parallel_loop3A_461 = tpu.vector_load %arg4[%parallel_loop3A_460] {strides = array<i32>} : memref<32768xf32, #tpu.memory_space<vmem>>, vector<16xf32>,
      %parallel_loop3A_462 = arith.cmpf oge, %parallel_loop3A_461, %sub3A_227 : vector<16xf32>
      %parallel_loop3A_463 = arith.constant 4064 : i32
      %parallel_loop3A_464 = vector.broadcast %parallel_loop3A_463 : i32 to vector<16xi32>
      %parallel_loop3A_465 = arith.cmpi sle, %parallel_loop3A_453, %parallel_loop3A_464 : vector<16xi32>
      %parallel_loop3A_466 = arith.andi %parallel_loop3A_462, %parallel_loop3A_465 : vector<16xi1>
      %parallel_loop3A_467 = arith.extui %parallel_loop3A_466 : vector<16xi1> to vector<16xi32>
      %parallel_loop3A_468 = arith.constant true
      %parallel_loop3A_469 = vector.broadcast %parallel_loop3A_468 : i1 to vector<16xi1>
      %parallel_loop3A_470 = tpu.scan <sum>, %parallel_loop3A_467 masked %parallel_loop3A_469 : vector<16xi32>, vector<16xi1> -> vector<16xi32>
      %parallel_loop3A_471 = arith.addi %parallel_loop3A_453, %parallel_loop3A_470 : vector<16xi32>
      %parallel_loop3A_472 = arith.constant 1 : i32
      %parallel_loop3A_473 = vector.broadcast %parallel_loop3A_472 : i32 to vector<16xi32>
      %parallel_loop3A_474 = arith.subi %parallel_loop3A_471, %parallel_loop3A_473 : vector<16xi32>
      tpu.vector_store_idx %arg8[%parallel_loop3A_474], %parallel_loop3A_461 masked %parallel_loop3A_466 : memref<4096xf32, #tpu.memory_space<vmem>>[vector<16xi32>], vector<16xf32>, vector<16xi1>
      %parallel_loop3A_475 = arith.constant 16 : i32
      %parallel_loop3A_476 = arith.muli %parallel_loop3A_457, %parallel_loop3A_475 : i32
      %parallel_loop3A_477 = vector.broadcast %parallel_loop3A_476 : i32 to vector<16xi32>
      %parallel_loop3A_478 = arith.addi %parallel_loop3A_477, %iota3A : vector<16xi32>
      tpu.vector_store_idx %arg9[%parallel_loop3A_474], %parallel_loop3A_478 masked %parallel_loop3A_466 : memref<4096xi32, #tpu.memory_space<vmem>>[vector<16xi32>], vector<16xi32>, vector<16xi1>
      %parallel_loop3A_479 = tpu.all_reduce %parallel_loop3A_466 {dim = 0 : i64, kind = #tpu.reduction_kind<sum>} : vector<16xi1> -> vector<16xi32>
      %parallel_loop3A_480 = arith.addi %parallel_loop3A_453, %parallel_loop3A_479 : vector<16xi32>
      scf.yield %parallel_loop3A_480 : vector<16xi32>
    } {sc.loop_unroll_factor = 1 : i64, sc.parallel_access}
    %reduce_max3A_288 = arith.constant true
    %reduce_max3A_289 = vector.broadcast %reduce_max3A_288 : i1 to vector<16xi1>
    %reduce_max3A_290 = arith.constant -2147483648 : i32
    %reduce_max3A_291 = vector.broadcast %reduce_max3A_290 : i32 to vector<16xi32>
    %reduce_max3A_292 = arith.xori %parallel_loop3A_287, %reduce_max3A_291 : vector<16xi32>
    %reduce_max3A_293 = tpu.scan <max>, %reduce_max3A_292 masked %reduce_max3A_289 : vector<16xi32>, vector<16xi1> -> vector<16xi32>
    %reduce_max3A_294 = arith.xori %reduce_max3A_293, %reduce_max3A_291 : vector<16xi32>
    %reduce_max3A_295 = vector.extract %reduce_max3A_294[15] : i32 from vector<16xi32>
    %ge3A_296 = arith.constant 64 : i32
    %ge3A_297 = arith.cmpi sge, %reduce_max3A_295, %ge3A_296 : i32
    %le3A_298 = arith.constant 4064 : i32
    %le3A_299 = arith.cmpi sle, %reduce_max3A_295, %le3A_298 : i32
    %and3A_300 = arith.andi %ge3A_297, %le3A_299 : i1
    %convert_element_type3A_301 = arith.extui %and3A_300 : i1 to i32
    %cond3A_302 = arith.constant 0 : i32
    %cond3A_303 = arith.cmpi ne, %convert_element_type3A_301, %cond3A_302 : i32
    %cond3A_304:2 = scf.if %cond3A_303 -> (i32, i32) {
      %add3A_452 = arith.constant 15 : i32
      %add3A_453 = arith.addi %reduce_max3A_295, %add3A_452 : i32
      %div3A_454 = arith.constant 16 : i32
      %div3A_455 = arith.divsi %add3A_453, %div3A_454 : i32
      %parallel_loop3A_456 = arith.constant 0 : i32
      %parallel_loop3A_457 = arith.constant 1 : i32
      %parallel_loop3A_458 = arith.constant 0 : i32
      %parallel_loop3A_459 = scf.for %parallel_loop3A_476 = %parallel_loop3A_456 to %div3A_455 step %parallel_loop3A_457 iter_args(%parallel_loop3A_477 = %broadcast_in_dim3A_5) -> (vector<16xi32>)  : i32 {
        %parallel_loop3A_478 = arith.constant 16 : i32
        %parallel_loop3A_479 = arith.muli %parallel_loop3A_476, %parallel_loop3A_478 : i32
        %parallel_loop3A_480 = arith.index_cast %parallel_loop3A_479 : i32 to index
        %parallel_loop3A_481 = tpu.vector_load %arg8[%parallel_loop3A_480] {strides = array<i32>} : memref<4096xf32, #tpu.memory_space<vmem>>, vector<16xf32>,
        %parallel_loop3A_482 = tpu.bitcast %parallel_loop3A_481 : vector<16xf32> -> vector<16xi32>
        %parallel_loop3A_483 = arith.constant 31 : i32
        %parallel_loop3A_484 = vector.broadcast %parallel_loop3A_483 : i32 to vector<16xi32>
        %parallel_loop3A_485 = arith.shrsi %parallel_loop3A_482, %parallel_loop3A_484 : vector<16xi32>
        %parallel_loop3A_486 = arith.constant 2147483647 : i32
        %parallel_loop3A_487 = vector.broadcast %parallel_loop3A_486 : i32 to vector<16xi32>
        %parallel_loop3A_488 = arith.andi %parallel_loop3A_485, %parallel_loop3A_487 : vector<16xi32>
        %parallel_loop3A_489 = arith.xori %parallel_loop3A_482, %parallel_loop3A_488 : vector<16xi32>
        %parallel_loop3A_490 = vector.broadcast %parallel_loop3A_458 : i32 to vector<16xi32>
        %parallel_loop3A_491 = arith.cmpi sge, %parallel_loop3A_489, %parallel_loop3A_490 : vector<16xi32>
        %parallel_loop3A_492 = arith.constant 16 : i32
        %parallel_loop3A_493 = arith.muli %parallel_loop3A_476, %parallel_loop3A_492 : i32
        %parallel_loop3A_494 = vector.broadcast %parallel_loop3A_493 : i32 to vector<16xi32>
        %parallel_loop3A_495 = arith.addi %parallel_loop3A_494, %iota3A : vector<16xi32>
        %parallel_loop3A_496 = vector.broadcast %reduce_max3A_295 : i32 to vector<16xi32>
        %parallel_loop3A_497 = arith.cmpi slt, %parallel_loop3A_495, %parallel_loop3A_496 : vector<16xi32>
        %parallel_loop3A_498 = arith.andi %parallel_loop3A_491, %parallel_loop3A_497 : vector<16xi1>
        %parallel_loop3A_499 = arith.extui %parallel_loop3A_498 : vector<16xi1> to vector<16xi32>
        %parallel_loop3A_500 = arith.addi %parallel_loop3A_477, %parallel_loop3A_499 : vector<16xi32>
        scf.yield %parallel_loop3A_500 : vector<16xi32>
      } {sc.loop_unroll_factor = 1 : i64, sc.parallel_access}
      %reduce_sum3A = arith.constant true
      %reduce_sum3A_460 = vector.broadcast %reduce_sum3A : i1 to vector<16xi1>
      %reduce_sum3A_461 = tpu.scan <sum>, %parallel_loop3A_459 masked %reduce_sum3A_460 : vector<16xi32>, vector<16xi1> -> vector<16xi32>
      %reduce_sum3A_462 = vector.extract %reduce_sum3A_461[15] : i32 from vector<16xi32>
      %ge3A_463 = arith.constant 64 : i32
      %ge3A_464 = arith.cmpi sge, %reduce_sum3A_462, %ge3A_463 : i32
      %jit3A = arith.constant 0 : i32
      %jit3A_465 = arith.constant -2147483648 : i32
      %select_n3A = arith.select %ge3A_464, %jit3A, %jit3A_465 : i32
      %add3A_466 = arith.constant 15 : i32
      %add3A_467 = arith.addi %reduce_max3A_295, %add3A_466 : i32
      %div3A_468 = arith.constant 16 : i32
      %div3A_469 = arith.divsi %add3A_467, %div3A_468 : i32
      %scan3A_470 = arith.constant 0 : i32
      %scan3A_471 = arith.constant 31 : i32
      %scan3A_472 = arith.addi %scan3A_470, %scan3A_471 : i32
      %scan3A_473 = arith.constant 1 : i32
      %scan3A_474 = scf.for %scan3A_476 = %scan3A_470 to %scan3A_472 step %scan3A_473 iter_args(%scan3A_477 = %select_n3A) -> (i32)  : i32 {
        %sub3A_478 = arith.constant 30 : i32
        %sub3A_479 = arith.subi %sub3A_478, %scan3A_476 : i32
        %shift_left3A_480 = arith.constant 1 : i32
        %shift_left3A_481 = arith.shli %shift_left3A_480, %sub3A_479 : i32
        %add3A_482 = arith.addi %scan3A_477, %shift_left3A_481 : i32
        %parallel_loop3A_483 = arith.constant 0 : i32
        %parallel_loop3A_484 = arith.constant 1 : i32
        %parallel_loop3A_485 = scf.for %parallel_loop3A_493 = %parallel_loop3A_483 to %div3A_469 step %parallel_loop3A_484 iter_args(%parallel_loop3A_494 = %broadcast_in_dim3A_5) -> (vector<16xi32>)  : i32 {
          %parallel_loop3A_495 = arith.constant 16 : i32
          %parallel_loop3A_496 = arith.muli %parallel_loop3A_493, %parallel_loop3A_495 : i32
          %parallel_loop3A_497 = arith.index_cast %parallel_loop3A_496 : i32 to index
          %parallel_loop3A_498 = tpu.vector_load %arg8[%parallel_loop3A_497] {strides = array<i32>} : memref<4096xf32, #tpu.memory_space<vmem>>, vector<16xf32>,
          %parallel_loop3A_499 = tpu.bitcast %parallel_loop3A_498 : vector<16xf32> -> vector<16xi32>
          %parallel_loop3A_500 = arith.constant 31 : i32
          %parallel_loop3A_501 = vector.broadcast %parallel_loop3A_500 : i32 to vector<16xi32>
          %parallel_loop3A_502 = arith.shrsi %parallel_loop3A_499, %parallel_loop3A_501 : vector<16xi32>
          %parallel_loop3A_503 = arith.constant 2147483647 : i32
          %parallel_loop3A_504 = vector.broadcast %parallel_loop3A_503 : i32 to vector<16xi32>
          %parallel_loop3A_505 = arith.andi %parallel_loop3A_502, %parallel_loop3A_504 : vector<16xi32>
          %parallel_loop3A_506 = arith.xori %parallel_loop3A_499, %parallel_loop3A_505 : vector<16xi32>
          %parallel_loop3A_507 = vector.broadcast %add3A_482 : i32 to vector<16xi32>
          %parallel_loop3A_508 = arith.cmpi sge, %parallel_loop3A_506, %parallel_loop3A_507 : vector<16xi32>
          %parallel_loop3A_509 = arith.constant 16 : i32
          %parallel_loop3A_510 = arith.muli %parallel_loop3A_493, %parallel_loop3A_509 : i32
          %parallel_loop3A_511 = vector.broadcast %parallel_loop3A_510 : i32 to vector<16xi32>
          %parallel_loop3A_512 = arith.addi %parallel_loop3A_511, %iota3A : vector<16xi32>
          %parallel_loop3A_513 = vector.broadcast %reduce_max3A_295 : i32 to vector<16xi32>
          %parallel_loop3A_514 = arith.cmpi slt, %parallel_loop3A_512, %parallel_loop3A_513 : vector<16xi32>
          %parallel_loop3A_515 = arith.andi %parallel_loop3A_508, %parallel_loop3A_514 : vector<16xi1>
          %parallel_loop3A_516 = arith.extui %parallel_loop3A_515 : vector<16xi1> to vector<16xi32>
          %parallel_loop3A_517 = arith.addi %parallel_loop3A_494, %parallel_loop3A_516 : vector<16xi32>
          scf.yield %parallel_loop3A_517 : vector<16xi32>
        } {sc.loop_unroll_factor = 1 : i64, sc.parallel_access}
        %reduce_sum3A_486 = arith.constant true
        %reduce_sum3A_487 = vector.broadcast %reduce_sum3A_486 : i1 to vector<16xi1>
        %reduce_sum3A_488 = tpu.scan <sum>, %parallel_loop3A_485 masked %reduce_sum3A_487 : vector<16xi32>, vector<16xi1> -> vector<16xi32>
        %reduce_sum3A_489 = vector.extract %reduce_sum3A_488[15] : i32 from vector<16xi32>
        %ge3A_490 = arith.constant 64 : i32
        %ge3A_491 = arith.cmpi sge, %reduce_sum3A_489, %ge3A_490 : i32
        %select_n3A_492 = arith.select %ge3A_491, %add3A_482, %scan3A_477 : i32
        scf.yield %select_n3A_492 : i32
      }
      %scan3A_475 = arith.constant 31 : i32
      scf.yield %scan3A_474, %reduce_max3A_295 : i32, i32
    } else {
      %parallel_loop3A_452 = arith.constant 0 : i32
      %parallel_loop3A_453 = arith.constant 256 : i32
      %parallel_loop3A_454 = arith.constant 1 : i32
      scf.for %parallel_loop3A_513 = %parallel_loop3A_452 to %parallel_loop3A_453 step %parallel_loop3A_454  : i32 {
        %parallel_loop3A_514 = arith.constant 16 : i32
        %parallel_loop3A_515 = arith.muli %parallel_loop3A_513, %parallel_loop3A_514 : i32
        %parallel_loop3A_516 = arith.index_cast %parallel_loop3A_515 : i32 to index
        %parallel_loop3A_517 = tpu.vector_load %arg7[%parallel_loop3A_516] {strides = array<i32>} : memref<4096xi32, #tpu.memory_space<vmem>>, vector<16xi32>,
        tpu.vector_store %arg7[%parallel_loop3A_516], %broadcast_in_dim3A_5 {strides = array<i32>} : memref<4096xi32, #tpu.memory_space<vmem>>, vector<16xi32>,
      } {sc.loop_unroll_factor = 4 : i64, sc.parallel_access}
      %parallel_loop3A_455 = arith.constant 0 : i32
      %parallel_loop3A_456 = arith.constant 2048 : i32
      %parallel_loop3A_457 = arith.constant 1 : i32
      scf.for %parallel_loop3A_513 = %parallel_loop3A_455 to %parallel_loop3A_456 step %parallel_loop3A_457  : i32 {
        %parallel_loop3A_514 = arith.constant 16 : i32
        %parallel_loop3A_515 = arith.muli %parallel_loop3A_513, %parallel_loop3A_514 : i32
        %parallel_loop3A_516 = arith.index_cast %parallel_loop3A_515 : i32 to index
        %parallel_loop3A_517 = tpu.vector_load %arg4[%parallel_loop3A_516] {strides = array<i32>} : memref<32768xf32, #tpu.memory_space<vmem>>, vector<16xf32>,
        %parallel_loop3A_518 = tpu.bitcast %parallel_loop3A_517 : vector<16xf32> -> vector<16xi32>
        %parallel_loop3A_519 = arith.constant 31 : i32
        %parallel_loop3A_520 = vector.broadcast %parallel_loop3A_519 : i32 to vector<16xi32>
        %parallel_loop3A_521 = arith.shrsi %parallel_loop3A_518, %parallel_loop3A_520 : vector<16xi32>
        %parallel_loop3A_522 = arith.constant 2147483647 : i32
        %parallel_loop3A_523 = vector.broadcast %parallel_loop3A_522 : i32 to vector<16xi32>
        %parallel_loop3A_524 = arith.andi %parallel_loop3A_521, %parallel_loop3A_523 : vector<16xi32>
        %parallel_loop3A_525 = arith.xori %parallel_loop3A_518, %parallel_loop3A_524 : vector<16xi32>
        %parallel_loop3A_526 = arith.constant 20 : i32
        %parallel_loop3A_527 = vector.broadcast %parallel_loop3A_526 : i32 to vector<16xi32>
        %parallel_loop3A_528 = arith.shrsi %parallel_loop3A_525, %parallel_loop3A_527 : vector<16xi32>
        %parallel_loop3A_529 = arith.constant 2048 : i32
        %parallel_loop3A_530 = vector.broadcast %parallel_loop3A_529 : i32 to vector<16xi32>
        %parallel_loop3A_531 = arith.addi %parallel_loop3A_528, %parallel_loop3A_530 : vector<16xi32>
        tpu.vector_store_idx %arg7[%parallel_loop3A_531], %broadcast_in_dim3A_3 {add = true} : memref<4096xi32, #tpu.memory_space<vmem>>[vector<16xi32>], vector<16xi32>,
      } {sc.loop_unroll_factor = 4 : i64, sc.parallel_access}
      %while3A_458 = arith.constant 0 : i32
      %while3A_459 = arith.constant 0 : i32
      %while3A_460 = arith.constant 0 : i32
      %while3A_461 = arith.constant 0 : i32
      %while3A_462:4 = scf.while (%while3A_513 = %while3A_458, %while3A_514 = %while3A_459, %while3A_515 = %while3A_460, %while3A_516 = %while3A_461) : (i32, i32, i32, i32) -> (i32, i32, i32, i32) {
        %eq3A_517 = arith.constant 0 : i32
        %eq3A_518 = arith.cmpi eq, %while3A_516, %eq3A_517 : i32
        %lt3A = arith.constant 256 : i32
        %lt3A_519 = arith.cmpi slt, %while3A_513, %lt3A : i32
        %and3A_520 = arith.andi %eq3A_518, %lt3A_519 : i1
        scf.condition(%and3A_520) %while3A_513, %while3A_514, %while3A_515, %while3A_516 : i32, i32, i32, i32
      } do {
      ^bb0(%while3A_513: i32, %while3A_514: i32, %while3A_515: i32, %while3A_516: i32):
        %add3A_517 = arith.constant 1 : i32
        %add3A_518 = arith.addi %while3A_513, %add3A_517 : i32
        %mul3A_519 = arith.constant 16 : i32
        %mul3A_520 = arith.muli %add3A_518, %mul3A_519 : i32
        %sub3A_521 = arith.constant 4096 : i32
        %sub3A_522 = arith.subi %sub3A_521, %mul3A_520 : i32
        %get3A = arith.index_cast %sub3A_522 : i32 to index
        %get3A_523 = tpu.vector_load %arg7[%get3A] {strides = array<i32>} : memref<4096xi32, #tpu.memory_space<vmem>>, vector<16xi32>,
        %rev3A = arith.constant 15 : i32
        %rev3A_524 = vector.broadcast %rev3A : i32 to vector<16xi32>
        %rev3A_525 = tpu.iota {dimensions = array<i32: 0>} : vector<16xi32>
        %rev3A_526 = arith.subi %rev3A_524, %rev3A_525 : vector<16xi32>
        %rev3A_527 = tpu.dynamic_gather %get3A_523[%rev3A_526] in [0] : vector<16xi32>, vector<16xi32> -> vector<16xi32>
        %broadcast_in_dim3A_528 = arith.constant true
        %broadcast_in_dim3A_529 = vector.broadcast %broadcast_in_dim3A_528 : i1 to vector<16xi1>
        %masked_cumsum3A = tpu.scan <sum>, %rev3A_527 masked %broadcast_in_dim3A_529 : vector<16xi32>, vector<16xi1> -> vector<16xi32>
        %add3A_530 = vector.broadcast %while3A_514 : i32 to vector<16xi32>
        %add3A_531 = arith.addi %add3A_530, %masked_cumsum3A : vector<16xi32>
        %ge3A_532 = arith.constant 64 : i32
        %ge3A_533 = vector.broadcast %ge3A_532 : i32 to vector<16xi32>
        %ge3A_534 = arith.cmpi sge, %add3A_531, %ge3A_533 : vector<16xi32>
        %reduce_or3A = arith.constant 1.000000e+00 : f32
        %reduce_or3A_535 = arith.constant 0.000000e+00 : f32
        %reduce_or3A_536 = vector.broadcast %reduce_or3A : f32 to vector<16xf32>
        %reduce_or3A_537 = vector.broadcast %reduce_or3A_535 : f32 to vector<16xf32>
        %reduce_or3A_538 = arith.select %ge3A_534, %reduce_or3A_536, %reduce_or3A_537 : vector<16xi1>, vector<16xf32>
        %reduce_or3A_539 = arith.constant true
        %reduce_or3A_540 = vector.broadcast %reduce_or3A_539 : i1 to vector<16xi1>
        %reduce_or3A_541 = tpu.scan <max>, %reduce_or3A_538 masked %reduce_or3A_540 : vector<16xf32>, vector<16xi1> -> vector<16xf32>
        %reduce_or3A_542 = vector.extract %reduce_or3A_541[15] : f32 from vector<16xf32>
        %reduce_or3A_543 = arith.constant 0.000000e+00 : f32
        %reduce_or3A_544 = arith.cmpf ogt, %reduce_or3A_542, %reduce_or3A_543 : f32
        %convert_element_type3A_545 = arith.extui %ge3A_534 : vector<16xi1> to vector<16xi32>
        %reduce_sum3A = arith.constant true
        %reduce_sum3A_546 = vector.broadcast %reduce_sum3A : i1 to vector<16xi1>
        %reduce_sum3A_547 = tpu.scan <sum>, %convert_element_type3A_545 masked %reduce_sum3A_546 : vector<16xi32>, vector<16xi1> -> vector<16xi32>
        %reduce_sum3A_548 = vector.extract %reduce_sum3A_547[15] : i32 from vector<16xi32>
        %sub3A_549 = arith.constant 16 : i32
        %sub3A_550 = arith.subi %sub3A_549, %reduce_sum3A_548 : i32
        %add3A_551 = arith.constant 15 : i32
        %add3A_552 = arith.addi %sub3A_522, %add3A_551 : i32
        %sub3A_553 = arith.subi %add3A_552, %sub3A_550 : i32
        %select_n3A = arith.select %reduce_or3A_544, %sub3A_553, %while3A_515 : i32
        %jit3A = arith.constant 1 : i32
        %select_n3A_554 = arith.select %reduce_or3A_544, %jit3A, %while3A_516 : i32
        %add3A_555 = arith.constant 1 : i32
        %add3A_556 = arith.addi %while3A_513, %add3A_555 : i32
        %reduce_sum3A_557 = arith.constant true
        %reduce_sum3A_558 = vector.broadcast %reduce_sum3A_557 : i1 to vector<16xi1>
        %reduce_sum3A_559 = tpu.scan <sum>, %get3A_523 masked %reduce_sum3A_558 : vector<16xi32>, vector<16xi1> -> vector<16xi32>
        %reduce_sum3A_560 = vector.extract %reduce_sum3A_559[15] : i32 from vector<16xi32>
        %add3A_561 = arith.addi %while3A_514, %reduce_sum3A_560 : i32
        scf.yield %add3A_556, %add3A_561, %select_n3A, %select_n3A_554 : i32, i32, i32, i32
      }
      %sub3A_463 = arith.constant 2048 : i32
      %sub3A_464 = arith.subi %while3A_462#2, %sub3A_463 : i32
      %shift_left3A_465 = arith.constant 20 : i32
      %shift_left3A_466 = arith.shli %sub3A_464, %shift_left3A_465 : i32
      %add3A_467 = vector.broadcast %shift_left3A_466 : i32 to vector<16xi32>
      %add3A_468 = arith.addi %broadcast_in_dim3A_5, %add3A_467 : vector<16xi32>
      %shift_right_arithmetic3A_469 = arith.constant 31 : i32
      %shift_right_arithmetic3A_470 = vector.broadcast %shift_right_arithmetic3A_469 : i32 to vector<16xi32>
      %shift_right_arithmetic3A_471 = arith.shrsi %add3A_468, %shift_right_arithmetic3A_470 : vector<16xi32>
      %and3A_472 = arith.constant 2147483647 : i32
      %and3A_473 = vector.broadcast %and3A_472 : i32 to vector<16xi32>
      %and3A_474 = arith.andi %shift_right_arithmetic3A_471, %and3A_473 : vector<16xi32>
      %xor3A_475 = arith.xori %add3A_468, %and3A_474 : vector<16xi32>
      %bitcast_convert_type3A_476 = tpu.bitcast %xor3A_475 : vector<16xi32> -> vector<16xf32>
      %parallel_loop3A_477 = arith.constant 0 : i32
      %parallel_loop3A_478 = arith.constant 2048 : i32
      %parallel_loop3A_479 = arith.constant 1 : i32
      scf.for %parallel_loop3A_513 = %parallel_loop3A_477 to %parallel_loop3A_478 step %parallel_loop3A_479  : i32 {
        %parallel_loop3A_514 = arith.constant 16 : i32
        %parallel_loop3A_515 = arith.muli %parallel_loop3A_513, %parallel_loop3A_514 : i32
        %parallel_loop3A_516 = arith.index_cast %parallel_loop3A_515 : i32 to index
        %parallel_loop3A_517 = tpu.vector_load %arg4[%parallel_loop3A_516] {strides = array<i32>} : memref<32768xf32, #tpu.memory_space<vmem>>, vector<16xf32>,
        %parallel_loop3A_518 = arith.cmpf oge, %parallel_loop3A_517, %bitcast_convert_type3A_476 : vector<16xf32>
        %parallel_loop3A_519 = tpu.all_reduce %parallel_loop3A_518 {dim = 0 : i64, kind = #tpu.reduction_kind<sum>} : vector<16xi1> -> vector<16xi32>
        %parallel_loop3A_520 = vector.broadcast %parallel_loop3A_513 : i32 to vector<16xi32>
        %parallel_loop3A_521 = arith.addi %broadcast_in_dim3A_5, %parallel_loop3A_520 : vector<16xi32>
        tpu.vector_store_idx %arg10[%parallel_loop3A_521], %parallel_loop3A_519 masked %eq3A_2 : memref<2048xi32, #tpu.memory_space<vmem>>[vector<16xi32>], vector<16xi32>, vector<16xi1>
      } {sc.loop_unroll_factor = 4 : i64, sc.parallel_access}
      %parallel_loop3A_480 = arith.constant 0 : i32
      %parallel_loop3A_481 = arith.constant 128 : i32
      %parallel_loop3A_482 = arith.constant 1 : i32
      %parallel_loop3A_483 = scf.for %parallel_loop3A_513 = %parallel_loop3A_480 to %parallel_loop3A_481 step %parallel_loop3A_482 iter_args(%parallel_loop3A_514 = %broadcast_in_dim3A_5) -> (vector<16xi32>)  : i32 {
        %parallel_loop3A_515 = arith.constant 16 : i32
        %parallel_loop3A_516 = arith.muli %parallel_loop3A_513, %parallel_loop3A_515 : i32
        %parallel_loop3A_517 = arith.index_cast %parallel_loop3A_516 : i32 to index
        %parallel_loop3A_518 = tpu.vector_load %arg10[%parallel_loop3A_517] {strides = array<i32>} : memref<2048xi32, #tpu.memory_space<vmem>>, vector<16xi32>,
        %parallel_loop3A_519 = arith.constant 0 : i32
        %parallel_loop3A_520 = vector.broadcast %parallel_loop3A_519 : i32 to vector<16xi32>
        %parallel_loop3A_521 = arith.cmpi sgt, %parallel_loop3A_518, %parallel_loop3A_520 : vector<16xi32>
        %parallel_loop3A_522 = arith.extui %parallel_loop3A_521 : vector<16xi1> to vector<16xi32>
        %parallel_loop3A_523 = arith.constant true
        %parallel_loop3A_524 = vector.broadcast %parallel_loop3A_523 : i1 to vector<16xi1>
        %parallel_loop3A_525 = tpu.scan <sum>, %parallel_loop3A_522 masked %parallel_loop3A_524 : vector<16xi32>, vector<16xi1> -> vector<16xi32>
        %parallel_loop3A_526 = arith.addi %parallel_loop3A_514, %parallel_loop3A_525 : vector<16xi32>
        %parallel_loop3A_527 = arith.constant 1 : i32
        %parallel_loop3A_528 = vector.broadcast %parallel_loop3A_527 : i32 to vector<16xi32>
        %parallel_loop3A_529 = arith.subi %parallel_loop3A_526, %parallel_loop3A_528 : vector<16xi32>
        %parallel_loop3A_530 = arith.constant 16 : i32
        %parallel_loop3A_531 = arith.muli %parallel_loop3A_513, %parallel_loop3A_530 : i32
        %parallel_loop3A_532 = vector.broadcast %parallel_loop3A_531 : i32 to vector<16xi32>
        %parallel_loop3A_533 = arith.addi %parallel_loop3A_532, %iota3A : vector<16xi32>
        tpu.vector_store_idx %arg11[%parallel_loop3A_529], %parallel_loop3A_533 masked %parallel_loop3A_521 : memref<2064xi32, #tpu.memory_space<vmem>>[vector<16xi32>], vector<16xi32>, vector<16xi1>
        %parallel_loop3A_534 = tpu.all_reduce %parallel_loop3A_521 {dim = 0 : i64, kind = #tpu.reduction_kind<sum>} : vector<16xi1> -> vector<16xi32>
        %parallel_loop3A_535 = arith.addi %parallel_loop3A_514, %parallel_loop3A_534 : vector<16xi32>
        scf.yield %parallel_loop3A_535 : vector<16xi32>
      } {sc.loop_unroll_factor = 2 : i64, sc.parallel_access}
      %reduce_max3A_484 = arith.constant true
      %reduce_max3A_485 = vector.broadcast %reduce_max3A_484 : i1 to vector<16xi1>
      %reduce_max3A_486 = arith.constant -2147483648 : i32
      %reduce_max3A_487 = vector.broadcast %reduce_max3A_486 : i32 to vector<16xi32>
      %reduce_max3A_488 = arith.xori %parallel_loop3A_483, %reduce_max3A_487 : vector<16xi32>
      %reduce_max3A_489 = tpu.scan <max>, %reduce_max3A_488 masked %reduce_max3A_485 : vector<16xi32>, vector<16xi1> -> vector<16xi32>
      %reduce_max3A_490 = arith.xori %reduce_max3A_489, %reduce_max3A_487 : vector<16xi32>
      %reduce_max3A_491 = vector.extract %reduce_max3A_490[15] : i32 from vector<16xi32>
      %parallel_loop3A_492 = arith.constant 0 : i32
      %parallel_loop3A_493 = arith.constant 1 : i32
      %parallel_loop3A_494 = scf.for %parallel_loop3A_513 = %parallel_loop3A_492 to %reduce_max3A_491 step %parallel_loop3A_493 iter_args(%parallel_loop3A_514 = %broadcast_in_dim3A_5) -> (vector<16xi32>)  : i32 {
        %parallel_loop3A_515 = arith.index_cast %parallel_loop3A_513 : i32 to index
        %parallel_loop3A_516 = tpu.vector_load %arg11[%parallel_loop3A_515] {strides = array<i32>} : memref<2064xi32, #tpu.memory_space<vmem>>, vector<16xi32>,
        %parallel_loop3A_517 = vector.extract_strided_slice %parallel_loop3A_516 {offsets = [0], sizes = [1], strides = [1]} : vector<16xi32> to vector<1xi32>
        %parallel_loop3A_518 = vector.extract %parallel_loop3A_517[0] : i32 from vector<1xi32>
        %parallel_loop3A_519 = arith.constant 16 : i32
        %parallel_loop3A_520 = arith.muli %parallel_loop3A_518, %parallel_loop3A_519 : i32
        %parallel_loop3A_521 = arith.index_cast %parallel_loop3A_520 : i32 to index
        %parallel_loop3A_522 = tpu.vector_load %arg4[%parallel_loop3A_521] {strides = array<i32>} : memref<32768xf32, #tpu.memory_space<vmem>>, vector<16xf32>,
        %parallel_loop3A_523 = arith.cmpf oge, %parallel_loop3A_522, %bitcast_convert_type3A_476 : vector<16xf32>
        %parallel_loop3A_524 = arith.constant 4064 : i32
        %parallel_loop3A_525 = vector.broadcast %parallel_loop3A_524 : i32 to vector<16xi32>
        %parallel_loop3A_526 = arith.cmpi sle, %parallel_loop3A_514, %parallel_loop3A_525 : vector<16xi32>
        %parallel_loop3A_527 = arith.andi %parallel_loop3A_523, %parallel_loop3A_526 : vector<16xi1>
        %parallel_loop3A_528 = arith.extui %parallel_loop3A_527 : vector<16xi1> to vector<16xi32>
        %parallel_loop3A_529 = arith.constant true
        %parallel_loop3A_530 = vector.broadcast %parallel_loop3A_529 : i1 to vector<16xi1>
        %parallel_loop3A_531 = tpu.scan <sum>, %parallel_loop3A_528 masked %parallel_loop3A_530 : vector<16xi32>, vector<16xi1> -> vector<16xi32>
        %parallel_loop3A_532 = arith.addi %parallel_loop3A_514, %parallel_loop3A_531 : vector<16xi32>
        %parallel_loop3A_533 = arith.constant 1 : i32
        %parallel_loop3A_534 = vector.broadcast %parallel_loop3A_533 : i32 to vector<16xi32>
        %parallel_loop3A_535 = arith.subi %parallel_loop3A_532, %parallel_loop3A_534 : vector<16xi32>
        tpu.vector_store_idx %arg8[%parallel_loop3A_535], %parallel_loop3A_522 masked %parallel_loop3A_527 : memref<4096xf32, #tpu.memory_space<vmem>>[vector<16xi32>], vector<16xf32>, vector<16xi1>
        %parallel_loop3A_536 = arith.constant 16 : i32
        %parallel_loop3A_537 = arith.muli %parallel_loop3A_518, %parallel_loop3A_536 : i32
        %parallel_loop3A_538 = vector.broadcast %parallel_loop3A_537 : i32 to vector<16xi32>
        %parallel_loop3A_539 = arith.addi %parallel_loop3A_538, %iota3A : vector<16xi32>
        tpu.vector_store_idx %arg9[%parallel_loop3A_535], %parallel_loop3A_539 masked %parallel_loop3A_527 : memref<4096xi32, #tpu.memory_space<vmem>>[vector<16xi32>], vector<16xi32>, vector<16xi1>
        %parallel_loop3A_540 = tpu.all_reduce %parallel_loop3A_527 {dim = 0 : i64, kind = #tpu.reduction_kind<sum>} : vector<16xi1> -> vector<16xi32>
        %parallel_loop3A_541 = arith.addi %parallel_loop3A_514, %parallel_loop3A_540 : vector<16xi32>
        scf.yield %parallel_loop3A_541 : vector<16xi32>
      } {sc.loop_unroll_factor = 1 : i64, sc.parallel_access}
      %reduce_max3A_495 = arith.constant true
      %reduce_max3A_496 = vector.broadcast %reduce_max3A_495 : i1 to vector<16xi1>
      %reduce_max3A_497 = arith.constant -2147483648 : i32
      %reduce_max3A_498 = vector.broadcast %reduce_max3A_497 : i32 to vector<16xi32>
      %reduce_max3A_499 = arith.xori %parallel_loop3A_494, %reduce_max3A_498 : vector<16xi32>
      %reduce_max3A_500 = tpu.scan <max>, %reduce_max3A_499 masked %reduce_max3A_496 : vector<16xi32>, vector<16xi1> -> vector<16xi32>
      %reduce_max3A_501 = arith.xori %reduce_max3A_500, %reduce_max3A_498 : vector<16xi32>
      %reduce_max3A_502 = vector.extract %reduce_max3A_501[15] : i32 from vector<16xi32>
      %add3A_503 = arith.constant 15 : i32
      %add3A_504 = arith.addi %reduce_max3A_502, %add3A_503 : i32
      %div3A_505 = arith.constant 16 : i32
      %div3A_506 = arith.divsi %add3A_504, %div3A_505 : i32
      %scan3A_507 = arith.constant 0 : i32
      %scan3A_508 = arith.constant 20 : i32
      %scan3A_509 = arith.addi %scan3A_507, %scan3A_508 : i32
      %scan3A_510 = arith.constant 1 : i32
      %scan3A_511 = scf.for %scan3A_513 = %scan3A_507 to %scan3A_509 step %scan3A_510 iter_args(%scan3A_514 = %shift_left3A_466) -> (i32)  : i32 {
        %sub3A_515 = arith.constant 19 : i32
        %sub3A_516 = arith.subi %sub3A_515, %scan3A_513 : i32
        %shift_left3A_517 = arith.constant 1 : i32
        %shift_left3A_518 = arith.shli %shift_left3A_517, %sub3A_516 : i32
        %add3A_519 = arith.addi %scan3A_514, %shift_left3A_518 : i32
        %parallel_loop3A_520 = arith.constant 0 : i32
        %parallel_loop3A_521 = arith.constant 1 : i32
        %parallel_loop3A_522 = scf.for %parallel_loop3A_528 = %parallel_loop3A_520 to %div3A_506 step %parallel_loop3A_521 iter_args(%parallel_loop3A_529 = %broadcast_in_dim3A_5) -> (vector<16xi32>)  : i32 {
          %parallel_loop3A_530 = arith.constant 16 : i32
          %parallel_loop3A_531 = arith.muli %parallel_loop3A_528, %parallel_loop3A_530 : i32
          %parallel_loop3A_532 = arith.index_cast %parallel_loop3A_531 : i32 to index
          %parallel_loop3A_533 = tpu.vector_load %arg8[%parallel_loop3A_532] {strides = array<i32>} : memref<4096xf32, #tpu.memory_space<vmem>>, vector<16xf32>,
          %parallel_loop3A_534 = tpu.bitcast %parallel_loop3A_533 : vector<16xf32> -> vector<16xi32>
          %parallel_loop3A_535 = arith.constant 31 : i32
          %parallel_loop3A_536 = vector.broadcast %parallel_loop3A_535 : i32 to vector<16xi32>
          %parallel_loop3A_537 = arith.shrsi %parallel_loop3A_534, %parallel_loop3A_536 : vector<16xi32>
          %parallel_loop3A_538 = arith.constant 2147483647 : i32
          %parallel_loop3A_539 = vector.broadcast %parallel_loop3A_538 : i32 to vector<16xi32>
          %parallel_loop3A_540 = arith.andi %parallel_loop3A_537, %parallel_loop3A_539 : vector<16xi32>
          %parallel_loop3A_541 = arith.xori %parallel_loop3A_534, %parallel_loop3A_540 : vector<16xi32>
          %parallel_loop3A_542 = vector.broadcast %add3A_519 : i32 to vector<16xi32>
          %parallel_loop3A_543 = arith.cmpi sge, %parallel_loop3A_541, %parallel_loop3A_542 : vector<16xi32>
          %parallel_loop3A_544 = arith.constant 16 : i32
          %parallel_loop3A_545 = arith.muli %parallel_loop3A_528, %parallel_loop3A_544 : i32
          %parallel_loop3A_546 = vector.broadcast %parallel_loop3A_545 : i32 to vector<16xi32>
          %parallel_loop3A_547 = arith.addi %parallel_loop3A_546, %iota3A : vector<16xi32>
          %parallel_loop3A_548 = vector.broadcast %reduce_max3A_502 : i32 to vector<16xi32>
          %parallel_loop3A_549 = arith.cmpi slt, %parallel_loop3A_547, %parallel_loop3A_548 : vector<16xi32>
          %parallel_loop3A_550 = arith.andi %parallel_loop3A_543, %parallel_loop3A_549 : vector<16xi1>
          %parallel_loop3A_551 = arith.extui %parallel_loop3A_550 : vector<16xi1> to vector<16xi32>
          %parallel_loop3A_552 = arith.addi %parallel_loop3A_529, %parallel_loop3A_551 : vector<16xi32>
          scf.yield %parallel_loop3A_552 : vector<16xi32>
        } {sc.loop_unroll_factor = 1 : i64, sc.parallel_access}
        %reduce_sum3A = arith.constant true
        %reduce_sum3A_523 = vector.broadcast %reduce_sum3A : i1 to vector<16xi1>
        %reduce_sum3A_524 = tpu.scan <sum>, %parallel_loop3A_522 masked %reduce_sum3A_523 : vector<16xi32>, vector<16xi1> -> vector<16xi32>
        %reduce_sum3A_525 = vector.extract %reduce_sum3A_524[15] : i32 from vector<16xi32>
        %ge3A_526 = arith.constant 64 : i32
        %ge3A_527 = arith.cmpi sge, %reduce_sum3A_525, %ge3A_526 : i32
        %select_n3A = arith.select %ge3A_527, %add3A_519, %scan3A_514 : i32
        scf.yield %select_n3A : i32
      }
      %scan3A_512 = arith.constant 20 : i32
      scf.yield %scan3A_511, %reduce_max3A_502 : i32, i32
    }
    %add3A_305 = vector.broadcast %cond3A_304#0 : i32 to vector<16xi32>
    %add3A_306 = arith.addi %broadcast_in_dim3A_5, %add3A_305 : vector<16xi32>
    %shift_right_arithmetic3A_307 = arith.constant 31 : i32
    %shift_right_arithmetic3A_308 = vector.broadcast %shift_right_arithmetic3A_307 : i32 to vector<16xi32>
    %shift_right_arithmetic3A_309 = arith.shrsi %add3A_306, %shift_right_arithmetic3A_308 : vector<16xi32>
    %and3A_310 = arith.constant 2147483647 : i32
    %and3A_311 = vector.broadcast %and3A_310 : i32 to vector<16xi32>
    %and3A_312 = arith.andi %shift_right_arithmetic3A_309, %and3A_311 : vector<16xi32>
    %xor3A_313 = arith.xori %add3A_306, %and3A_312 : vector<16xi32>
    %bitcast_convert_type3A_314 = tpu.bitcast %xor3A_313 : vector<16xi32> -> vector<16xf32>
    %add3A_315 = arith.constant 15 : i32
    %add3A_316 = arith.addi %cond3A_304#1, %add3A_315 : i32
    %div3A_317 = arith.constant 16 : i32
    %div3A_318 = arith.divsi %add3A_316, %div3A_317 : i32
    %while3A_319 = arith.constant 0 : i32
    %while3A_320 = arith.constant 0 : i32
    %while3A_321 = arith.subi %div3A_318, %while3A_320 : i32
    %while3A_322 = arith.addi %while3A_320, %while3A_321 : i32
    %while3A_323 = arith.constant 1 : i32
    %while3A_324 = arith.divsi %while3A_321, %while3A_323 : i32
    %while3A_325 = arith.muli %while3A_324, %while3A_323 : i32
    %while3A_326 = arith.addi %while3A_320, %while3A_325 : i32
    %while3A_327 = arith.constant 1 : i32
    scf.for %while3A_452 = %while3A_320 to %while3A_326 step %while3A_327  : i32 {
      %mul3A_453 = arith.constant 16 : i32
      %mul3A_454 = arith.muli %while3A_452, %mul3A_453 : i32
      %get3A = arith.index_cast %mul3A_454 : i32 to index
      %get3A_455 = tpu.vector_load %arg8[%get3A] {strides = array<i32>} : memref<4096xf32, #tpu.memory_space<vmem>>, vector<16xf32>,
      %get3A_456 = arith.index_cast %mul3A_454 : i32 to index
      %get3A_457 = tpu.vector_load %arg9[%get3A_456] {strides = array<i32>} : memref<4096xi32, #tpu.memory_space<vmem>>, vector<16xi32>,
      %ge3A_458 = arith.cmpf oge, %get3A_455, %bitcast_convert_type3A_314 : vector<16xf32>
      %mul3A_459 = arith.constant 16 : i32
      %mul3A_460 = arith.muli %while3A_452, %mul3A_459 : i32
      %add3A_461 = vector.broadcast %mul3A_460 : i32 to vector<16xi32>
      %add3A_462 = arith.addi %add3A_461, %iota3A : vector<16xi32>
      %lt3A = vector.broadcast %cond3A_304#1 : i32 to vector<16xi32>
      %lt3A_463 = arith.cmpi slt, %add3A_462, %lt3A : vector<16xi32>
      %and3A_464 = arith.andi %ge3A_458, %lt3A_463 : vector<16xi1>
      tpu.vector_store_idx %arg6[%get3A_457], %get3A_455 masked %and3A_464 : memref<32768xf32, #tpu.memory_space<vmem>>[vector<16xi32>], vector<16xf32>, vector<16xi1>
    }
    %while3A_328 = arith.constant 1 : i32
    scf.for %while3A_452 = %while3A_326 to %while3A_322 step %while3A_328  : i32 {
      %mul3A_453 = arith.constant 16 : i32
      %mul3A_454 = arith.muli %while3A_452, %mul3A_453 : i32
      %get3A = arith.index_cast %mul3A_454 : i32 to index
      %get3A_455 = tpu.vector_load %arg8[%get3A] {strides = array<i32>} : memref<4096xf32, #tpu.memory_space<vmem>>, vector<16xf32>,
      %get3A_456 = arith.index_cast %mul3A_454 : i32 to index
      %get3A_457 = tpu.vector_load %arg9[%get3A_456] {strides = array<i32>} : memref<4096xi32, #tpu.memory_space<vmem>>, vector<16xi32>,
      %ge3A_458 = arith.cmpf oge, %get3A_455, %bitcast_convert_type3A_314 : vector<16xf32>
      %mul3A_459 = arith.constant 16 : i32
      %mul3A_460 = arith.muli %while3A_452, %mul3A_459 : i32
      %add3A_461 = vector.broadcast %mul3A_460 : i32 to vector<16xi32>
      %add3A_462 = arith.addi %add3A_461, %iota3A : vector<16xi32>
      %lt3A = vector.broadcast %cond3A_304#1 : i32 to vector<16xi32>
      %lt3A_463 = arith.cmpi slt, %add3A_462, %lt3A : vector<16xi32>
      %and3A_464 = arith.andi %ge3A_458, %lt3A_463 : vector<16xi1>
      tpu.vector_store_idx %arg6[%get3A_457], %get3A_455 masked %and3A_464 : memref<32768xf32, #tpu.memory_space<vmem>>[vector<16xi32>], vector<16xf32>, vector<16xi1>
    }
    %add3A_329 = arith.constant 2 : i32
    %add3A_330 = arith.addi %mul3A_9, %add3A_329 : i32
    %dma_start3A_331 = arith.constant 0 : i32
    %dma_start3A_332 = tpu.memref_slice %arg3[%add3A_330, %dma_start3A_331] : memref<128x32768xf32, #tpu.memory_space<hbm>> -> memref<1x32768xf32, #tpu.memory_space<hbm>>
    %dma_start3A_333 = tpu.memref_squeeze %dma_start3A_332 : memref<1x32768xf32, #tpu.memory_space<hbm>> -> memref<32768xf32, #tpu.memory_space<hbm>>
    %dma_start3A_334 = arith.constant 0 : i32
    %dma_start3A_335 = tpu.memref_slice %arg3[%add3A_330, %dma_start3A_334] : memref<128x32768xf32, #tpu.memory_space<hbm>> -> memref<1x32768xf32, #tpu.memory_space<hbm>>
    %dma_start3A_336 = tpu.memref_squeeze %dma_start3A_335 : memref<1x32768xf32, #tpu.memory_space<hbm>> -> memref<32768xf32, #tpu.memory_space<hbm>>
    tpu.enqueue_dma source(%arg6 : memref<32768xf32, #tpu.memory_space<vmem>>) target(%dma_start3A_336 : memref<32768xf32, #tpu.memory_space<hbm>>) target_semaphore(%arg14 : memref<!tpu.dma_semaphore, #tpu.memory_space<semaphore_mem>>)
    %sub3A_337 = arith.constant 2.500000e-01 : f32
    %sub3A_338 = vector.broadcast %sub3A_337 : f32 to vector<16xf32>
    %sub3A_339 = arith.subf %bitcast_convert_type3A_314, %sub3A_338 : vector<16xf32>
    %add3A_340 = arith.constant 3 : i32
    %add3A_341 = arith.addi %mul3A_9, %add3A_340 : i32
    %dma_wait3A_342 = arith.constant 0 : i32
    %dma_wait3A_343 = tpu.memref_slice %arg2[%add3A_341, %dma_wait3A_342] : memref<128x32768xf32, #tpu.memory_space<hbm>> -> memref<1x32768xf32, #tpu.memory_space<hbm>>
    %dma_wait3A_344 = tpu.memref_squeeze %dma_wait3A_343 : memref<1x32768xf32, #tpu.memory_space<hbm>> -> memref<32768xf32, #tpu.memory_space<hbm>>
    %dma_wait3A_345 = arith.constant 0 : i32
    %dma_wait3A_346 = tpu.memref_slice %arg2[%add3A_341, %dma_wait3A_345] : memref<128x32768xf32, #tpu.memory_space<hbm>> -> memref<1x32768xf32, #tpu.memory_space<hbm>>
    %dma_wait3A_347 = tpu.memref_squeeze %dma_wait3A_346 : memref<1x32768xf32, #tpu.memory_space<hbm>> -> memref<32768xf32, #tpu.memory_space<hbm>>
    tpu.wait_dma2 semaphore(%arg13 : memref<!tpu.dma_semaphore, #tpu.memory_space<semaphore_mem>>) src(%dma_wait3A_347 : memref<32768xf32, #tpu.memory_space<hbm>>) dst(%arg5 : memref<32768xf32, #tpu.memory_space<vmem>>)
    %parallel_loop3A_348 = arith.constant 0 : i32
    %parallel_loop3A_349 = arith.constant 2048 : i32
    %parallel_loop3A_350 = arith.constant 1 : i32
    scf.for %parallel_loop3A_452 = %parallel_loop3A_348 to %parallel_loop3A_349 step %parallel_loop3A_350  : i32 {
      %parallel_loop3A_453 = arith.constant 16 : i32
      %parallel_loop3A_454 = arith.muli %parallel_loop3A_452, %parallel_loop3A_453 : i32
      %parallel_loop3A_455 = arith.index_cast %parallel_loop3A_454 : i32 to index
      %parallel_loop3A_456 = tpu.vector_load %arg5[%parallel_loop3A_455] {strides = array<i32>} : memref<32768xf32, #tpu.memory_space<vmem>>, vector<16xf32>,
      %parallel_loop3A_457 = arith.cmpf oge, %parallel_loop3A_456, %sub3A_339 : vector<16xf32>
      %parallel_loop3A_458 = tpu.all_reduce %parallel_loop3A_457 {dim = 0 : i64, kind = #tpu.reduction_kind<sum>} : vector<16xi1> -> vector<16xi32>
      %parallel_loop3A_459 = vector.broadcast %parallel_loop3A_452 : i32 to vector<16xi32>
      %parallel_loop3A_460 = arith.addi %broadcast_in_dim3A_5, %parallel_loop3A_459 : vector<16xi32>
      tpu.vector_store_idx %arg10[%parallel_loop3A_460], %parallel_loop3A_458 masked %eq3A_2 : memref<2048xi32, #tpu.memory_space<vmem>>[vector<16xi32>], vector<16xi32>, vector<16xi1>
    } {sc.loop_unroll_factor = 4 : i64, sc.parallel_access}
    %parallel_loop3A_351 = arith.constant 0 : i32
    %parallel_loop3A_352 = arith.constant 128 : i32
    %parallel_loop3A_353 = arith.constant 1 : i32
    %parallel_loop3A_354 = scf.for %parallel_loop3A_452 = %parallel_loop3A_351 to %parallel_loop3A_352 step %parallel_loop3A_353 iter_args(%parallel_loop3A_453 = %broadcast_in_dim3A_5) -> (vector<16xi32>)  : i32 {
      %parallel_loop3A_454 = arith.constant 16 : i32
      %parallel_loop3A_455 = arith.muli %parallel_loop3A_452, %parallel_loop3A_454 : i32
      %parallel_loop3A_456 = arith.index_cast %parallel_loop3A_455 : i32 to index
      %parallel_loop3A_457 = tpu.vector_load %arg10[%parallel_loop3A_456] {strides = array<i32>} : memref<2048xi32, #tpu.memory_space<vmem>>, vector<16xi32>,
      %parallel_loop3A_458 = arith.constant 0 : i32
      %parallel_loop3A_459 = vector.broadcast %parallel_loop3A_458 : i32 to vector<16xi32>
      %parallel_loop3A_460 = arith.cmpi sgt, %parallel_loop3A_457, %parallel_loop3A_459 : vector<16xi32>
      %parallel_loop3A_461 = arith.extui %parallel_loop3A_460 : vector<16xi1> to vector<16xi32>
      %parallel_loop3A_462 = arith.constant true
      %parallel_loop3A_463 = vector.broadcast %parallel_loop3A_462 : i1 to vector<16xi1>
      %parallel_loop3A_464 = tpu.scan <sum>, %parallel_loop3A_461 masked %parallel_loop3A_463 : vector<16xi32>, vector<16xi1> -> vector<16xi32>
      %parallel_loop3A_465 = arith.addi %parallel_loop3A_453, %parallel_loop3A_464 : vector<16xi32>
      %parallel_loop3A_466 = arith.constant 1 : i32
      %parallel_loop3A_467 = vector.broadcast %parallel_loop3A_466 : i32 to vector<16xi32>
      %parallel_loop3A_468 = arith.subi %parallel_loop3A_465, %parallel_loop3A_467 : vector<16xi32>
      %parallel_loop3A_469 = arith.constant 16 : i32
      %parallel_loop3A_470 = arith.muli %parallel_loop3A_452, %parallel_loop3A_469 : i32
      %parallel_loop3A_471 = vector.broadcast %parallel_loop3A_470 : i32 to vector<16xi32>
      %parallel_loop3A_472 = arith.addi %parallel_loop3A_471, %iota3A : vector<16xi32>
      tpu.vector_store_idx %arg11[%parallel_loop3A_468], %parallel_loop3A_472 masked %parallel_loop3A_460 : memref<2064xi32, #tpu.memory_space<vmem>>[vector<16xi32>], vector<16xi32>, vector<16xi1>
      %parallel_loop3A_473 = tpu.all_reduce %parallel_loop3A_460 {dim = 0 : i64, kind = #tpu.reduction_kind<sum>} : vector<16xi1> -> vector<16xi32>
      %parallel_loop3A_474 = arith.addi %parallel_loop3A_453, %parallel_loop3A_473 : vector<16xi32>
      scf.yield %parallel_loop3A_474 : vector<16xi32>
    } {sc.loop_unroll_factor = 2 : i64, sc.parallel_access}
    %reduce_max3A_355 = arith.constant true
    %reduce_max3A_356 = vector.broadcast %reduce_max3A_355 : i1 to vector<16xi1>
    %reduce_max3A_357 = arith.constant -2147483648 : i32
    %reduce_max3A_358 = vector.broadcast %reduce_max3A_357 : i32 to vector<16xi32>
    %reduce_max3A_359 = arith.xori %parallel_loop3A_354, %reduce_max3A_358 : vector<16xi32>
    %reduce_max3A_360 = tpu.scan <max>, %reduce_max3A_359 masked %reduce_max3A_356 : vector<16xi32>, vector<16xi1> -> vector<16xi32>
    %reduce_max3A_361 = arith.xori %reduce_max3A_360, %reduce_max3A_358 : vector<16xi32>
    %reduce_max3A_362 = vector.extract %reduce_max3A_361[15] : i32 from vector<16xi32>
    %add3A_363 = arith.constant 3 : i32
    %add3A_364 = arith.addi %mul3A_9, %add3A_363 : i32
    %sub3A_365 = arith.constant 1 : i32
    %sub3A_366 = arith.subi %add3A_364, %sub3A_365 : i32
    %dma_wait3A_367 = arith.constant 0 : i32
    %dma_wait3A_368 = tpu.memref_slice %arg3[%sub3A_366, %dma_wait3A_367] : memref<128x32768xf32, #tpu.memory_space<hbm>> -> memref<1x32768xf32, #tpu.memory_space<hbm>>
    %dma_wait3A_369 = tpu.memref_squeeze %dma_wait3A_368 : memref<1x32768xf32, #tpu.memory_space<hbm>> -> memref<32768xf32, #tpu.memory_space<hbm>>
    %dma_wait3A_370 = arith.constant 0 : i32
    %dma_wait3A_371 = tpu.memref_slice %arg3[%sub3A_366, %dma_wait3A_370] : memref<128x32768xf32, #tpu.memory_space<hbm>> -> memref<1x32768xf32, #tpu.memory_space<hbm>>
    %dma_wait3A_372 = tpu.memref_squeeze %dma_wait3A_371 : memref<1x32768xf32, #tpu.memory_space<hbm>> -> memref<32768xf32, #tpu.memory_space<hbm>>
    tpu.wait_dma2 semaphore(%arg14 : memref<!tpu.dma_semaphore, #tpu.memory_space<semaphore_mem>>) src(%arg6 : memref<32768xf32, #tpu.memory_space<vmem>>) dst(%dma_wait3A_372 : memref<32768xf32, #tpu.memory_space<hbm>>)
    %add3A_373 = arith.constant 15 : i32
    %add3A_374 = arith.addi %cond3A_304#1, %add3A_373 : i32
    %div3A_375 = arith.constant 16 : i32
    %div3A_376 = arith.divsi %add3A_374, %div3A_375 : i32
    %while3A_377 = arith.constant 0 : i32
    %while3A_378 = arith.constant 0 : i32
    %while3A_379 = arith.subi %div3A_376, %while3A_378 : i32
    %while3A_380 = arith.addi %while3A_378, %while3A_379 : i32
    %while3A_381 = arith.constant 1 : i32
    %while3A_382 = arith.divsi %while3A_379, %while3A_381 : i32
    %while3A_383 = arith.muli %while3A_382, %while3A_381 : i32
    %while3A_384 = arith.addi %while3A_378, %while3A_383 : i32
    %while3A_385 = arith.constant 1 : i32
    scf.for %while3A_452 = %while3A_378 to %while3A_384 step %while3A_385  : i32 {
      %mul3A_453 = arith.constant 16 : i32
      %mul3A_454 = arith.muli %while3A_452, %mul3A_453 : i32
      %get3A = arith.index_cast %mul3A_454 : i32 to index
      %get3A_455 = tpu.vector_load %arg9[%get3A] {strides = array<i32>} : memref<4096xi32, #tpu.memory_space<vmem>>, vector<16xi32>,
      %mul3A_456 = arith.constant 16 : i32
      %mul3A_457 = arith.muli %while3A_452, %mul3A_456 : i32
      %add3A_458 = vector.broadcast %mul3A_457 : i32 to vector<16xi32>
      %add3A_459 = arith.addi %add3A_458, %iota3A : vector<16xi32>
      %lt3A = vector.broadcast %cond3A_304#1 : i32 to vector<16xi32>
      %lt3A_460 = arith.cmpi slt, %add3A_459, %lt3A : vector<16xi32>
      tpu.vector_store_idx %arg6[%get3A_455], %broadcast_in_dim3A_7 masked %lt3A_460 : memref<32768xf32, #tpu.memory_space<vmem>>[vector<16xi32>], vector<16xf32>, vector<16xi1>
    }
    %while3A_386 = arith.constant 1 : i32
    scf.for %while3A_452 = %while3A_384 to %while3A_380 step %while3A_386  : i32 {
      %mul3A_453 = arith.constant 16 : i32
      %mul3A_454 = arith.muli %while3A_452, %mul3A_453 : i32
      %get3A = arith.index_cast %mul3A_454 : i32 to index
      %get3A_455 = tpu.vector_load %arg9[%get3A] {strides = array<i32>} : memref<4096xi32, #tpu.memory_space<vmem>>, vector<16xi32>,
      %mul3A_456 = arith.constant 16 : i32
      %mul3A_457 = arith.muli %while3A_452, %mul3A_456 : i32
      %add3A_458 = vector.broadcast %mul3A_457 : i32 to vector<16xi32>
      %add3A_459 = arith.addi %add3A_458, %iota3A : vector<16xi32>
      %lt3A = vector.broadcast %cond3A_304#1 : i32 to vector<16xi32>
      %lt3A_460 = arith.cmpi slt, %add3A_459, %lt3A : vector<16xi32>
      tpu.vector_store_idx %arg6[%get3A_455], %broadcast_in_dim3A_7 masked %lt3A_460 : memref<32768xf32, #tpu.memory_space<vmem>>[vector<16xi32>], vector<16xf32>, vector<16xi1>
    }
    %parallel_loop3A_387 = arith.constant 0 : i32
    %parallel_loop3A_388 = arith.constant 1 : i32
    %parallel_loop3A_389 = scf.for %parallel_loop3A_452 = %parallel_loop3A_387 to %reduce_max3A_362 step %parallel_loop3A_388 iter_args(%parallel_loop3A_453 = %broadcast_in_dim3A_5) -> (vector<16xi32>)  : i32 {
      %parallel_loop3A_454 = arith.index_cast %parallel_loop3A_452 : i32 to index
      %parallel_loop3A_455 = tpu.vector_load %arg11[%parallel_loop3A_454] {strides = array<i32>} : memref<2064xi32, #tpu.memory_space<vmem>>, vector<16xi32>,
      %parallel_loop3A_456 = vector.extract_strided_slice %parallel_loop3A_455 {offsets = [0], sizes = [1], strides = [1]} : vector<16xi32> to vector<1xi32>
      %parallel_loop3A_457 = vector.extract %parallel_loop3A_456[0] : i32 from vector<1xi32>
      %parallel_loop3A_458 = arith.constant 16 : i32
      %parallel_loop3A_459 = arith.muli %parallel_loop3A_457, %parallel_loop3A_458 : i32
      %parallel_loop3A_460 = arith.index_cast %parallel_loop3A_459 : i32 to index
      %parallel_loop3A_461 = tpu.vector_load %arg5[%parallel_loop3A_460] {strides = array<i32>} : memref<32768xf32, #tpu.memory_space<vmem>>, vector<16xf32>,
      %parallel_loop3A_462 = arith.cmpf oge, %parallel_loop3A_461, %sub3A_339 : vector<16xf32>
      %parallel_loop3A_463 = arith.constant 4064 : i32
      %parallel_loop3A_464 = vector.broadcast %parallel_loop3A_463 : i32 to vector<16xi32>
      %parallel_loop3A_465 = arith.cmpi sle, %parallel_loop3A_453, %parallel_loop3A_464 : vector<16xi32>
      %parallel_loop3A_466 = arith.andi %parallel_loop3A_462, %parallel_loop3A_465 : vector<16xi1>
      %parallel_loop3A_467 = arith.extui %parallel_loop3A_466 : vector<16xi1> to vector<16xi32>
      %parallel_loop3A_468 = arith.constant true
      %parallel_loop3A_469 = vector.broadcast %parallel_loop3A_468 : i1 to vector<16xi1>
      %parallel_loop3A_470 = tpu.scan <sum>, %parallel_loop3A_467 masked %parallel_loop3A_469 : vector<16xi32>, vector<16xi1> -> vector<16xi32>
      %parallel_loop3A_471 = arith.addi %parallel_loop3A_453, %parallel_loop3A_470 : vector<16xi32>
      %parallel_loop3A_472 = arith.constant 1 : i32
      %parallel_loop3A_473 = vector.broadcast %parallel_loop3A_472 : i32 to vector<16xi32>
      %parallel_loop3A_474 = arith.subi %parallel_loop3A_471, %parallel_loop3A_473 : vector<16xi32>
      tpu.vector_store_idx %arg8[%parallel_loop3A_474], %parallel_loop3A_461 masked %parallel_loop3A_466 : memref<4096xf32, #tpu.memory_space<vmem>>[vector<16xi32>], vector<16xf32>, vector<16xi1>
      %parallel_loop3A_475 = arith.constant 16 : i32
      %parallel_loop3A_476 = arith.muli %parallel_loop3A_457, %parallel_loop3A_475 : i32
      %parallel_loop3A_477 = vector.broadcast %parallel_loop3A_476 : i32 to vector<16xi32>
      %parallel_loop3A_478 = arith.addi %parallel_loop3A_477, %iota3A : vector<16xi32>
      tpu.vector_store_idx %arg9[%parallel_loop3A_474], %parallel_loop3A_478 masked %parallel_loop3A_466 : memref<4096xi32, #tpu.memory_space<vmem>>[vector<16xi32>], vector<16xi32>, vector<16xi1>
      %parallel_loop3A_479 = tpu.all_reduce %parallel_loop3A_466 {dim = 0 : i64, kind = #tpu.reduction_kind<sum>} : vector<16xi1> -> vector<16xi32>
      %parallel_loop3A_480 = arith.addi %parallel_loop3A_453, %parallel_loop3A_479 : vector<16xi32>
      scf.yield %parallel_loop3A_480 : vector<16xi32>
    } {sc.loop_unroll_factor = 1 : i64, sc.parallel_access}
    %reduce_max3A_390 = arith.constant true
    %reduce_max3A_391 = vector.broadcast %reduce_max3A_390 : i1 to vector<16xi1>
    %reduce_max3A_392 = arith.constant -2147483648 : i32
    %reduce_max3A_393 = vector.broadcast %reduce_max3A_392 : i32 to vector<16xi32>
    %reduce_max3A_394 = arith.xori %parallel_loop3A_389, %reduce_max3A_393 : vector<16xi32>
    %reduce_max3A_395 = tpu.scan <max>, %reduce_max3A_394 masked %reduce_max3A_391 : vector<16xi32>, vector<16xi1> -> vector<16xi32>
    %reduce_max3A_396 = arith.xori %reduce_max3A_395, %reduce_max3A_393 : vector<16xi32>
    %reduce_max3A_397 = vector.extract %reduce_max3A_396[15] : i32 from vector<16xi32>
    %ge3A_398 = arith.constant 64 : i32
    %ge3A_399 = arith.cmpi sge, %reduce_max3A_397, %ge3A_398 : i32
    %le3A_400 = arith.constant 4064 : i32
    %le3A_401 = arith.cmpi sle, %reduce_max3A_397, %le3A_400 : i32
    %and3A_402 = arith.andi %ge3A_399, %le3A_401 : i1
    %convert_element_type3A_403 = arith.extui %and3A_402 : i1 to i32
    %cond3A_404 = arith.constant 0 : i32
    %cond3A_405 = arith.cmpi ne, %convert_element_type3A_403, %cond3A_404 : i32
    %cond3A_406:2 = scf.if %cond3A_405 -> (i32, i32) {
      %add3A_452 = arith.constant 15 : i32
      %add3A_453 = arith.addi %reduce_max3A_397, %add3A_452 : i32
      %div3A_454 = arith.constant 16 : i32
      %div3A_455 = arith.divsi %add3A_453, %div3A_454 : i32
      %parallel_loop3A_456 = arith.constant 0 : i32
      %parallel_loop3A_457 = arith.constant 1 : i32
      %parallel_loop3A_458 = arith.constant 0 : i32
      %parallel_loop3A_459 = scf.for %parallel_loop3A_476 = %parallel_loop3A_456 to %div3A_455 step %parallel_loop3A_457 iter_args(%parallel_loop3A_477 = %broadcast_in_dim3A_5) -> (vector<16xi32>)  : i32 {
        %parallel_loop3A_478 = arith.constant 16 : i32
        %parallel_loop3A_479 = arith.muli %parallel_loop3A_476, %parallel_loop3A_478 : i32
        %parallel_loop3A_480 = arith.index_cast %parallel_loop3A_479 : i32 to index
        %parallel_loop3A_481 = tpu.vector_load %arg8[%parallel_loop3A_480] {strides = array<i32>} : memref<4096xf32, #tpu.memory_space<vmem>>, vector<16xf32>,
        %parallel_loop3A_482 = tpu.bitcast %parallel_loop3A_481 : vector<16xf32> -> vector<16xi32>
        %parallel_loop3A_483 = arith.constant 31 : i32
        %parallel_loop3A_484 = vector.broadcast %parallel_loop3A_483 : i32 to vector<16xi32>
        %parallel_loop3A_485 = arith.shrsi %parallel_loop3A_482, %parallel_loop3A_484 : vector<16xi32>
        %parallel_loop3A_486 = arith.constant 2147483647 : i32
        %parallel_loop3A_487 = vector.broadcast %parallel_loop3A_486 : i32 to vector<16xi32>
        %parallel_loop3A_488 = arith.andi %parallel_loop3A_485, %parallel_loop3A_487 : vector<16xi32>
        %parallel_loop3A_489 = arith.xori %parallel_loop3A_482, %parallel_loop3A_488 : vector<16xi32>
        %parallel_loop3A_490 = vector.broadcast %parallel_loop3A_458 : i32 to vector<16xi32>
        %parallel_loop3A_491 = arith.cmpi sge, %parallel_loop3A_489, %parallel_loop3A_490 : vector<16xi32>
        %parallel_loop3A_492 = arith.constant 16 : i32
        %parallel_loop3A_493 = arith.muli %parallel_loop3A_476, %parallel_loop3A_492 : i32
        %parallel_loop3A_494 = vector.broadcast %parallel_loop3A_493 : i32 to vector<16xi32>
        %parallel_loop3A_495 = arith.addi %parallel_loop3A_494, %iota3A : vector<16xi32>
        %parallel_loop3A_496 = vector.broadcast %reduce_max3A_397 : i32 to vector<16xi32>
        %parallel_loop3A_497 = arith.cmpi slt, %parallel_loop3A_495, %parallel_loop3A_496 : vector<16xi32>
        %parallel_loop3A_498 = arith.andi %parallel_loop3A_491, %parallel_loop3A_497 : vector<16xi1>
        %parallel_loop3A_499 = arith.extui %parallel_loop3A_498 : vector<16xi1> to vector<16xi32>
        %parallel_loop3A_500 = arith.addi %parallel_loop3A_477, %parallel_loop3A_499 : vector<16xi32>
        scf.yield %parallel_loop3A_500 : vector<16xi32>
      } {sc.loop_unroll_factor = 1 : i64, sc.parallel_access}
      %reduce_sum3A = arith.constant true
      %reduce_sum3A_460 = vector.broadcast %reduce_sum3A : i1 to vector<16xi1>
      %reduce_sum3A_461 = tpu.scan <sum>, %parallel_loop3A_459 masked %reduce_sum3A_460 : vector<16xi32>, vector<16xi1> -> vector<16xi32>
      %reduce_sum3A_462 = vector.extract %reduce_sum3A_461[15] : i32 from vector<16xi32>
      %ge3A_463 = arith.constant 64 : i32
      %ge3A_464 = arith.cmpi sge, %reduce_sum3A_462, %ge3A_463 : i32
      %jit3A = arith.constant 0 : i32
      %jit3A_465 = arith.constant -2147483648 : i32
      %select_n3A = arith.select %ge3A_464, %jit3A, %jit3A_465 : i32
      %add3A_466 = arith.constant 15 : i32
      %add3A_467 = arith.addi %reduce_max3A_397, %add3A_466 : i32
      %div3A_468 = arith.constant 16 : i32
      %div3A_469 = arith.divsi %add3A_467, %div3A_468 : i32
      %scan3A_470 = arith.constant 0 : i32
      %scan3A_471 = arith.constant 31 : i32
      %scan3A_472 = arith.addi %scan3A_470, %scan3A_471 : i32
      %scan3A_473 = arith.constant 1 : i32
      %scan3A_474 = scf.for %scan3A_476 = %scan3A_470 to %scan3A_472 step %scan3A_473 iter_args(%scan3A_477 = %select_n3A) -> (i32)  : i32 {
        %sub3A_478 = arith.constant 30 : i32
        %sub3A_479 = arith.subi %sub3A_478, %scan3A_476 : i32
        %shift_left3A_480 = arith.constant 1 : i32
        %shift_left3A_481 = arith.shli %shift_left3A_480, %sub3A_479 : i32
        %add3A_482 = arith.addi %scan3A_477, %shift_left3A_481 : i32
        %parallel_loop3A_483 = arith.constant 0 : i32
        %parallel_loop3A_484 = arith.constant 1 : i32
        %parallel_loop3A_485 = scf.for %parallel_loop3A_493 = %parallel_loop3A_483 to %div3A_469 step %parallel_loop3A_484 iter_args(%parallel_loop3A_494 = %broadcast_in_dim3A_5) -> (vector<16xi32>)  : i32 {
          %parallel_loop3A_495 = arith.constant 16 : i32
          %parallel_loop3A_496 = arith.muli %parallel_loop3A_493, %parallel_loop3A_495 : i32
          %parallel_loop3A_497 = arith.index_cast %parallel_loop3A_496 : i32 to index
          %parallel_loop3A_498 = tpu.vector_load %arg8[%parallel_loop3A_497] {strides = array<i32>} : memref<4096xf32, #tpu.memory_space<vmem>>, vector<16xf32>,
          %parallel_loop3A_499 = tpu.bitcast %parallel_loop3A_498 : vector<16xf32> -> vector<16xi32>
          %parallel_loop3A_500 = arith.constant 31 : i32
          %parallel_loop3A_501 = vector.broadcast %parallel_loop3A_500 : i32 to vector<16xi32>
          %parallel_loop3A_502 = arith.shrsi %parallel_loop3A_499, %parallel_loop3A_501 : vector<16xi32>
          %parallel_loop3A_503 = arith.constant 2147483647 : i32
          %parallel_loop3A_504 = vector.broadcast %parallel_loop3A_503 : i32 to vector<16xi32>
          %parallel_loop3A_505 = arith.andi %parallel_loop3A_502, %parallel_loop3A_504 : vector<16xi32>
          %parallel_loop3A_506 = arith.xori %parallel_loop3A_499, %parallel_loop3A_505 : vector<16xi32>
          %parallel_loop3A_507 = vector.broadcast %add3A_482 : i32 to vector<16xi32>
          %parallel_loop3A_508 = arith.cmpi sge, %parallel_loop3A_506, %parallel_loop3A_507 : vector<16xi32>
          %parallel_loop3A_509 = arith.constant 16 : i32
          %parallel_loop3A_510 = arith.muli %parallel_loop3A_493, %parallel_loop3A_509 : i32
          %parallel_loop3A_511 = vector.broadcast %parallel_loop3A_510 : i32 to vector<16xi32>
          %parallel_loop3A_512 = arith.addi %parallel_loop3A_511, %iota3A : vector<16xi32>
          %parallel_loop3A_513 = vector.broadcast %reduce_max3A_397 : i32 to vector<16xi32>
          %parallel_loop3A_514 = arith.cmpi slt, %parallel_loop3A_512, %parallel_loop3A_513 : vector<16xi32>
          %parallel_loop3A_515 = arith.andi %parallel_loop3A_508, %parallel_loop3A_514 : vector<16xi1>
          %parallel_loop3A_516 = arith.extui %parallel_loop3A_515 : vector<16xi1> to vector<16xi32>
          %parallel_loop3A_517 = arith.addi %parallel_loop3A_494, %parallel_loop3A_516 : vector<16xi32>
          scf.yield %parallel_loop3A_517 : vector<16xi32>
        } {sc.loop_unroll_factor = 1 : i64, sc.parallel_access}
        %reduce_sum3A_486 = arith.constant true
        %reduce_sum3A_487 = vector.broadcast %reduce_sum3A_486 : i1 to vector<16xi1>
        %reduce_sum3A_488 = tpu.scan <sum>, %parallel_loop3A_485 masked %reduce_sum3A_487 : vector<16xi32>, vector<16xi1> -> vector<16xi32>
        %reduce_sum3A_489 = vector.extract %reduce_sum3A_488[15] : i32 from vector<16xi32>
        %ge3A_490 = arith.constant 64 : i32
        %ge3A_491 = arith.cmpi sge, %reduce_sum3A_489, %ge3A_490 : i32
        %select_n3A_492 = arith.select %ge3A_491, %add3A_482, %scan3A_477 : i32
        scf.yield %select_n3A_492 : i32
      }
      %scan3A_475 = arith.constant 31 : i32
      scf.yield %scan3A_474, %reduce_max3A_397 : i32, i32
    } else {
      %parallel_loop3A_452 = arith.constant 0 : i32
      %parallel_loop3A_453 = arith.constant 256 : i32
      %parallel_loop3A_454 = arith.constant 1 : i32
      scf.for %parallel_loop3A_513 = %parallel_loop3A_452 to %parallel_loop3A_453 step %parallel_loop3A_454  : i32 {
        %parallel_loop3A_514 = arith.constant 16 : i32
        %parallel_loop3A_515 = arith.muli %parallel_loop3A_513, %parallel_loop3A_514 : i32
        %parallel_loop3A_516 = arith.index_cast %parallel_loop3A_515 : i32 to index
        %parallel_loop3A_517 = tpu.vector_load %arg7[%parallel_loop3A_516] {strides = array<i32>} : memref<4096xi32, #tpu.memory_space<vmem>>, vector<16xi32>,
        tpu.vector_store %arg7[%parallel_loop3A_516], %broadcast_in_dim3A_5 {strides = array<i32>} : memref<4096xi32, #tpu.memory_space<vmem>>, vector<16xi32>,
      } {sc.loop_unroll_factor = 4 : i64, sc.parallel_access}
      %parallel_loop3A_455 = arith.constant 0 : i32
      %parallel_loop3A_456 = arith.constant 2048 : i32
      %parallel_loop3A_457 = arith.constant 1 : i32
      scf.for %parallel_loop3A_513 = %parallel_loop3A_455 to %parallel_loop3A_456 step %parallel_loop3A_457  : i32 {
        %parallel_loop3A_514 = arith.constant 16 : i32
        %parallel_loop3A_515 = arith.muli %parallel_loop3A_513, %parallel_loop3A_514 : i32
        %parallel_loop3A_516 = arith.index_cast %parallel_loop3A_515 : i32 to index
        %parallel_loop3A_517 = tpu.vector_load %arg5[%parallel_loop3A_516] {strides = array<i32>} : memref<32768xf32, #tpu.memory_space<vmem>>, vector<16xf32>,
        %parallel_loop3A_518 = tpu.bitcast %parallel_loop3A_517 : vector<16xf32> -> vector<16xi32>
        %parallel_loop3A_519 = arith.constant 31 : i32
        %parallel_loop3A_520 = vector.broadcast %parallel_loop3A_519 : i32 to vector<16xi32>
        %parallel_loop3A_521 = arith.shrsi %parallel_loop3A_518, %parallel_loop3A_520 : vector<16xi32>
        %parallel_loop3A_522 = arith.constant 2147483647 : i32
        %parallel_loop3A_523 = vector.broadcast %parallel_loop3A_522 : i32 to vector<16xi32>
        %parallel_loop3A_524 = arith.andi %parallel_loop3A_521, %parallel_loop3A_523 : vector<16xi32>
        %parallel_loop3A_525 = arith.xori %parallel_loop3A_518, %parallel_loop3A_524 : vector<16xi32>
        %parallel_loop3A_526 = arith.constant 20 : i32
        %parallel_loop3A_527 = vector.broadcast %parallel_loop3A_526 : i32 to vector<16xi32>
        %parallel_loop3A_528 = arith.shrsi %parallel_loop3A_525, %parallel_loop3A_527 : vector<16xi32>
        %parallel_loop3A_529 = arith.constant 2048 : i32
        %parallel_loop3A_530 = vector.broadcast %parallel_loop3A_529 : i32 to vector<16xi32>
        %parallel_loop3A_531 = arith.addi %parallel_loop3A_528, %parallel_loop3A_530 : vector<16xi32>
        tpu.vector_store_idx %arg7[%parallel_loop3A_531], %broadcast_in_dim3A_3 {add = true} : memref<4096xi32, #tpu.memory_space<vmem>>[vector<16xi32>], vector<16xi32>,
      } {sc.loop_unroll_factor = 4 : i64, sc.parallel_access}
      %while3A_458 = arith.constant 0 : i32
      %while3A_459 = arith.constant 0 : i32
      %while3A_460 = arith.constant 0 : i32
      %while3A_461 = arith.constant 0 : i32
      %while3A_462:4 = scf.while (%while3A_513 = %while3A_458, %while3A_514 = %while3A_459, %while3A_515 = %while3A_460, %while3A_516 = %while3A_461) : (i32, i32, i32, i32) -> (i32, i32, i32, i32) {
        %eq3A_517 = arith.constant 0 : i32
        %eq3A_518 = arith.cmpi eq, %while3A_516, %eq3A_517 : i32
        %lt3A = arith.constant 256 : i32
        %lt3A_519 = arith.cmpi slt, %while3A_513, %lt3A : i32
        %and3A_520 = arith.andi %eq3A_518, %lt3A_519 : i1
        scf.condition(%and3A_520) %while3A_513, %while3A_514, %while3A_515, %while3A_516 : i32, i32, i32, i32
      } do {
      ^bb0(%while3A_513: i32, %while3A_514: i32, %while3A_515: i32, %while3A_516: i32):
        %add3A_517 = arith.constant 1 : i32
        %add3A_518 = arith.addi %while3A_513, %add3A_517 : i32
        %mul3A_519 = arith.constant 16 : i32
        %mul3A_520 = arith.muli %add3A_518, %mul3A_519 : i32
        %sub3A_521 = arith.constant 4096 : i32
        %sub3A_522 = arith.subi %sub3A_521, %mul3A_520 : i32
        %get3A = arith.index_cast %sub3A_522 : i32 to index
        %get3A_523 = tpu.vector_load %arg7[%get3A] {strides = array<i32>} : memref<4096xi32, #tpu.memory_space<vmem>>, vector<16xi32>,
        %rev3A = arith.constant 15 : i32
        %rev3A_524 = vector.broadcast %rev3A : i32 to vector<16xi32>
        %rev3A_525 = tpu.iota {dimensions = array<i32: 0>} : vector<16xi32>
        %rev3A_526 = arith.subi %rev3A_524, %rev3A_525 : vector<16xi32>
        %rev3A_527 = tpu.dynamic_gather %get3A_523[%rev3A_526] in [0] : vector<16xi32>, vector<16xi32> -> vector<16xi32>
        %broadcast_in_dim3A_528 = arith.constant true
        %broadcast_in_dim3A_529 = vector.broadcast %broadcast_in_dim3A_528 : i1 to vector<16xi1>
        %masked_cumsum3A = tpu.scan <sum>, %rev3A_527 masked %broadcast_in_dim3A_529 : vector<16xi32>, vector<16xi1> -> vector<16xi32>
        %add3A_530 = vector.broadcast %while3A_514 : i32 to vector<16xi32>
        %add3A_531 = arith.addi %add3A_530, %masked_cumsum3A : vector<16xi32>
        %ge3A_532 = arith.constant 64 : i32
        %ge3A_533 = vector.broadcast %ge3A_532 : i32 to vector<16xi32>
        %ge3A_534 = arith.cmpi sge, %add3A_531, %ge3A_533 : vector<16xi32>
        %reduce_or3A = arith.constant 1.000000e+00 : f32
        %reduce_or3A_535 = arith.constant 0.000000e+00 : f32
        %reduce_or3A_536 = vector.broadcast %reduce_or3A : f32 to vector<16xf32>
        %reduce_or3A_537 = vector.broadcast %reduce_or3A_535 : f32 to vector<16xf32>
        %reduce_or3A_538 = arith.select %ge3A_534, %reduce_or3A_536, %reduce_or3A_537 : vector<16xi1>, vector<16xf32>
        %reduce_or3A_539 = arith.constant true
        %reduce_or3A_540 = vector.broadcast %reduce_or3A_539 : i1 to vector<16xi1>
        %reduce_or3A_541 = tpu.scan <max>, %reduce_or3A_538 masked %reduce_or3A_540 : vector<16xf32>, vector<16xi1> -> vector<16xf32>
        %reduce_or3A_542 = vector.extract %reduce_or3A_541[15] : f32 from vector<16xf32>
        %reduce_or3A_543 = arith.constant 0.000000e+00 : f32
        %reduce_or3A_544 = arith.cmpf ogt, %reduce_or3A_542, %reduce_or3A_543 : f32
        %convert_element_type3A_545 = arith.extui %ge3A_534 : vector<16xi1> to vector<16xi32>
        %reduce_sum3A = arith.constant true
        %reduce_sum3A_546 = vector.broadcast %reduce_sum3A : i1 to vector<16xi1>
        %reduce_sum3A_547 = tpu.scan <sum>, %convert_element_type3A_545 masked %reduce_sum3A_546 : vector<16xi32>, vector<16xi1> -> vector<16xi32>
        %reduce_sum3A_548 = vector.extract %reduce_sum3A_547[15] : i32 from vector<16xi32>
        %sub3A_549 = arith.constant 16 : i32
        %sub3A_550 = arith.subi %sub3A_549, %reduce_sum3A_548 : i32
        %add3A_551 = arith.constant 15 : i32
        %add3A_552 = arith.addi %sub3A_522, %add3A_551 : i32
        %sub3A_553 = arith.subi %add3A_552, %sub3A_550 : i32
        %select_n3A = arith.select %reduce_or3A_544, %sub3A_553, %while3A_515 : i32
        %jit3A = arith.constant 1 : i32
        %select_n3A_554 = arith.select %reduce_or3A_544, %jit3A, %while3A_516 : i32
        %add3A_555 = arith.constant 1 : i32
        %add3A_556 = arith.addi %while3A_513, %add3A_555 : i32
        %reduce_sum3A_557 = arith.constant true
        %reduce_sum3A_558 = vector.broadcast %reduce_sum3A_557 : i1 to vector<16xi1>
        %reduce_sum3A_559 = tpu.scan <sum>, %get3A_523 masked %reduce_sum3A_558 : vector<16xi32>, vector<16xi1> -> vector<16xi32>
        %reduce_sum3A_560 = vector.extract %reduce_sum3A_559[15] : i32 from vector<16xi32>
        %add3A_561 = arith.addi %while3A_514, %reduce_sum3A_560 : i32
        scf.yield %add3A_556, %add3A_561, %select_n3A, %select_n3A_554 : i32, i32, i32, i32
      }
      %sub3A_463 = arith.constant 2048 : i32
      %sub3A_464 = arith.subi %while3A_462#2, %sub3A_463 : i32
      %shift_left3A_465 = arith.constant 20 : i32
      %shift_left3A_466 = arith.shli %sub3A_464, %shift_left3A_465 : i32
      %add3A_467 = vector.broadcast %shift_left3A_466 : i32 to vector<16xi32>
      %add3A_468 = arith.addi %broadcast_in_dim3A_5, %add3A_467 : vector<16xi32>
      %shift_right_arithmetic3A_469 = arith.constant 31 : i32
      %shift_right_arithmetic3A_470 = vector.broadcast %shift_right_arithmetic3A_469 : i32 to vector<16xi32>
      %shift_right_arithmetic3A_471 = arith.shrsi %add3A_468, %shift_right_arithmetic3A_470 : vector<16xi32>
      %and3A_472 = arith.constant 2147483647 : i32
      %and3A_473 = vector.broadcast %and3A_472 : i32 to vector<16xi32>
      %and3A_474 = arith.andi %shift_right_arithmetic3A_471, %and3A_473 : vector<16xi32>
      %xor3A_475 = arith.xori %add3A_468, %and3A_474 : vector<16xi32>
      %bitcast_convert_type3A_476 = tpu.bitcast %xor3A_475 : vector<16xi32> -> vector<16xf32>
      %parallel_loop3A_477 = arith.constant 0 : i32
      %parallel_loop3A_478 = arith.constant 2048 : i32
      %parallel_loop3A_479 = arith.constant 1 : i32
      scf.for %parallel_loop3A_513 = %parallel_loop3A_477 to %parallel_loop3A_478 step %parallel_loop3A_479  : i32 {
        %parallel_loop3A_514 = arith.constant 16 : i32
        %parallel_loop3A_515 = arith.muli %parallel_loop3A_513, %parallel_loop3A_514 : i32
        %parallel_loop3A_516 = arith.index_cast %parallel_loop3A_515 : i32 to index
        %parallel_loop3A_517 = tpu.vector_load %arg5[%parallel_loop3A_516] {strides = array<i32>} : memref<32768xf32, #tpu.memory_space<vmem>>, vector<16xf32>,
        %parallel_loop3A_518 = arith.cmpf oge, %parallel_loop3A_517, %bitcast_convert_type3A_476 : vector<16xf32>
        %parallel_loop3A_519 = tpu.all_reduce %parallel_loop3A_518 {dim = 0 : i64, kind = #tpu.reduction_kind<sum>} : vector<16xi1> -> vector<16xi32>
        %parallel_loop3A_520 = vector.broadcast %parallel_loop3A_513 : i32 to vector<16xi32>
        %parallel_loop3A_521 = arith.addi %broadcast_in_dim3A_5, %parallel_loop3A_520 : vector<16xi32>
        tpu.vector_store_idx %arg10[%parallel_loop3A_521], %parallel_loop3A_519 masked %eq3A_2 : memref<2048xi32, #tpu.memory_space<vmem>>[vector<16xi32>], vector<16xi32>, vector<16xi1>
      } {sc.loop_unroll_factor = 4 : i64, sc.parallel_access}
      %parallel_loop3A_480 = arith.constant 0 : i32
      %parallel_loop3A_481 = arith.constant 128 : i32
      %parallel_loop3A_482 = arith.constant 1 : i32
      %parallel_loop3A_483 = scf.for %parallel_loop3A_513 = %parallel_loop3A_480 to %parallel_loop3A_481 step %parallel_loop3A_482 iter_args(%parallel_loop3A_514 = %broadcast_in_dim3A_5) -> (vector<16xi32>)  : i32 {
        %parallel_loop3A_515 = arith.constant 16 : i32
        %parallel_loop3A_516 = arith.muli %parallel_loop3A_513, %parallel_loop3A_515 : i32
        %parallel_loop3A_517 = arith.index_cast %parallel_loop3A_516 : i32 to index
        %parallel_loop3A_518 = tpu.vector_load %arg10[%parallel_loop3A_517] {strides = array<i32>} : memref<2048xi32, #tpu.memory_space<vmem>>, vector<16xi32>,
        %parallel_loop3A_519 = arith.constant 0 : i32
        %parallel_loop3A_520 = vector.broadcast %parallel_loop3A_519 : i32 to vector<16xi32>
        %parallel_loop3A_521 = arith.cmpi sgt, %parallel_loop3A_518, %parallel_loop3A_520 : vector<16xi32>
        %parallel_loop3A_522 = arith.extui %parallel_loop3A_521 : vector<16xi1> to vector<16xi32>
        %parallel_loop3A_523 = arith.constant true
        %parallel_loop3A_524 = vector.broadcast %parallel_loop3A_523 : i1 to vector<16xi1>
        %parallel_loop3A_525 = tpu.scan <sum>, %parallel_loop3A_522 masked %parallel_loop3A_524 : vector<16xi32>, vector<16xi1> -> vector<16xi32>
        %parallel_loop3A_526 = arith.addi %parallel_loop3A_514, %parallel_loop3A_525 : vector<16xi32>
        %parallel_loop3A_527 = arith.constant 1 : i32
        %parallel_loop3A_528 = vector.broadcast %parallel_loop3A_527 : i32 to vector<16xi32>
        %parallel_loop3A_529 = arith.subi %parallel_loop3A_526, %parallel_loop3A_528 : vector<16xi32>
        %parallel_loop3A_530 = arith.constant 16 : i32
        %parallel_loop3A_531 = arith.muli %parallel_loop3A_513, %parallel_loop3A_530 : i32
        %parallel_loop3A_532 = vector.broadcast %parallel_loop3A_531 : i32 to vector<16xi32>
        %parallel_loop3A_533 = arith.addi %parallel_loop3A_532, %iota3A : vector<16xi32>
        tpu.vector_store_idx %arg11[%parallel_loop3A_529], %parallel_loop3A_533 masked %parallel_loop3A_521 : memref<2064xi32, #tpu.memory_space<vmem>>[vector<16xi32>], vector<16xi32>, vector<16xi1>
        %parallel_loop3A_534 = tpu.all_reduce %parallel_loop3A_521 {dim = 0 : i64, kind = #tpu.reduction_kind<sum>} : vector<16xi1> -> vector<16xi32>
        %parallel_loop3A_535 = arith.addi %parallel_loop3A_514, %parallel_loop3A_534 : vector<16xi32>
        scf.yield %parallel_loop3A_535 : vector<16xi32>
      } {sc.loop_unroll_factor = 2 : i64, sc.parallel_access}
      %reduce_max3A_484 = arith.constant true
      %reduce_max3A_485 = vector.broadcast %reduce_max3A_484 : i1 to vector<16xi1>
      %reduce_max3A_486 = arith.constant -2147483648 : i32
      %reduce_max3A_487 = vector.broadcast %reduce_max3A_486 : i32 to vector<16xi32>
      %reduce_max3A_488 = arith.xori %parallel_loop3A_483, %reduce_max3A_487 : vector<16xi32>
      %reduce_max3A_489 = tpu.scan <max>, %reduce_max3A_488 masked %reduce_max3A_485 : vector<16xi32>, vector<16xi1> -> vector<16xi32>
      %reduce_max3A_490 = arith.xori %reduce_max3A_489, %reduce_max3A_487 : vector<16xi32>
      %reduce_max3A_491 = vector.extract %reduce_max3A_490[15] : i32 from vector<16xi32>
      %parallel_loop3A_492 = arith.constant 0 : i32
      %parallel_loop3A_493 = arith.constant 1 : i32
      %parallel_loop3A_494 = scf.for %parallel_loop3A_513 = %parallel_loop3A_492 to %reduce_max3A_491 step %parallel_loop3A_493 iter_args(%parallel_loop3A_514 = %broadcast_in_dim3A_5) -> (vector<16xi32>)  : i32 {
        %parallel_loop3A_515 = arith.index_cast %parallel_loop3A_513 : i32 to index
        %parallel_loop3A_516 = tpu.vector_load %arg11[%parallel_loop3A_515] {strides = array<i32>} : memref<2064xi32, #tpu.memory_space<vmem>>, vector<16xi32>,
        %parallel_loop3A_517 = vector.extract_strided_slice %parallel_loop3A_516 {offsets = [0], sizes = [1], strides = [1]} : vector<16xi32> to vector<1xi32>
        %parallel_loop3A_518 = vector.extract %parallel_loop3A_517[0] : i32 from vector<1xi32>
        %parallel_loop3A_519 = arith.constant 16 : i32
        %parallel_loop3A_520 = arith.muli %parallel_loop3A_518, %parallel_loop3A_519 : i32
        %parallel_loop3A_521 = arith.index_cast %parallel_loop3A_520 : i32 to index
        %parallel_loop3A_522 = tpu.vector_load %arg5[%parallel_loop3A_521] {strides = array<i32>} : memref<32768xf32, #tpu.memory_space<vmem>>, vector<16xf32>,
        %parallel_loop3A_523 = arith.cmpf oge, %parallel_loop3A_522, %bitcast_convert_type3A_476 : vector<16xf32>
        %parallel_loop3A_524 = arith.constant 4064 : i32
        %parallel_loop3A_525 = vector.broadcast %parallel_loop3A_524 : i32 to vector<16xi32>
        %parallel_loop3A_526 = arith.cmpi sle, %parallel_loop3A_514, %parallel_loop3A_525 : vector<16xi32>
        %parallel_loop3A_527 = arith.andi %parallel_loop3A_523, %parallel_loop3A_526 : vector<16xi1>
        %parallel_loop3A_528 = arith.extui %parallel_loop3A_527 : vector<16xi1> to vector<16xi32>
        %parallel_loop3A_529 = arith.constant true
        %parallel_loop3A_530 = vector.broadcast %parallel_loop3A_529 : i1 to vector<16xi1>
        %parallel_loop3A_531 = tpu.scan <sum>, %parallel_loop3A_528 masked %parallel_loop3A_530 : vector<16xi32>, vector<16xi1> -> vector<16xi32>
        %parallel_loop3A_532 = arith.addi %parallel_loop3A_514, %parallel_loop3A_531 : vector<16xi32>
        %parallel_loop3A_533 = arith.constant 1 : i32
        %parallel_loop3A_534 = vector.broadcast %parallel_loop3A_533 : i32 to vector<16xi32>
        %parallel_loop3A_535 = arith.subi %parallel_loop3A_532, %parallel_loop3A_534 : vector<16xi32>
        tpu.vector_store_idx %arg8[%parallel_loop3A_535], %parallel_loop3A_522 masked %parallel_loop3A_527 : memref<4096xf32, #tpu.memory_space<vmem>>[vector<16xi32>], vector<16xf32>, vector<16xi1>
        %parallel_loop3A_536 = arith.constant 16 : i32
        %parallel_loop3A_537 = arith.muli %parallel_loop3A_518, %parallel_loop3A_536 : i32
        %parallel_loop3A_538 = vector.broadcast %parallel_loop3A_537 : i32 to vector<16xi32>
        %parallel_loop3A_539 = arith.addi %parallel_loop3A_538, %iota3A : vector<16xi32>
        tpu.vector_store_idx %arg9[%parallel_loop3A_535], %parallel_loop3A_539 masked %parallel_loop3A_527 : memref<4096xi32, #tpu.memory_space<vmem>>[vector<16xi32>], vector<16xi32>, vector<16xi1>
        %parallel_loop3A_540 = tpu.all_reduce %parallel_loop3A_527 {dim = 0 : i64, kind = #tpu.reduction_kind<sum>} : vector<16xi1> -> vector<16xi32>
        %parallel_loop3A_541 = arith.addi %parallel_loop3A_514, %parallel_loop3A_540 : vector<16xi32>
        scf.yield %parallel_loop3A_541 : vector<16xi32>
      } {sc.loop_unroll_factor = 1 : i64, sc.parallel_access}
      %reduce_max3A_495 = arith.constant true
      %reduce_max3A_496 = vector.broadcast %reduce_max3A_495 : i1 to vector<16xi1>
      %reduce_max3A_497 = arith.constant -2147483648 : i32
      %reduce_max3A_498 = vector.broadcast %reduce_max3A_497 : i32 to vector<16xi32>
      %reduce_max3A_499 = arith.xori %parallel_loop3A_494, %reduce_max3A_498 : vector<16xi32>
      %reduce_max3A_500 = tpu.scan <max>, %reduce_max3A_499 masked %reduce_max3A_496 : vector<16xi32>, vector<16xi1> -> vector<16xi32>
      %reduce_max3A_501 = arith.xori %reduce_max3A_500, %reduce_max3A_498 : vector<16xi32>
      %reduce_max3A_502 = vector.extract %reduce_max3A_501[15] : i32 from vector<16xi32>
      %add3A_503 = arith.constant 15 : i32
      %add3A_504 = arith.addi %reduce_max3A_502, %add3A_503 : i32
      %div3A_505 = arith.constant 16 : i32
      %div3A_506 = arith.divsi %add3A_504, %div3A_505 : i32
      %scan3A_507 = arith.constant 0 : i32
      %scan3A_508 = arith.constant 20 : i32
      %scan3A_509 = arith.addi %scan3A_507, %scan3A_508 : i32
      %scan3A_510 = arith.constant 1 : i32
      %scan3A_511 = scf.for %scan3A_513 = %scan3A_507 to %scan3A_509 step %scan3A_510 iter_args(%scan3A_514 = %shift_left3A_466) -> (i32)  : i32 {
        %sub3A_515 = arith.constant 19 : i32
        %sub3A_516 = arith.subi %sub3A_515, %scan3A_513 : i32
        %shift_left3A_517 = arith.constant 1 : i32
        %shift_left3A_518 = arith.shli %shift_left3A_517, %sub3A_516 : i32
        %add3A_519 = arith.addi %scan3A_514, %shift_left3A_518 : i32
        %parallel_loop3A_520 = arith.constant 0 : i32
        %parallel_loop3A_521 = arith.constant 1 : i32
        %parallel_loop3A_522 = scf.for %parallel_loop3A_528 = %parallel_loop3A_520 to %div3A_506 step %parallel_loop3A_521 iter_args(%parallel_loop3A_529 = %broadcast_in_dim3A_5) -> (vector<16xi32>)  : i32 {
          %parallel_loop3A_530 = arith.constant 16 : i32
          %parallel_loop3A_531 = arith.muli %parallel_loop3A_528, %parallel_loop3A_530 : i32
          %parallel_loop3A_532 = arith.index_cast %parallel_loop3A_531 : i32 to index
          %parallel_loop3A_533 = tpu.vector_load %arg8[%parallel_loop3A_532] {strides = array<i32>} : memref<4096xf32, #tpu.memory_space<vmem>>, vector<16xf32>,
          %parallel_loop3A_534 = tpu.bitcast %parallel_loop3A_533 : vector<16xf32> -> vector<16xi32>
          %parallel_loop3A_535 = arith.constant 31 : i32
          %parallel_loop3A_536 = vector.broadcast %parallel_loop3A_535 : i32 to vector<16xi32>
          %parallel_loop3A_537 = arith.shrsi %parallel_loop3A_534, %parallel_loop3A_536 : vector<16xi32>
          %parallel_loop3A_538 = arith.constant 2147483647 : i32
          %parallel_loop3A_539 = vector.broadcast %parallel_loop3A_538 : i32 to vector<16xi32>
          %parallel_loop3A_540 = arith.andi %parallel_loop3A_537, %parallel_loop3A_539 : vector<16xi32>
          %parallel_loop3A_541 = arith.xori %parallel_loop3A_534, %parallel_loop3A_540 : vector<16xi32>
          %parallel_loop3A_542 = vector.broadcast %add3A_519 : i32 to vector<16xi32>
          %parallel_loop3A_543 = arith.cmpi sge, %parallel_loop3A_541, %parallel_loop3A_542 : vector<16xi32>
          %parallel_loop3A_544 = arith.constant 16 : i32
          %parallel_loop3A_545 = arith.muli %parallel_loop3A_528, %parallel_loop3A_544 : i32
          %parallel_loop3A_546 = vector.broadcast %parallel_loop3A_545 : i32 to vector<16xi32>
          %parallel_loop3A_547 = arith.addi %parallel_loop3A_546, %iota3A : vector<16xi32>
          %parallel_loop3A_548 = vector.broadcast %reduce_max3A_502 : i32 to vector<16xi32>
          %parallel_loop3A_549 = arith.cmpi slt, %parallel_loop3A_547, %parallel_loop3A_548 : vector<16xi32>
          %parallel_loop3A_550 = arith.andi %parallel_loop3A_543, %parallel_loop3A_549 : vector<16xi1>
          %parallel_loop3A_551 = arith.extui %parallel_loop3A_550 : vector<16xi1> to vector<16xi32>
          %parallel_loop3A_552 = arith.addi %parallel_loop3A_529, %parallel_loop3A_551 : vector<16xi32>
          scf.yield %parallel_loop3A_552 : vector<16xi32>
        } {sc.loop_unroll_factor = 1 : i64, sc.parallel_access}
        %reduce_sum3A = arith.constant true
        %reduce_sum3A_523 = vector.broadcast %reduce_sum3A : i1 to vector<16xi1>
        %reduce_sum3A_524 = tpu.scan <sum>, %parallel_loop3A_522 masked %reduce_sum3A_523 : vector<16xi32>, vector<16xi1> -> vector<16xi32>
        %reduce_sum3A_525 = vector.extract %reduce_sum3A_524[15] : i32 from vector<16xi32>
        %ge3A_526 = arith.constant 64 : i32
        %ge3A_527 = arith.cmpi sge, %reduce_sum3A_525, %ge3A_526 : i32
        %select_n3A = arith.select %ge3A_527, %add3A_519, %scan3A_514 : i32
        scf.yield %select_n3A : i32
      }
      %scan3A_512 = arith.constant 20 : i32
      scf.yield %scan3A_511, %reduce_max3A_502 : i32, i32
    }
    %add3A_407 = vector.broadcast %cond3A_406#0 : i32 to vector<16xi32>
    %add3A_408 = arith.addi %broadcast_in_dim3A_5, %add3A_407 : vector<16xi32>
    %shift_right_arithmetic3A_409 = arith.constant 31 : i32
    %shift_right_arithmetic3A_410 = vector.broadcast %shift_right_arithmetic3A_409 : i32 to vector<16xi32>
    %shift_right_arithmetic3A_411 = arith.shrsi %add3A_408, %shift_right_arithmetic3A_410 : vector<16xi32>
    %and3A_412 = arith.constant 2147483647 : i32
    %and3A_413 = vector.broadcast %and3A_412 : i32 to vector<16xi32>
    %and3A_414 = arith.andi %shift_right_arithmetic3A_411, %and3A_413 : vector<16xi32>
    %xor3A_415 = arith.xori %add3A_408, %and3A_414 : vector<16xi32>
    %bitcast_convert_type3A_416 = tpu.bitcast %xor3A_415 : vector<16xi32> -> vector<16xf32>
    %add3A_417 = arith.constant 15 : i32
    %add3A_418 = arith.addi %cond3A_406#1, %add3A_417 : i32
    %div3A_419 = arith.constant 16 : i32
    %div3A_420 = arith.divsi %add3A_418, %div3A_419 : i32
    %while3A_421 = arith.constant 0 : i32
    %while3A_422 = arith.constant 0 : i32
    %while3A_423 = arith.subi %div3A_420, %while3A_422 : i32
    %while3A_424 = arith.addi %while3A_422, %while3A_423 : i32
    %while3A_425 = arith.constant 1 : i32
    %while3A_426 = arith.divsi %while3A_423, %while3A_425 : i32
    %while3A_427 = arith.muli %while3A_426, %while3A_425 : i32
    %while3A_428 = arith.addi %while3A_422, %while3A_427 : i32
    %while3A_429 = arith.constant 1 : i32
    scf.for %while3A_452 = %while3A_422 to %while3A_428 step %while3A_429  : i32 {
      %mul3A_453 = arith.constant 16 : i32
      %mul3A_454 = arith.muli %while3A_452, %mul3A_453 : i32
      %get3A = arith.index_cast %mul3A_454 : i32 to index
      %get3A_455 = tpu.vector_load %arg8[%get3A] {strides = array<i32>} : memref<4096xf32, #tpu.memory_space<vmem>>, vector<16xf32>,
      %get3A_456 = arith.index_cast %mul3A_454 : i32 to index
      %get3A_457 = tpu.vector_load %arg9[%get3A_456] {strides = array<i32>} : memref<4096xi32, #tpu.memory_space<vmem>>, vector<16xi32>,
      %ge3A_458 = arith.cmpf oge, %get3A_455, %bitcast_convert_type3A_416 : vector<16xf32>
      %mul3A_459 = arith.constant 16 : i32
      %mul3A_460 = arith.muli %while3A_452, %mul3A_459 : i32
      %add3A_461 = vector.broadcast %mul3A_460 : i32 to vector<16xi32>
      %add3A_462 = arith.addi %add3A_461, %iota3A : vector<16xi32>
      %lt3A = vector.broadcast %cond3A_406#1 : i32 to vector<16xi32>
      %lt3A_463 = arith.cmpi slt, %add3A_462, %lt3A : vector<16xi32>
      %and3A_464 = arith.andi %ge3A_458, %lt3A_463 : vector<16xi1>
      tpu.vector_store_idx %arg6[%get3A_457], %get3A_455 masked %and3A_464 : memref<32768xf32, #tpu.memory_space<vmem>>[vector<16xi32>], vector<16xf32>, vector<16xi1>
    }
    %while3A_430 = arith.constant 1 : i32
    scf.for %while3A_452 = %while3A_428 to %while3A_424 step %while3A_430  : i32 {
      %mul3A_453 = arith.constant 16 : i32
      %mul3A_454 = arith.muli %while3A_452, %mul3A_453 : i32
      %get3A = arith.index_cast %mul3A_454 : i32 to index
      %get3A_455 = tpu.vector_load %arg8[%get3A] {strides = array<i32>} : memref<4096xf32, #tpu.memory_space<vmem>>, vector<16xf32>,
      %get3A_456 = arith.index_cast %mul3A_454 : i32 to index
      %get3A_457 = tpu.vector_load %arg9[%get3A_456] {strides = array<i32>} : memref<4096xi32, #tpu.memory_space<vmem>>, vector<16xi32>,
      %ge3A_458 = arith.cmpf oge, %get3A_455, %bitcast_convert_type3A_416 : vector<16xf32>
      %mul3A_459 = arith.constant 16 : i32
      %mul3A_460 = arith.muli %while3A_452, %mul3A_459 : i32
      %add3A_461 = vector.broadcast %mul3A_460 : i32 to vector<16xi32>
      %add3A_462 = arith.addi %add3A_461, %iota3A : vector<16xi32>
      %lt3A = vector.broadcast %cond3A_406#1 : i32 to vector<16xi32>
      %lt3A_463 = arith.cmpi slt, %add3A_462, %lt3A : vector<16xi32>
      %and3A_464 = arith.andi %ge3A_458, %lt3A_463 : vector<16xi1>
      tpu.vector_store_idx %arg6[%get3A_457], %get3A_455 masked %and3A_464 : memref<32768xf32, #tpu.memory_space<vmem>>[vector<16xi32>], vector<16xf32>, vector<16xi1>
    }
    %add3A_431 = arith.constant 3 : i32
    %add3A_432 = arith.addi %mul3A_9, %add3A_431 : i32
    %dma_start3A_433 = arith.constant 0 : i32
    %dma_start3A_434 = tpu.memref_slice %arg3[%add3A_432, %dma_start3A_433] : memref<128x32768xf32, #tpu.memory_space<hbm>> -> memref<1x32768xf32, #tpu.memory_space<hbm>>
    %dma_start3A_435 = tpu.memref_squeeze %dma_start3A_434 : memref<1x32768xf32, #tpu.memory_space<hbm>> -> memref<32768xf32, #tpu.memory_space<hbm>>
    %dma_start3A_436 = arith.constant 0 : i32
    %dma_start3A_437 = tpu.memref_slice %arg3[%add3A_432, %dma_start3A_436] : memref<128x32768xf32, #tpu.memory_space<hbm>> -> memref<1x32768xf32, #tpu.memory_space<hbm>>
    %dma_start3A_438 = tpu.memref_squeeze %dma_start3A_437 : memref<1x32768xf32, #tpu.memory_space<hbm>> -> memref<32768xf32, #tpu.memory_space<hbm>>
    tpu.enqueue_dma source(%arg6 : memref<32768xf32, #tpu.memory_space<vmem>>) target(%dma_start3A_438 : memref<32768xf32, #tpu.memory_space<hbm>>) target_semaphore(%arg14 : memref<!tpu.dma_semaphore, #tpu.memory_space<semaphore_mem>>)
    %sub3A_439 = arith.constant 2.500000e-01 : f32
    %sub3A_440 = vector.broadcast %sub3A_439 : f32 to vector<16xf32>
    %sub3A_441 = arith.subf %bitcast_convert_type3A_416, %sub3A_440 : vector<16xf32>
    %add3A_442 = arith.constant 4 : i32
    %add3A_443 = arith.addi %mul3A_9, %add3A_442 : i32
    %sub3A_444 = arith.constant 1 : i32
    %sub3A_445 = arith.subi %add3A_443, %sub3A_444 : i32
    %dma_wait3A_446 = arith.constant 0 : i32
    %dma_wait3A_447 = tpu.memref_slice %arg3[%sub3A_445, %dma_wait3A_446] : memref<128x32768xf32, #tpu.memory_space<hbm>> -> memref<1x32768xf32, #tpu.memory_space<hbm>>
    %dma_wait3A_448 = tpu.memref_squeeze %dma_wait3A_447 : memref<1x32768xf32, #tpu.memory_space<hbm>> -> memref<32768xf32, #tpu.memory_space<hbm>>
    %dma_wait3A_449 = arith.constant 0 : i32
    %dma_wait3A_450 = tpu.memref_slice %arg3[%sub3A_445, %dma_wait3A_449] : memref<128x32768xf32, #tpu.memory_space<hbm>> -> memref<1x32768xf32, #tpu.memory_space<hbm>>
    %dma_wait3A_451 = tpu.memref_squeeze %dma_wait3A_450 : memref<1x32768xf32, #tpu.memory_space<hbm>> -> memref<32768xf32, #tpu.memory_space<hbm>>
    tpu.wait_dma2 semaphore(%arg14 : memref<!tpu.dma_semaphore, #tpu.memory_space<semaphore_mem>>) src(%arg6 : memref<32768xf32, #tpu.memory_space<vmem>>) dst(%dma_wait3A_451 : memref<32768xf32, #tpu.memory_space<hbm>>)
    return
  }
}

</mosaic_0001>

<sc_bundles>
// kernel: kernel.3.cloned.1.call-start
scs
__scs_entry_jumppad:
0x0: {  	(pc) =	sbr.rel $0x88, $3  }
0x1: {  	(tag) =	ssettag $0x0;
	lr =	simm.s32 $0x1  }
0x2: {  	[smem:$0x3FA0] =	sst lr;
	_ =	strace $0xD0000000  }
0x3: {  	_ = 	snop  }
0x4: {  	_ = 	snop  }
0x5: {  	_ = 	snop  }
0x6: {  	_ = 	snop  }
0x7: {  	_ = 	snop  }
__scs_overlays_trampoline_lowered:
0x8: {  	[smem:$0x3FAF] =	sst s0  }
0x9: {  	[smem:$0x3FB0] =	sst s1  }
0xa: {  	[smem:$0x3FB1] =	sst s2  }
0xb: {  	[smem:$0x3FB2] =	sst s3  }
0xc: {  	[smem:$0x3FB3] =	sst s4  }
0xd: {  	[smem:$0x3FB4] =	sst s5  }
0xe: {  	[smem:$0x3FB5] =	sst s6  }
0xf: {  	[smem:$0x3FB6] =	sst s7  }
0x10: {  	[smem:$0x3FB7] =	sst s8  }
0x11: {  	[smem:$0x3FB8] =	sst s9;
	s0 =	simm.s32 @!p0 $0x0  }
0x12: {  	s1 =	sld [smem:$0x3F9E];
	s0 =	simm.s32 @p0 $0x1  }
0x13: {  	[smem:$0x3FB9] =	sst s0;
	s0 =	simm.s32 @!p1 $0x0  }
0x14: {  	s2 =	sld [smem:$0x3F9D];
	s0 =	simm.s32 @p1 $0x1  }
0x15: {  	[smem:$0x3FBA] =	sst s0;
	s0 =	simm.s32 @!p2 $0x0  }
0x16: {  	s3 =	sld [smem:$0x3FDB];
	s0 =	simm.s32 @p2 $0x1  }
0x17: {  	s4 =	simm.s32 $0x1BF5;
	[smem:$0x3FBC] =	sst s0  }
0x18: {  	s0 =	sld [smem:$0x3F9F];
	_ =	swait.ge [sflag:s4], $0x0  }
0x19: {  	s7 =	sld [smem:$0x3FA0]  }
0x1a: {  	s8 =	sadd.s32 $0xFFFFE003, lr  }
0x1b: {  	s9 =	sadd.s32 $0xFFFFFEF7, lr;
	s5 =	simm.s32 $0xFFFFFFFF;
	p2 =	slt.u32 s8, $0xFFFFF086  }
0x1c: {  	p1 =	slt.u32 s9, $0xF7A;
	s5 =	simm.s32 @!p2 $0x0  }
0x1d: {  	s5 =	simm.s32 @p1 $0x1;
	p0 =	seq.s32 s7, s2  }
0x1e: {  	s7 =	smul.u32 @!p0 $0xF7A, s2;
	p2 =	seq.s32 @!p0 s5, $0x0  }
0x1f: {  	s9 =	smul.u32 $0xF7A, s1;
	s8 =	simm.s32 @!p0 $0x1BF5;
	p2 =	por !p2, p0  }
0x20: {  	[sflag:s8] =	ssyncset.s32 @!p0 $0xFFFFF086;
	s6 =	sadd.s32 @!p0 s3, s7;
	s7 =	simm.s32 @!p0 $0x108  }
0x21: {  	s3 =	sadd.s32 s3, s9;
	s6 =	sadd.s32 @!p0 $0x88, s6;
	s7 =	simm.s32 @p2 $0x1082  }
0x22: {  	[simem:s7], [sflag:s8] =	dma.local @!p0 [hbm:s6], $0xF7A  }
0x23: {  	s9 =	sor.u32 $0xD0000000, s2;
	s6 =	simm.s32 $0x108;
	_ =	swait.ge @!p0 [sflag:s8], $0x0  }
0x24: {  	s3 =	sadd.s32 $0x88, s3;
	s6 =	simm.s32 @!p1 $0x1082;
	[sflag:s4] =	ssyncset.s32 $0xFFFFF086  }
0x25: {  	[simem:s6], [sflag:s4] =	dma.local [hbm:s3], $0xF7A  }
0x26: {  	[smem:$0x3FA0] =	sst s1;
	(tag) =	ssettag s2;
	_ =	strace s9  }
0x27: {  	s1 =	sld [smem:$0x3FB0]  }
0x28: {  	s2 =	sld [smem:$0x3FB1]  }
0x29: {  	s4 =	sld [smem:$0x3FB3]  }
0x2a: {  	p0 =	seq.s32 s5, $0x0;
	s5 =	sld [smem:$0x3FB4]  }
0x2b: {  	s6 =	sld [smem:$0x3FB5]  }
0x2c: {  	s7 =	sld [smem:$0x3FB6]  }
0x2d: {  	s3 =	simm.s32 $0x108;
	s8 =	sld [smem:$0x3FB7]  }
0x2e: {  	s3 =	simm.s32 @!p0 $0x1082;
	s9 =	sld [smem:$0x3FB8]  }
0x2f: {  	lr =	sadd.s32 s0, s3;
	s0 =	sld [smem:$0x3FAF]  }
0x30: {  	s3 =	sld [smem:$0x3FB2]  }
0x31: {  	[smem:$0x3FBB] =	sst s10  }
0x32: {  	s10 =	sld [smem:$0x3FB9];
	_ =	sdelay $0x3  }
0x33: {  	p0 =	seq.s32 s10, $0x1;
	s10 =	sld [smem:$0x3FBB];
	_ =	sdelay $0x3  }
0x34: {  	[smem:$0x3FBB] =	sst s10  }
0x35: {  	s10 =	sld [smem:$0x3FBA];
	_ =	sdelay $0x3  }
0x36: {  	p1 =	seq.s32 s10, $0x1;
	s10 =	sld [smem:$0x3FBB];
	_ =	sdelay $0x3  }
0x37: {  	[smem:$0x3FBB] =	sst s10  }
0x38: {  	s10 =	sld [smem:$0x3FBC]  }
0x39: {  	_ = 	snop;
	(pc) =	sbr.ind lr, $3  }
0x3a: {  	_ = 	snop  }
0x3b: {  	_ = 	snop  }
0x3c: {  	p2 =	seq.s32 s10, $0x1;
	s10 =	sld [smem:$0x3FBB]  }
0x3d: {  	_ =	shalt  }
0x3e: {  	_ =	shalt  }
0x3f: {  	_ =	shalt  }
0x40: {  	_ =	shalt  }
0x41: {  	_ =	shalt  }
0x42: {  	_ =	shalt  }
0x43: {  	_ =	shalt  }
0x44: {  	_ =	shalt  }
0x45: {  	_ =	shalt  }
0x46: {  	_ =	shalt  }
0x47: {  	_ =	shalt  }
0x48: {  	_ =	shalt  }
0x49: {  	_ =	shalt  }
0x4a: {  	_ =	shalt  }
0x4b: {  	_ =	shalt  }
0x4c: {  	_ =	shalt  }
0x4d: {  	_ =	shalt  }
0x4e: {  	_ =	shalt  }
0x4f: {  	_ =	shalt  }
0x50: {  	_ =	shalt  }
0x51: {  	_ =	shalt  }
0x52: {  	_ =	shalt  }
0x53: {  	_ =	shalt  }
0x54: {  	_ =	shalt  }
0x55: {  	_ =	shalt  }
0x56: {  	_ =	shalt  }
0x57: {  	_ =	shalt  }
0x58: {  	_ =	shalt  }
0x59: {  	_ =	shalt  }
0x5a: {  	_ =	shalt  }
0x5b: {  	_ =	shalt  }
0x5c: {  	_ =	shalt  }
0x5d: {  	_ =	shalt  }
0x5e: {  	_ =	shalt  }
0x5f: {  	_ =	shalt  }
0x60: {  	_ =	shalt  }
0x61: {  	_ =	shalt  }
0x62: {  	_ =	shalt  }
0x63: {  	_ =	shalt  }
0x64: {  	_ =	shalt  }
0x65: {  	_ =	shalt  }
0x66: {  	_ =	shalt  }
0x67: {  	_ =	shalt  }
0x68: {  	_ =	shalt  }
0x69: {  	_ =	shalt  }
0x6a: {  	_ =	shalt  }
0x6b: {  	_ =	shalt  }
0x6c: {  	_ =	shalt  }
0x6d: {  	_ =	shalt  }
0x6e: {  	_ =	shalt  }
0x6f: {  	_ =	shalt  }
0x70: {  	_ =	shalt  }
0x71: {  	_ =	shalt  }
0x72: {  	_ =	shalt  }
0x73: {  	_ =	shalt  }
0x74: {  	_ =	shalt  }
0x75: {  	_ =	shalt  }
0x76: {  	_ =	shalt  }
0x77: {  	_ =	shalt  }
0x78: {  	_ =	shalt  }
0x79: {  	_ =	shalt  }
0x7a: {  	_ =	shalt  }
0x7b: {  	_ =	shalt  }
0x7c: {  	_ =	shalt  }
0x7d: {  	_ =	shalt  }
0x7e: {  	_ =	shalt  }
0x7f: {  	_ =	shalt  }
0x80: {  	_ =	shalt  }
0x81: {  	_ =	shalt  }
0x82: {  	_ =	shalt  }
0x83: {  	_ =	shalt  }
0x84: {  	_ =	shalt  }
0x85: {  	_ =	shalt  }
0x86: {  	_ =	shalt  }
0x87: {  	_ =	shalt  }
.Lfunc_end0:
.L_simem_size_0:
called_computation_lowered:
.L_overlay_start_0:
0x88: {  	s2 =	sld [smem:$0x3FD9]  }
0x89: {  	s3 =	sld [smem:$0x3FFE];
	_ =	sdelay $0x1  }
0x8a: {  	s1 =	srdreg.scid  }
0x8b: {  	s0 =	sand.u32 $0x1, s1  }
0x8c: {  	s18 =	sshll.u32 s0, $0xA;
	s2 =	sadd.s32 s3, s2  }
0x8d: {  	s2 =	sadd.s32 s2, s18  }
0x8e: {  	[smem:$0x3FC7] =	sst s2  }
0x8f: {  	_ = 	snop  }
0x90: {  	s2 =	sld [smem:$0x3FC9]  }
0x91: {  	s19 =	sld [smem:$0x3FD0];
	(tm) =	ssettm $0x1  }
0x92: {  	s4 =	sld [smem:$0x3FFB];
	_ =	sdelay $0x3  }
0x93: {  	_ =	strace s4  }
0x94: {  	s4 =	sld [smem:$0x3FFC];
	_ =	sdelay $0x3  }
0x95: {  	_ =	strace s4  }
0x96: {  	s4 =	sld [smem:$0x3FFD];
	_ =	sdelay $0x3  }
0x97: {  	_ =	strace s4  }
0x98: {  	_ =	strace $0x8FFFFFFF  }
0x99: {  	s20 =	sld [smem:$0x3FDB];
	_ =	sdelay $0x1  }
0x9a: {  	s5 =	simm.s32 $_scs_section_size  }
0x9b: {  	s6 =	simm.s32 $_size__tile_overlayer_lowered;
	s7 =	simm.s32 $_tile_overlayer_lowered  }
0x9c: {  	s23 =	simm.s32 $0x1BFF;
	s22 =	sshll.u32 s7, $0x1;
	s4 =	sadd.s32 s5, s20  }
0x9d: {  	s8 =	simm.s32 $0x0;
	s21 =	sshll.u32 s6, $0x1;
	s6 =	sadd.s32 s22, s4  }
0x9e: {  	[timem:s8], [sflag:s23] =	dma.local [hbm:s6], s21  }
0x9f: {  	_ =	swait.ge [sflag:s23], s21  }
0xa0: {  	s5 =	ssub.s32 $0x0, s21;
	[sflag:s23] =	ssyncset.done $0x0  }
0xa1: {  	[sflag:s23] =	ssyncadd.s32 s5;
	_ =	sdelay $0x1  }
0xa2: {  	s24 =	simm.s32 $0x1B8B  }
0xa3: {  	_ =	swait.ge [sflag:s24], $0x1  }
0xa4: {  	[sflag:s24] =	ssyncset.done $0x0  }
0xa5: {  	s25 =	simm.s32 $0x1B8E;
	[sflag:s24] =	ssyncadd.s32 $0xFFFFFFFF  }
0xa6: {  	s26 =	simm.s32 $execute0_lowered;
	[smem:$0x3FD2] =	sst s25  }
0xa7: {  	s5 =	sshll.u32 s26, $0x1;
	_ =	strace $0x80000046;
	[dreg:$0x1] =	wrdreg $0xFFFFFFFF  }
0xa8: {  	s28 =	simm.s32 $_size_execute0_lowered;
	s4 =	sadd.s32 s4, s5;
	[dreg:$0x0] =	wrdreg $0x0  }
0xa9: {  	s5 =	sshll.u32 s28, $0x1;
	[dreg:$0x2] =	wrdreg s4  }
0xaa: {  	[dreg:$0x3] =	wrdreg s5  }
0xab: {  	[dreg:$0x4] =	wrdreg $0xC0  }
0xac: {  	_ =	task [dreg:s8], $0x5FFFF  }
0xad: {  	[dreg:$0x1] =	wrdreg $0xFFFFFFFF  }
0xae: {  	[dreg:$0x0] =	wrdreg $0x60  }
0xaf: {  	[dreg:$0x2] =	wrdreg s2  }
0xb0: {  	[dreg:$0x3] =	wrdreg s19  }
0xb1: {  	[dreg:$0x4] =	wrdreg $0x9  }
0xb2: {  	_ =	task.clear_ibuf [dreg:s8], $0x5FFFF;
	_ =	strace $0x90000046  }
0xb3: {  	s29 =	simm.s32 $0x9;
	_ =	strace $0x80000048  }
0xb4: {  	_ =	swait.ge [sflag:s29], $0x1  }
0xb5: {  	[sflag:s29] =	ssyncadd.s32 $0xFFFFFFFF  }
0xb6: {  	_ =	strace $0x90000048  }
0xb7: {  	_ =	sfence  }
0xb8: {  	s30 =	sld [smem:$0x0];
	_ =	sdelay $0x2  }
0xb9: {  	s31 =	sshll.u32 s1, $0xD;
	s1 =	sshrl.u32 s1, $0x2  }
0xba: {  	s3 =	sand.u32 $0x4000, s31;
	s1 =	sadd.s32 s1, s30  }
0xbb: {  	s0 =	sor.u32 s3, s0;
	s1 =	sshll.u32 s1, $0x11  }
0xbc: {  	s0 =	sor.u32 s1, s0  }
0xbd: {  	s0 =	sadd.s32 $0x8F2B, s0  }
0xbe: {  	[sflag:s0] =	ssyncadd.remote.s32 $0x1  }
0xbf: {  	_ =	sfence.sel $0xFFFF  }
0xc0: {  	[dreg:$0x0] =	wrdreg $0xFFFFFFFF;
	(pc) =	sbr.abs _section_cstart, $3  }
0xc1: {  	[dreg:$0x1] =	wrdreg $0xFFFFFFFF  }
0xc2: {  	_ =	task.clear_ibuf [dreg:s8], $0x2FFFF;
	_ =	strace $0x9FFFFFFF  }
0xc3: {  	(tm) =	ssettm $0x7FFFFFFF  }
tec
execute0_lowered:
.L_overlay_start_1:
0x0: {  	(tag) =	ssettag $0x1  }
0x1: {  	s0 =	rddreg [dreg:$0x0]  }
0x2: {  	s1 =	rddreg [dreg:$0x1];
	s2 =	srdreg.scid  }
0x3: {  	s3 =	stileid.u32;
	s5 =	simm.s32 $0x0;
	s12 =	simm.s32 $0x80  }
0x4: {  	s13 =	simm.s32 $0x400;
	s14 =	simm.s32 $0x1;
	s16 =	simm.s32 $0x18000  }
0x5: {  	s17 =	simm.s32 $0x1B000;
	s18 =	simm.s32 $0x1B800;
	s19 =	simm.s32 $0x19000  }
0x6: {  	s20 =	simm.s32 $0x1A000;
	s21 =	simm.s32 $0x80000;
	s22 =	simm.s32 $0x10000  }
0x7: {  	s23 =	simm.s32 $0x2;
	s24 =	simm.s32 $0x3;
	s25 =	simm.s32 $0x40000000  }
0x8: {  	s26 =	simm.s32 $0x0;
	s2 =	sand.u32 $0x1, s2;
	s3 =	sshll.u32 s3, $0xF  }
0x9: {  	[smem:$0x7FF] =	sst s5;
	s4 =	sshll.u32 s2, $0x6;
	s2 =	ssub.s32 $0x2, s2  }
0xa: {  	_ =	strace $0x80000047;
	s3 =	sor.u32 s4, s3;
	s30 =	sshrl.u32 s2, $0x1  }
.Ltmp0:
0xb: {  	s7 =	sor.u32 $0x10, s3;
	s2 =	ssub.s32 s2, s30;
	(pc) =	sbr.rel .LBB2_1-.Ltmp0, $4  }
0xc: {  	v0 =	vlaneseq.u32;
	s31 =	sadd.s32 s0, s3;
	s5 =	sadd.s32 s1, s3;
	s9 =	sor.u32 $0x20, s3  }
0xd: {  	v4 =	vmul.u32 $0xFFFFFFFF, v0;
	s3 =	sor.u32 $0x30, s3;
	[dreg:$0x3] =	wrdreg s31;
	s4 =	sadd.s32 s0, s7  }
0xe: {  	v1 =	vimm.f32 $0.0e+00;
	s6 =	sadd.s32 s0, s9;
	s7 =	sadd.s32 s1, s7;
	s8 =	sadd.s32 s0, s3  }
0xf: {  	v2 =	vimm.s32 $0x0;
	v3 =	vimm.s32 $0x1;
	v4 =	vadd.s32 $0xF, v4;
	s9 =	sadd.s32 s1, s9;
	s10 =	sadd.s32 s1, s3;
	s11 =	smax.u32 s2, $0x1  }
.LBB2_273:
0x10: {  	s2 =	simm.s32 $0x1A000;
	s15 =	simm.s32 $0x0  }
.LBB2_324:
0x11: {  	s2 =	sadd.s32 @p0 $0x10, s2;
	s3 =	sadd.s32 @p0 $0x10, s15  }
0x12: {  	s0 =	smov.u32 @p0 s2;
	s1 =	smov.u32 @p0 s3  }
0x13: {  	v8 =	vld [tilespmem:s0+$0x0];
	v9 =	vor.u32 s1, v0  }
0x14: {  	vm0 =	vge.f32 v7, v5;
	vm1 =	vlt.s32 v9, v6  }
0x15: {  	vm0 =	vmand vm1, vm0;
	_ =	sdelay $0x5  }
0x16: {  	[tilespmem:v8+s22+$0x0] =	vst.idx.msk vm0, v7  }
.LBB2_325:
0x17: {  	s26 =	sadd.s32 $0x1, s26  }
0x18: {  	p0 =	sne.s32 s26, s11  }
.Ltmp1:
0x19: {  	_ = 	snop;
	(pc) =	sbr.rel @!p0 .LBB2_326-.Ltmp1, $4  }
0x1a: {  	[hbm4b:s10+s12] =	stream.strided.scatter [tilespmem:s22], [sflag:$0x3], $0x8000, s13, s12, $0x38;
	[tilespmem:$0x1C080] =	vst v63  }
0x1b: {  	_ =	swait.ge [sflag:s24], $0x8000  }
0x1c: {  	[sflag:s24] =	ssyncset.done $0x0  }
0x1d: {  	[sflag:s24] =	ssyncadd.s32 $0xFFFF8000  }
.LBB2_1:
0x1e: {  	s0 =	simm.s32 $0x0;
	s1 =	rddreg [dreg:$0x3]  }
0x1f: {  	[tilespmem:s0], [sflag:$0x1] =	stream.strided.gather [hbm4b:s1+s12], $0x8000, s13, s12, $0x38;
	[tilespmem:$0x1C080] =	vst v63  }
0x20: {  	s0 =	simm.s32 $0x10020  }
0x21: {  	[tilespmem:s0+$0xFFFFFFE0] =	vst v1  }
0x22: {  	[tilespmem:s0+$0x10] =	vst v1  }
0x23: {  	s1 =	simm.s32 $0x0;
	[tilespmem:s0+$0x0] =	vst v1  }
.LBB2_2:
0x24: {  	s1 =	sadd.s32 $0x4, s1  }
0x25: {  	[tilespmem:s0+$0xFFFFFFF0] =	vst v1;
	s0 =	sadd.s32 $0x40, s0;
	p0 =	slt.u32 s1, $0x7FC  }
.Ltmp2:
0x26: {  	[tilespmem:s0+$0xFFFFFFE0] =	vst v1;
	(pc) =	sbr.rel @p0 .LBB2_2-.Ltmp2, $3  }
0x27: {  	_ =	sdelay $0x1  }
0x28: {  	[tilespmem:s0+$0x10] =	vst v1  }
0x29: {  	[tilespmem:s0+$0x0] =	vst v1  }
0x2a: {  	[tilespmem:s0+$0xFFFFFFF0] =	vst v1  }
0x2b: {  	_ =	swait.ge [sflag:s14], $0x8000  }
0x2c: {  	[sflag:s14] =	ssyncset.done $0x0  }
0x2d: {  	s31 =	simm.s32 $0x8000;
	s0 =	simm.s32 $0x18020;
	[sflag:s14] =	ssyncadd.s32 $0xFFFF8000  }
0x2e: {  	[tilespmem:s31], [sflag:$0x2] =	stream.strided.gather [hbm4b:s4+s12], $0x8000, s13, s12, $0x38;
	[tilespmem:$0x1C080] =	vst v63  }
0x2f: {  	[tilespmem:s0+$0xFFFFFFE0] =	vst v2  }
0x30: {  	[tilespmem:s0+$0x10] =	vst v2  }
0x31: {  	s1 =	simm.s32 $0x0;
	[tilespmem:s0+$0x0] =	vst v2  }
.LBB2_4:
0x32: {  	s1 =	sadd.s32 $0x4, s1  }
0x33: {  	[tilespmem:s0+$0xFFFFFFF0] =	vst v2;
	s0 =	sadd.s32 $0x40, s0;
	s2 =	simm.s32 $0x20;
	p0 =	slt.u32 s1, $0xFC  }
.Ltmp3:
0x34: {  	[tilespmem:s0+$0xFFFFFFE0] =	vst v2;
	(pc) =	sbr.rel @p0 .LBB2_4-.Ltmp3, $3  }
0x35: {  	_ =	sdelay $0x1  }
0x36: {  	[tilespmem:s0+$0x10] =	vst v2  }
0x37: {  	[tilespmem:s0+$0x0] =	vst v2  }
0x38: {  	[tilespmem:s0+$0xFFFFFFF0] =	vst v2  }
0x39: {  	v5 =	vld [tilespmem:s2+$0x10]  }
0x3a: {  	v6 =	vld [tilespmem:s2+$0xFFFFFFF0]  }
0x3b: {  	v8 =	vld [tilespmem:s2+$0x0]  }
0x3c: {  	v9 =	vld [tilespmem:s2+$0xFFFFFFE0]  }
0x3d: {  	s31 =	simm.s32 $0x60  }
0x3e: {  	v13 =	vld [tilespmem:s31+$0x10];
	v7 =	vshra.s32 v5, $0x1F  }
0x3f: {  	v10 =	vshra.s32 v6, $0x1F;
	v7 =	vand.u32 $0x7FF00000, v7  }
0x40: {  	v11 =	vshra.s32 v8, $0x1F;
	v10 =	vand.u32 $0x7FF00000, v10;
	v5 =	vxor.u32 v5, v7  }
0x41: {  	v7 =	vshra.s32 v9, $0x1F;
	v6 =	vxor.u32 v6, v10;
	v12 =	vshra.s32 v5, $0x14;
	v5 =	vld [tilespmem:s31+$0xFFFFFFF0]  }
0x42: {  	v10 =	vand.u32 $0x7FF00000, v11;
	v14 =	vand.u32 $0x7FF00000, v7;
	v7 =	vld [tilespmem:s31+$0x0];
	v12 =	vadd.s32 $0x800, v12  }
0x43: {  	v11 =	vshra.s32 v13, $0x1F;
	v8 =	vxor.u32 v8, v10;
	v10 =	vld [tilespmem:s31+$0xFFFFFFE0]  }
0x44: {  	v6 =	vshra.s32 v6, $0x14;
	v15 =	vand.u32 $0x7FF00000, v11;
	v9 =	vxor.u32 v9, v14  }
0x45: {  	v6 =	vadd.s32 $0x800, v6;
	v8 =	vshra.s32 v8, $0x14;
	v13 =	vxor.u32 v13, v15  }
0x46: {  	v9 =	vshra.s32 v9, $0x14;
	v8 =	vadd.s32 $0x800, v8;
	v14 =	vshra.s32 v5, $0x1F  }
0x47: {  	s0 =	simm.s32 $0x4;
	s1 =	simm.s32 $0xA0;
	v9 =	vadd.s32 $0x800, v9;
	[tilespmem:v12+s16+$0x0] =	vst.idx.add.s32.msk $0xffff, v3;
	v11 =	vand.u32 $0x7FF00000, v14;
	v12 =	vshra.s32 v7, $0x1F  }
.LBB2_6:
0x48: {  	v14 =	vld [tilespmem:s1+$0x10];
	s0 =	sadd.s32 $0x4, s0;
	v15 =	vshra.s32 v10, $0x1F;
	v12 =	vand.u32 $0x7FF00000, v12;
	v13 =	vshra.s32 v13, $0x14  }
0x49: {  	v11 =	vxor.u32 v5, v11;
	p0 =	slt.u32 s0, $0x7FC;
	v15 =	vand.u32 $0x7FF00000, v15;
	v5 =	vld [tilespmem:s1+$0xFFFFFFF0];
	v13 =	vadd.s32 $0x800, v13  }
0x4a: {  	v11 =	vshra.s32 v11, $0x14;
	v12 =	vxor.u32 v7, v12;
	v15 =	vxor.u32 v10, v15;
	v7 =	vld [tilespmem:s1+$0x0]  }
.Ltmp4:
0x4b: {  	v11 =	vadd.s32 $0x800, v11;
	v12 =	vshra.s32 v12, $0x14;
	v10 =	vld [tilespmem:s1+$0xFFFFFFE0];
	v15 =	vshra.s32 v15, $0x14;
	(pc) =	sbr.rel @p0 .LBB2_6-.Ltmp4, $4  }
0x4c: {  	v16 =	vadd.s32 $0x800, v12;
	[tilespmem:v9+s16+$0x0] =	vst.idx.add.s32.msk $0xffff, v3;
	v9 =	vadd.s32 $0x800, v15  }
0x4d: {  	v12 =	vshra.s32 v14, $0x1F;
	[tilespmem:v6+s16+$0x0] =	vst.idx.add.s32.msk $0xffff, v3;
	v6 =	vmov v11  }
0x4e: {  	v11 =	vshra.s32 v5, $0x1F;
	v15 =	vand.u32 $0x7FF00000, v12;
	[tilespmem:v13+s16+$0x0] =	vst.idx.add.s32.msk $0xffff, v3  }
0x4f: {  	s1 =	sadd.s32 $0x40, s1;
	v11 =	vand.u32 $0x7FF00000, v11;
	v12 =	vshra.s32 v7, $0x1F;
	v13 =	vxor.u32 v14, v15;
	[tilespmem:v8+s16+$0x0] =	vst.idx.add.s32.msk $0xffff, v3;
	v8 =	vmovc v16  }
0x50: {  	v14 =	vshra.s32 v10, $0x1F;
	v13 =	vshra.s32 v13, $0x14  }
0x51: {  	v12 =	vand.u32 $0x7FF00000, v12;
	v5 =	vxor.u32 v5, v11;
	v14 =	vand.u32 $0x7FF00000, v14  }
0x52: {  	v13 =	vadd.s32 $0x800, v13;
	v5 =	vshra.s32 v5, $0x14;
	v7 =	vxor.u32 v7, v12  }
0x53: {  	v63 =	vxor.u32 v10, v14;
	v5 =	vadd.s32 $0x800, v5;
	v7 =	vshra.s32 v7, $0x14  }
0x54: {  	[tilespmem:v9+s16+$0x0] =	vst.idx.add.s32.msk $0xffff, v3;
	v10 =	vshra.s32 v63, $0x14;
	v7 =	vadd.s32 $0x800, v7  }
0x55: {  	[tilespmem:v6+s16+$0x0] =	vst.idx.add.s32.msk $0xffff, v3;
	v10 =	vadd.s32 $0x800, v10  }
0x56: {  	[tilespmem:v8+s16+$0x0] =	vst.idx.add.s32.msk $0xffff, v3  }
0x57: {  	[tilespmem:v13+s16+$0x0] =	vst.idx.add.s32.msk $0xffff, v3  }
0x58: {  	[tilespmem:v5+s16+$0x0] =	vst.idx.add.s32.msk $0xffff, v3  }
0x59: {  	s28 =	simm.s32 $0x0;
	s0 =	simm.s32 $0xFEF;
	[tilespmem:v7+s16+$0x0] =	vst.idx.add.s32.msk $0xffff, v3  }
0x5a: {  	s1 =	simm.s32 $0x18FF0;
	s2 =	simm.s32 $0x0;
	s15 =	simm.s32 $0x0;
	[tilespmem:v10+s16+$0x0] =	vst.idx.add.s32.msk $0xffff, v3  }
.LBB2_8:
0x5b: {  	v5 =	vld [tilespmem:s1+$0x0];
	_ =	sdelay $0x4  }
0x5c: {  	v6 =	vperm.xlane v5, v4;
	_ =	sdelay $0x1  }
0x5d: {  	(xrf0) =	vadd.scan.msk.s32 $0xffff, v6;
	_ =	sdelay $0x5  }
0x5e: {  	v6, _, _ =	vpop (xrf0)  }
0x5f: {  	v6 =	vadd.s32 s15, v6  }
0x60: {  	vm0 =	vgt.s32 v6, $0x3F  }
0x61: {  	v6 =	vsel vm0, $0x3F800000, v1  }
0x62: {  	(xrf0) =	vmax.scan.msk.f32 $0xffff, v6;
	v6 =	vsel vm0, $0x1, v2  }
0x63: {  	(xrf0) =	vadd.scan.msk.s32 $0xffff, v6;
	_ =	sdelay $0x4  }
0x64: {  	(xrf0) =	vadd.scan.msk.s32 $0xffff, v5;
	v5, _, _ =	vpop (xrf0)  }
0x65: {  	v6, _, _ =	vpop (xrf0);
	(v2sf) =	vpush v5, $0xF  }
0x66: {  	(v2sf) =	vpush v6, $0xF;
	_ =	sdelay $0x5  }
0x67: {  	v5, _, _ =	vpop (xrf0)  }
0x68: {  	(v2sf) =	vpush v5, $0xF;
	_ =	sdelay $0x6  }
0x69: {  	s3 =	spop (v2sf)  }
0x6a: {  	p1 =	sgt.u32 s28, $0xFE;
	s29 =	spop (v2sf)  }
0x6b: {  	p0 =	sgt.f32 s3, $0.0e+00;
	p2 =	sgt.f32 @!p1 s3, $0.0e+00  }
0x6c: {  	s29 =	sadd.s32 s0, s29  }
0x6d: {  	s2 =	smov.u32 @p0 s29;
	p0 =	por p1, p2  }
.Ltmp5:
0x6e: {  	_ = 	snop;
	(pc) =	sbr.rel @!p0 .LBB2_8-.Ltmp5, $3  }
0x6f: {  	_ =	sdelay $0x1  }
0x70: {  	s28 =	sadd.s32 $0x1, s28;
	s31 =	spop (v2sf)  }
0x71: {  	s1 =	sadd.s32 $0xFFFFFFF0, s1;
	s0 =	sadd.s32 $0xFFFFFFF0, s0;
	s15 =	sadd.s32 s15, s31  }
0x72: {  	s0 =	sshll.u32 s2, $0x14;
	s1 =	simm.s32 $0x1;
	s31 =	simm.s32 $0x2  }
0x73: {  	s3 =	simm.s32 $0x0;
	s28 =	sxor.u32 $0x80000000, s0;
	s0 =	simm.s32 $0x20;
	v6 =	vmov s1  }
0x74: {  	v7 =	vmov s31;
	v10 =	vmov s3;
	v5 =	vmov s28;
	v9 =	vld [tilespmem:s0+$0x0]  }
0x75: {  	v13 =	vld [tilespmem:s0+$0xFFFFFFF0];
	v7 =	vand.u32 $0xFFFFFFFE, v7;
	v6 =	vand.u32 $0xFFFFFFFD, v6;
	v5 =	vshra.s32 v5, $0x1F  }
0x76: {  	v8 =	vbroadcast v7, $0x0;
	v7 =	vbroadcast v6, $0x0;
	v6 =	vand.u32 $0xFFFFFFFC, v10;
	v10 =	vld [tilespmem:s0+$0x10]  }
0x77: {  	v11 =	vld [tilespmem:s0+$0xFFFFFFE0];
	v5 =	vand.u32 $0x7FFFFFFF, v5  }
0x78: {  	s15 =	simm.s32 $0x3;
	v5 =	vxor.u32 s28, v5  }
0x79: {  	s30 =	simm.s32 $0x8;
	s31 =	simm.s32 $0x5;
	v6 =	vbroadcast v6, $0x0;
	vm1 =	vge.f32 v9, v5;
	v9 =	vmov s15  }
0x7a: {  	s29 =	simm.s32 $0x60;
	s1 =	simm.s32 $0x4;
	s3 =	simm.s32 $0x6;
	v12 =	vmov s31;
	vm0 =	vge.f32 v13, v5;
	v13 =	vmpcnt.ones.xlane vm1  }
.LBB2_10:
0x7b: {  	p0 =	slt.u32 s30, $0x7FC;
	v14 =	vld [tilespmem:s29+$0x0];
	v15 =	vmov s3;
	v16 =	vmpcnt.ones.xlane vm0;
	vm0 =	vge.f32 v10, v5  }
0x7c: {  	s2 =	simm.s32 $0x1B010;
	s0 =	simm.s32 $0x10;
	v17 =	vld [tilespmem:s29+$0xFFFFFFF0];
	v10 =	vand.u32 $0xFFFFFFFE, v15;
	vm1 =	vge.f32 v11, v5;
	[tilespmem:v8+s17+$0x0] =	vst.idx.msk $0x1, v13;
	v13 =	vmpcnt.ones.xlane vm0  }
.Ltmp6:
0x7d: {  	v12 =	vand.u32 $0xFFFFFFFD, v12;
	v8 =	vbroadcast v10, $0x0;
	v10 =	vld [tilespmem:s29+$0x10];
	v15 =	vmpcnt.ones.xlane vm1;
	[tilespmem:v7+s17+$0x0] =	vst.idx.msk $0x1, v16;
	(pc) =	sbr.rel @p0 .LBB2_10-.Ltmp6, $4  }
0x7e: {  	v16 =	vmov s1;
	v7 =	vbroadcast v12, $0x0;
	v11 =	vld [tilespmem:s29+$0xFFFFFFE0];
	[tilespmem:v9+s17+$0x0] =	vst.idx.msk $0x1, v13  }
0x7f: {  	s3 =	sadd.s32 $0x3, s1;
	s1 =	smov.u32 s30;
	v9 =	vand.u32 $0xFFFFFFFC, v16;
	[tilespmem:v6+s17+$0x0] =	vst.idx.msk $0x1, v15  }
0x80: {  	s15 =	sadd.s32 $0x1, s30;
	v6 =	vbroadcast v9, $0x0;
	v9 =	vmov s3;
	vm1 =	vge.f32 v14, v5  }
0x81: {  	v12 =	vmov s15;
	s30 =	sadd.s32 $0x4, s30;
	s29 =	sadd.s32 $0x40, s29;
	s3 =	sadd.s32 $0x2, s1;
	vm0 =	vge.f32 v17, v5;
	v13 =	vmpcnt.ones.xlane vm1  }
0x82: {  	_ = 	snop  }
0x83: {  	v14 =	vld [tilespmem:s29+$0x0];
	v15 =	vmov s3;
	v16 =	vmpcnt.ones.xlane vm0  }
0x84: {  	v17 =	vld [tilespmem:s29+$0xFFFFFFF0];
	vm0 =	vge.f32 v10, v5;
	v10 =	vand.u32 $0xFFFFFFFD, v12;
	v15 =	vand.u32 $0xFFFFFFFE, v15  }
0x85: {  	v18 =	vmov s1;
	vm1 =	vge.f32 v11, v5;
	v11 =	vld [tilespmem:s29+$0xFFFFFFE0];
	v12 =	vbroadcast v15, $0x0  }
0x86: {  	v10 =	vbroadcast v10, $0x0;
	[tilespmem:v8+s17+$0x0] =	vst.idx.msk $0x1, v13;
	v18 =	vand.u32 $0xFFFFFFFC, v18;
	v15 =	vld [tilespmem:s29+$0x10]  }
0x87: {  	v8 =	vmpcnt.ones.xlane vm0;
	[tilespmem:v7+s17+$0x0] =	vst.idx.msk $0x1, v16;
	v7 =	vbroadcast v18, $0x0  }
0x88: {  	s15 =	sadd.s32 $0x3, s1;
	v13 =	vmpcnt.ones.xlane vm1;
	vm0 =	vge.f32 v14, v5  }
0x89: {  	[tilespmem:v9+s17+$0x0] =	vst.idx.msk $0x1, v8;
	v14 =	vmov s15;
	vm1 =	vge.f32 v17, v5;
	v8 =	vmpcnt.ones.xlane vm0  }
0x8a: {  	[tilespmem:v6+s17+$0x0] =	vst.idx.msk $0x1, v13;
	v6 =	vmpcnt.ones.xlane vm1;
	vm1 =	vge.f32 v11, v5  }
0x8b: {  	vm0 =	vge.f32 v15, v5;
	v9 =	vmpcnt.ones.xlane vm1;
	[tilespmem:v12+s17+$0x0] =	vst.idx.msk $0x1, v8  }
0x8c: {  	v8 =	vmpcnt.ones.xlane vm0;
	[tilespmem:v10+s17+$0x0] =	vst.idx.msk $0x1, v6  }
0x8d: {  	[tilespmem:v7+s17+$0x0] =	vst.idx.msk $0x1, v9  }
0x8e: {  	[tilespmem:v14+s17+$0x0] =	vst.idx.msk $0x1, v8  }
0x8f: {  	v6 =	vld [tilespmem:s2+$0x0];
	_ =	sdelay $0x1  }
0x90: {  	v7 =	vld [tilespmem:s2+$0xFFFFFFF0];
	_ =	sdelay $0x1  }
0x91: {  	s29 =	simm.s32 $0x1B030  }
0x92: {  	vm0 =	vgt.s32 v6, $0x0;
	v6 =	vld [tilespmem:s29+$0x0];
	_ =	sdelay $0x1  }
0x93: {  	s30 =	simm.s32 $0x1B050;
	v8 =	vld [tilespmem:s29+$0xFFFFFFF0];
	vm1 =	vgt.s32 v7, $0x0;
	v7 =	vsel vm0, $0x1, v2  }
0x94: {  	v10 =	vld [tilespmem:s30+$0x0];
	v9 =	vsel vm1, $0x1, v2;
	(xrf0) =	vadd.scan.msk.s32 $0xffff, v7  }
0x95: {  	v11 =	vld [tilespmem:s30+$0xFFFFFFF0];
	(xrf0) =	vadd.scan.msk.s32 $0xffff, v9  }
0x96: {  	v9 =	vmpcnt.ones.xlane vm1;
	vm3 =	vgt.s32 v6, $0x0  }
0x97: {  	v7 =	vimm.s32 $0x0;
	v6 =	vsel vm3, $0x1, v2  }
0x98: {  	vm2 =	vgt.s32 v8, $0x0;
	vm0 =	vmmov vm0;
	(xrf0) =	vadd.scan.msk.s32 $0xffff, v6;
	v6 =	vadd.s32 v7, v9  }
0x99: {  	vm5 =	vgt.s32 v10, $0x0;
	v12 =	vsel vm2, $0x1, v2;
	v8 =	vmpcnt.ones.xlane vm0  }
0x9a: {  	vm4 =	vgt.s32 v11, $0x0;
	v14 =	vmpcnt.ones.xlane vm2;
	vm1 =	vmmov vm1;
	v9, _, _ =	vpop (xrf0);
	(xrf0) =	vadd.scan.msk.s32 $0xffff, v12  }
0x9b: {  	vm3 =	vmmov vm3;
	v12 =	vadd.s32 v9, v6;
	v9 =	vadd.s32 v6, v8;
	v6, _, _ =	vpop (xrf0)  }
0x9c: {  	vm1 =	vmmov vm1;
	v16 =	vmpcnt.ones.xlane vm3;
	v6 =	vadd.s32 v6, v7  }
0x9d: {  	vm2 =	vmmov vm2;
	vm0 =	vmmov vm0;
	v8 =	vadd.s32 $0xFFFFFFFF, v6  }
0x9e: {  	s1 =	simm.s32 $0x1B070;
	v10 =	vsel vm5, $0x1, v2;
	v11 =	vmpcnt.ones.xlane vm4;
	v6 =	vadd.s32 $0xFFFFFFFF, v12  }
0x9f: {  	s31 =	simm.s32 $0x0;
	v13 =	vld [tilespmem:s1+$0x0];
	(xrf0) =	vadd.scan.msk.s32 $0xffff, v10;
	v10 =	vadd.s32 v9, v14;
	v7 =	vor.u32 s0, v0;
	v12 =	vsel vm4, $0x1, v2;
	v14, _, _ =	vpop (xrf0)  }
0xa0: {  	s2 =	simm.s32 $0x6;
	v15 =	vld [tilespmem:s1+$0xFFFFFFF0];
	(xrf0) =	vadd.scan.msk.s32 $0xffff, v12;
	v12 =	vadd.s32 v14, v10;
	v10 =	vadd.s32 v10, v16;
	v16, _, _ =	vpop (xrf0);
	v14 =	vor.u32 s31, v0  }
.LBB2_12:
0xa1: {  	s2 =	sadd.s32 $0x2, s2  }
0xa2: {  	v16 =	vadd.s32 v16, v9;
	[tilespmem:v8+s18+$0x0] =	vst.idx.msk vm1, v14;
	s0 =	sadd.s32 $0x20, s0;
	v9 =	vmovc v10;
	vm1 =	vmmov vm2;
	vm2 =	vmmov vm4;
	p0 =	slt.u32 s2, $0x7E  }
.Ltmp7:
0xa3: {  	v8 =	vadd.s32 $0xFFFFFFFF, v16;
	[tilespmem:v6+s18+$0x0] =	vst.idx.msk vm0, v7;
	v6 =	vadd.s32 $0xFFFFFFFF, v12;
	vm0 =	vmmov vm3;
	(pc) =	sbr.rel @p0 .LBB2_12-.Ltmp7, $4  }
0xa4: {  	s1 =	sadd.s32 $0x20, s1;
	v7 =	vor.u32 s0, v0;
	vm3 =	vmmov vm5;
	vm5 =	vgt.s32 v13, $0x0  }
0xa5: {  	v14 =	vmpcnt.ones.xlane vm3;
	v13 =	vld [tilespmem:s1+$0x0];
	vm4 =	vgt.s32 v15, $0x0;
	v17 =	vsel vm5, $0x1, v2  }
0xa6: {  	v10 =	vadd.s32 v10, v11;
	s3 =	sadd.s32 $0xFFFFFFF0, s0;
	v15 =	vld [tilespmem:s1+$0xFFFFFFF0];
	v18 =	vsel vm4, $0x1, v2;
	(xrf0) =	vadd.scan.msk.s32 $0xffff, v17;
	v11 =	vmpcnt.ones.xlane vm4;
	v12, _, _ =	vpop (xrf0)  }
0xa7: {  	(xrf0) =	vadd.scan.msk.s32 $0xffff, v18;
	v12 =	vadd.s32 v12, v10;
	v10 =	vadd.s32 v10, v14;
	v16, _, _ =	vpop (xrf0);
	v14 =	vor.u32 s3, v0  }
0xa8: {  	_ =	sdelay $0x1  }
0xa9: {  	vm6 =	vmmov vm5  }
0xaa: {  	v53 =	vmpcnt.ones.xlane vm6;
	vm8 =	vgt.s32 v13, $0x0;
	vm7 =	vgt.s32 v15, $0x0  }
0xab: {  	v11 =	vadd.s32 v10, v11;
	vm13 =	vmmov vm8;
	v15 =	vmpcnt.ones.xlane vm7  }
0xac: {  	v13 =	vadd.s32 v11, v53;
	v17 =	vmpcnt.ones.xlane vm13  }
0xad: {  	v18 =	vsel vm8, $0x1, v2;
	v15 =	vadd.s32 v13, v15  }
0xae: {  	v19 =	vsel vm7, $0x1, v2;
	(xrf0) =	vadd.scan.msk.s32 $0xffff, v18;
	v17 =	vadd.s32 v15, v17  }
0xaf: {  	(xrf0) =	vadd.scan.msk.s32 $0xffff, v19;
	v17 =	vxor.u32 $0x80000000, v17  }
0xb0: {  	(xrf0) =	vmax.scan.msk.u32 $0xffff, v17;
	_ =	sdelay $0x1  }
0xb1: {  	v54, _, _ =	vpop (xrf0)  }
0xb2: {  	v55, _, _ =	vpop (xrf0)  }
0xb3: {  	v56, _, _ =	vpop (xrf0)  }
0xb4: {  	v20, _, _ =	vpop (xrf0)  }
0xb5: {  	v21, _, _ =	vpop (xrf0)  }
0xb6: {  	(v2sf) =	vpush v21, $0xF;
	_ =	sdelay $0xa  }
0xb7: {  	v9 =	vadd.s32 v16, v9;
	vm2 =	vmmov vm2;
	vm4 =	vmmov vm4  }
0xb8: {  	vm3 =	vmmov vm3;
	v12 =	vadd.s32 $0xFFFFFFFF, v12;
	v9 =	vadd.s32 $0xFFFFFFFF, v9  }
0xb9: {  	s0 =	sadd.s32 $0x20, s0;
	vm4 =	vmmov vm4;
	vm6 =	vmmov vm6;
	v11 =	vadd.s32 v54, v11  }
0xba: {  	s1 =	sadd.s32 $0xFFFFFFF0, s0;
	v59 =	vor.u32 s0, v0;
	v57 =	vadd.s32 v55, v10;
	v11 =	vadd.s32 $0xFFFFFFFF, v11  }
0xbb: {  	[tilespmem:v6+s18+$0x0] =	vst.idx.msk vm0, v7;
	v58 =	vor.u32 s1, v0;
	v10 =	vadd.s32 $0xFFFFFFFF, v57;
	v6 =	vadd.s32 v56, v15;
	s31 =	spop (v2sf)  }
0xbc: {  	[tilespmem:v8+s18+$0x0] =	vst.idx.msk vm1, v14;
	s15 =	sadd.s32 $0x20, s0;
	vm7 =	vmmov vm7;
	v13 =	vadd.s32 v20, v13;
	v6 =	vadd.s32 $0xFFFFFFFF, v6;
	s0 =	sxor.u32 $0x80000000, s31  }
0xbd: {  	[tilespmem:v9+s18+$0x0] =	vst.idx.msk vm2, v58;
	v7 =	vadd.s32 $0xFFFFFFFF, v13;
	p0 =	slt.s32 s0, $0x1  }
.Ltmp8:
0xbe: {  	s29 =	sadd.s32 $0xFFFFFFF0, s15;
	v61 =	vor.u32 s15, v0;
	[tilespmem:v12+s18+$0x0] =	vst.idx.msk vm3, v59;
	(pc) =	sbr.rel @p0 .LBB2_14-.Ltmp8, $4  }
0xbf: {  	s2 =	sadd.s32 $0x20, s15;
	v60 =	vor.u32 s29, v0;
	[tilespmem:v11+s18+$0x0] =	vst.idx.msk vm6, v61  }
0xc0: {  	s30 =	sadd.s32 $0xFFFFFFF0, s2;
	v63 =	vor.u32 s2, v0;
	[tilespmem:v10+s18+$0x0] =	vst.idx.msk vm4, v60  }
0xc1: {  	v62 =	vor.u32 s30, v0;
	[tilespmem:v6+s18+$0x0] =	vst.idx.msk vm13, v63  }
0xc2: {  	vm15 =	vmmov vm13;
	vm14 =	vmmov vm7;
	[tilespmem:v7+s18+$0x0] =	vst.idx.msk vm7, v62  }
0xc3: {  	p6 =	seq.s32 s0, $0x1;
	p5 =	por $0x0, $0x0  }
.Ltmp9:
0xc4: {  	s29 =	simm.s32 $0x1B800;
	s1 =	simm.s32 @!p5 $0x0;
	(pc) =	sbr.rel @p6 .LBB2_21-.Ltmp9, $4  }
0xc5: {  	s0 =	sadd.s32 $0xFFFFFFFF, s0;
	s1 =	simm.s32 @p5 $0x1;
	p5 =	por $0x0, $0x0  }
0xc6: {  	p0 =	por $0x0, $0x0;
	[smem:$0x7FC] =	sst s1;
	s1 =	simm.s32 @!p5 $0x0  }
0xc7: {  	p1 =	por $0x0, $0x0;
	p2 =	por $0x0, $0x0;
	s1 =	simm.s32 @p5 $0x1  }
0xc8: {  	v6 =	vimm.s32 $0x0;
	p3 =	por $0x0, $0x0;
	p4 =	por $0x0, $0x0;
	[smem:$0x7FD] =	sst s1  }
0xc9: {  	p6 =	seq.s32 s0, $0x1  }
.Ltmp10:
0xca: {  	_ = 	snop;
	(pc) =	sbr.rel @p6 .LBB2_23-.Ltmp10, $2  }
0xcb: {  	_ =	sdelay $0x2  }
0xcc: {  	s0 =	sadd.s32 $0xFFFFFFFF, s0;
	p0 =	por $0x1, $0x1  }
0xcd: {  	p6 =	seq.s32 s0, $0x1  }
.Ltmp11:
0xce: {  	_ = 	snop;
	(pc) =	sbr.rel @p6 .LBB2_25-.Ltmp11, $2  }
0xcf: {  	_ =	sdelay $0x2  }
0xd0: {  	v13 =	vld [tilespmem:s29+$0x0];
	s0 =	sadd.s32 $0xFFFFFFFF, s0;
	p1 =	por $0x1, $0x1  }
0xd1: {  	p6 =	seq.s32 s0, $0x1  }
.Ltmp12:
0xd2: {  	_ = 	snop;
	(pc) =	sbr.rel @p6 .LBB2_27-.Ltmp12, $3  }
0xd3: {  	_ =	sdelay $0x1  }
0xd4: {  	s31 =	simm.s32 $0x1B801  }
0xd5: {  	s0 =	sadd.s32 $0xFFFFFFFF, s0;
	p2 =	por $0x1, $0x1;
	(v2sf) =	vpush v13, $0x0;
	v13 =	vld [tilespmem:s31+$0x0]  }
0xd6: {  	_ =	sdelay $0x8  }
0xd7: {  	p6 =	seq.s32 s0, $0x1  }
.Ltmp13:
0xd8: {  	_ = 	snop;
	(pc) =	sbr.rel @p6 .LBB2_29-.Ltmp13, $3  }
0xd9: {  	_ =	sdelay $0x1  }
0xda: {  	s31 =	simm.s32 $0x1B802  }
0xdb: {  	s1 =	sadd.s32 $0xFFFFFFFF, s0;
	p3 =	por $0x1, $0x1;
	(v2sf) =	vpush v13, $0x0;
	v13 =	vld [tilespmem:s31+$0x0];
	s0 =	spop (v2sf)  }
0xdc: {  	_ =	sdelay $0x6  }
0xdd: {  	s2 =	sshll.u32 s0, $0x4  }
0xde: {  	v10 =	vld [tilespmem:s2+$0x0]  }
0xdf: {  	p6 =	seq.s32 s1, $0x1  }
.Ltmp14:
0xe0: {  	_ = 	snop;
	(pc) =	sbr.rel @p6 .LBB2_31-.Ltmp14, $3  }
0xe1: {  	_ =	sdelay $0x1  }
0xe2: {  	s31 =	simm.s32 $0x1B803;
	vm1 =	vlt.s32 v6, $0xFE1;
	vm0 =	vge.f32 v10, v5  }
0xe3: {  	p4 =	por $0x1, $0x1;
	v9 =	vor.u32 s2, v0;
	s2 =	sadd.s32 $0xFFFFFFFF, s1;
	(v2sf) =	vpush v13, $0x0;
	v13 =	vld [tilespmem:s31+$0x0];
	vm1 =	vmand vm1, vm0;
	s1 =	spop (v2sf)  }
0xe4: {  	_ =	sdelay $0x6  }
0xe5: {  	s3 =	sshll.u32 s1, $0x4;
	v7 =	vsel vm1, $0x1, v2  }
0xe6: {  	v18 =	vld [tilespmem:s3+$0x0];
	(xrf0) =	vadd.scan.msk.s32 $0xffff, v7  }
0xe7: {  	p6 =	seq.s32 s2, $0x1  }
.Ltmp15:
0xe8: {  	v7 =	vmpcnt.ones.xlane vm1;
	(pc) =	sbr.rel @p6 .LBB2_33-.Ltmp15, $4  }
0xe9: {  	p5 =	por $0x1, $0x1  }
0xea: {  	s15 =	simm.s32 @!p5 $0x0;
	v12 =	vadd.s32 v6, v7  }
0xeb: {  	s31 =	simm.s32 $0x1B804;
	vm4 =	vmmov vm1;
	s15 =	simm.s32 @p5 $0x1;
	vm2 =	vlt.s32 v12, $0xFE1;
	vm0 =	vge.f32 v18, v5  }
0xec: {  	v17 =	vor.u32 s3, v0;
	v21 =	vld [tilespmem:s31+$0x0];
	s3 =	sadd.s32 $0xFFFFFFFF, s2;
	[smem:$0x7FC] =	sst s15;
	(v2sf) =	vpush v13, $0x0;
	vm3 =	vmand vm2, vm0;
	v19, _, _ =	vpop (xrf0);
	s2 =	spop (v2sf)  }
0xed: {  	_ =	sdelay $0x5  }
0xee: {  	v7 =	vsel vm3, $0x1, v2  }
0xef: {  	s15 =	sshll.u32 s2, $0x4;
	(xrf0) =	vadd.scan.msk.s32 $0xffff, v7;
	v7 =	vadd.s32 v19, v6;
	(v2sf) =	vpush v21, $0x0  }
0xf0: {  	v16 =	vld [tilespmem:s15+$0x0];
	v8 =	vadd.s32 $0xFFFFFFFF, v7  }
0xf1: {  	vm0 =	vmmov vm4;
	p6 =	seq.s32 s3, $0x1;
	s31 =	simm.s32 $0x1B805  }
.Ltmp16:
0xf2: {  	v13 =	vld [tilespmem:s31+$0x0];
	v7 =	vmpcnt.ones.xlane vm3;
	(pc) =	sbr.rel @p6 .LBB2_35-.Ltmp16, $4  }
0xf3: {  	p5 =	por $0x1, $0x1  }
0xf4: {  	v14 =	vor.u32 s15, v0;
	s15 =	sadd.s32 $0xFFFFFFFF, s3;
	s3 =	simm.s32 @!p5 $0x0;
	v23 =	vadd.s32 v12, v7  }
0xf5: {  	vm5 =	vmmov vm3;
	v15 =	vmovc v17;
	s3 =	simm.s32 @p5 $0x1;
	vm6 =	vlt.s32 v23, $0xFE1;
	vm2 =	vge.f32 v16, v5;
	[tilespmem:v8+s19+$0x0] =	vst.idx.msk vm4, v10  }
0xf6: {  	v11 =	vmov v18;
	v7 =	vmov v9;
	vm2 =	vmand vm6, vm2;
	v20, _, _ =	vpop (xrf0);
	[smem:$0x7FD] =	sst s3;
	s30 =	spop (v2sf)  }
.LBB2_36:
0xf7: {  	p6 =	seq.s32 s15, $0x1;
	(v2sf) =	vpush v13, $0x0;
	s3 =	sshll.u32 s30, $0x4;
	v13 =	vsel vm2, $0x1, v2;
	v22 =	vmpcnt.ones.xlane vm2;
	[tilespmem:v8+s20+$0x0] =	vst.idx.msk vm0, v7;
	v7 =	vmovc v15;
	v15 =	vmovc v14  }
0xf8: {  	v8 =	vadd.s32 v20, v12;
	v12 =	vmovc v23;
	vm0 =	vmmov vm5;
	v24 =	vld [tilespmem:s3+$0x0];
	v14 =	vor.u32 s3, v0;
	(xrf0) =	vadd.scan.msk.s32 $0xffff, v13  }
0xf9: {  	s31 =	sadd.s32 $0x1, s31;
	vm5 =	vmmov vm2;
	v8 =	vadd.s32 $0xFFFFFFFF, v8;
	v23 =	vadd.s32 v23, v22  }
.Ltmp17:
0xfa: {  	v13 =	vld [tilespmem:s31+$0x0];
	(pc) =	sbr.rel @!p6 .LBB2_36-.Ltmp17, $3  }
0xfb: {  	_ =	sdelay $0x1  }
0xfc: {  	vm6 =	vlt.s32 v23, $0xFE1;
	vm2 =	vge.f32 v24, v5  }
0xfd: {  	s15 =	sadd.s32 $0xFFFFFFFF, s15;
	s30 =	spop (v2sf);
	vm2 =	vmand vm6, vm2;
	v20, _, _ =	vpop (xrf0);
	[tilespmem:v8+s19+$0x0] =	vst.idx.msk vm0, v11;
	v11 =	vmov v16;
	v16 =	vmov v24  }
0xfe: {  	v22 =	vmov v12;
	v12 =	vmov v23  }
.LBB2_38:
0xff: {  	s3 =	sadd.s32 @p1 $0x1, s31;
	s15 =	simm.s32 $0x1B800  }
0x100: {  	(v2sf) =	vpush @p1 v13, $0x0;
	s15 =	smov.u32 @p1 s3  }
0x101: {  	v13 =	vld @p0 [tilespmem:s15+$0x0];
	_ =	sdelay $0x1  }
0x102: {  	s3 =	sshll.u32 @p3 s30, $0x4  }
0x103: {  	v23 =	vld @p3 [tilespmem:s3+$0x0]  }
0x104: {  	v24 =	vmpcnt.ones.xlane @p4 vm2  }
0x105: {  	v13 =	vpsel p0, v13, v21  }
0x106: {  	v21 =	vadd.s32 @p4 v12, v24;
	(v2sf) =	vpush @p0 v13, $0x0  }
0x107: {  	s30 =	spop @p2 (v2sf);
	v13 =	vpsel p4, v21, v6  }
0x108: {  	s15 =	sadd.s32 @p0 $0x1, s15;
	s2 =	smov.u32 @p2 s30;
	vm6 =	vge.f32 @p3 v23, v5;
	vm7 =	vlt.s32 @p3 v13, $0xFE1  }
0x109: {  	s29 =	smov.u32 @p0 s15;
	s15 =	sshll.u32 @p2 s2, $0x4;
	vm6 =	vmand @p3 vm7, vm6  }
0x10a: {  	v24 =	vld @p2 [tilespmem:s15+$0x0];
	vm3 =	vmmov @p3 vm6  }
0x10b: {  	v25 =	vmpcnt.ones.xlane @p3 vm3  }
0x10c: {  	v58 =	vld [tilespmem:s29+$0x0]  }
0x10d: {  	v25 =	vadd.s32 @p3 v13, v25  }
0x10e: {  	s29 =	sld [smem:$0x7FC];
	v25 =	vpsel p3, v25, v6;
	s2 =	spop @p1 (v2sf)  }
0x10f: {  	vm6 =	vge.f32 @p2 v24, v5;
	vm7 =	vlt.s32 @p2 v25, $0xFE1;
	s1 =	smov.u32 @p1 s2  }
0x110: {  	v21 =	vsel @p4 vm2, $0x1, v2;
	vm6 =	vmand @p2 vm7, vm6;
	s2 =	sshll.u32 @p1 s1, $0x4  }
0x111: {  	v26 =	vor.u32 @p3 s3, v0;
	p6 =	seq.s32 s29, $0x1;
	(v2sf) =	vpush v58, $0x0;
	(xrf0) =	vadd.scan.msk.s32 @p4 $0xffff, v21;
	vm1 =	vmmov @p2 vm6;
	v21 =	vld @p1 [tilespmem:s2+$0x0]  }
0x112: {  	v17 =	vpsel p3, v26, v17;
	v20 =	vadd.s32 @p6 v20, v22;
	v22 =	vmpcnt.ones.xlane @p2 vm1  }
0x113: {  	v14 =	vpsel p4, v14, v9;
	v16 =	vpsel p4, v16, v10;
	v17 =	vpsel p3, v17, v0  }
0x114: {  	v14 =	vpsel p4, v14, v0;
	v17 =	vpsel p3, v17, v0;
	v22 =	vadd.s32 @p2 v25, v22  }
0x115: {  	v12 =	vpsel p4, v12, v6;
	v18 =	vpsel p3, v23, v18;
	v22 =	vpsel p2, v22, v6;
	s1 =	spop @p0 (v2sf)  }
0x116: {  	vm5 =	vmmov @p6 vm5;
	vm6 =	vge.f32 @p1 v21, v5;
	vm8 =	vlt.s32 @p1 v22, $0xFE1;
	s0 =	smov.u32 @p0 s1  }
0x117: {  	v15 =	vpsel p6, v15, v0;
	v26 =	vsel @p3 vm3, $0x1, v2;
	vm6 =	vmand @p1 vm8, vm6;
	s1 =	sshll.u32 @p0 s0, $0x4  }
0x118: {  	v20 =	vadd.s32 @p6 $0xFFFFFFFF, v20;
	v23 =	vor.u32 @p2 s15, v0;
	v28, _, _ =	vpop @p4 (xrf0);
	(xrf0) =	vadd.scan.msk.s32 @p3 $0xffff, v26;
	vm6 =	vmmov @p1 vm6;
	v26 =	vld @p0 [tilespmem:s1+$0x0]  }
0x119: {  	v59 =	vpsel p2, v23, v9;
	v19 =	vpsel p4, v28, v19;
	v28 =	vmpcnt.ones.xlane @p1 vm6  }
0x11a: {  	v18 =	vpsel p3, v18, v0;
	v27 =	vpsel p6, v20, v0;
	v9 =	vpsel p2, v59, v0  }
0x11b: {  	s31 =	sld [smem:$0x7FD];
	v9 =	vpsel p2, v9, v0;
	v12 =	vadd.s32 @p4 v19, v12;
	v19 =	vadd.s32 @p1 v22, v28  }
0x11c: {  	v60 =	vpsel p2, v24, v10;
	vm7 =	vmmov @p4 vm2;
	v19 =	vpsel p1, v19, v6  }
0x11d: {  	vm4 =	vmmov @p4 vm7;
	vm9 =	vlt.s32 @p0 v19, $0xFE1;
	vm7 =	vge.f32 @p0 v26, v5  }
0x11e: {  	p5 =	seq.s32 s31, $0x1;
	vm2 =	vmmov @p6 vm5;
	v12 =	vadd.s32 @p4 $0xFFFFFFFF, v12;
	vm7 =	vmand @p0 vm9, vm7  }
0x11f: {  	[tilespmem:v8+s20+$0x0] =	vst.idx.msk @p5 vm0, v7;
	v24 =	vor.u32 @p1 s2, v0;
	v23 =	vsel @p2 vm1, $0x1, v2;
	vm7 =	vmmov @p0 vm7  }
0x120: {  	vm4 =	vmmov @p4 vm4;
	v24 =	vpsel p1, v24, v0;
	s30 =	spop (v2sf);
	v28, _, _ =	vpop @p3 (xrf0);
	(xrf0) =	vadd.scan.msk.s32 @p2 $0xffff, v23;
	v23 =	vmpcnt.ones.xlane @p0 vm7  }
0x121: {  	v13 =	vpsel p3, v13, v0;
	v10 =	vpsel p2, v60, v0;
	v29 =	vpsel p4, v12, v0;
	v7 =	vmovc @p1 v24;
	s0 =	sshll.u32 s30, $0x4  }
0x122: {  	v7 =	vpsel p1, v7, v0;
	vm8 =	vmmov @p3 vm3;
	v30 =	vld [tilespmem:s0+$0x0];
	v23 =	vadd.s32 @p0 v19, v23  }
0x123: {  	[tilespmem:v20+s19+$0x0] =	vst.idx.msk @p6 vm5, v11;
	vm3 =	vmmov @p4 vm4;
	v6 =	vpsel p0, v23, v6;
	v23 =	vsel @p1 vm6, $0x1, v2  }
0x124: {  	v7 =	vpsel p1, v7, v0;
	v21 =	vpsel p1, v21, v0;
	v8 =	vmovc @p1 v22;
	(xrf0) =	vadd.scan.msk.s32 @p1 $0xffff, v23  }
0x125: {  	vm11 =	vmmov @p2 vm1;
	[tilespmem:v27+s20+$0x0] =	vst.idx.msk @p6 vm2, v15;
	v8 =	vpsel p1, v8, v0;
	v15 =	vmovc @p1 v21;
	vm8 =	vmmov @p3 vm8  }
0x126: {  	[tilespmem:v12+s19+$0x0] =	vst.idx.msk @p4 vm4, v16;
	v15 =	vpsel p1, v15, v0;
	vm8 =	vmmov @p3 vm8;
	v28 =	vpsel p3, v28, v0  }
0x127: {  	v13 =	vadd.s32 @p3 v28, v13;
	vm9 =	vge.f32 v30, v5;
	v5 =	vmovc @p2 v25;
	v28 =	vsel @p0 vm7, $0x1, v2  }
0x128: {  	v13 =	vadd.s32 @p3 $0xFFFFFFFF, v13;
	v5 =	vpsel p2, v5, v0;
	vm10 =	vlt.s32 v6, $0xFE1;
	v23, _, _ =	vpop @p2 (xrf0);
	(xrf0) =	vadd.scan.msk.s32 @p0 $0xffff, v28  }
0x129: {  	[tilespmem:v29+s20+$0x0] =	vst.idx.msk @p4 vm3, v14;
	v25 =	vpsel p3, v13, v0;
	vm3 =	vmmov @p0 vm7;
	vm14 =	vmand vm10, vm9  }
0x12a: {  	vm3 =	vmmov @p0 vm3;
	vm6 =	vmmov @p1 vm6;
	v61 =	vsel vm14, $0x1, v2;
	v11, _, _ =	vpop @p1 (xrf0)  }
0x12b: {  	vm10 =	vmmov @p2 vm11;
	v23 =	vpsel p2, v23, v0;
	(xrf0) =	vadd.scan.msk.s32 $0xffff, v61;
	v11 =	vpsel p1, v11, v0  }
0x12c: {  	v14 =	vmovc @p0 v19;
	vm2 =	vmmov @p1 vm6;
	vm10 =	vmmov @p2 vm10;
	v5 =	vadd.s32 @p2 v23, v5  }
0x12d: {  	[tilespmem:v13+s19+$0x0] =	vst.idx.msk @p3 vm8, v18;
	v13 =	vpsel p0, v14, v0;
	vm9 =	vmmov @p3 vm8;
	v5 =	vadd.s32 @p2 $0xFFFFFFFF, v5  }
0x12e: {  	vm2 =	vmmov @p1 vm2;
	vm0 =	vmmov @p2 vm10;
	v8 =	vadd.s32 @p1 v11, v8;
	v11, _, _ =	vpop @p0 (xrf0)  }
0x12f: {  	vm4 =	vmmov @p1 vm2;
	v20 =	vpsel p2, v5, v0;
	v11 =	vpsel p0, v11, v0  }
0x130: {  	vm15 =	vmmov vm14;
	v8 =	vadd.s32 @p1 $0xFFFFFFFF, v8;
	v11 =	vadd.s32 @p0 v11, v13  }
0x131: {  	vm3 =	vmmov @p0 vm3;
	vm5 =	vmmov vm15;
	v14 =	vpsel p1, v8, v0;
	v62, _, _ =	vpop (xrf0)  }
0x132: {  	v23 =	vor.u32 @p0 s1, v0;
	[tilespmem:v5+s19+$0x0] =	vst.idx.msk @p2 vm10, v10;
	v5 =	vadd.s32 @p0 $0xFFFFFFFF, v11;
	v10 =	vadd.s32 v62, v6  }
0x133: {  	vm6 =	vmmov @p0 vm3;
	v12 =	vpsel p0, v23, v0;
	[tilespmem:v25+s20+$0x0] =	vst.idx.msk @p3 vm9, v17;
	v10 =	vadd.s32 $0xFFFFFFFF, v10;
	v11 =	vmovc @p0 v26  }
0x134: {  	[tilespmem:v20+s20+$0x0] =	vst.idx.msk @p2 vm0, v9;
	v13 =	vpsel p0, v5, v0;
	v11 =	vpsel p0, v11, v0  }
0x135: {  	v9 =	vmov @p0 v12;
	[tilespmem:v8+s19+$0x0] =	vst.idx.msk @p1 vm2, v15;
	v8 =	vmov @p0 v11  }
0x136: {  	v9 =	vpsel p0, v9, v0;
	[tilespmem:v14+s20+$0x0] =	vst.idx.msk @p1 vm4, v7;
	v8 =	vpsel p0, v8, v0  }
0x137: {  	v7 =	vmov @p0 v9;
	[tilespmem:v5+s19+$0x0] =	vst.idx.msk @p0 vm3, v8  }
0x138: {  	v5 =	vpsel p0, v7, v0;
	v7 =	vmpcnt.ones.xlane vm14;
	[tilespmem:v10+s19+$0x0] =	vst.idx.msk vm5, v30  }
0x139: {  	v63 =	vor.u32 s0, v0;
	[tilespmem:v13+s20+$0x0] =	vst.idx.msk @p0 vm6, v5  }
0x13a: {  	[tilespmem:v10+s20+$0x0] =	vst.idx.msk vm5, v63;
	v5 =	vadd.s32 v6, v7  }
.Ltmp18:
0x13b: {  	(pc) =	sbr.rel .LBB2_16-.Ltmp18, $2  }
0x13c: {  	_ =	sdelay $0x2  }
0x13d: {  	v5 =	vxor.u32 $0x80000000, v5  }
.LBB2_14:
0x13e: {  	v5 =	vimm.s32 $0x80000000  }
.LBB2_16:
0x13f: {  	(xrf0) =	vmax.scan.msk.u32 $0xffff, v5;
	_ =	sdelay $0x5  }
0x140: {  	v5, _, _ =	vpop (xrf0)  }
0x141: {  	(v2sf) =	vpush v5, $0xF;
	_ =	sdelay $0xe  }
0x142: {  	s0 =	spop (v2sf)  }
.Ltmp19:
0x143: {  	s30 =	sadd.s32 $0x8000000F, s0;
	(pc) =	sbr.rel .LBB2_17-.Ltmp19, $4  }
0x144: {  	s1 =	sshra.s32 s30, $0x1F  }
0x145: {  	s1 =	sshrl.u32 s1, $0x1C  }
0x146: {  	s0 =	sxor.u32 $0x80000000, s0;
	s1 =	sadd.s32 s1, s30  }
0x147: {  	v6 =	vmov s0;
	s0 =	simm.s32 $0x0;
	p0 =	slt.s32 s30, $0x10;
	s29 =	sshra.s32 s1, $0x4  }
.LBB2_19:
0x148: {  	s15 =	simm.s32 $0x0  }
.LBB2_43:
0x149: {  	s3 =	sadd.s32 @p1 $0x10, s15  }
0x14a: {  	v8 =	vand.u32 $0x7FFFFFFF, v8;
	s2 =	smov.u32 @p1 s3  }
0x14b: {  	v8 =	vxor.u32 v10, v8;
	v9 =	vor.u32 s2, v0  }
0x14c: {  	vm0 =	vge.s32 v8, v7;
	vm1 =	vlt.s32 v9, v6  }
0x14d: {  	vm0 =	vmand vm1, vm0  }
0x14e: {  	v7 =	vsel vm0, $0x1, v2  }
0x14f: {  	v5 =	vadd.s32 v7, v5  }
.LBB2_44:
0x150: {  	(xrf0) =	vadd.scan.msk.s32 $0xffff, v5;
	_ =	sdelay $0x5  }
0x151: {  	v5, _, _ =	vpop (xrf0)  }
0x152: {  	(v2sf) =	vpush v5, $0xF;
	_ =	sdelay $0xa  }
0x153: {  	s0 =	sadd.s32 $0x1, s0  }
0x154: {  	p2 =	seq.s32 s0, $0x14  }
.Ltmp20:
0x155: {  	_ = 	snop;
	(pc) =	sbr.rel @p2 .LBB2_45-.Ltmp20, $4  }
0x156: {  	_ = 	snop  }
0x157: {  	s2 =	spop (v2sf)  }
0x158: {  	p1 =	sgt.s32 s2, $0x3F  }
0x159: {  	s28 =	smov.u32 @p1 s1  }
.LBB2_17:
.Ltmp21:
0x15a: {  	(pc) =	sbr.rel @p0 .LBB2_44-.Ltmp21, $3  }
0x15b: {  	_ =	sdelay $0x1  }
0x15c: {  	s1 =	sshrl.u32 s21, s0  }
0x15d: {  	v5 =	vimm.s32 $0x0;
	s1 =	sadd.s32 s1, s28  }
0x15e: {  	s3 =	simm.s32 $0x19000  }
0x15f: {  	p2 =	seq.s32 s29, $0x1;
	v10 =	vld [tilespmem:s3+$0x0]  }
.Ltmp22:
0x160: {  	_ = 	snop;
	(pc) =	sbr.rel @p2 .LBB2_19-.Ltmp22, $3  }
0x161: {  	_ =	sdelay $0x1  }
0x162: {  	s2 =	simm.s32 $0x0  }
0x163: {  	v7 =	vmov s1;
	v5 =	vimm.s32 $0x0;
	s15 =	simm.s32 $0x19010;
	p1 =	por $0x0, $0x0;
	s3 =	sadd.s32 $0xFFFFFFFF, s29;
	v8 =	vshra.s32 v10, $0x1F  }
0x164: {  	v9 =	vld [tilespmem:s15+$0x0];
	v8 =	vand.u32 $0x7FFFFFFF, v8;
	p2 =	seq.s32 s3, $0x1  }
.Ltmp23:
0x165: {  	v8 =	vxor.u32 v10, v8;
	v10 =	vor.u32 s2, v0;
	(pc) =	sbr.rel @p2 .LBB2_40-.Ltmp23, $4  }
0x166: {  	vm0 =	vge.s32 v8, v7;
	vm1 =	vlt.s32 v10, v6  }
0x167: {  	vm0 =	vmand vm1, vm0  }
0x168: {  	s31 =	sadd.s32 $0xFFFFFFFF, s3;
	v10 =	vsel vm0, $0x1, v2  }
0x169: {  	s3 =	simm.s32 $0x19020;
	p1 =	por $0x1, $0x1;
	s15 =	simm.s32 $0x0;
	v8 =	vshra.s32 v9, $0x1F;
	v5 =	vadd.s32 v10, v5  }
.LBB2_41:
0x16a: {  	v10 =	vld [tilespmem:s3+$0x0];
	p2 =	seq.s32 s31, $0x1;
	s31 =	sadd.s32 $0xFFFFFFFF, s31;
	v8 =	vand.u32 $0x7FFFFFFF, v8;
	s15 =	sadd.s32 $0x10, s15  }
.Ltmp24:
0x16b: {  	v8 =	vxor.u32 v9, v8;
	v9 =	vor.u32 s15, v0;
	(pc) =	sbr.rel @!p2 .LBB2_41-.Ltmp24, $4  }
0x16c: {  	vm0 =	vge.s32 v8, v7;
	vm1 =	vlt.s32 v9, v6  }
0x16d: {  	vm0 =	vmand vm1, vm0  }
0x16e: {  	v11 =	vsel vm0, $0x1, v2  }
0x16f: {  	s3 =	sadd.s32 $0x10, s3;
	v8 =	vshra.s32 v10, $0x1F;
	v5 =	vadd.s32 v11, v5;
	v9 =	vmov v10  }
.Ltmp25:
0x170: {  	(pc) =	sbr.rel .LBB2_43-.Ltmp25, $2  }
0x171: {  	_ =	sdelay $0x2  }
0x172: {  	v10 =	vmov v9  }
.LBB2_40:
.Ltmp26:
0x173: {  	(pc) =	sbr.rel .LBB2_43-.Ltmp26, $2  }
0x174: {  	_ =	sdelay $0x2  }
0x175: {  	s15 =	simm.s32 $0x0;
	v10 =	vmov v9  }
.LBB2_45:
.Ltmp27:
0x176: {  	(pc) =	sbr.rel @p0 .LBB2_52-.Ltmp27, $4  }
0x177: {  	v5 =	vmov s28  }
0x178: {  	v5 =	vshra.s32 v5, $0x1F  }
0x179: {  	v5 =	vand.u32 $0x7FFFFFFF, v5  }
0x17a: {  	v5 =	vxor.u32 s28, v5  }
0x17b: {  	p1 =	sne.s32 s29, $0x1  }
.Ltmp28:
0x17c: {  	_ = 	snop;
	(pc) =	sbr.rel @!p1 .LBB2_47-.Ltmp28, $3  }
0x17d: {  	_ =	sdelay $0x1  }
0x17e: {  	s2 =	simm.s32 $0x19000;
	s0 =	simm.s32 $0x1A000  }
0x17f: {  	s1 =	simm.s32 $0x0;
	p0 =	por $0x0, $0x0;
	v7 =	vld [tilespmem:s2+$0x0];
	s2 =	sadd.s32 $0xFFFFFFFF, s29  }
0x180: {  	_ =	sdelay $0x2  }
0x181: {  	v8 =	vld [tilespmem:s0+$0x0];
	v9 =	vor.u32 s1, v0  }
0x182: {  	vm1 =	vlt.s32 v9, v6;
	vm0 =	vge.f32 v7, v5  }
0x183: {  	vm0 =	vmand vm1, vm0;
	_ =	sdelay $0x1  }
0x184: {  	p1 =	sne.s32 s2, $0x1  }
.Ltmp29:
0x185: {  	_ = 	snop;
	(pc) =	sbr.rel @!p1 .LBB2_49-.Ltmp29, $3  }
0x186: {  	_ =	sdelay $0x1  }
0x187: {  	s28 =	simm.s32 $0x19010;
	s31 =	sadd.s32 $0xFFFFFFFF, s2;
	[tilespmem:v8+s22+$0x0] =	vst.idx.msk vm0, v7  }
0x188: {  	p0 =	por $0x1, $0x1;
	s2 =	simm.s32 $0x1A000;
	s15 =	simm.s32 $0x0;
	v7 =	vld [tilespmem:s28+$0x0]  }
.LBB2_50:
0x189: {  	p1 =	sne.s32 s31, $0x1;
	_ =	sdelay $0x1  }
0x18a: {  	s2 =	sadd.s32 $0x10, s2;
	s15 =	sadd.s32 $0x10, s15  }
0x18b: {  	v9 =	vor.u32 s15, v0;
	v8 =	vld [tilespmem:s2+$0x0]  }
0x18c: {  	vm1 =	vlt.s32 v9, v6;
	vm0 =	vge.f32 v7, v5  }
0x18d: {  	vm0 =	vmand vm1, vm0;
	_ =	sdelay $0x2  }
.Ltmp30:
0x18e: {  	(pc) =	sbr.rel @p1 .LBB2_50-.Ltmp30, $3  }
0x18f: {  	_ =	sdelay $0x1  }
0x190: {  	s28 =	sadd.s32 $0x10, s28;
	[tilespmem:v8+s22+$0x0] =	vst.idx.msk vm0, v7  }
0x191: {  	s31 =	sadd.s32 $0xFFFFFFFF, s31;
	v7 =	vld [tilespmem:s28+$0x0]  }
.LBB2_51:
0x192: {  	_ = 	snop  }
0x193: {  	s2 =	sadd.s32 @p0 $0x10, s2;
	s3 =	sadd.s32 @p0 $0x10, s15  }
0x194: {  	s0 =	smov.u32 @p0 s2;
	s1 =	smov.u32 @p0 s3  }
0x195: {  	v8 =	vld [tilespmem:s0+$0x0];
	v9 =	vor.u32 s1, v0  }
0x196: {  	vm1 =	vlt.s32 v9, v6;
	vm0 =	vge.f32 v7, v5  }
0x197: {  	vm0 =	vmand vm1, vm0;
	_ =	sdelay $0x5  }
0x198: {  	[tilespmem:v8+s22+$0x0] =	vst.idx.msk vm0, v7  }
.LBB2_52:
0x199: {  	[hbm4b:s5+s12] =	stream.strided.scatter [tilespmem:s22], [sflag:$0x3], $0x8000, s13, s12, $0x38;
	[tilespmem:$0x1C080] =	vst v63  }
0x19a: {  	_ =	swait.ge [sflag:s23], $0x8000  }
0x19b: {  	s0 =	simm.s32 $0x0;
	s1 =	simm.s32 $0x8020;
	[sflag:s23] =	ssyncset.done $0x0  }
0x19c: {  	s2 =	simm.s32 $0x1;
	s3 =	simm.s32 $0x2;
	[sflag:s23] =	ssyncadd.s32 $0xFFFF8000  }
0x19d: {  	[tilespmem:s0], [sflag:$0x1] =	stream.strided.gather [hbm4b:s6+s12], $0x8000, s13, s12, $0x38;
	[tilespmem:$0x1C080] =	vst v63  }
0x19e: {  	v7 =	vmov s2;
	v8 =	vmov s3;
	v10 =	vld [tilespmem:s1+$0x0]  }
0x19f: {  	v11 =	vmov s0;
	v8 =	vand.u32 $0xFFFFFFFE, v8;
	v7 =	vand.u32 $0xFFFFFFFD, v7;
	v14 =	vld [tilespmem:s1+$0xFFFFFFF0]  }
0x1a0: {  	v9 =	vbroadcast v8, $0x0;
	v8 =	vbroadcast v7, $0x0;
	v7 =	vand.u32 $0xFFFFFFFC, v11;
	v11 =	vld [tilespmem:s1+$0x10]  }
0x1a1: {  	v5 =	vadd.f32 $-2.500000000e-01, v5;
	v12 =	vld [tilespmem:s1+$0xFFFFFFE0]  }
0x1a2: {  	s28 =	simm.s32 $0x3  }
0x1a3: {  	s31 =	simm.s32 $0x5;
	s3 =	simm.s32 $0x6;
	v7 =	vbroadcast v7, $0x0;
	vm1 =	vge.f32 v10, v5;
	v10 =	vmov s28  }
0x1a4: {  	v13 =	vmov s31;
	s2 =	simm.s32 $0x8;
	s0 =	simm.s32 $0x4;
	s1 =	simm.s32 $0x8060;
	vm0 =	vge.f32 v14, v5;
	v14 =	vmpcnt.ones.xlane vm1  }
.LBB2_53:
0x1a5: {  	p0 =	slt.u32 s2, $0x7FC;
	v15 =	vld [tilespmem:s1+$0x0];
	v16 =	vmov s3;
	v17 =	vmpcnt.ones.xlane vm0;
	vm0 =	vge.f32 v11, v5  }
0x1a6: {  	v18 =	vld [tilespmem:s1+$0xFFFFFFF0];
	v11 =	vand.u32 $0xFFFFFFFE, v16;
	vm1 =	vge.f32 v12, v5;
	[tilespmem:v9+s17+$0x0] =	vst.idx.msk $0x1, v14;
	v14 =	vmpcnt.ones.xlane vm0  }
.Ltmp31:
0x1a7: {  	v13 =	vand.u32 $0xFFFFFFFD, v13;
	v9 =	vbroadcast v11, $0x0;
	v11 =	vld [tilespmem:s1+$0x10];
	v16 =	vmpcnt.ones.xlane vm1;
	[tilespmem:v8+s17+$0x0] =	vst.idx.msk $0x1, v17;
	(pc) =	sbr.rel @p0 .LBB2_53-.Ltmp31, $4  }
0x1a8: {  	v17 =	vmov s0;
	v8 =	vbroadcast v13, $0x0;
	v12 =	vld [tilespmem:s1+$0xFFFFFFE0];
	[tilespmem:v10+s17+$0x0] =	vst.idx.msk $0x1, v14  }
0x1a9: {  	s3 =	sadd.s32 $0x3, s0;
	s0 =	smov.u32 s2;
	v10 =	vand.u32 $0xFFFFFFFC, v17;
	[tilespmem:v7+s17+$0x0] =	vst.idx.msk $0x1, v16  }
0x1aa: {  	s15 =	sadd.s32 $0x1, s2;
	v7 =	vbroadcast v10, $0x0;
	v10 =	vmov s3;
	vm1 =	vge.f32 v15, v5  }
0x1ab: {  	v13 =	vmov s15;
	s2 =	sadd.s32 $0x4, s2;
	s1 =	sadd.s32 $0x40, s1;
	s3 =	sadd.s32 $0x2, s0;
	vm0 =	vge.f32 v18, v5;
	v14 =	vmpcnt.ones.xlane vm1  }
0x1ac: {  	_ = 	snop  }
0x1ad: {  	v15 =	vld [tilespmem:s1+$0x0];
	v16 =	vmov s3;
	v17 =	vmpcnt.ones.xlane vm0  }
0x1ae: {  	v18 =	vld [tilespmem:s1+$0xFFFFFFF0];
	vm0 =	vge.f32 v11, v5;
	v11 =	vand.u32 $0xFFFFFFFD, v13;
	v16 =	vand.u32 $0xFFFFFFFE, v16  }
0x1af: {  	v19 =	vmov s0;
	vm1 =	vge.f32 v12, v5;
	v12 =	vld [tilespmem:s1+$0xFFFFFFE0];
	v13 =	vbroadcast v16, $0x0  }
0x1b0: {  	v11 =	vbroadcast v11, $0x0;
	[tilespmem:v9+s17+$0x0] =	vst.idx.msk $0x1, v14;
	v19 =	vand.u32 $0xFFFFFFFC, v19;
	v16 =	vld [tilespmem:s1+$0x10]  }
0x1b1: {  	v9 =	vmpcnt.ones.xlane vm0;
	[tilespmem:v8+s17+$0x0] =	vst.idx.msk $0x1, v17;
	v8 =	vbroadcast v19, $0x0  }
0x1b2: {  	s2 =	sadd.s32 $0x3, s0;
	v14 =	vmpcnt.ones.xlane vm1;
	vm0 =	vge.f32 v15, v5  }
0x1b3: {  	[tilespmem:v10+s17+$0x0] =	vst.idx.msk $0x1, v9;
	v15 =	vmov s2;
	vm1 =	vge.f32 v18, v5;
	v9 =	vmpcnt.ones.xlane vm0  }
0x1b4: {  	[tilespmem:v7+s17+$0x0] =	vst.idx.msk $0x1, v14;
	v7 =	vmpcnt.ones.xlane vm1;
	vm1 =	vge.f32 v12, v5  }
0x1b5: {  	vm0 =	vge.f32 v16, v5;
	v10 =	vmpcnt.ones.xlane vm1;
	[tilespmem:v13+s17+$0x0] =	vst.idx.msk $0x1, v9  }
0x1b6: {  	v9 =	vmpcnt.ones.xlane vm0;
	[tilespmem:v11+s17+$0x0] =	vst.idx.msk $0x1, v7  }
0x1b7: {  	[tilespmem:v8+s17+$0x0] =	vst.idx.msk $0x1, v10  }
0x1b8: {  	s3 =	simm.s32 $0x1B010;
	[tilespmem:v15+s17+$0x0] =	vst.idx.msk $0x1, v9  }
0x1b9: {  	v7 =	vld [tilespmem:s3+$0x0];
	_ =	sdelay $0x1  }
0x1ba: {  	v8 =	vld [tilespmem:s3+$0xFFFFFFF0];
	_ =	sdelay $0x1  }
0x1bb: {  	s15 =	simm.s32 $0x1B030  }
0x1bc: {  	vm0 =	vgt.s32 v7, $0x0;
	v7 =	vld [tilespmem:s15+$0x0];
	_ =	sdelay $0x1  }
0x1bd: {  	s28 =	simm.s32 $0x1B050;
	v9 =	vld [tilespmem:s15+$0xFFFFFFF0];
	vm1 =	vgt.s32 v8, $0x0;
	v8 =	vsel vm0, $0x1, v2  }
0x1be: {  	v11 =	vld [tilespmem:s28+$0x0];
	v10 =	vsel vm1, $0x1, v2;
	(xrf0) =	vadd.scan.msk.s32 $0xffff, v8  }
0x1bf: {  	(xrf0) =	vadd.scan.msk.s32 $0xffff, v10  }
0x1c0: {  	v10 =	vmpcnt.ones.xlane vm1;
	vm3 =	vgt.s32 v7, $0x0  }
0x1c1: {  	v8 =	vimm.s32 $0x0;
	v7 =	vsel vm3, $0x1, v2  }
0x1c2: {  	v12 =	vld [tilespmem:s28+$0xFFFFFFF0];
	vm2 =	vgt.s32 v9, $0x0;
	vm4 =	vmmov vm0;
	(xrf0) =	vadd.scan.msk.s32 $0xffff, v7;
	v7 =	vadd.s32 v8, v10  }
0x1c3: {  	vm5 =	vgt.s32 v11, $0x0;
	v13 =	vsel vm2, $0x1, v2;
	v9 =	vmpcnt.ones.xlane vm4  }
0x1c4: {  	vm0 =	vmmov vm1;
	v15 =	vmpcnt.ones.xlane vm2;
	vm2 =	vmmov vm2;
	v10, _, _ =	vpop (xrf0);
	(xrf0) =	vadd.scan.msk.s32 $0xffff, v13  }
0x1c5: {  	vm3 =	vmmov vm3;
	v13 =	vadd.s32 v10, v7;
	v10 =	vadd.s32 v7, v9;
	v7, _, _ =	vpop (xrf0)  }
0x1c6: {  	vm0 =	vmmov vm0;
	v17 =	vmpcnt.ones.xlane vm3;
	v7 =	vadd.s32 v7, v8  }
0x1c7: {  	vm1 =	vmmov vm4;
	vm4 =	vgt.s32 v12, $0x0;
	v9 =	vadd.s32 $0xFFFFFFFF, v7  }
0x1c8: {  	s0 =	simm.s32 $0x10;
	s1 =	simm.s32 $0x1B070;
	v11 =	vsel vm5, $0x1, v2;
	v12 =	vmpcnt.ones.xlane vm4;
	v7 =	vadd.s32 $0xFFFFFFFF, v13  }
0x1c9: {  	s31 =	simm.s32 $0x0;
	v14 =	vld [tilespmem:s1+$0x0];
	(xrf0) =	vadd.scan.msk.s32 $0xffff, v11;
	v11 =	vadd.s32 v10, v15;
	v8 =	vor.u32 s0, v0;
	v13 =	vsel vm4, $0x1, v2;
	v15, _, _ =	vpop (xrf0)  }
0x1ca: {  	s2 =	simm.s32 $0x6;
	v16 =	vld [tilespmem:s1+$0xFFFFFFF0];
	(xrf0) =	vadd.scan.msk.s32 $0xffff, v13;
	v13 =	vadd.s32 v15, v11;
	v11 =	vadd.s32 v11, v17;
	v17, _, _ =	vpop (xrf0);
	v15 =	vor.u32 s31, v0  }
.LBB2_55:
0x1cb: {  	s2 =	sadd.s32 $0x2, s2  }
0x1cc: {  	v17 =	vadd.s32 v17, v10;
	[tilespmem:v9+s18+$0x0] =	vst.idx.msk vm0, v15;
	s0 =	sadd.s32 $0x20, s0;
	v10 =	vmovc v11;
	vm0 =	vmmov vm2;
	vm2 =	vmmov vm4;
	p0 =	slt.u32 s2, $0x7E  }
.Ltmp32:
0x1cd: {  	v9 =	vadd.s32 $0xFFFFFFFF, v17;
	[tilespmem:v7+s18+$0x0] =	vst.idx.msk vm1, v8;
	v7 =	vadd.s32 $0xFFFFFFFF, v13;
	vm1 =	vmmov vm3;
	(pc) =	sbr.rel @p0 .LBB2_55-.Ltmp32, $4  }
0x1ce: {  	s1 =	sadd.s32 $0x20, s1;
	v8 =	vor.u32 s0, v0;
	vm3 =	vmmov vm5;
	vm5 =	vgt.s32 v14, $0x0  }
0x1cf: {  	v15 =	vmpcnt.ones.xlane vm3;
	v14 =	vld [tilespmem:s1+$0x0];
	vm4 =	vgt.s32 v16, $0x0;
	v18 =	vsel vm5, $0x1, v2  }
0x1d0: {  	v11 =	vadd.s32 v11, v12;
	s3 =	sadd.s32 $0xFFFFFFF0, s0;
	v16 =	vld [tilespmem:s1+$0xFFFFFFF0];
	v19 =	vsel vm4, $0x1, v2;
	(xrf0) =	vadd.scan.msk.s32 $0xffff, v18;
	v12 =	vmpcnt.ones.xlane vm4;
	v13, _, _ =	vpop (xrf0)  }
0x1d1: {  	(xrf0) =	vadd.scan.msk.s32 $0xffff, v19;
	v13 =	vadd.s32 v13, v11;
	v11 =	vadd.s32 v11, v15;
	v17, _, _ =	vpop (xrf0);
	v15 =	vor.u32 s3, v0  }
0x1d2: {  	_ =	sdelay $0x1  }
0x1d3: {  	vm6 =	vmmov vm5  }
0x1d4: {  	v53 =	vmpcnt.ones.xlane vm6;
	vm8 =	vgt.s32 v14, $0x0;
	vm7 =	vgt.s32 v16, $0x0  }
0x1d5: {  	v12 =	vadd.s32 v11, v12;
	vm13 =	vmmov vm8;
	v16 =	vmpcnt.ones.xlane vm7  }
0x1d6: {  	v14 =	vadd.s32 v12, v53;
	v18 =	vmpcnt.ones.xlane vm13  }
0x1d7: {  	v19 =	vsel vm8, $0x1, v2;
	v16 =	vadd.s32 v14, v16  }
0x1d8: {  	v20 =	vsel vm7, $0x1, v2;
	(xrf0) =	vadd.scan.msk.s32 $0xffff, v19;
	v18 =	vadd.s32 v16, v18  }
0x1d9: {  	(xrf0) =	vadd.scan.msk.s32 $0xffff, v20;
	v18 =	vxor.u32 $0x80000000, v18  }
0x1da: {  	(xrf0) =	vmax.scan.msk.u32 $0xffff, v18;
	_ =	sdelay $0x1  }
0x1db: {  	v54, _, _ =	vpop (xrf0)  }
0x1dc: {  	v55, _, _ =	vpop (xrf0)  }
0x1dd: {  	v56, _, _ =	vpop (xrf0)  }
0x1de: {  	v21, _, _ =	vpop (xrf0)  }
0x1df: {  	v22, _, _ =	vpop (xrf0)  }
0x1e0: {  	(v2sf) =	vpush v22, $0xF;
	_ =	sdelay $0x3  }
0x1e1: {  	v10 =	vadd.s32 v17, v10;
	vm2 =	vmmov vm2  }
0x1e2: {  	vm4 =	vmmov vm4;
	vm3 =	vmmov vm3;
	v10 =	vadd.s32 $0xFFFFFFFF, v10  }
0x1e3: {  	s0 =	sadd.s32 $0x20, s0;
	v13 =	vadd.s32 $0xFFFFFFFF, v13;
	vm6 =	vmmov vm6;
	v12 =	vadd.s32 v54, v12  }
0x1e4: {  	vm4 =	vmmov vm4;
	s1 =	sadd.s32 $0xFFFFFFF0, s0;
	v57 =	vadd.s32 v55, v11;
	v12 =	vadd.s32 $0xFFFFFFFF, v12  }
0x1e5: {  	[tilespmem:v7+s18+$0x0] =	vst.idx.msk vm1, v8;
	v58 =	vor.u32 s1, v0;
	v11 =	vadd.s32 $0xFFFFFFFF, v57;
	v7 =	vadd.s32 v56, v16  }
0x1e6: {  	[tilespmem:v9+s18+$0x0] =	vst.idx.msk vm0, v15;
	vm7 =	vmmov vm7;
	v14 =	vadd.s32 v21, v14;
	v7 =	vadd.s32 $0xFFFFFFFF, v7  }
0x1e7: {  	s3 =	sadd.s32 $0x20, s0;
	v59 =	vor.u32 s0, v0;
	[tilespmem:v10+s18+$0x0] =	vst.idx.msk vm2, v58;
	v8 =	vadd.s32 $0xFFFFFFFF, v14  }
0x1e8: {  	s15 =	sadd.s32 $0xFFFFFFF0, s3;
	v61 =	vor.u32 s3, v0;
	[tilespmem:v13+s18+$0x0] =	vst.idx.msk vm3, v59  }
0x1e9: {  	s28 =	sadd.s32 $0x20, s3;
	v60 =	vor.u32 s15, v0;
	[tilespmem:v12+s18+$0x0] =	vst.idx.msk vm6, v61  }
0x1ea: {  	p0 =	sgt.s32 s30, $0xF;
	s31 =	sadd.s32 $0xFFFFFFF0, s28;
	v63 =	vor.u32 s28, v0;
	[tilespmem:v11+s18+$0x0] =	vst.idx.msk vm4, v60  }
.Ltmp33:
0x1eb: {  	v62 =	vor.u32 s31, v0;
	[tilespmem:v7+s18+$0x0] =	vst.idx.msk vm13, v63;
	(pc) =	sbr.rel @!p0 .LBB2_60-.Ltmp33, $4  }
0x1ec: {  	[tilespmem:v8+s18+$0x0] =	vst.idx.msk vm7, v62;
	s0 =	spop (v2sf)  }
0x1ed: {  	_ =	swait.ge [sflag:s24], $0x8000  }
0x1ee: {  	[sflag:s24] =	ssyncset.done $0x0  }
0x1ef: {  	vm15 =	vmmov vm13;
	vm14 =	vmmov vm7;
	[sflag:s24] =	ssyncadd.s32 $0xFFFF8000  }
0x1f0: {  	p0 =	seq.s32 s29, $0x1  }
.Ltmp34:
0x1f1: {  	_ = 	snop;
	(pc) =	sbr.rel @p0 .LBB2_59-.Ltmp34, $3  }
0x1f2: {  	_ =	sdelay $0x1  }
0x1f3: {  	s2 =	simm.s32 $0x1A000  }
0x1f4: {  	s1 =	simm.s32 $0x0;
	s3 =	sadd.s32 $0xFFFFFFFF, s29;
	v7 =	vld [tilespmem:s2+$0x0]  }
.LBB2_58:
0x1f5: {  	p0 =	seq.s32 s3, $0x1;
	v8 =	vor.u32 s1, v0  }
0x1f6: {  	vm0 =	vlt.s32 v8, v6;
	_ =	sdelay $0x2  }
.Ltmp35:
0x1f7: {  	(pc) =	sbr.rel @!p0 .LBB2_58-.Ltmp35, $3  }
0x1f8: {  	_ =	sdelay $0x1  }
0x1f9: {  	s2 =	sadd.s32 $0x10, s2;
	[tilespmem:v7+s22+$0x0] =	vst.idx.msk vm0, v1  }
0x1fa: {  	s3 =	sadd.s32 $0xFFFFFFFF, s3;
	s1 =	sadd.s32 $0x10, s1;
	v7 =	vld [tilespmem:s2+$0x0]  }
.LBB2_59:
0x1fb: {  	_ = 	snop  }
0x1fc: {  	v8 =	vor.u32 s1, v0  }
0x1fd: {  	vm0 =	vlt.s32 v8, v6;
	_ =	sdelay $0x5  }
0x1fe: {  	[tilespmem:v7+s22+$0x0] =	vst.idx.msk vm0, v1  }
.LBB2_60:
0x1ff: {  	s0 =	sxor.u32 $0x80000000, s0  }
0x200: {  	p0 =	slt.s32 s0, $0x1  }
.Ltmp36:
0x201: {  	_ = 	snop;
	(pc) =	sbr.rel @p0 .LBB2_61-.Ltmp36, $1  }
0x202: {  	_ =	sdelay $0x3  }
0x203: {  	p6 =	seq.s32 s0, $0x1;
	p5 =	por $0x0, $0x0  }
.Ltmp37:
0x204: {  	s28 =	simm.s32 $0x1B800;
	s1 =	simm.s32 @!p5 $0x0;
	(pc) =	sbr.rel @p6 .LBB2_70-.Ltmp37, $4  }
0x205: {  	s0 =	sadd.s32 $0xFFFFFFFF, s0;
	s1 =	simm.s32 @p5 $0x1;
	p5 =	por $0x0, $0x0  }
0x206: {  	p0 =	por $0x0, $0x0;
	[smem:$0x7FA] =	sst s1;
	s1 =	simm.s32 @!p5 $0x0  }
0x207: {  	p1 =	por $0x0, $0x0;
	p2 =	por $0x0, $0x0;
	s1 =	simm.s32 @p5 $0x1  }
0x208: {  	v6 =	vimm.s32 $0x0;
	p3 =	por $0x0, $0x0;
	p4 =	por $0x0, $0x0;
	[smem:$0x7FB] =	sst s1  }
0x209: {  	p6 =	seq.s32 s0, $0x1  }
.Ltmp38:
0x20a: {  	_ = 	snop;
	(pc) =	sbr.rel @p6 .LBB2_72-.Ltmp38, $2  }
0x20b: {  	_ =	sdelay $0x2  }
0x20c: {  	s0 =	sadd.s32 $0xFFFFFFFF, s0;
	p0 =	por $0x1, $0x1  }
0x20d: {  	p6 =	seq.s32 s0, $0x1  }
.Ltmp39:
0x20e: {  	_ = 	snop;
	(pc) =	sbr.rel @p6 .LBB2_74-.Ltmp39, $2  }
0x20f: {  	_ =	sdelay $0x2  }
0x210: {  	v13 =	vld [tilespmem:s28+$0x0];
	s0 =	sadd.s32 $0xFFFFFFFF, s0;
	p1 =	por $0x1, $0x1  }
0x211: {  	p6 =	seq.s32 s0, $0x1  }
.Ltmp40:
0x212: {  	_ = 	snop;
	(pc) =	sbr.rel @p6 .LBB2_76-.Ltmp40, $3  }
0x213: {  	_ =	sdelay $0x1  }
0x214: {  	s30 =	simm.s32 $0x1B801  }
0x215: {  	s0 =	sadd.s32 $0xFFFFFFFF, s0;
	p2 =	por $0x1, $0x1;
	(v2sf) =	vpush v13, $0x0;
	v13 =	vld [tilespmem:s30+$0x0]  }
0x216: {  	_ =	sdelay $0x8  }
0x217: {  	p6 =	seq.s32 s0, $0x1  }
.Ltmp41:
0x218: {  	_ = 	snop;
	(pc) =	sbr.rel @p6 .LBB2_78-.Ltmp41, $3  }
0x219: {  	_ =	sdelay $0x1  }
0x21a: {  	s30 =	simm.s32 $0x1B802  }
0x21b: {  	s0 =	sadd.s32 $0xFFFFFFFF, s0;
	p3 =	por $0x1, $0x1;
	(v2sf) =	vpush v13, $0x0;
	v13 =	vld [tilespmem:s30+$0x0];
	s29 =	spop (v2sf)  }
0x21c: {  	_ =	sdelay $0x6  }
0x21d: {  	s1 =	sshll.u32 s29, $0x4  }
0x21e: {  	v10 =	vld [tilespmem:s1+$0x8000]  }
0x21f: {  	p6 =	seq.s32 s0, $0x1  }
.Ltmp42:
0x220: {  	_ = 	snop;
	(pc) =	sbr.rel @p6 .LBB2_80-.Ltmp42, $3  }
0x221: {  	_ =	sdelay $0x1  }
0x222: {  	s30 =	simm.s32 $0x1B803;
	vm1 =	vlt.s32 v6, $0xFE1;
	vm0 =	vge.f32 v10, v5  }
0x223: {  	s0 =	sadd.s32 $0xFFFFFFFF, s0;
	p4 =	por $0x1, $0x1;
	v9 =	vor.u32 s1, v0;
	(v2sf) =	vpush v13, $0x0;
	v13 =	vld [tilespmem:s30+$0x0];
	vm1 =	vmand vm1, vm0;
	s1 =	spop (v2sf)  }
0x224: {  	_ =	sdelay $0x6  }
0x225: {  	s2 =	sshll.u32 s1, $0x4;
	v7 =	vsel vm1, $0x1, v2  }
0x226: {  	v18 =	vld [tilespmem:s2+$0x8000];
	(xrf0) =	vadd.scan.msk.s32 $0xffff, v7  }
0x227: {  	p6 =	seq.s32 s0, $0x1  }
.Ltmp43:
0x228: {  	v7 =	vmpcnt.ones.xlane vm1;
	(pc) =	sbr.rel @p6 .LBB2_82-.Ltmp43, $4  }
0x229: {  	p5 =	por $0x1, $0x1  }
0x22a: {  	s3 =	simm.s32 @!p5 $0x0;
	v12 =	vadd.s32 v6, v7  }
0x22b: {  	s30 =	simm.s32 $0x1B804;
	vm4 =	vmmov vm1;
	s3 =	simm.s32 @p5 $0x1;
	vm2 =	vlt.s32 v12, $0xFE1;
	vm0 =	vge.f32 v18, v5  }
0x22c: {  	s0 =	sadd.s32 $0xFFFFFFFF, s0;
	v17 =	vor.u32 s2, v0;
	v21 =	vld [tilespmem:s30+$0x0];
	[smem:$0x7FA] =	sst s3;
	(v2sf) =	vpush v13, $0x0;
	vm3 =	vmand vm2, vm0;
	v19, _, _ =	vpop (xrf0);
	s2 =	spop (v2sf)  }
0x22d: {  	_ =	sdelay $0x5  }
0x22e: {  	v7 =	vsel vm3, $0x1, v2  }
0x22f: {  	s3 =	sshll.u32 s2, $0x4;
	(xrf0) =	vadd.scan.msk.s32 $0xffff, v7;
	v7 =	vadd.s32 v19, v6;
	(v2sf) =	vpush v21, $0x0  }
0x230: {  	v16 =	vld [tilespmem:s3+$0x8000];
	v8 =	vadd.s32 $0xFFFFFFFF, v7  }
0x231: {  	vm0 =	vmmov vm4;
	p6 =	seq.s32 s0, $0x1;
	s30 =	simm.s32 $0x1B805  }
.Ltmp44:
0x232: {  	v13 =	vld [tilespmem:s30+$0x0];
	v7 =	vmpcnt.ones.xlane vm3;
	(pc) =	sbr.rel @p6 .LBB2_84-.Ltmp44, $4  }
0x233: {  	p5 =	por $0x1, $0x1  }
0x234: {  	v14 =	vor.u32 s3, v0;
	s3 =	simm.s32 @!p5 $0x0;
	v23 =	vadd.s32 v12, v7  }
0x235: {  	vm5 =	vmmov vm3;
	v15 =	vmovc v17;
	s3 =	simm.s32 @p5 $0x1;
	vm6 =	vlt.s32 v23, $0xFE1;
	vm2 =	vge.f32 v16, v5;
	[tilespmem:v8+s19+$0x0] =	vst.idx.msk vm4, v10  }
0x236: {  	s15 =	sadd.s32 $0xFFFFFFFF, s0;
	v11 =	vmov v18;
	v7 =	vmov v9;
	vm2 =	vmand vm6, vm2;
	v20, _, _ =	vpop (xrf0);
	[smem:$0x7FB] =	sst s3;
	s0 =	spop (v2sf)  }
.LBB2_85:
0x237: {  	p6 =	seq.s32 s15, $0x1;
	(v2sf) =	vpush v13, $0x0;
	s0 =	sshll.u32 s0, $0x4;
	v13 =	vsel vm2, $0x1, v2;
	v22 =	vmpcnt.ones.xlane vm2;
	[tilespmem:v8+s20+$0x0] =	vst.idx.msk vm0, v7;
	v7 =	vmovc v15;
	v15 =	vmovc v14  }
0x238: {  	v8 =	vadd.s32 v20, v12;
	v12 =	vmovc v23;
	vm0 =	vmmov vm5;
	v24 =	vld [tilespmem:s0+$0x8000];
	v14 =	vor.u32 s0, v0;
	(xrf0) =	vadd.scan.msk.s32 $0xffff, v13  }
0x239: {  	s30 =	sadd.s32 $0x1, s30;
	vm5 =	vmmov vm2;
	v8 =	vadd.s32 $0xFFFFFFFF, v8;
	v23 =	vadd.s32 v23, v22  }
.Ltmp45:
0x23a: {  	v13 =	vld [tilespmem:s30+$0x0];
	(pc) =	sbr.rel @!p6 .LBB2_85-.Ltmp45, $3  }
0x23b: {  	_ =	sdelay $0x1  }
0x23c: {  	vm6 =	vlt.s32 v23, $0xFE1;
	vm2 =	vge.f32 v24, v5  }
0x23d: {  	s15 =	sadd.s32 $0xFFFFFFFF, s15;
	s0 =	spop (v2sf);
	vm2 =	vmand vm6, vm2;
	v20, _, _ =	vpop (xrf0);
	[tilespmem:v8+s19+$0x0] =	vst.idx.msk vm0, v11;
	v11 =	vmov v16;
	v16 =	vmov v24  }
0x23e: {  	v22 =	vmov v12;
	v12 =	vmov v23  }
.LBB2_87:
0x23f: {  	s3 =	sadd.s32 @p1 $0x1, s30;
	s15 =	simm.s32 $0x1B800  }
0x240: {  	(v2sf) =	vpush @p1 v13, $0x0;
	s15 =	smov.u32 @p1 s3  }
0x241: {  	v13 =	vld @p0 [tilespmem:s15+$0x0];
	_ =	sdelay $0x1  }
0x242: {  	s0 =	sshll.u32 @p3 s0, $0x4  }
0x243: {  	v23 =	vld @p3 [tilespmem:s0+$0x8000]  }
0x244: {  	v24 =	vmpcnt.ones.xlane @p4 vm2  }
0x245: {  	v13 =	vpsel p0, v13, v21  }
0x246: {  	v21 =	vadd.s32 @p4 v12, v24;
	(v2sf) =	vpush @p0 v13, $0x0  }
0x247: {  	s3 =	spop @p2 (v2sf);
	v13 =	vpsel p4, v21, v6  }
0x248: {  	vm6 =	vge.f32 @p3 v23, v5;
	s2 =	smov.u32 @p2 s3;
	vm7 =	vlt.s32 @p3 v13, $0xFE1  }
0x249: {  	s3 =	sshll.u32 @p2 s2, $0x4;
	vm6 =	vmand @p3 vm7, vm6  }
0x24a: {  	s15 =	sadd.s32 @p0 $0x1, s15;
	v24 =	vld @p2 [tilespmem:s3+$0x8000];
	vm3 =	vmmov @p3 vm6  }
0x24b: {  	s28 =	smov.u32 @p0 s15;
	v25 =	vmpcnt.ones.xlane @p3 vm3  }
0x24c: {  	v58 =	vld [tilespmem:s28+$0x0]  }
0x24d: {  	v25 =	vadd.s32 @p3 v13, v25  }
0x24e: {  	s28 =	sld [smem:$0x7FA];
	v25 =	vpsel p3, v25, v6;
	s2 =	spop @p1 (v2sf)  }
0x24f: {  	vm6 =	vge.f32 @p2 v24, v5;
	vm7 =	vlt.s32 @p2 v25, $0xFE1;
	s1 =	smov.u32 @p1 s2  }
0x250: {  	v21 =	vsel @p4 vm2, $0x1, v2;
	vm6 =	vmand @p2 vm7, vm6;
	s2 =	sshll.u32 @p1 s1, $0x4  }
0x251: {  	v26 =	vor.u32 @p3 s0, v0;
	p6 =	seq.s32 s28, $0x1;
	(v2sf) =	vpush v58, $0x0;
	(xrf0) =	vadd.scan.msk.s32 @p4 $0xffff, v21;
	vm1 =	vmmov @p2 vm6;
	v21 =	vld @p1 [tilespmem:s2+$0x8000]  }
0x252: {  	v17 =	vpsel p3, v26, v17;
	v20 =	vadd.s32 @p6 v20, v22;
	v22 =	vmpcnt.ones.xlane @p2 vm1  }
0x253: {  	v14 =	vpsel p4, v14, v9;
	v16 =	vpsel p4, v16, v10;
	v17 =	vpsel p3, v17, v0  }
0x254: {  	v14 =	vpsel p4, v14, v0;
	v17 =	vpsel p3, v17, v0;
	v22 =	vadd.s32 @p2 v25, v22  }
0x255: {  	v18 =	vpsel p3, v23, v18;
	v12 =	vpsel p4, v12, v6;
	v22 =	vpsel p2, v22, v6;
	s0 =	spop @p0 (v2sf)  }
0x256: {  	v18 =	vpsel p3, v18, v0;
	vm6 =	vge.f32 @p1 v21, v5;
	vm8 =	vlt.s32 @p1 v22, $0xFE1;
	s29 =	smov.u32 @p0 s0  }
0x257: {  	vm5 =	vmmov @p6 vm5;
	v26 =	vsel @p3 vm3, $0x1, v2;
	vm6 =	vmand @p1 vm8, vm6;
	s1 =	sshll.u32 @p0 s29, $0x4  }
0x258: {  	v20 =	vadd.s32 @p6 $0xFFFFFFFF, v20;
	v23 =	vor.u32 @p2 s3, v0;
	v28, _, _ =	vpop @p4 (xrf0);
	(xrf0) =	vadd.scan.msk.s32 @p3 $0xffff, v26;
	vm6 =	vmmov @p1 vm6;
	v26 =	vld @p0 [tilespmem:s1+$0x8000]  }
0x259: {  	v59 =	vpsel p2, v23, v9;
	v19 =	vpsel p4, v28, v19;
	v28 =	vmpcnt.ones.xlane @p1 vm6  }
0x25a: {  	v15 =	vpsel p6, v15, v0;
	v27 =	vpsel p6, v20, v0;
	v9 =	vpsel p2, v59, v0  }
0x25b: {  	s31 =	sld [smem:$0x7FB];
	v9 =	vpsel p2, v9, v0;
	v12 =	vadd.s32 @p4 v19, v12;
	v19 =	vadd.s32 @p1 v22, v28  }
0x25c: {  	v60 =	vpsel p2, v24, v10;
	vm7 =	vmmov @p4 vm2;
	v19 =	vpsel p1, v19, v6  }
0x25d: {  	vm4 =	vmmov @p4 vm7;
	vm9 =	vlt.s32 @p0 v19, $0xFE1;
	vm7 =	vge.f32 @p0 v26, v5  }
0x25e: {  	p5 =	seq.s32 s31, $0x1;
	vm2 =	vmmov @p6 vm5;
	v12 =	vadd.s32 @p4 $0xFFFFFFFF, v12;
	vm7 =	vmand @p0 vm9, vm7  }
0x25f: {  	[tilespmem:v8+s20+$0x0] =	vst.idx.msk @p5 vm0, v7;
	v24 =	vor.u32 @p1 s2, v0;
	v23 =	vsel @p2 vm1, $0x1, v2;
	vm7 =	vmmov @p0 vm7  }
0x260: {  	vm4 =	vmmov @p4 vm4;
	v24 =	vpsel p1, v24, v0;
	s30 =	spop (v2sf);
	v28, _, _ =	vpop @p3 (xrf0);
	(xrf0) =	vadd.scan.msk.s32 @p2 $0xffff, v23;
	v23 =	vmpcnt.ones.xlane @p0 vm7  }
0x261: {  	v13 =	vpsel p3, v13, v0;
	v10 =	vpsel p2, v60, v0;
	v29 =	vpsel p4, v12, v0;
	v7 =	vmovc @p1 v24;
	s0 =	sshll.u32 s30, $0x4  }
0x262: {  	v7 =	vpsel p1, v7, v0;
	vm8 =	vmmov @p3 vm3;
	v30 =	vld [tilespmem:s0+$0x8000];
	v23 =	vadd.s32 @p0 v19, v23  }
0x263: {  	[tilespmem:v20+s19+$0x0] =	vst.idx.msk @p6 vm5, v11;
	vm3 =	vmmov @p4 vm4;
	v6 =	vpsel p0, v23, v6;
	v23 =	vsel @p1 vm6, $0x1, v2  }
0x264: {  	v7 =	vpsel p1, v7, v0;
	v21 =	vpsel p1, v21, v0;
	v8 =	vmovc @p1 v22;
	(xrf0) =	vadd.scan.msk.s32 @p1 $0xffff, v23  }
0x265: {  	vm11 =	vmmov @p2 vm1;
	[tilespmem:v27+s20+$0x0] =	vst.idx.msk @p6 vm2, v15;
	v8 =	vpsel p1, v8, v0;
	v15 =	vmovc @p1 v21;
	vm8 =	vmmov @p3 vm8  }
0x266: {  	[tilespmem:v12+s19+$0x0] =	vst.idx.msk @p4 vm4, v16;
	v15 =	vpsel p1, v15, v0;
	vm8 =	vmmov @p3 vm8;
	v28 =	vpsel p3, v28, v0  }
0x267: {  	v13 =	vadd.s32 @p3 v28, v13;
	vm9 =	vge.f32 v30, v5;
	v5 =	vmovc @p2 v25;
	v28 =	vsel @p0 vm7, $0x1, v2  }
0x268: {  	v13 =	vadd.s32 @p3 $0xFFFFFFFF, v13;
	v5 =	vpsel p2, v5, v0;
	vm10 =	vlt.s32 v6, $0xFE1;
	v23, _, _ =	vpop @p2 (xrf0);
	(xrf0) =	vadd.scan.msk.s32 @p0 $0xffff, v28  }
0x269: {  	[tilespmem:v29+s20+$0x0] =	vst.idx.msk @p4 vm3, v14;
	v25 =	vpsel p3, v13, v0;
	vm3 =	vmmov @p0 vm7;
	vm14 =	vmand vm10, vm9  }
0x26a: {  	vm3 =	vmmov @p0 vm3;
	vm6 =	vmmov @p1 vm6;
	v61 =	vsel vm14, $0x1, v2;
	v11, _, _ =	vpop @p1 (xrf0)  }
0x26b: {  	vm10 =	vmmov @p2 vm11;
	v23 =	vpsel p2, v23, v0;
	(xrf0) =	vadd.scan.msk.s32 $0xffff, v61;
	v11 =	vpsel p1, v11, v0  }
0x26c: {  	v14 =	vmovc @p0 v19;
	vm2 =	vmmov @p1 vm6;
	vm10 =	vmmov @p2 vm10;
	v5 =	vadd.s32 @p2 v23, v5  }
0x26d: {  	[tilespmem:v13+s19+$0x0] =	vst.idx.msk @p3 vm8, v18;
	v13 =	vpsel p0, v14, v0;
	vm9 =	vmmov @p3 vm8;
	v5 =	vadd.s32 @p2 $0xFFFFFFFF, v5  }
0x26e: {  	vm2 =	vmmov @p1 vm2;
	vm0 =	vmmov @p2 vm10;
	v8 =	vadd.s32 @p1 v11, v8;
	v11, _, _ =	vpop @p0 (xrf0)  }
0x26f: {  	vm4 =	vmmov @p1 vm2;
	v20 =	vpsel p2, v5, v0;
	v11 =	vpsel p0, v11, v0  }
0x270: {  	vm15 =	vmmov vm14;
	v8 =	vadd.s32 @p1 $0xFFFFFFFF, v8;
	v11 =	vadd.s32 @p0 v11, v13  }
0x271: {  	vm3 =	vmmov @p0 vm3;
	vm5 =	vmmov vm15;
	v14 =	vpsel p1, v8, v0;
	v62, _, _ =	vpop (xrf0)  }
0x272: {  	v23 =	vor.u32 @p0 s1, v0;
	[tilespmem:v5+s19+$0x0] =	vst.idx.msk @p2 vm10, v10;
	v5 =	vadd.s32 @p0 $0xFFFFFFFF, v11;
	v10 =	vadd.s32 v62, v6  }
0x273: {  	vm6 =	vmmov @p0 vm3;
	v12 =	vpsel p0, v23, v0;
	[tilespmem:v25+s20+$0x0] =	vst.idx.msk @p3 vm9, v17;
	v10 =	vadd.s32 $0xFFFFFFFF, v10;
	v11 =	vmovc @p0 v26  }
0x274: {  	[tilespmem:v20+s20+$0x0] =	vst.idx.msk @p2 vm0, v9;
	v13 =	vpsel p0, v5, v0;
	v11 =	vpsel p0, v11, v0  }
0x275: {  	v9 =	vmov @p0 v12;
	[tilespmem:v8+s19+$0x0] =	vst.idx.msk @p1 vm2, v15;
	v8 =	vmov @p0 v11  }
0x276: {  	v9 =	vpsel p0, v9, v0;
	[tilespmem:v14+s20+$0x0] =	vst.idx.msk @p1 vm4, v7;
	v8 =	vpsel p0, v8, v0  }
0x277: {  	v7 =	vmov @p0 v9;
	[tilespmem:v5+s19+$0x0] =	vst.idx.msk @p0 vm3, v8  }
0x278: {  	v5 =	vpsel p0, v7, v0;
	v7 =	vmpcnt.ones.xlane vm14;
	[tilespmem:v10+s19+$0x0] =	vst.idx.msk vm5, v30  }
0x279: {  	v63 =	vor.u32 s0, v0;
	[tilespmem:v13+s20+$0x0] =	vst.idx.msk @p0 vm6, v5  }
0x27a: {  	[tilespmem:v10+s20+$0x0] =	vst.idx.msk vm5, v63;
	v5 =	vadd.s32 v6, v7  }
.Ltmp46:
0x27b: {  	(pc) =	sbr.rel .LBB2_63-.Ltmp46, $2  }
0x27c: {  	_ =	sdelay $0x2  }
0x27d: {  	v5 =	vxor.u32 $0x80000000, v5  }
.LBB2_61:
0x27e: {  	v5 =	vimm.s32 $0x80000000  }
.LBB2_63:
0x27f: {  	(xrf0) =	vmax.scan.msk.u32 $0xffff, v5;
	_ =	sdelay $0x5  }
0x280: {  	v5, _, _ =	vpop (xrf0)  }
0x281: {  	(v2sf) =	vpush v5, $0xF;
	_ =	sdelay $0xe  }
0x282: {  	s1 =	spop (v2sf)  }
0x283: {  	s0 =	sadd.s32 $0x7FFFFFC0, s1  }
0x284: {  	p0 =	slt.u32 s0, $0xFA1  }
.Ltmp47:
0x285: {  	_ = 	snop;
	(pc) =	sbr.rel @!p0 .LBB2_97-.Ltmp47, $2  }
0x286: {  	_ =	sdelay $0x2  }
0x287: {  	s2 =	simm.s32 $0xFFFFFFFC;
	s0 =	simm.s32 $0x18020  }
0x288: {  	s0 =	sadd.s32 $0x8000000F, s1  }
0x289: {  	s2 =	simm.s32 $0x19000;
	s0 =	sshrl.u32 s0, $0x4  }
0x28a: {  	v7 =	vld [tilespmem:s2+$0x0];
	p0 =	seq.s32 s0, $0x1  }
.Ltmp48:
0x28b: {  	_ = 	snop;
	(pc) =	sbr.rel @p0 .LBB2_66-.Ltmp48, $4  }
0x28c: {  	_ = 	snop  }
0x28d: {  	s29 =	sxor.u32 $0x80000000, s1;
	s1 =	simm.s32 $0x0  }
0x28e: {  	v5 =	vmov s29;
	v8 =	vor.u32 s1, v0  }
0x28f: {  	v6 =	vimm.s32 $0x0;
	s3 =	simm.s32 $0x19010;
	s2 =	sadd.s32 $0xFFFFFFFF, s0;
	vm1 =	vlt.s32 v8, v5;
	vm0 =	vgt.s32 v7, $0xFFFFFFFF  }
.LBB2_65:
0x290: {  	v7 =	vld [tilespmem:s3+$0x0];
	p1 =	seq.s32 s2, $0x1;
	s2 =	sadd.s32 $0xFFFFFFFF, s2;
	vm0 =	vmand vm1, vm0  }
.Ltmp49:
0x291: {  	v8 =	vsel vm0, $0x1, v2;
	(pc) =	sbr.rel @!p1 .LBB2_65-.Ltmp49, $4  }
0x292: {  	v6 =	vadd.s32 v8, v6  }
0x293: {  	s1 =	sadd.s32 $0x10, s1  }
0x294: {  	v8 =	vor.u32 s1, v0  }
0x295: {  	s3 =	sadd.s32 $0x10, s3;
	vm1 =	vlt.s32 v8, v5;
	vm0 =	vgt.s32 v7, $0xFFFFFFFF  }
.LBB2_66:
0x296: {  	vm0 =	vmand vm1, vm0  }
0x297: {  	v7 =	vsel vm0, $0x1, v2  }
0x298: {  	v6 =	vadd.s32 v7, v6  }
0x299: {  	(xrf0) =	vadd.scan.msk.s32 $0xffff, v6;
	_ =	sdelay $0x5  }
0x29a: {  	v6, _, _ =	vpop (xrf0)  }
0x29b: {  	(v2sf) =	vpush v6, $0xF;
	_ =	sdelay $0xe  }
0x29c: {  	s1 =	spop (v2sf)  }
0x29d: {  	s28 =	simm.s32 $0x0;
	p1 =	sgt.s32 s1, $0x3F  }
0x29e: {  	s2 =	simm.s32 $0x0;
	s1 =	simm.s32 $0x0;
	s28 =	simm.s32 @!p1 $0x80000000  }
.LBB2_67:
0x29f: {  	s31 =	simm.s32 $0x19000  }
0x2a0: {  	v10 =	vld [tilespmem:s31+$0x0]  }
.Ltmp50:
0x2a1: {  	_ = 	snop;
	(pc) =	sbr.rel @p0 .LBB2_68-.Ltmp50, $4  }
0x2a2: {  	_ = 	snop  }
0x2a3: {  	s3 =	sshrl.u32 s25, s2  }
0x2a4: {  	s30 =	sadd.s32 s3, s28  }
0x2a5: {  	v6 =	vimm.s32 $0x0;
	s15 =	simm.s32 $0x19010;
	p1 =	por $0x0, $0x0;
	s3 =	sadd.s32 $0xFFFFFFFF, s0;
	v7 =	vmov s30;
	v8 =	vshra.s32 v10, $0x1F  }
0x2a6: {  	v9 =	vld [tilespmem:s15+$0x0];
	v8 =	vand.u32 $0x7FFFFFFF, v8;
	p2 =	seq.s32 s3, $0x1  }
.Ltmp51:
0x2a7: {  	v8 =	vxor.u32 v10, v8;
	v10 =	vor.u32 s1, v0;
	(pc) =	sbr.rel @p2 .LBB2_93-.Ltmp51, $4  }
0x2a8: {  	vm0 =	vge.s32 v8, v7;
	vm1 =	vlt.s32 v10, v5  }
0x2a9: {  	vm0 =	vmand vm1, vm0  }
0x2aa: {  	s31 =	sadd.s32 $0xFFFFFFFF, s3;
	v10 =	vsel vm0, $0x1, v2  }
0x2ab: {  	s3 =	simm.s32 $0x19020;
	p1 =	por $0x1, $0x1;
	s15 =	simm.s32 $0x0;
	v8 =	vshra.s32 v9, $0x1F;
	v6 =	vadd.s32 v10, v6  }
.LBB2_94:
0x2ac: {  	v10 =	vld [tilespmem:s3+$0x0];
	p2 =	seq.s32 s31, $0x1;
	s31 =	sadd.s32 $0xFFFFFFFF, s31;
	v8 =	vand.u32 $0x7FFFFFFF, v8;
	s15 =	sadd.s32 $0x10, s15  }
.Ltmp52:
0x2ad: {  	v8 =	vxor.u32 v9, v8;
	v9 =	vor.u32 s15, v0;
	(pc) =	sbr.rel @!p2 .LBB2_94-.Ltmp52, $4  }
0x2ae: {  	vm0 =	vge.s32 v8, v7;
	vm1 =	vlt.s32 v9, v5  }
0x2af: {  	vm0 =	vmand vm1, vm0  }
0x2b0: {  	v11 =	vsel vm0, $0x1, v2  }
0x2b1: {  	s3 =	sadd.s32 $0x10, s3;
	v8 =	vshra.s32 v10, $0x1F;
	v6 =	vadd.s32 v11, v6;
	v9 =	vmov v10  }
0x2b2: {  	v10 =	vmov v9  }
.LBB2_96:
0x2b3: {  	s3 =	sadd.s32 @p1 $0x10, s15;
	s15 =	simm.s32 $0x0  }
0x2b4: {  	v8 =	vand.u32 $0x7FFFFFFF, v8;
	s15 =	smov.u32 @p1 s3  }
0x2b5: {  	v8 =	vxor.u32 v10, v8;
	v9 =	vor.u32 s15, v0  }
0x2b6: {  	vm0 =	vge.s32 v8, v7;
	vm1 =	vlt.s32 v9, v5  }
0x2b7: {  	vm0 =	vmand vm1, vm0  }
0x2b8: {  	v7 =	vsel vm0, $0x1, v2  }
0x2b9: {  	v6 =	vadd.s32 v7, v6  }
0x2ba: {  	(xrf0) =	vadd.scan.msk.s32 $0xffff, v6;
	_ =	sdelay $0x5  }
0x2bb: {  	v6, _, _ =	vpop (xrf0)  }
0x2bc: {  	(v2sf) =	vpush v6, $0xF;
	_ =	sdelay $0xa  }
0x2bd: {  	s2 =	sadd.s32 $0x1, s2  }
0x2be: {  	p2 =	seq.s32 s2, $0x1F  }
.Ltmp53:
0x2bf: {  	_ = 	snop;
	(pc) =	sbr.rel @!p2 .LBB2_67-.Ltmp53, $4  }
.Ltmp54:
0x2c0: {  	_ = 	snop;
	(pc) =	sbr.rel @p2 .LBB2_89-.Ltmp54, $4  }
0x2c1: {  	s3 =	spop (v2sf)  }
0x2c2: {  	p1 =	sgt.s32 s3, $0x3F  }
0x2c3: {  	s28 =	smov.u32 @p1 s30  }
0x2c4: {  	_ = 	snop  }
.LBB2_68:
.Ltmp55:
0x2c5: {  	(pc) =	sbr.rel .LBB2_96-.Ltmp55, $2  }
0x2c6: {  	_ =	sdelay $0x2  }
0x2c7: {  	s15 =	simm.s32 $0x0  }
.LBB2_93:
.Ltmp56:
0x2c8: {  	(pc) =	sbr.rel .LBB2_96-.Ltmp56, $2  }
0x2c9: {  	_ =	sdelay $0x2  }
0x2ca: {  	s15 =	simm.s32 $0x0;
	v10 =	vmov v9  }
.LBB2_97:
0x2cb: {  	[tilespmem:s0+$0xFFFFFFE0] =	vst v2  }
0x2cc: {  	[tilespmem:s0+$0x10] =	vst v2  }
0x2cd: {  	s1 =	sadd.s32 $0x4, s2;
	[tilespmem:s0+$0x0] =	vst v2  }
.LBB2_98:
0x2ce: {  	s1 =	sadd.s32 $0x4, s1  }
0x2cf: {  	[tilespmem:s0+$0xFFFFFFF0] =	vst v2;
	s0 =	sadd.s32 $0x40, s0;
	p0 =	slt.u32 s1, $0xFC  }
.Ltmp57:
0x2d0: {  	[tilespmem:s0+$0xFFFFFFE0] =	vst v2;
	(pc) =	sbr.rel @p0 .LBB2_98-.Ltmp57, $3  }
0x2d1: {  	_ =	sdelay $0x1  }
0x2d2: {  	[tilespmem:s0+$0x10] =	vst v2  }
0x2d3: {  	[tilespmem:s0+$0x0] =	vst v2  }
0x2d4: {  	[tilespmem:s0+$0xFFFFFFF0] =	vst v2;
	s30 =	simm.s32 $0x8020  }
0x2d5: {  	v5 =	vld [tilespmem:s30+$0x10]  }
0x2d6: {  	v6 =	vld [tilespmem:s30+$0xFFFFFFF0]  }
0x2d7: {  	v8 =	vld [tilespmem:s30+$0x0]  }
0x2d8: {  	v9 =	vld [tilespmem:s30+$0xFFFFFFE0]  }
0x2d9: {  	s31 =	simm.s32 $0x8060  }
0x2da: {  	v13 =	vld [tilespmem:s31+$0x10];
	v7 =	vshra.s32 v5, $0x1F  }
0x2db: {  	v10 =	vshra.s32 v6, $0x1F;
	v7 =	vand.u32 $0x7FF00000, v7  }
0x2dc: {  	v11 =	vshra.s32 v8, $0x1F;
	v10 =	vand.u32 $0x7FF00000, v10;
	v5 =	vxor.u32 v5, v7  }
0x2dd: {  	v7 =	vshra.s32 v9, $0x1F;
	v6 =	vxor.u32 v6, v10;
	v12 =	vshra.s32 v5, $0x14;
	v5 =	vld [tilespmem:s31+$0xFFFFFFF0]  }
0x2de: {  	v10 =	vand.u32 $0x7FF00000, v11;
	v14 =	vand.u32 $0x7FF00000, v7;
	v7 =	vld [tilespmem:s31+$0x0];
	v12 =	vadd.s32 $0x800, v12  }
0x2df: {  	v11 =	vshra.s32 v13, $0x1F;
	v8 =	vxor.u32 v8, v10;
	v10 =	vld [tilespmem:s31+$0xFFFFFFE0]  }
0x2e0: {  	v6 =	vshra.s32 v6, $0x14;
	v15 =	vand.u32 $0x7FF00000, v11;
	v9 =	vxor.u32 v9, v14  }
0x2e1: {  	v6 =	vadd.s32 $0x800, v6;
	v8 =	vshra.s32 v8, $0x14;
	v13 =	vxor.u32 v13, v15  }
0x2e2: {  	v9 =	vshra.s32 v9, $0x14;
	v8 =	vadd.s32 $0x800, v8;
	v14 =	vshra.s32 v5, $0x1F  }
0x2e3: {  	s0 =	simm.s32 $0x4;
	s1 =	simm.s32 $0x80A0;
	v9 =	vadd.s32 $0x800, v9;
	[tilespmem:v12+s16+$0x0] =	vst.idx.add.s32.msk $0xffff, v3;
	v11 =	vand.u32 $0x7FF00000, v14;
	v12 =	vshra.s32 v7, $0x1F  }
.LBB2_100:
0x2e4: {  	v14 =	vld [tilespmem:s1+$0x10];
	s0 =	sadd.s32 $0x4, s0;
	v15 =	vshra.s32 v10, $0x1F;
	v12 =	vand.u32 $0x7FF00000, v12;
	v13 =	vshra.s32 v13, $0x14  }
0x2e5: {  	v11 =	vxor.u32 v5, v11;
	p0 =	slt.u32 s0, $0x7FC;
	v15 =	vand.u32 $0x7FF00000, v15;
	v5 =	vld [tilespmem:s1+$0xFFFFFFF0];
	v13 =	vadd.s32 $0x800, v13  }
0x2e6: {  	v11 =	vshra.s32 v11, $0x14;
	v12 =	vxor.u32 v7, v12;
	v15 =	vxor.u32 v10, v15;
	v7 =	vld [tilespmem:s1+$0x0]  }
.Ltmp58:
0x2e7: {  	v11 =	vadd.s32 $0x800, v11;
	v12 =	vshra.s32 v12, $0x14;
	v10 =	vld [tilespmem:s1+$0xFFFFFFE0];
	v15 =	vshra.s32 v15, $0x14;
	(pc) =	sbr.rel @p0 .LBB2_100-.Ltmp58, $4  }
0x2e8: {  	v16 =	vadd.s32 $0x800, v12;
	[tilespmem:v9+s16+$0x0] =	vst.idx.add.s32.msk $0xffff, v3;
	v9 =	vadd.s32 $0x800, v15  }
0x2e9: {  	v12 =	vshra.s32 v14, $0x1F;
	[tilespmem:v6+s16+$0x0] =	vst.idx.add.s32.msk $0xffff, v3;
	v6 =	vmov v11  }
0x2ea: {  	v11 =	vshra.s32 v5, $0x1F;
	v15 =	vand.u32 $0x7FF00000, v12;
	[tilespmem:v13+s16+$0x0] =	vst.idx.add.s32.msk $0xffff, v3  }
0x2eb: {  	s1 =	sadd.s32 $0x40, s1;
	v11 =	vand.u32 $0x7FF00000, v11;
	v12 =	vshra.s32 v7, $0x1F;
	v13 =	vxor.u32 v14, v15;
	[tilespmem:v8+s16+$0x0] =	vst.idx.add.s32.msk $0xffff, v3;
	v8 =	vmovc v16  }
0x2ec: {  	v14 =	vshra.s32 v10, $0x1F;
	v13 =	vshra.s32 v13, $0x14  }
0x2ed: {  	v12 =	vand.u32 $0x7FF00000, v12;
	v5 =	vxor.u32 v5, v11;
	v14 =	vand.u32 $0x7FF00000, v14  }
0x2ee: {  	v13 =	vadd.s32 $0x800, v13;
	v5 =	vshra.s32 v5, $0x14;
	v7 =	vxor.u32 v7, v12  }
0x2ef: {  	v63 =	vxor.u32 v10, v14;
	v5 =	vadd.s32 $0x800, v5;
	v7 =	vshra.s32 v7, $0x14  }
0x2f0: {  	[tilespmem:v9+s16+$0x0] =	vst.idx.add.s32.msk $0xffff, v3;
	v10 =	vshra.s32 v63, $0x14;
	v7 =	vadd.s32 $0x800, v7  }
0x2f1: {  	[tilespmem:v6+s16+$0x0] =	vst.idx.add.s32.msk $0xffff, v3;
	v10 =	vadd.s32 $0x800, v10  }
0x2f2: {  	[tilespmem:v8+s16+$0x0] =	vst.idx.add.s32.msk $0xffff, v3  }
0x2f3: {  	[tilespmem:v13+s16+$0x0] =	vst.idx.add.s32.msk $0xffff, v3  }
0x2f4: {  	[tilespmem:v5+s16+$0x0] =	vst.idx.add.s32.msk $0xffff, v3  }
0x2f5: {  	s28 =	simm.s32 $0x0;
	s0 =	simm.s32 $0xFEF;
	[tilespmem:v7+s16+$0x0] =	vst.idx.add.s32.msk $0xffff, v3  }
0x2f6: {  	s1 =	simm.s32 $0x18FF0;
	s2 =	simm.s32 $0x0;
	s15 =	simm.s32 $0x0;
	[tilespmem:v10+s16+$0x0] =	vst.idx.add.s32.msk $0xffff, v3  }
.LBB2_102:
0x2f7: {  	v5 =	vld [tilespmem:s1+$0x0];
	_ =	sdelay $0x4  }
0x2f8: {  	v6 =	vperm.xlane v5, v4;
	_ =	sdelay $0x1  }
0x2f9: {  	(xrf0) =	vadd.scan.msk.s32 $0xffff, v6;
	_ =	sdelay $0x5  }
0x2fa: {  	v6, _, _ =	vpop (xrf0)  }
0x2fb: {  	v6 =	vadd.s32 s15, v6  }
0x2fc: {  	vm0 =	vgt.s32 v6, $0x3F  }
0x2fd: {  	v6 =	vsel vm0, $0x3F800000, v1  }
0x2fe: {  	(xrf0) =	vmax.scan.msk.f32 $0xffff, v6;
	v6 =	vsel vm0, $0x1, v2  }
0x2ff: {  	(xrf0) =	vadd.scan.msk.s32 $0xffff, v6;
	_ =	sdelay $0x4  }
0x300: {  	(xrf0) =	vadd.scan.msk.s32 $0xffff, v5;
	v5, _, _ =	vpop (xrf0)  }
0x301: {  	v6, _, _ =	vpop (xrf0);
	(v2sf) =	vpush v5, $0xF  }
0x302: {  	(v2sf) =	vpush v6, $0xF;
	_ =	sdelay $0x5  }
0x303: {  	v5, _, _ =	vpop (xrf0)  }
0x304: {  	(v2sf) =	vpush v5, $0xF;
	_ =	sdelay $0x6  }
0x305: {  	s3 =	spop (v2sf)  }
0x306: {  	p1 =	sgt.u32 s28, $0xFE;
	s29 =	spop (v2sf)  }
0x307: {  	p0 =	sgt.f32 s3, $0.0e+00;
	p2 =	sgt.f32 @!p1 s3, $0.0e+00  }
0x308: {  	s29 =	sadd.s32 s0, s29  }
0x309: {  	s2 =	smov.u32 @p0 s29;
	p0 =	por p1, p2  }
.Ltmp59:
0x30a: {  	_ = 	snop;
	(pc) =	sbr.rel @!p0 .LBB2_102-.Ltmp59, $3  }
0x30b: {  	_ =	sdelay $0x1  }
0x30c: {  	s28 =	sadd.s32 $0x1, s28;
	s31 =	spop (v2sf)  }
0x30d: {  	s1 =	sadd.s32 $0xFFFFFFF0, s1;
	s0 =	sadd.s32 $0xFFFFFFF0, s0;
	s15 =	sadd.s32 s15, s31  }
0x30e: {  	s0 =	sshll.u32 s2, $0x14;
	s1 =	simm.s32 $0x8020;
	s15 =	simm.s32 $0x1  }
0x30f: {  	s29 =	simm.s32 $0x2;
	s3 =	simm.s32 $0x0;
	s28 =	sxor.u32 $0x80000000, s0;
	v6 =	vmov s15  }
0x310: {  	v9 =	vld [tilespmem:s1+$0x0];
	v7 =	vmov s29;
	v10 =	vmov s3;
	v5 =	vmov s28  }
0x311: {  	v13 =	vld [tilespmem:s1+$0xFFFFFFF0];
	v7 =	vand.u32 $0xFFFFFFFE, v7;
	v6 =	vand.u32 $0xFFFFFFFD, v6;
	v5 =	vshra.s32 v5, $0x1F  }
0x312: {  	v8 =	vbroadcast v7, $0x0;
	v7 =	vbroadcast v6, $0x0;
	v6 =	vand.u32 $0xFFFFFFFC, v10;
	v10 =	vld [tilespmem:s1+$0x10]  }
0x313: {  	v11 =	vld [tilespmem:s1+$0xFFFFFFE0];
	v5 =	vand.u32 $0x7FFFFFFF, v5  }
0x314: {  	s30 =	simm.s32 $0x3;
	v5 =	vxor.u32 s28, v5  }
0x315: {  	s31 =	simm.s32 $0x5;
	s2 =	simm.s32 $0x8;
	v6 =	vbroadcast v6, $0x0;
	vm1 =	vge.f32 v9, v5;
	v9 =	vmov s30  }
0x316: {  	s0 =	simm.s32 $0x4;
	v12 =	vmov s31;
	s3 =	simm.s32 $0x6;
	s1 =	simm.s32 $0x8060;
	vm0 =	vge.f32 v13, v5;
	v13 =	vmpcnt.ones.xlane vm1  }
.LBB2_104:
0x317: {  	p0 =	slt.u32 s2, $0x7FC;
	v14 =	vld [tilespmem:s1+$0x0];
	v15 =	vmov s3;
	v16 =	vmpcnt.ones.xlane vm0;
	vm0 =	vge.f32 v10, v5  }
0x318: {  	v17 =	vld [tilespmem:s1+$0xFFFFFFF0];
	v10 =	vand.u32 $0xFFFFFFFE, v15;
	vm1 =	vge.f32 v11, v5;
	[tilespmem:v8+s17+$0x0] =	vst.idx.msk $0x1, v13;
	v13 =	vmpcnt.ones.xlane vm0  }
.Ltmp60:
0x319: {  	v12 =	vand.u32 $0xFFFFFFFD, v12;
	v8 =	vbroadcast v10, $0x0;
	v10 =	vld [tilespmem:s1+$0x10];
	v15 =	vmpcnt.ones.xlane vm1;
	[tilespmem:v7+s17+$0x0] =	vst.idx.msk $0x1, v16;
	(pc) =	sbr.rel @p0 .LBB2_104-.Ltmp60, $4  }
0x31a: {  	v16 =	vmov s0;
	v7 =	vbroadcast v12, $0x0;
	v11 =	vld [tilespmem:s1+$0xFFFFFFE0];
	[tilespmem:v9+s17+$0x0] =	vst.idx.msk $0x1, v13  }
0x31b: {  	s3 =	sadd.s32 $0x3, s0;
	s0 =	smov.u32 s2;
	v9 =	vand.u32 $0xFFFFFFFC, v16;
	[tilespmem:v6+s17+$0x0] =	vst.idx.msk $0x1, v15  }
0x31c: {  	s15 =	sadd.s32 $0x1, s2;
	v6 =	vbroadcast v9, $0x0;
	v9 =	vmov s3;
	vm1 =	vge.f32 v14, v5  }
0x31d: {  	v12 =	vmov s15;
	s2 =	sadd.s32 $0x4, s2;
	s1 =	sadd.s32 $0x40, s1;
	s3 =	sadd.s32 $0x2, s0;
	vm0 =	vge.f32 v17, v5;
	v13 =	vmpcnt.ones.xlane vm1  }
0x31e: {  	_ = 	snop  }
0x31f: {  	v14 =	vld [tilespmem:s1+$0x0];
	v15 =	vmov s3;
	v16 =	vmpcnt.ones.xlane vm0  }
0x320: {  	v17 =	vld [tilespmem:s1+$0xFFFFFFF0];
	vm0 =	vge.f32 v10, v5;
	v10 =	vand.u32 $0xFFFFFFFD, v12;
	v15 =	vand.u32 $0xFFFFFFFE, v15  }
0x321: {  	v18 =	vmov s0;
	vm1 =	vge.f32 v11, v5;
	v11 =	vld [tilespmem:s1+$0xFFFFFFE0];
	v12 =	vbroadcast v15, $0x0  }
0x322: {  	v10 =	vbroadcast v10, $0x0;
	[tilespmem:v8+s17+$0x0] =	vst.idx.msk $0x1, v13;
	v18 =	vand.u32 $0xFFFFFFFC, v18;
	v15 =	vld [tilespmem:s1+$0x10]  }
0x323: {  	v8 =	vmpcnt.ones.xlane vm0;
	[tilespmem:v7+s17+$0x0] =	vst.idx.msk $0x1, v16;
	v7 =	vbroadcast v18, $0x0  }
0x324: {  	s3 =	sadd.s32 $0x3, s0;
	v13 =	vmpcnt.ones.xlane vm1;
	vm0 =	vge.f32 v14, v5  }
0x325: {  	[tilespmem:v9+s17+$0x0] =	vst.idx.msk $0x1, v8;
	v14 =	vmov s3;
	vm1 =	vge.f32 v17, v5;
	v8 =	vmpcnt.ones.xlane vm0  }
0x326: {  	[tilespmem:v6+s17+$0x0] =	vst.idx.msk $0x1, v13;
	v6 =	vmpcnt.ones.xlane vm1;
	vm1 =	vge.f32 v11, v5  }
0x327: {  	vm0 =	vge.f32 v15, v5;
	v9 =	vmpcnt.ones.xlane vm1;
	[tilespmem:v12+s17+$0x0] =	vst.idx.msk $0x1, v8  }
0x328: {  	v8 =	vmpcnt.ones.xlane vm0;
	[tilespmem:v10+s17+$0x0] =	vst.idx.msk $0x1, v6  }
0x329: {  	[tilespmem:v7+s17+$0x0] =	vst.idx.msk $0x1, v9  }
0x32a: {  	s15 =	simm.s32 $0x1B010;
	[tilespmem:v14+s17+$0x0] =	vst.idx.msk $0x1, v8  }
0x32b: {  	v6 =	vld [tilespmem:s15+$0x0];
	_ =	sdelay $0x1  }
0x32c: {  	v7 =	vld [tilespmem:s15+$0xFFFFFFF0];
	_ =	sdelay $0x1  }
0x32d: {  	s29 =	simm.s32 $0x1B030  }
0x32e: {  	vm0 =	vgt.s32 v6, $0x0;
	v6 =	vld [tilespmem:s29+$0x0];
	_ =	sdelay $0x1  }
0x32f: {  	s30 =	simm.s32 $0x1B050;
	v8 =	vld [tilespmem:s29+$0xFFFFFFF0];
	vm1 =	vgt.s32 v7, $0x0;
	v7 =	vsel vm0, $0x1, v2  }
0x330: {  	v10 =	vld [tilespmem:s30+$0x0];
	v9 =	vsel vm1, $0x1, v2;
	(xrf0) =	vadd.scan.msk.s32 $0xffff, v7  }
0x331: {  	(xrf0) =	vadd.scan.msk.s32 $0xffff, v9  }
0x332: {  	v9 =	vmpcnt.ones.xlane vm1;
	vm3 =	vgt.s32 v6, $0x0  }
0x333: {  	v7 =	vimm.s32 $0x0;
	v6 =	vsel vm3, $0x1, v2  }
0x334: {  	v11 =	vld [tilespmem:s30+$0xFFFFFFF0];
	vm2 =	vgt.s32 v8, $0x0;
	vm4 =	vmmov vm0;
	(xrf0) =	vadd.scan.msk.s32 $0xffff, v6;
	v6 =	vadd.s32 v7, v9  }
0x335: {  	vm5 =	vgt.s32 v10, $0x0;
	v12 =	vsel vm2, $0x1, v2;
	v8 =	vmpcnt.ones.xlane vm4  }
0x336: {  	vm0 =	vmmov vm1;
	v14 =	vmpcnt.ones.xlane vm2;
	vm2 =	vmmov vm2;
	v9, _, _ =	vpop (xrf0);
	(xrf0) =	vadd.scan.msk.s32 $0xffff, v12  }
0x337: {  	vm3 =	vmmov vm3;
	v12 =	vadd.s32 v9, v6;
	v9 =	vadd.s32 v6, v8;
	v6, _, _ =	vpop (xrf0)  }
0x338: {  	vm0 =	vmmov vm0;
	v16 =	vmpcnt.ones.xlane vm3;
	v6 =	vadd.s32 v6, v7  }
0x339: {  	vm1 =	vmmov vm4;
	vm4 =	vgt.s32 v11, $0x0;
	v8 =	vadd.s32 $0xFFFFFFFF, v6  }
0x33a: {  	s0 =	simm.s32 $0x10;
	s1 =	simm.s32 $0x1B070;
	v10 =	vsel vm5, $0x1, v2;
	v11 =	vmpcnt.ones.xlane vm4;
	v6 =	vadd.s32 $0xFFFFFFFF, v12  }
0x33b: {  	s31 =	simm.s32 $0x0;
	v13 =	vld [tilespmem:s1+$0x0];
	(xrf0) =	vadd.scan.msk.s32 $0xffff, v10;
	v10 =	vadd.s32 v9, v14;
	v7 =	vor.u32 s0, v0;
	v12 =	vsel vm4, $0x1, v2;
	v14, _, _ =	vpop (xrf0)  }
0x33c: {  	s2 =	simm.s32 $0x6;
	v15 =	vld [tilespmem:s1+$0xFFFFFFF0];
	(xrf0) =	vadd.scan.msk.s32 $0xffff, v12;
	v12 =	vadd.s32 v14, v10;
	v10 =	vadd.s32 v10, v16;
	v16, _, _ =	vpop (xrf0);
	v14 =	vor.u32 s31, v0  }
.LBB2_106:
0x33d: {  	s2 =	sadd.s32 $0x2, s2  }
0x33e: {  	v16 =	vadd.s32 v16, v9;
	[tilespmem:v8+s18+$0x0] =	vst.idx.msk vm0, v14;
	s0 =	sadd.s32 $0x20, s0;
	v9 =	vmovc v10;
	vm0 =	vmmov vm2;
	vm2 =	vmmov vm4;
	p0 =	slt.u32 s2, $0x7E  }
.Ltmp61:
0x33f: {  	v8 =	vadd.s32 $0xFFFFFFFF, v16;
	[tilespmem:v6+s18+$0x0] =	vst.idx.msk vm1, v7;
	v6 =	vadd.s32 $0xFFFFFFFF, v12;
	vm1 =	vmmov vm3;
	(pc) =	sbr.rel @p0 .LBB2_106-.Ltmp61, $4  }
0x340: {  	s1 =	sadd.s32 $0x20, s1;
	v7 =	vor.u32 s0, v0;
	vm3 =	vmmov vm5;
	vm5 =	vgt.s32 v13, $0x0  }
0x341: {  	v14 =	vmpcnt.ones.xlane vm3;
	v13 =	vld [tilespmem:s1+$0x0];
	vm4 =	vgt.s32 v15, $0x0;
	v17 =	vsel vm5, $0x1, v2  }
0x342: {  	v10 =	vadd.s32 v10, v11;
	s3 =	sadd.s32 $0xFFFFFFF0, s0;
	v15 =	vld [tilespmem:s1+$0xFFFFFFF0];
	v18 =	vsel vm4, $0x1, v2;
	(xrf0) =	vadd.scan.msk.s32 $0xffff, v17;
	v11 =	vmpcnt.ones.xlane vm4;
	v12, _, _ =	vpop (xrf0)  }
0x343: {  	(xrf0) =	vadd.scan.msk.s32 $0xffff, v18;
	v12 =	vadd.s32 v12, v10;
	v10 =	vadd.s32 v10, v14;
	v16, _, _ =	vpop (xrf0);
	v14 =	vor.u32 s3, v0  }
0x344: {  	_ =	sdelay $0x1  }
0x345: {  	vm6 =	vmmov vm5  }
0x346: {  	v53 =	vmpcnt.ones.xlane vm6;
	vm8 =	vgt.s32 v13, $0x0;
	vm7 =	vgt.s32 v15, $0x0  }
0x347: {  	v11 =	vadd.s32 v10, v11;
	vm13 =	vmmov vm8;
	v15 =	vmpcnt.ones.xlane vm7  }
0x348: {  	v13 =	vadd.s32 v11, v53;
	v17 =	vmpcnt.ones.xlane vm13  }
0x349: {  	v18 =	vsel vm8, $0x1, v2;
	v15 =	vadd.s32 v13, v15  }
0x34a: {  	v19 =	vsel vm7, $0x1, v2;
	(xrf0) =	vadd.scan.msk.s32 $0xffff, v18;
	v17 =	vadd.s32 v15, v17  }
0x34b: {  	(xrf0) =	vadd.scan.msk.s32 $0xffff, v19;
	v17 =	vxor.u32 $0x80000000, v17  }
0x34c: {  	(xrf0) =	vmax.scan.msk.u32 $0xffff, v17;
	_ =	sdelay $0x1  }
0x34d: {  	v54, _, _ =	vpop (xrf0)  }
0x34e: {  	v55, _, _ =	vpop (xrf0)  }
0x34f: {  	v56, _, _ =	vpop (xrf0)  }
0x350: {  	v20, _, _ =	vpop (xrf0)  }
0x351: {  	v21, _, _ =	vpop (xrf0)  }
0x352: {  	(v2sf) =	vpush v21, $0xF;
	_ =	sdelay $0xa  }
0x353: {  	v9 =	vadd.s32 v16, v9;
	vm2 =	vmmov vm2;
	vm4 =	vmmov vm4  }
0x354: {  	vm3 =	vmmov vm3;
	v12 =	vadd.s32 $0xFFFFFFFF, v12;
	v9 =	vadd.s32 $0xFFFFFFFF, v9  }
0x355: {  	s0 =	sadd.s32 $0x20, s0;
	vm4 =	vmmov vm4;
	vm6 =	vmmov vm6;
	v11 =	vadd.s32 v54, v11  }
0x356: {  	s1 =	sadd.s32 $0xFFFFFFF0, s0;
	v59 =	vor.u32 s0, v0;
	v57 =	vadd.s32 v55, v10;
	v11 =	vadd.s32 $0xFFFFFFFF, v11  }
0x357: {  	[tilespmem:v6+s18+$0x0] =	vst.idx.msk vm1, v7;
	v58 =	vor.u32 s1, v0;
	v10 =	vadd.s32 $0xFFFFFFFF, v57;
	v6 =	vadd.s32 v56, v15;
	s31 =	spop (v2sf)  }
0x358: {  	[tilespmem:v8+s18+$0x0] =	vst.idx.msk vm0, v14;
	s15 =	sadd.s32 $0x20, s0;
	vm7 =	vmmov vm7;
	v13 =	vadd.s32 v20, v13;
	v6 =	vadd.s32 $0xFFFFFFFF, v6;
	s0 =	sxor.u32 $0x80000000, s31  }
0x359: {  	[tilespmem:v9+s18+$0x0] =	vst.idx.msk vm2, v58;
	v7 =	vadd.s32 $0xFFFFFFFF, v13;
	p0 =	slt.s32 s0, $0x1  }
.Ltmp62:
0x35a: {  	s29 =	sadd.s32 $0xFFFFFFF0, s15;
	v61 =	vor.u32 s15, v0;
	[tilespmem:v12+s18+$0x0] =	vst.idx.msk vm3, v59;
	(pc) =	sbr.rel @p0 .LBB2_108-.Ltmp62, $4  }
0x35b: {  	s2 =	sadd.s32 $0x20, s15;
	v60 =	vor.u32 s29, v0;
	[tilespmem:v11+s18+$0x0] =	vst.idx.msk vm6, v61  }
0x35c: {  	s30 =	sadd.s32 $0xFFFFFFF0, s2;
	v63 =	vor.u32 s2, v0;
	[tilespmem:v10+s18+$0x0] =	vst.idx.msk vm4, v60  }
0x35d: {  	v62 =	vor.u32 s30, v0;
	[tilespmem:v6+s18+$0x0] =	vst.idx.msk vm13, v63  }
0x35e: {  	vm15 =	vmmov vm13;
	vm14 =	vmmov vm7;
	[tilespmem:v7+s18+$0x0] =	vst.idx.msk vm7, v62  }
0x35f: {  	p6 =	seq.s32 s0, $0x1;
	p5 =	por $0x0, $0x0  }
.Ltmp63:
0x360: {  	s29 =	simm.s32 $0x1B800;
	s1 =	simm.s32 @!p5 $0x0;
	(pc) =	sbr.rel @p6 .LBB2_115-.Ltmp63, $4  }
0x361: {  	s0 =	sadd.s32 $0xFFFFFFFF, s0;
	s1 =	simm.s32 @p5 $0x1;
	p5 =	por $0x0, $0x0  }
0x362: {  	p0 =	por $0x0, $0x0;
	[smem:$0x7F8] =	sst s1;
	s1 =	simm.s32 @!p5 $0x0  }
0x363: {  	p1 =	por $0x0, $0x0;
	p2 =	por $0x0, $0x0;
	s1 =	simm.s32 @p5 $0x1  }
0x364: {  	v6 =	vimm.s32 $0x0;
	p3 =	por $0x0, $0x0;
	p4 =	por $0x0, $0x0;
	[smem:$0x7F9] =	sst s1  }
0x365: {  	p6 =	seq.s32 s0, $0x1  }
.Ltmp64:
0x366: {  	_ = 	snop;
	(pc) =	sbr.rel @p6 .LBB2_117-.Ltmp64, $2  }
0x367: {  	_ =	sdelay $0x2  }
0x368: {  	s0 =	sadd.s32 $0xFFFFFFFF, s0;
	p0 =	por $0x1, $0x1  }
0x369: {  	p6 =	seq.s32 s0, $0x1  }
.Ltmp65:
0x36a: {  	_ = 	snop;
	(pc) =	sbr.rel @p6 .LBB2_119-.Ltmp65, $2  }
0x36b: {  	_ =	sdelay $0x2  }
0x36c: {  	v13 =	vld [tilespmem:s29+$0x0];
	s0 =	sadd.s32 $0xFFFFFFFF, s0;
	p1 =	por $0x1, $0x1  }
0x36d: {  	p6 =	seq.s32 s0, $0x1  }
.Ltmp66:
0x36e: {  	_ = 	snop;
	(pc) =	sbr.rel @p6 .LBB2_121-.Ltmp66, $3  }
0x36f: {  	_ =	sdelay $0x1  }
0x370: {  	s31 =	simm.s32 $0x1B801  }
0x371: {  	s0 =	sadd.s32 $0xFFFFFFFF, s0;
	p2 =	por $0x1, $0x1;
	(v2sf) =	vpush v13, $0x0;
	v13 =	vld [tilespmem:s31+$0x0]  }
0x372: {  	_ =	sdelay $0x8  }
0x373: {  	p6 =	seq.s32 s0, $0x1  }
.Ltmp67:
0x374: {  	_ = 	snop;
	(pc) =	sbr.rel @p6 .LBB2_123-.Ltmp67, $3  }
0x375: {  	_ =	sdelay $0x1  }
0x376: {  	s31 =	simm.s32 $0x1B802  }
0x377: {  	s0 =	sadd.s32 $0xFFFFFFFF, s0;
	p3 =	por $0x1, $0x1;
	(v2sf) =	vpush v13, $0x0;
	v13 =	vld [tilespmem:s31+$0x0];
	s30 =	spop (v2sf)  }
0x378: {  	_ =	sdelay $0x6  }
0x379: {  	s1 =	sshll.u32 s30, $0x4  }
0x37a: {  	v10 =	vld [tilespmem:s1+$0x8000]  }
0x37b: {  	p6 =	seq.s32 s0, $0x1  }
.Ltmp68:
0x37c: {  	_ = 	snop;
	(pc) =	sbr.rel @p6 .LBB2_125-.Ltmp68, $3  }
0x37d: {  	_ =	sdelay $0x1  }
0x37e: {  	s31 =	simm.s32 $0x1B803;
	vm1 =	vlt.s32 v6, $0xFE1;
	vm0 =	vge.f32 v10, v5  }
0x37f: {  	s0 =	sadd.s32 $0xFFFFFFFF, s0;
	p4 =	por $0x1, $0x1;
	v9 =	vor.u32 s1, v0;
	(v2sf) =	vpush v13, $0x0;
	v13 =	vld [tilespmem:s31+$0x0];
	vm1 =	vmand vm1, vm0;
	s1 =	spop (v2sf)  }
0x380: {  	_ =	sdelay $0x6  }
0x381: {  	s2 =	sshll.u32 s1, $0x4;
	v7 =	vsel vm1, $0x1, v2  }
0x382: {  	v18 =	vld [tilespmem:s2+$0x8000];
	(xrf0) =	vadd.scan.msk.s32 $0xffff, v7  }
0x383: {  	p6 =	seq.s32 s0, $0x1  }
.Ltmp69:
0x384: {  	v7 =	vmpcnt.ones.xlane vm1;
	(pc) =	sbr.rel @p6 .LBB2_127-.Ltmp69, $4  }
0x385: {  	p5 =	por $0x1, $0x1  }
0x386: {  	s3 =	simm.s32 @!p5 $0x0;
	v12 =	vadd.s32 v6, v7  }
0x387: {  	s31 =	simm.s32 $0x1B804;
	vm4 =	vmmov vm1;
	s3 =	simm.s32 @p5 $0x1;
	vm2 =	vlt.s32 v12, $0xFE1;
	vm0 =	vge.f32 v18, v5  }
0x388: {  	s0 =	sadd.s32 $0xFFFFFFFF, s0;
	v17 =	vor.u32 s2, v0;
	v21 =	vld [tilespmem:s31+$0x0];
	[smem:$0x7F8] =	sst s3;
	(v2sf) =	vpush v13, $0x0;
	vm3 =	vmand vm2, vm0;
	v19, _, _ =	vpop (xrf0);
	s2 =	spop (v2sf)  }
0x389: {  	_ =	sdelay $0x5  }
0x38a: {  	v7 =	vsel vm3, $0x1, v2  }
0x38b: {  	s3 =	sshll.u32 s2, $0x4;
	(xrf0) =	vadd.scan.msk.s32 $0xffff, v7;
	v7 =	vadd.s32 v19, v6;
	(v2sf) =	vpush v21, $0x0  }
0x38c: {  	v16 =	vld [tilespmem:s3+$0x8000];
	v8 =	vadd.s32 $0xFFFFFFFF, v7  }
0x38d: {  	vm0 =	vmmov vm4;
	p6 =	seq.s32 s0, $0x1;
	s31 =	simm.s32 $0x1B805  }
.Ltmp70:
0x38e: {  	v13 =	vld [tilespmem:s31+$0x0];
	v7 =	vmpcnt.ones.xlane vm3;
	(pc) =	sbr.rel @p6 .LBB2_129-.Ltmp70, $4  }
0x38f: {  	p5 =	por $0x1, $0x1  }
0x390: {  	v14 =	vor.u32 s3, v0;
	s3 =	simm.s32 @!p5 $0x0;
	v23 =	vadd.s32 v12, v7  }
0x391: {  	vm5 =	vmmov vm3;
	v15 =	vmovc v17;
	s3 =	simm.s32 @p5 $0x1;
	vm6 =	vlt.s32 v23, $0xFE1;
	vm2 =	vge.f32 v16, v5;
	[tilespmem:v8+s19+$0x0] =	vst.idx.msk vm4, v10  }
0x392: {  	s15 =	sadd.s32 $0xFFFFFFFF, s0;
	v11 =	vmov v18;
	v7 =	vmov v9;
	vm2 =	vmand vm6, vm2;
	v20, _, _ =	vpop (xrf0);
	[smem:$0x7F9] =	sst s3;
	s0 =	spop (v2sf)  }
.LBB2_130:
0x393: {  	p6 =	seq.s32 s15, $0x1;
	(v2sf) =	vpush v13, $0x0;
	s0 =	sshll.u32 s0, $0x4;
	v13 =	vsel vm2, $0x1, v2;
	v22 =	vmpcnt.ones.xlane vm2;
	[tilespmem:v8+s20+$0x0] =	vst.idx.msk vm0, v7;
	v7 =	vmovc v15;
	v15 =	vmovc v14  }
0x394: {  	v8 =	vadd.s32 v20, v12;
	v12 =	vmovc v23;
	vm0 =	vmmov vm5;
	v24 =	vld [tilespmem:s0+$0x8000];
	v14 =	vor.u32 s0, v0;
	(xrf0) =	vadd.scan.msk.s32 $0xffff, v13  }
0x395: {  	s31 =	sadd.s32 $0x1, s31;
	vm5 =	vmmov vm2;
	v8 =	vadd.s32 $0xFFFFFFFF, v8;
	v23 =	vadd.s32 v23, v22  }
.Ltmp71:
0x396: {  	v13 =	vld [tilespmem:s31+$0x0];
	(pc) =	sbr.rel @!p6 .LBB2_130-.Ltmp71, $3  }
0x397: {  	_ =	sdelay $0x1  }
0x398: {  	vm6 =	vlt.s32 v23, $0xFE1;
	vm2 =	vge.f32 v24, v5  }
0x399: {  	s15 =	sadd.s32 $0xFFFFFFFF, s15;
	s0 =	spop (v2sf);
	vm2 =	vmand vm6, vm2;
	v20, _, _ =	vpop (xrf0);
	[tilespmem:v8+s19+$0x0] =	vst.idx.msk vm0, v11;
	v11 =	vmov v16;
	v16 =	vmov v24  }
0x39a: {  	v22 =	vmov v12;
	v12 =	vmov v23  }
.LBB2_132:
0x39b: {  	s3 =	sadd.s32 @p1 $0x1, s31;
	s15 =	simm.s32 $0x1B800  }
0x39c: {  	(v2sf) =	vpush @p1 v13, $0x0;
	s15 =	smov.u32 @p1 s3  }
0x39d: {  	v13 =	vld @p0 [tilespmem:s15+$0x0];
	_ =	sdelay $0x1  }
0x39e: {  	s0 =	sshll.u32 @p3 s0, $0x4  }
0x39f: {  	v23 =	vld @p3 [tilespmem:s0+$0x8000]  }
0x3a0: {  	v24 =	vmpcnt.ones.xlane @p4 vm2  }
0x3a1: {  	v13 =	vpsel p0, v13, v21  }
0x3a2: {  	v21 =	vadd.s32 @p4 v12, v24;
	(v2sf) =	vpush @p0 v13, $0x0  }
0x3a3: {  	s3 =	spop @p2 (v2sf);
	v13 =	vpsel p4, v21, v6  }
0x3a4: {  	vm6 =	vge.f32 @p3 v23, v5;
	s2 =	smov.u32 @p2 s3;
	vm7 =	vlt.s32 @p3 v13, $0xFE1  }
0x3a5: {  	s3 =	sshll.u32 @p2 s2, $0x4;
	vm6 =	vmand @p3 vm7, vm6  }
0x3a6: {  	s15 =	sadd.s32 @p0 $0x1, s15;
	v24 =	vld @p2 [tilespmem:s3+$0x8000];
	vm3 =	vmmov @p3 vm6  }
0x3a7: {  	s29 =	smov.u32 @p0 s15;
	v25 =	vmpcnt.ones.xlane @p3 vm3  }
0x3a8: {  	v58 =	vld [tilespmem:s29+$0x0]  }
0x3a9: {  	v25 =	vadd.s32 @p3 v13, v25  }
0x3aa: {  	s29 =	sld [smem:$0x7F8];
	v25 =	vpsel p3, v25, v6;
	s2 =	spop @p1 (v2sf)  }
0x3ab: {  	vm6 =	vge.f32 @p2 v24, v5;
	vm7 =	vlt.s32 @p2 v25, $0xFE1;
	s1 =	smov.u32 @p1 s2  }
0x3ac: {  	v21 =	vsel @p4 vm2, $0x1, v2;
	vm6 =	vmand @p2 vm7, vm6;
	s2 =	sshll.u32 @p1 s1, $0x4  }
0x3ad: {  	v26 =	vor.u32 @p3 s0, v0;
	p6 =	seq.s32 s29, $0x1;
	(v2sf) =	vpush v58, $0x0;
	(xrf0) =	vadd.scan.msk.s32 @p4 $0xffff, v21;
	vm1 =	vmmov @p2 vm6;
	v21 =	vld @p1 [tilespmem:s2+$0x8000]  }
0x3ae: {  	v17 =	vpsel p3, v26, v17;
	v20 =	vadd.s32 @p6 v20, v22;
	v22 =	vmpcnt.ones.xlane @p2 vm1  }
0x3af: {  	v14 =	vpsel p4, v14, v9;
	v16 =	vpsel p4, v16, v10;
	v17 =	vpsel p3, v17, v0  }
0x3b0: {  	v14 =	vpsel p4, v14, v0;
	v17 =	vpsel p3, v17, v0;
	v22 =	vadd.s32 @p2 v25, v22  }
0x3b1: {  	v18 =	vpsel p3, v23, v18;
	v12 =	vpsel p4, v12, v6;
	v22 =	vpsel p2, v22, v6;
	s0 =	spop @p0 (v2sf)  }
0x3b2: {  	v18 =	vpsel p3, v18, v0;
	vm6 =	vge.f32 @p1 v21, v5;
	vm8 =	vlt.s32 @p1 v22, $0xFE1;
	s30 =	smov.u32 @p0 s0  }
0x3b3: {  	vm5 =	vmmov @p6 vm5;
	v26 =	vsel @p3 vm3, $0x1, v2;
	vm6 =	vmand @p1 vm8, vm6;
	s1 =	sshll.u32 @p0 s30, $0x4  }
0x3b4: {  	v20 =	vadd.s32 @p6 $0xFFFFFFFF, v20;
	v23 =	vor.u32 @p2 s3, v0;
	v28, _, _ =	vpop @p4 (xrf0);
	(xrf0) =	vadd.scan.msk.s32 @p3 $0xffff, v26;
	vm6 =	vmmov @p1 vm6;
	v26 =	vld @p0 [tilespmem:s1+$0x8000]  }
0x3b5: {  	v59 =	vpsel p2, v23, v9;
	v19 =	vpsel p4, v28, v19;
	v28 =	vmpcnt.ones.xlane @p1 vm6  }
0x3b6: {  	v15 =	vpsel p6, v15, v0;
	v27 =	vpsel p6, v20, v0;
	v9 =	vpsel p2, v59, v0  }
0x3b7: {  	s31 =	sld [smem:$0x7F9];
	v9 =	vpsel p2, v9, v0;
	v12 =	vadd.s32 @p4 v19, v12;
	v19 =	vadd.s32 @p1 v22, v28  }
0x3b8: {  	v60 =	vpsel p2, v24, v10;
	vm7 =	vmmov @p4 vm2;
	v19 =	vpsel p1, v19, v6  }
0x3b9: {  	vm4 =	vmmov @p4 vm7;
	vm9 =	vlt.s32 @p0 v19, $0xFE1;
	vm7 =	vge.f32 @p0 v26, v5  }
0x3ba: {  	p5 =	seq.s32 s31, $0x1;
	vm2 =	vmmov @p6 vm5;
	v12 =	vadd.s32 @p4 $0xFFFFFFFF, v12;
	vm7 =	vmand @p0 vm9, vm7  }
0x3bb: {  	[tilespmem:v8+s20+$0x0] =	vst.idx.msk @p5 vm0, v7;
	v24 =	vor.u32 @p1 s2, v0;
	v23 =	vsel @p2 vm1, $0x1, v2;
	vm7 =	vmmov @p0 vm7  }
0x3bc: {  	vm4 =	vmmov @p4 vm4;
	v24 =	vpsel p1, v24, v0;
	s30 =	spop (v2sf);
	v28, _, _ =	vpop @p3 (xrf0);
	(xrf0) =	vadd.scan.msk.s32 @p2 $0xffff, v23;
	v23 =	vmpcnt.ones.xlane @p0 vm7  }
0x3bd: {  	v13 =	vpsel p3, v13, v0;
	v10 =	vpsel p2, v60, v0;
	v29 =	vpsel p4, v12, v0;
	v7 =	vmovc @p1 v24;
	s0 =	sshll.u32 s30, $0x4  }
0x3be: {  	v7 =	vpsel p1, v7, v0;
	vm8 =	vmmov @p3 vm3;
	v30 =	vld [tilespmem:s0+$0x8000];
	v23 =	vadd.s32 @p0 v19, v23  }
0x3bf: {  	[tilespmem:v20+s19+$0x0] =	vst.idx.msk @p6 vm5, v11;
	vm3 =	vmmov @p4 vm4;
	v6 =	vpsel p0, v23, v6;
	v23 =	vsel @p1 vm6, $0x1, v2  }
0x3c0: {  	v7 =	vpsel p1, v7, v0;
	v21 =	vpsel p1, v21, v0;
	v8 =	vmovc @p1 v22;
	(xrf0) =	vadd.scan.msk.s32 @p1 $0xffff, v23  }
0x3c1: {  	vm11 =	vmmov @p2 vm1;
	[tilespmem:v27+s20+$0x0] =	vst.idx.msk @p6 vm2, v15;
	v8 =	vpsel p1, v8, v0;
	v15 =	vmovc @p1 v21;
	vm8 =	vmmov @p3 vm8  }
0x3c2: {  	[tilespmem:v12+s19+$0x0] =	vst.idx.msk @p4 vm4, v16;
	v15 =	vpsel p1, v15, v0;
	vm8 =	vmmov @p3 vm8;
	v28 =	vpsel p3, v28, v0  }
0x3c3: {  	v13 =	vadd.s32 @p3 v28, v13;
	vm9 =	vge.f32 v30, v5;
	v5 =	vmovc @p2 v25;
	v28 =	vsel @p0 vm7, $0x1, v2  }
0x3c4: {  	v13 =	vadd.s32 @p3 $0xFFFFFFFF, v13;
	v5 =	vpsel p2, v5, v0;
	vm10 =	vlt.s32 v6, $0xFE1;
	v23, _, _ =	vpop @p2 (xrf0);
	(xrf0) =	vadd.scan.msk.s32 @p0 $0xffff, v28  }
0x3c5: {  	[tilespmem:v29+s20+$0x0] =	vst.idx.msk @p4 vm3, v14;
	v25 =	vpsel p3, v13, v0;
	vm3 =	vmmov @p0 vm7;
	vm14 =	vmand vm10, vm9  }
0x3c6: {  	vm3 =	vmmov @p0 vm3;
	vm6 =	vmmov @p1 vm6;
	v61 =	vsel vm14, $0x1, v2;
	v11, _, _ =	vpop @p1 (xrf0)  }
0x3c7: {  	vm10 =	vmmov @p2 vm11;
	v23 =	vpsel p2, v23, v0;
	(xrf0) =	vadd.scan.msk.s32 $0xffff, v61;
	v11 =	vpsel p1, v11, v0  }
0x3c8: {  	v14 =	vmovc @p0 v19;
	vm2 =	vmmov @p1 vm6;
	vm10 =	vmmov @p2 vm10;
	v5 =	vadd.s32 @p2 v23, v5  }
0x3c9: {  	[tilespmem:v13+s19+$0x0] =	vst.idx.msk @p3 vm8, v18;
	v13 =	vpsel p0, v14, v0;
	vm9 =	vmmov @p3 vm8;
	v5 =	vadd.s32 @p2 $0xFFFFFFFF, v5  }
0x3ca: {  	vm2 =	vmmov @p1 vm2;
	vm0 =	vmmov @p2 vm10;
	v8 =	vadd.s32 @p1 v11, v8;
	v11, _, _ =	vpop @p0 (xrf0)  }
0x3cb: {  	vm4 =	vmmov @p1 vm2;
	v20 =	vpsel p2, v5, v0;
	v11 =	vpsel p0, v11, v0  }
0x3cc: {  	vm15 =	vmmov vm14;
	v8 =	vadd.s32 @p1 $0xFFFFFFFF, v8;
	v11 =	vadd.s32 @p0 v11, v13  }
0x3cd: {  	vm3 =	vmmov @p0 vm3;
	vm5 =	vmmov vm15;
	v14 =	vpsel p1, v8, v0;
	v62, _, _ =	vpop (xrf0)  }
0x3ce: {  	v23 =	vor.u32 @p0 s1, v0;
	[tilespmem:v5+s19+$0x0] =	vst.idx.msk @p2 vm10, v10;
	v5 =	vadd.s32 @p0 $0xFFFFFFFF, v11;
	v10 =	vadd.s32 v62, v6  }
0x3cf: {  	vm6 =	vmmov @p0 vm3;
	v12 =	vpsel p0, v23, v0;
	[tilespmem:v25+s20+$0x0] =	vst.idx.msk @p3 vm9, v17;
	v10 =	vadd.s32 $0xFFFFFFFF, v10;
	v11 =	vmovc @p0 v26  }
0x3d0: {  	[tilespmem:v20+s20+$0x0] =	vst.idx.msk @p2 vm0, v9;
	v13 =	vpsel p0, v5, v0;
	v11 =	vpsel p0, v11, v0  }
0x3d1: {  	v9 =	vmov @p0 v12;
	[tilespmem:v8+s19+$0x0] =	vst.idx.msk @p1 vm2, v15;
	v8 =	vmov @p0 v11  }
0x3d2: {  	v9 =	vpsel p0, v9, v0;
	[tilespmem:v14+s20+$0x0] =	vst.idx.msk @p1 vm4, v7;
	v8 =	vpsel p0, v8, v0  }
0x3d3: {  	v7 =	vmov @p0 v9;
	[tilespmem:v5+s19+$0x0] =	vst.idx.msk @p0 vm3, v8  }
0x3d4: {  	v5 =	vpsel p0, v7, v0;
	v7 =	vmpcnt.ones.xlane vm14;
	[tilespmem:v10+s19+$0x0] =	vst.idx.msk vm5, v30  }
0x3d5: {  	v63 =	vor.u32 s0, v0;
	[tilespmem:v13+s20+$0x0] =	vst.idx.msk @p0 vm6, v5  }
0x3d6: {  	[tilespmem:v10+s20+$0x0] =	vst.idx.msk vm5, v63;
	v5 =	vadd.s32 v6, v7  }
.Ltmp72:
0x3d7: {  	(pc) =	sbr.rel .LBB2_110-.Ltmp72, $2  }
0x3d8: {  	_ =	sdelay $0x2  }
0x3d9: {  	v5 =	vxor.u32 $0x80000000, v5  }
.LBB2_108:
0x3da: {  	v5 =	vimm.s32 $0x80000000  }
.LBB2_110:
0x3db: {  	(xrf0) =	vmax.scan.msk.u32 $0xffff, v5;
	_ =	sdelay $0x5  }
0x3dc: {  	v5, _, _ =	vpop (xrf0)  }
0x3dd: {  	(v2sf) =	vpush v5, $0xF;
	_ =	sdelay $0xe  }
0x3de: {  	s0 =	spop (v2sf)  }
.Ltmp73:
0x3df: {  	s2 =	sadd.s32 $0x8000000F, s0;
	(pc) =	sbr.rel .LBB2_111-.Ltmp73, $4  }
0x3e0: {  	s1 =	sshra.s32 s2, $0x1F  }
0x3e1: {  	s1 =	sshrl.u32 s1, $0x1C  }
0x3e2: {  	s29 =	sxor.u32 $0x80000000, s0;
	s31 =	sadd.s32 s1, s2  }
0x3e3: {  	v5 =	vmov s29;
	p0 =	slt.s32 s2, $0x10;
	s1 =	simm.s32 $0x0;
	s0 =	sshra.s32 s31, $0x4  }
.LBB2_113:
0x3e4: {  	s15 =	simm.s32 $0x0  }
.LBB2_137:
0x3e5: {  	s3 =	sadd.s32 @p1 $0x10, s15  }
0x3e6: {  	v8 =	vand.u32 $0x7FFFFFFF, v8;
	s30 =	smov.u32 @p1 s3  }
0x3e7: {  	v8 =	vxor.u32 v10, v8;
	v9 =	vor.u32 s30, v0  }
0x3e8: {  	vm0 =	vge.s32 v8, v7;
	vm1 =	vlt.s32 v9, v5  }
0x3e9: {  	vm0 =	vmand vm1, vm0  }
0x3ea: {  	v7 =	vsel vm0, $0x1, v2  }
0x3eb: {  	v6 =	vadd.s32 v7, v6  }
.LBB2_138:
0x3ec: {  	(xrf0) =	vadd.scan.msk.s32 $0xffff, v6;
	_ =	sdelay $0x5  }
0x3ed: {  	v6, _, _ =	vpop (xrf0)  }
0x3ee: {  	(v2sf) =	vpush v6, $0xF;
	_ =	sdelay $0xa  }
0x3ef: {  	s1 =	sadd.s32 $0x1, s1  }
0x3f0: {  	p2 =	seq.s32 s1, $0x14  }
.Ltmp74:
0x3f1: {  	_ = 	snop;
	(pc) =	sbr.rel @p2 .LBB2_89-.Ltmp74, $4  }
0x3f2: {  	_ = 	snop  }
0x3f3: {  	s3 =	spop (v2sf)  }
0x3f4: {  	p1 =	sgt.s32 s3, $0x3F  }
0x3f5: {  	s28 =	smov.u32 @p1 s2  }
.LBB2_111:
.Ltmp75:
0x3f6: {  	(pc) =	sbr.rel @p0 .LBB2_138-.Ltmp75, $3  }
0x3f7: {  	_ =	sdelay $0x1  }
0x3f8: {  	s2 =	sshrl.u32 s21, s1  }
0x3f9: {  	v6 =	vimm.s32 $0x0;
	s2 =	sadd.s32 s2, s28  }
0x3fa: {  	s3 =	simm.s32 $0x19000  }
0x3fb: {  	p2 =	seq.s32 s0, $0x1;
	v10 =	vld [tilespmem:s3+$0x0]  }
.Ltmp76:
0x3fc: {  	_ = 	snop;
	(pc) =	sbr.rel @p2 .LBB2_113-.Ltmp76, $3  }
0x3fd: {  	_ =	sdelay $0x1  }
0x3fe: {  	s30 =	simm.s32 $0x0  }
0x3ff: {  	v7 =	vmov s2;
	v6 =	vimm.s32 $0x0;
	s15 =	simm.s32 $0x19010;
	p1 =	por $0x0, $0x0;
	s3 =	sadd.s32 $0xFFFFFFFF, s0;
	v8 =	vshra.s32 v10, $0x1F  }
0x400: {  	v9 =	vld [tilespmem:s15+$0x0];
	v8 =	vand.u32 $0x7FFFFFFF, v8;
	p2 =	seq.s32 s3, $0x1  }
.Ltmp77:
0x401: {  	v8 =	vxor.u32 v10, v8;
	v10 =	vor.u32 s30, v0;
	(pc) =	sbr.rel @p2 .LBB2_134-.Ltmp77, $4  }
0x402: {  	vm0 =	vge.s32 v8, v7;
	vm1 =	vlt.s32 v10, v5  }
0x403: {  	vm0 =	vmand vm1, vm0  }
0x404: {  	s31 =	sadd.s32 $0xFFFFFFFF, s3;
	v10 =	vsel vm0, $0x1, v2  }
0x405: {  	s3 =	simm.s32 $0x19020;
	p1 =	por $0x1, $0x1;
	s15 =	simm.s32 $0x0;
	v8 =	vshra.s32 v9, $0x1F;
	v6 =	vadd.s32 v10, v6  }
.LBB2_135:
0x406: {  	v10 =	vld [tilespmem:s3+$0x0];
	p2 =	seq.s32 s31, $0x1;
	s31 =	sadd.s32 $0xFFFFFFFF, s31;
	v8 =	vand.u32 $0x7FFFFFFF, v8;
	s15 =	sadd.s32 $0x10, s15  }
.Ltmp78:
0x407: {  	v8 =	vxor.u32 v9, v8;
	v9 =	vor.u32 s15, v0;
	(pc) =	sbr.rel @!p2 .LBB2_135-.Ltmp78, $4  }
0x408: {  	vm0 =	vge.s32 v8, v7;
	vm1 =	vlt.s32 v9, v5  }
0x409: {  	vm0 =	vmand vm1, vm0  }
0x40a: {  	v11 =	vsel vm0, $0x1, v2  }
0x40b: {  	s3 =	sadd.s32 $0x10, s3;
	v8 =	vshra.s32 v10, $0x1F;
	v6 =	vadd.s32 v11, v6;
	v9 =	vmov v10  }
.Ltmp79:
0x40c: {  	(pc) =	sbr.rel .LBB2_137-.Ltmp79, $2  }
0x40d: {  	_ =	sdelay $0x2  }
0x40e: {  	v10 =	vmov v9  }
.LBB2_134:
.Ltmp80:
0x40f: {  	(pc) =	sbr.rel .LBB2_137-.Ltmp80, $2  }
0x410: {  	_ =	sdelay $0x2  }
0x411: {  	s15 =	simm.s32 $0x0;
	v10 =	vmov v9  }
.LBB2_89:
0x412: {  	s0 =	sadd.s32 $0xF, s29  }
0x413: {  	p0 =	slt.s32 s0, $0x10  }
.Ltmp81:
0x414: {  	_ = 	snop;
	(pc) =	sbr.rel @p0 .LBB2_143-.Ltmp81, $4  }
0x415: {  	v5 =	vmov s28;
	s1 =	sshra.s32 s0, $0x1F  }
0x416: {  	v5 =	vshra.s32 v5, $0x1F;
	s1 =	sshrl.u32 s1, $0x1C  }
0x417: {  	v5 =	vand.u32 $0x7FFFFFFF, v5;
	s1 =	sadd.s32 s1, s0  }
0x418: {  	v6 =	vmov s29;
	v5 =	vxor.u32 s28, v5;
	s28 =	sshra.s32 s1, $0x4  }
0x419: {  	p2 =	sne.s32 s28, $0x1  }
.Ltmp82:
0x41a: {  	_ = 	snop;
	(pc) =	sbr.rel @!p2 .LBB2_91-.Ltmp82, $3  }
0x41b: {  	_ =	sdelay $0x1  }
0x41c: {  	s2 =	simm.s32 $0x19000;
	s0 =	simm.s32 $0x1A000  }
0x41d: {  	s1 =	simm.s32 $0x0;
	p1 =	por $0x0, $0x0;
	v7 =	vld [tilespmem:s2+$0x0];
	s2 =	sadd.s32 $0xFFFFFFFF, s28  }
0x41e: {  	_ =	sdelay $0x2  }
0x41f: {  	v8 =	vld [tilespmem:s0+$0x0];
	v9 =	vor.u32 s1, v0  }
0x420: {  	vm1 =	vlt.s32 v9, v6;
	vm0 =	vge.f32 v7, v5  }
0x421: {  	vm0 =	vmand vm1, vm0;
	_ =	sdelay $0x1  }
0x422: {  	p2 =	sne.s32 s2, $0x1  }
.Ltmp83:
0x423: {  	_ = 	snop;
	(pc) =	sbr.rel @!p2 .LBB2_140-.Ltmp83, $3  }
0x424: {  	_ =	sdelay $0x1  }
0x425: {  	s29 =	simm.s32 $0x19010;
	s30 =	sadd.s32 $0xFFFFFFFF, s2;
	[tilespmem:v8+s22+$0x0] =	vst.idx.msk vm0, v7  }
0x426: {  	p1 =	por $0x1, $0x1;
	s2 =	simm.s32 $0x1A000;
	s15 =	simm.s32 $0x0;
	v7 =	vld [tilespmem:s29+$0x0]  }
.LBB2_141:
0x427: {  	p2 =	sne.s32 s30, $0x1;
	_ =	sdelay $0x1  }
0x428: {  	s2 =	sadd.s32 $0x10, s2;
	s15 =	sadd.s32 $0x10, s15  }
0x429: {  	v9 =	vor.u32 s15, v0;
	v8 =	vld [tilespmem:s2+$0x0]  }
0x42a: {  	vm1 =	vlt.s32 v9, v6;
	vm0 =	vge.f32 v7, v5  }
0x42b: {  	vm0 =	vmand vm1, vm0;
	_ =	sdelay $0x2  }
.Ltmp84:
0x42c: {  	(pc) =	sbr.rel @p2 .LBB2_141-.Ltmp84, $3  }
0x42d: {  	_ =	sdelay $0x1  }
0x42e: {  	s29 =	sadd.s32 $0x10, s29;
	[tilespmem:v8+s22+$0x0] =	vst.idx.msk vm0, v7  }
0x42f: {  	s30 =	sadd.s32 $0xFFFFFFFF, s30;
	v7 =	vld [tilespmem:s29+$0x0]  }
.LBB2_142:
0x430: {  	_ = 	snop  }
0x431: {  	s2 =	sadd.s32 @p1 $0x10, s2;
	s3 =	sadd.s32 @p1 $0x10, s15  }
0x432: {  	s0 =	smov.u32 @p1 s2;
	s1 =	smov.u32 @p1 s3  }
0x433: {  	v8 =	vld [tilespmem:s0+$0x0];
	v9 =	vor.u32 s1, v0  }
0x434: {  	vm1 =	vlt.s32 v9, v6;
	vm0 =	vge.f32 v7, v5  }
0x435: {  	vm0 =	vmand vm1, vm0;
	_ =	sdelay $0x5  }
0x436: {  	[tilespmem:v8+s22+$0x0] =	vst.idx.msk vm0, v7  }
.LBB2_143:
0x437: {  	[hbm4b:s7+s12] =	stream.strided.scatter [tilespmem:s22], [sflag:$0x3], $0x8000, s13, s12, $0x38;
	[tilespmem:$0x1C080] =	vst v63  }
0x438: {  	_ =	swait.ge [sflag:s14], $0x8000  }
0x439: {  	s0 =	simm.s32 $0x8000;
	s1 =	simm.s32 $0x20;
	[sflag:s14] =	ssyncset.done $0x0  }
0x43a: {  	s29 =	simm.s32 $0x1;
	s2 =	simm.s32 $0x2;
	[sflag:s14] =	ssyncadd.s32 $0xFFFF8000  }
0x43b: {  	[tilespmem:s0], [sflag:$0x2] =	stream.strided.gather [hbm4b:s8+s12], $0x8000, s13, s12, $0x38;
	[tilespmem:$0x1C080] =	vst v63  }
0x43c: {  	s3 =	simm.s32 $0x0;
	v7 =	vmov s29;
	v8 =	vmov s2;
	v10 =	vld [tilespmem:s1+$0x0]  }
0x43d: {  	v11 =	vmov s3;
	v8 =	vand.u32 $0xFFFFFFFE, v8;
	v7 =	vand.u32 $0xFFFFFFFD, v7;
	v14 =	vld [tilespmem:s1+$0xFFFFFFF0]  }
0x43e: {  	v9 =	vbroadcast v8, $0x0;
	v8 =	vbroadcast v7, $0x0;
	v7 =	vand.u32 $0xFFFFFFFC, v11;
	v11 =	vld [tilespmem:s1+$0x10]  }
0x43f: {  	v5 =	vadd.f32 $-2.500000000e-01, v5;
	v12 =	vld [tilespmem:s1+$0xFFFFFFE0]  }
0x440: {  	s30 =	simm.s32 $0x3  }
0x441: {  	s31 =	simm.s32 $0x5;
	s3 =	simm.s32 $0x6;
	v7 =	vbroadcast v7, $0x0;
	vm1 =	vge.f32 v10, v5;
	v10 =	vmov s30  }
0x442: {  	v13 =	vmov s31;
	s2 =	simm.s32 $0x8;
	s0 =	simm.s32 $0x4;
	s1 =	simm.s32 $0x60;
	vm0 =	vge.f32 v14, v5;
	v14 =	vmpcnt.ones.xlane vm1  }
.LBB2_144:
0x443: {  	p1 =	slt.u32 s2, $0x7FC;
	v15 =	vld [tilespmem:s1+$0x0];
	v16 =	vmov s3;
	v17 =	vmpcnt.ones.xlane vm0;
	vm0 =	vge.f32 v11, v5  }
0x444: {  	v18 =	vld [tilespmem:s1+$0xFFFFFFF0];
	v11 =	vand.u32 $0xFFFFFFFE, v16;
	vm1 =	vge.f32 v12, v5;
	[tilespmem:v9+s17+$0x0] =	vst.idx.msk $0x1, v14;
	v14 =	vmpcnt.ones.xlane vm0  }
.Ltmp85:
0x445: {  	v13 =	vand.u32 $0xFFFFFFFD, v13;
	v9 =	vbroadcast v11, $0x0;
	v11 =	vld [tilespmem:s1+$0x10];
	v16 =	vmpcnt.ones.xlane vm1;
	[tilespmem:v8+s17+$0x0] =	vst.idx.msk $0x1, v17;
	(pc) =	sbr.rel @p1 .LBB2_144-.Ltmp85, $4  }
0x446: {  	v17 =	vmov s0;
	v8 =	vbroadcast v13, $0x0;
	v12 =	vld [tilespmem:s1+$0xFFFFFFE0];
	[tilespmem:v10+s17+$0x0] =	vst.idx.msk $0x1, v14  }
0x447: {  	s3 =	sadd.s32 $0x3, s0;
	s0 =	smov.u32 s2;
	v10 =	vand.u32 $0xFFFFFFFC, v17;
	[tilespmem:v7+s17+$0x0] =	vst.idx.msk $0x1, v16  }
0x448: {  	s15 =	sadd.s32 $0x1, s2;
	v7 =	vbroadcast v10, $0x0;
	v10 =	vmov s3;
	vm1 =	vge.f32 v15, v5  }
0x449: {  	v13 =	vmov s15;
	s2 =	sadd.s32 $0x4, s2;
	s1 =	sadd.s32 $0x40, s1;
	s3 =	sadd.s32 $0x2, s0;
	vm0 =	vge.f32 v18, v5;
	v14 =	vmpcnt.ones.xlane vm1  }
0x44a: {  	_ = 	snop  }
0x44b: {  	v15 =	vld [tilespmem:s1+$0x0];
	v16 =	vmov s3;
	v17 =	vmpcnt.ones.xlane vm0  }
0x44c: {  	v18 =	vld [tilespmem:s1+$0xFFFFFFF0];
	vm0 =	vge.f32 v11, v5;
	v11 =	vand.u32 $0xFFFFFFFD, v13;
	v16 =	vand.u32 $0xFFFFFFFE, v16  }
0x44d: {  	v19 =	vmov s0;
	vm1 =	vge.f32 v12, v5;
	v12 =	vld [tilespmem:s1+$0xFFFFFFE0];
	v13 =	vbroadcast v16, $0x0  }
0x44e: {  	v11 =	vbroadcast v11, $0x0;
	[tilespmem:v9+s17+$0x0] =	vst.idx.msk $0x1, v14;
	v19 =	vand.u32 $0xFFFFFFFC, v19;
	v16 =	vld [tilespmem:s1+$0x10]  }
0x44f: {  	v9 =	vmpcnt.ones.xlane vm0;
	[tilespmem:v8+s17+$0x0] =	vst.idx.msk $0x1, v17;
	v8 =	vbroadcast v19, $0x0  }
0x450: {  	s3 =	sadd.s32 $0x3, s0;
	v14 =	vmpcnt.ones.xlane vm1;
	vm0 =	vge.f32 v15, v5  }
0x451: {  	[tilespmem:v10+s17+$0x0] =	vst.idx.msk $0x1, v9;
	v15 =	vmov s3;
	vm1 =	vge.f32 v18, v5;
	v9 =	vmpcnt.ones.xlane vm0  }
0x452: {  	[tilespmem:v7+s17+$0x0] =	vst.idx.msk $0x1, v14;
	v7 =	vmpcnt.ones.xlane vm1;
	vm1 =	vge.f32 v12, v5  }
0x453: {  	vm0 =	vge.f32 v16, v5;
	v10 =	vmpcnt.ones.xlane vm1;
	[tilespmem:v13+s17+$0x0] =	vst.idx.msk $0x1, v9  }
0x454: {  	v9 =	vmpcnt.ones.xlane vm0;
	[tilespmem:v11+s17+$0x0] =	vst.idx.msk $0x1, v7  }
0x455: {  	[tilespmem:v8+s17+$0x0] =	vst.idx.msk $0x1, v10  }
0x456: {  	s15 =	simm.s32 $0x1B010;
	[tilespmem:v15+s17+$0x0] =	vst.idx.msk $0x1, v9  }
0x457: {  	v7 =	vld [tilespmem:s15+$0x0];
	_ =	sdelay $0x1  }
0x458: {  	v8 =	vld [tilespmem:s15+$0xFFFFFFF0];
	_ =	sdelay $0x1  }
0x459: {  	s29 =	simm.s32 $0x1B030  }
0x45a: {  	vm0 =	vgt.s32 v7, $0x0;
	v7 =	vld [tilespmem:s29+$0x0];
	_ =	sdelay $0x1  }
0x45b: {  	s30 =	simm.s32 $0x1B050;
	v9 =	vld [tilespmem:s29+$0xFFFFFFF0];
	vm1 =	vgt.s32 v8, $0x0;
	v8 =	vsel vm0, $0x1, v2  }
0x45c: {  	v11 =	vld [tilespmem:s30+$0x0];
	v10 =	vsel vm1, $0x1, v2;
	(xrf0) =	vadd.scan.msk.s32 $0xffff, v8  }
0x45d: {  	(xrf0) =	vadd.scan.msk.s32 $0xffff, v10  }
0x45e: {  	v10 =	vmpcnt.ones.xlane vm1;
	vm3 =	vgt.s32 v7, $0x0  }
0x45f: {  	v8 =	vimm.s32 $0x0;
	v7 =	vsel vm3, $0x1, v2  }
0x460: {  	v12 =	vld [tilespmem:s30+$0xFFFFFFF0];
	vm2 =	vgt.s32 v9, $0x0;
	vm4 =	vmmov vm0;
	(xrf0) =	vadd.scan.msk.s32 $0xffff, v7;
	v7 =	vadd.s32 v8, v10  }
0x461: {  	vm5 =	vgt.s32 v11, $0x0;
	v13 =	vsel vm2, $0x1, v2;
	v9 =	vmpcnt.ones.xlane vm4  }
0x462: {  	vm0 =	vmmov vm1;
	v15 =	vmpcnt.ones.xlane vm2;
	vm2 =	vmmov vm2;
	v10, _, _ =	vpop (xrf0);
	(xrf0) =	vadd.scan.msk.s32 $0xffff, v13  }
0x463: {  	vm3 =	vmmov vm3;
	v13 =	vadd.s32 v10, v7;
	v10 =	vadd.s32 v7, v9;
	v7, _, _ =	vpop (xrf0)  }
0x464: {  	vm0 =	vmmov vm0;
	v17 =	vmpcnt.ones.xlane vm3;
	v7 =	vadd.s32 v7, v8  }
0x465: {  	vm1 =	vmmov vm4;
	vm4 =	vgt.s32 v12, $0x0;
	v9 =	vadd.s32 $0xFFFFFFFF, v7  }
0x466: {  	s0 =	simm.s32 $0x10;
	s1 =	simm.s32 $0x1B070;
	v11 =	vsel vm5, $0x1, v2;
	v12 =	vmpcnt.ones.xlane vm4;
	v7 =	vadd.s32 $0xFFFFFFFF, v13  }
0x467: {  	s31 =	simm.s32 $0x0;
	v14 =	vld [tilespmem:s1+$0x0];
	(xrf0) =	vadd.scan.msk.s32 $0xffff, v11;
	v11 =	vadd.s32 v10, v15;
	v8 =	vor.u32 s0, v0;
	v13 =	vsel vm4, $0x1, v2;
	v15, _, _ =	vpop (xrf0)  }
0x468: {  	s2 =	simm.s32 $0x6;
	v16 =	vld [tilespmem:s1+$0xFFFFFFF0];
	(xrf0) =	vadd.scan.msk.s32 $0xffff, v13;
	v13 =	vadd.s32 v15, v11;
	v11 =	vadd.s32 v11, v17;
	v17, _, _ =	vpop (xrf0);
	v15 =	vor.u32 s31, v0  }
.LBB2_146:
0x469: {  	s2 =	sadd.s32 $0x2, s2  }
0x46a: {  	v17 =	vadd.s32 v17, v10;
	[tilespmem:v9+s18+$0x0] =	vst.idx.msk vm0, v15;
	s0 =	sadd.s32 $0x20, s0;
	v10 =	vmovc v11;
	vm0 =	vmmov vm2;
	vm2 =	vmmov vm4;
	p1 =	slt.u32 s2, $0x7E  }
.Ltmp86:
0x46b: {  	v9 =	vadd.s32 $0xFFFFFFFF, v17;
	[tilespmem:v7+s18+$0x0] =	vst.idx.msk vm1, v8;
	v7 =	vadd.s32 $0xFFFFFFFF, v13;
	vm1 =	vmmov vm3;
	(pc) =	sbr.rel @p1 .LBB2_146-.Ltmp86, $4  }
0x46c: {  	s1 =	sadd.s32 $0x20, s1;
	v8 =	vor.u32 s0, v0;
	vm3 =	vmmov vm5;
	vm5 =	vgt.s32 v14, $0x0  }
0x46d: {  	v15 =	vmpcnt.ones.xlane vm3;
	v14 =	vld [tilespmem:s1+$0x0];
	vm4 =	vgt.s32 v16, $0x0;
	v18 =	vsel vm5, $0x1, v2  }
0x46e: {  	v11 =	vadd.s32 v11, v12;
	s3 =	sadd.s32 $0xFFFFFFF0, s0;
	v16 =	vld [tilespmem:s1+$0xFFFFFFF0];
	v19 =	vsel vm4, $0x1, v2;
	(xrf0) =	vadd.scan.msk.s32 $0xffff, v18;
	v12 =	vmpcnt.ones.xlane vm4;
	v13, _, _ =	vpop (xrf0)  }
0x46f: {  	(xrf0) =	vadd.scan.msk.s32 $0xffff, v19;
	v13 =	vadd.s32 v13, v11;
	v11 =	vadd.s32 v11, v15;
	v17, _, _ =	vpop (xrf0);
	v15 =	vor.u32 s3, v0  }
0x470: {  	_ =	sdelay $0x1  }
0x471: {  	vm6 =	vmmov vm5  }
0x472: {  	v53 =	vmpcnt.ones.xlane vm6;
	vm8 =	vgt.s32 v14, $0x0;
	vm7 =	vgt.s32 v16, $0x0  }
0x473: {  	v12 =	vadd.s32 v11, v12;
	vm13 =	vmmov vm8;
	v16 =	vmpcnt.ones.xlane vm7  }
0x474: {  	v14 =	vadd.s32 v12, v53;
	v18 =	vmpcnt.ones.xlane vm13  }
0x475: {  	v19 =	vsel vm8, $0x1, v2;
	v16 =	vadd.s32 v14, v16  }
0x476: {  	v20 =	vsel vm7, $0x1, v2;
	(xrf0) =	vadd.scan.msk.s32 $0xffff, v19;
	v18 =	vadd.s32 v16, v18  }
0x477: {  	(xrf0) =	vadd.scan.msk.s32 $0xffff, v20;
	v18 =	vxor.u32 $0x80000000, v18  }
0x478: {  	(xrf0) =	vmax.scan.msk.u32 $0xffff, v18;
	_ =	sdelay $0x1  }
0x479: {  	v54, _, _ =	vpop (xrf0)  }
0x47a: {  	v55, _, _ =	vpop (xrf0)  }
0x47b: {  	v56, _, _ =	vpop (xrf0)  }
0x47c: {  	v21, _, _ =	vpop (xrf0)  }
0x47d: {  	v22, _, _ =	vpop (xrf0)  }
0x47e: {  	(v2sf) =	vpush v22, $0xF;
	_ =	sdelay $0x3  }
0x47f: {  	v10 =	vadd.s32 v17, v10;
	vm2 =	vmmov vm2  }
0x480: {  	vm4 =	vmmov vm4;
	vm3 =	vmmov vm3;
	v10 =	vadd.s32 $0xFFFFFFFF, v10  }
0x481: {  	s0 =	sadd.s32 $0x20, s0;
	v13 =	vadd.s32 $0xFFFFFFFF, v13;
	vm6 =	vmmov vm6;
	v12 =	vadd.s32 v54, v12  }
0x482: {  	vm4 =	vmmov vm4;
	s1 =	sadd.s32 $0xFFFFFFF0, s0;
	v57 =	vadd.s32 v55, v11;
	v12 =	vadd.s32 $0xFFFFFFFF, v12  }
0x483: {  	[tilespmem:v7+s18+$0x0] =	vst.idx.msk vm1, v8;
	v58 =	vor.u32 s1, v0;
	v11 =	vadd.s32 $0xFFFFFFFF, v57;
	v7 =	vadd.s32 v56, v16  }
0x484: {  	[tilespmem:v9+s18+$0x0] =	vst.idx.msk vm0, v15;
	vm7 =	vmmov vm7;
	v14 =	vadd.s32 v21, v14;
	v7 =	vadd.s32 $0xFFFFFFFF, v7  }
0x485: {  	s15 =	sadd.s32 $0x20, s0;
	v59 =	vor.u32 s0, v0;
	[tilespmem:v10+s18+$0x0] =	vst.idx.msk vm2, v58;
	v8 =	vadd.s32 $0xFFFFFFFF, v14  }
0x486: {  	s29 =	sadd.s32 $0xFFFFFFF0, s15;
	v61 =	vor.u32 s15, v0;
	[tilespmem:v13+s18+$0x0] =	vst.idx.msk vm3, v59  }
0x487: {  	s30 =	sadd.s32 $0x20, s15;
	v60 =	vor.u32 s29, v0;
	[tilespmem:v12+s18+$0x0] =	vst.idx.msk vm6, v61  }
0x488: {  	s31 =	sadd.s32 $0xFFFFFFF0, s30;
	v63 =	vor.u32 s30, v0;
	[tilespmem:v11+s18+$0x0] =	vst.idx.msk vm4, v60  }
.Ltmp87:
0x489: {  	v62 =	vor.u32 s31, v0;
	[tilespmem:v7+s18+$0x0] =	vst.idx.msk vm13, v63;
	(pc) =	sbr.rel @p0 .LBB2_151-.Ltmp87, $4  }
0x48a: {  	[tilespmem:v8+s18+$0x0] =	vst.idx.msk vm7, v62;
	s0 =	spop (v2sf)  }
0x48b: {  	_ =	swait.ge [sflag:s24], $0x8000  }
0x48c: {  	[sflag:s24] =	ssyncset.done $0x0  }
0x48d: {  	vm15 =	vmmov vm13;
	vm14 =	vmmov vm7;
	[sflag:s24] =	ssyncadd.s32 $0xFFFF8000  }
0x48e: {  	p0 =	seq.s32 s28, $0x1  }
.Ltmp88:
0x48f: {  	_ = 	snop;
	(pc) =	sbr.rel @p0 .LBB2_150-.Ltmp88, $3  }
0x490: {  	_ =	sdelay $0x1  }
0x491: {  	s2 =	simm.s32 $0x1A000  }
0x492: {  	s1 =	simm.s32 $0x0;
	s3 =	sadd.s32 $0xFFFFFFFF, s28;
	v7 =	vld [tilespmem:s2+$0x0]  }
.LBB2_149:
0x493: {  	p0 =	seq.s32 s3, $0x1;
	v8 =	vor.u32 s1, v0  }
0x494: {  	vm0 =	vlt.s32 v8, v6;
	_ =	sdelay $0x2  }
.Ltmp89:
0x495: {  	(pc) =	sbr.rel @!p0 .LBB2_149-.Ltmp89, $3  }
0x496: {  	_ =	sdelay $0x1  }
0x497: {  	s2 =	sadd.s32 $0x10, s2;
	[tilespmem:v7+s22+$0x0] =	vst.idx.msk vm0, v1  }
0x498: {  	s3 =	sadd.s32 $0xFFFFFFFF, s3;
	s1 =	sadd.s32 $0x10, s1;
	v7 =	vld [tilespmem:s2+$0x0]  }
.LBB2_150:
0x499: {  	_ = 	snop  }
0x49a: {  	v8 =	vor.u32 s1, v0  }
0x49b: {  	vm0 =	vlt.s32 v8, v6;
	_ =	sdelay $0x5  }
0x49c: {  	[tilespmem:v7+s22+$0x0] =	vst.idx.msk vm0, v1  }
.LBB2_151:
0x49d: {  	s0 =	sxor.u32 $0x80000000, s0  }
0x49e: {  	p0 =	slt.s32 s0, $0x1  }
.Ltmp90:
0x49f: {  	_ = 	snop;
	(pc) =	sbr.rel @p0 .LBB2_152-.Ltmp90, $1  }
0x4a0: {  	_ =	sdelay $0x3  }
0x4a1: {  	p6 =	seq.s32 s0, $0x1;
	p5 =	por $0x0, $0x0  }
.Ltmp91:
0x4a2: {  	s28 =	simm.s32 $0x1B800;
	s1 =	simm.s32 @!p5 $0x0;
	(pc) =	sbr.rel @p6 .LBB2_161-.Ltmp91, $4  }
0x4a3: {  	s0 =	sadd.s32 $0xFFFFFFFF, s0;
	s1 =	simm.s32 @p5 $0x1;
	p5 =	por $0x0, $0x0  }
0x4a4: {  	p0 =	por $0x0, $0x0;
	[smem:$0x7F6] =	sst s1;
	s1 =	simm.s32 @!p5 $0x0  }
0x4a5: {  	p1 =	por $0x0, $0x0;
	p2 =	por $0x0, $0x0;
	s1 =	simm.s32 @p5 $0x1  }
0x4a6: {  	v6 =	vimm.s32 $0x0;
	p3 =	por $0x0, $0x0;
	p4 =	por $0x0, $0x0;
	[smem:$0x7F7] =	sst s1  }
0x4a7: {  	p6 =	seq.s32 s0, $0x1  }
.Ltmp92:
0x4a8: {  	_ = 	snop;
	(pc) =	sbr.rel @p6 .LBB2_163-.Ltmp92, $2  }
0x4a9: {  	_ =	sdelay $0x2  }
0x4aa: {  	s0 =	sadd.s32 $0xFFFFFFFF, s0;
	p0 =	por $0x1, $0x1  }
0x4ab: {  	p6 =	seq.s32 s0, $0x1  }
.Ltmp93:
0x4ac: {  	_ = 	snop;
	(pc) =	sbr.rel @p6 .LBB2_165-.Ltmp93, $2  }
0x4ad: {  	_ =	sdelay $0x2  }
0x4ae: {  	v13 =	vld [tilespmem:s28+$0x0];
	s0 =	sadd.s32 $0xFFFFFFFF, s0;
	p1 =	por $0x1, $0x1  }
0x4af: {  	p6 =	seq.s32 s0, $0x1  }
.Ltmp94:
0x4b0: {  	_ = 	snop;
	(pc) =	sbr.rel @p6 .LBB2_167-.Ltmp94, $3  }
0x4b1: {  	_ =	sdelay $0x1  }
0x4b2: {  	s30 =	simm.s32 $0x1B801  }
0x4b3: {  	s0 =	sadd.s32 $0xFFFFFFFF, s0;
	p2 =	por $0x1, $0x1;
	(v2sf) =	vpush v13, $0x0;
	v13 =	vld [tilespmem:s30+$0x0]  }
0x4b4: {  	_ =	sdelay $0x8  }
0x4b5: {  	p6 =	seq.s32 s0, $0x1  }
.Ltmp95:
0x4b6: {  	_ = 	snop;
	(pc) =	sbr.rel @p6 .LBB2_169-.Ltmp95, $3  }
0x4b7: {  	_ =	sdelay $0x1  }
0x4b8: {  	s30 =	simm.s32 $0x1B802  }
0x4b9: {  	s0 =	sadd.s32 $0xFFFFFFFF, s0;
	p3 =	por $0x1, $0x1;
	(v2sf) =	vpush v13, $0x0;
	v13 =	vld [tilespmem:s30+$0x0];
	s29 =	spop (v2sf)  }
0x4ba: {  	_ =	sdelay $0x6  }
0x4bb: {  	s1 =	sshll.u32 s29, $0x4  }
0x4bc: {  	v10 =	vld [tilespmem:s1+$0x0]  }
0x4bd: {  	p6 =	seq.s32 s0, $0x1  }
.Ltmp96:
0x4be: {  	_ = 	snop;
	(pc) =	sbr.rel @p6 .LBB2_171-.Ltmp96, $3  }
0x4bf: {  	_ =	sdelay $0x1  }
0x4c0: {  	s30 =	simm.s32 $0x1B803;
	vm1 =	vlt.s32 v6, $0xFE1;
	vm0 =	vge.f32 v10, v5  }
0x4c1: {  	s0 =	sadd.s32 $0xFFFFFFFF, s0;
	p4 =	por $0x1, $0x1;
	v9 =	vor.u32 s1, v0;
	(v2sf) =	vpush v13, $0x0;
	v13 =	vld [tilespmem:s30+$0x0];
	vm1 =	vmand vm1, vm0;
	s1 =	spop (v2sf)  }
0x4c2: {  	_ =	sdelay $0x6  }
0x4c3: {  	s2 =	sshll.u32 s1, $0x4;
	v7 =	vsel vm1, $0x1, v2  }
0x4c4: {  	v18 =	vld [tilespmem:s2+$0x0];
	(xrf0) =	vadd.scan.msk.s32 $0xffff, v7  }
0x4c5: {  	p6 =	seq.s32 s0, $0x1  }
.Ltmp97:
0x4c6: {  	v7 =	vmpcnt.ones.xlane vm1;
	(pc) =	sbr.rel @p6 .LBB2_173-.Ltmp97, $4  }
0x4c7: {  	p5 =	por $0x1, $0x1  }
0x4c8: {  	s3 =	simm.s32 @!p5 $0x0;
	v12 =	vadd.s32 v6, v7  }
0x4c9: {  	s30 =	simm.s32 $0x1B804;
	vm4 =	vmmov vm1;
	s3 =	simm.s32 @p5 $0x1;
	vm2 =	vlt.s32 v12, $0xFE1;
	vm0 =	vge.f32 v18, v5  }
0x4ca: {  	s0 =	sadd.s32 $0xFFFFFFFF, s0;
	v17 =	vor.u32 s2, v0;
	v21 =	vld [tilespmem:s30+$0x0];
	[smem:$0x7F6] =	sst s3;
	(v2sf) =	vpush v13, $0x0;
	vm3 =	vmand vm2, vm0;
	v19, _, _ =	vpop (xrf0);
	s2 =	spop (v2sf)  }
0x4cb: {  	_ =	sdelay $0x5  }
0x4cc: {  	v7 =	vsel vm3, $0x1, v2  }
0x4cd: {  	s3 =	sshll.u32 s2, $0x4;
	(xrf0) =	vadd.scan.msk.s32 $0xffff, v7;
	v7 =	vadd.s32 v19, v6;
	(v2sf) =	vpush v21, $0x0  }
0x4ce: {  	v16 =	vld [tilespmem:s3+$0x0];
	v8 =	vadd.s32 $0xFFFFFFFF, v7  }
0x4cf: {  	vm0 =	vmmov vm4;
	p6 =	seq.s32 s0, $0x1;
	s30 =	simm.s32 $0x1B805  }
.Ltmp98:
0x4d0: {  	v13 =	vld [tilespmem:s30+$0x0];
	v7 =	vmpcnt.ones.xlane vm3;
	(pc) =	sbr.rel @p6 .LBB2_175-.Ltmp98, $4  }
0x4d1: {  	p5 =	por $0x1, $0x1  }
0x4d2: {  	v14 =	vor.u32 s3, v0;
	s3 =	simm.s32 @!p5 $0x0;
	v23 =	vadd.s32 v12, v7  }
0x4d3: {  	vm5 =	vmmov vm3;
	v15 =	vmovc v17;
	s3 =	simm.s32 @p5 $0x1;
	vm6 =	vlt.s32 v23, $0xFE1;
	vm2 =	vge.f32 v16, v5;
	[tilespmem:v8+s19+$0x0] =	vst.idx.msk vm4, v10  }
0x4d4: {  	s15 =	sadd.s32 $0xFFFFFFFF, s0;
	v11 =	vmov v18;
	v7 =	vmov v9;
	vm2 =	vmand vm6, vm2;
	v20, _, _ =	vpop (xrf0);
	[smem:$0x7F7] =	sst s3;
	s0 =	spop (v2sf)  }
.LBB2_176:
0x4d5: {  	p6 =	seq.s32 s15, $0x1;
	(v2sf) =	vpush v13, $0x0;
	s0 =	sshll.u32 s0, $0x4;
	v13 =	vsel vm2, $0x1, v2;
	v22 =	vmpcnt.ones.xlane vm2;
	[tilespmem:v8+s20+$0x0] =	vst.idx.msk vm0, v7;
	v7 =	vmovc v15;
	v15 =	vmovc v14  }
0x4d6: {  	v8 =	vadd.s32 v20, v12;
	v12 =	vmovc v23;
	vm0 =	vmmov vm5;
	v24 =	vld [tilespmem:s0+$0x0];
	v14 =	vor.u32 s0, v0;
	(xrf0) =	vadd.scan.msk.s32 $0xffff, v13  }
0x4d7: {  	s30 =	sadd.s32 $0x1, s30;
	vm5 =	vmmov vm2;
	v8 =	vadd.s32 $0xFFFFFFFF, v8;
	v23 =	vadd.s32 v23, v22  }
.Ltmp99:
0x4d8: {  	v13 =	vld [tilespmem:s30+$0x0];
	(pc) =	sbr.rel @!p6 .LBB2_176-.Ltmp99, $3  }
0x4d9: {  	_ =	sdelay $0x1  }
0x4da: {  	vm6 =	vlt.s32 v23, $0xFE1;
	vm2 =	vge.f32 v24, v5  }
0x4db: {  	s15 =	sadd.s32 $0xFFFFFFFF, s15;
	s0 =	spop (v2sf);
	vm2 =	vmand vm6, vm2;
	v20, _, _ =	vpop (xrf0);
	[tilespmem:v8+s19+$0x0] =	vst.idx.msk vm0, v11;
	v11 =	vmov v16;
	v16 =	vmov v24  }
0x4dc: {  	v22 =	vmov v12;
	v12 =	vmov v23  }
.LBB2_178:
0x4dd: {  	s3 =	sadd.s32 @p1 $0x1, s30;
	s15 =	simm.s32 $0x1B800  }
0x4de: {  	(v2sf) =	vpush @p1 v13, $0x0;
	s15 =	smov.u32 @p1 s3  }
0x4df: {  	v13 =	vld @p0 [tilespmem:s15+$0x0];
	_ =	sdelay $0x1  }
0x4e0: {  	s0 =	sshll.u32 @p3 s0, $0x4  }
0x4e1: {  	v23 =	vld @p3 [tilespmem:s0+$0x0]  }
0x4e2: {  	v24 =	vmpcnt.ones.xlane @p4 vm2  }
0x4e3: {  	v13 =	vpsel p0, v13, v21  }
0x4e4: {  	v21 =	vadd.s32 @p4 v12, v24;
	(v2sf) =	vpush @p0 v13, $0x0  }
0x4e5: {  	s3 =	spop @p2 (v2sf);
	v13 =	vpsel p4, v21, v6  }
0x4e6: {  	vm6 =	vge.f32 @p3 v23, v5;
	s2 =	smov.u32 @p2 s3;
	vm7 =	vlt.s32 @p3 v13, $0xFE1  }
0x4e7: {  	s3 =	sshll.u32 @p2 s2, $0x4;
	vm6 =	vmand @p3 vm7, vm6  }
0x4e8: {  	s15 =	sadd.s32 @p0 $0x1, s15;
	v24 =	vld @p2 [tilespmem:s3+$0x0];
	vm3 =	vmmov @p3 vm6  }
0x4e9: {  	s28 =	smov.u32 @p0 s15;
	v25 =	vmpcnt.ones.xlane @p3 vm3  }
0x4ea: {  	v58 =	vld [tilespmem:s28+$0x0]  }
0x4eb: {  	v25 =	vadd.s32 @p3 v13, v25  }
0x4ec: {  	s28 =	sld [smem:$0x7F6];
	v25 =	vpsel p3, v25, v6;
	s2 =	spop @p1 (v2sf)  }
0x4ed: {  	vm6 =	vge.f32 @p2 v24, v5;
	vm7 =	vlt.s32 @p2 v25, $0xFE1;
	s1 =	smov.u32 @p1 s2  }
0x4ee: {  	v21 =	vsel @p4 vm2, $0x1, v2;
	vm6 =	vmand @p2 vm7, vm6;
	s2 =	sshll.u32 @p1 s1, $0x4  }
0x4ef: {  	v26 =	vor.u32 @p3 s0, v0;
	p6 =	seq.s32 s28, $0x1;
	(v2sf) =	vpush v58, $0x0;
	(xrf0) =	vadd.scan.msk.s32 @p4 $0xffff, v21;
	vm1 =	vmmov @p2 vm6;
	v21 =	vld @p1 [tilespmem:s2+$0x0]  }
0x4f0: {  	v17 =	vpsel p3, v26, v17;
	v20 =	vadd.s32 @p6 v20, v22;
	v22 =	vmpcnt.ones.xlane @p2 vm1  }
0x4f1: {  	v14 =	vpsel p4, v14, v9;
	v16 =	vpsel p4, v16, v10;
	v17 =	vpsel p3, v17, v0  }
0x4f2: {  	v14 =	vpsel p4, v14, v0;
	v17 =	vpsel p3, v17, v0;
	v22 =	vadd.s32 @p2 v25, v22  }
0x4f3: {  	v18 =	vpsel p3, v23, v18;
	v12 =	vpsel p4, v12, v6;
	v22 =	vpsel p2, v22, v6;
	s0 =	spop @p0 (v2sf)  }
0x4f4: {  	v18 =	vpsel p3, v18, v0;
	vm6 =	vge.f32 @p1 v21, v5;
	vm8 =	vlt.s32 @p1 v22, $0xFE1;
	s29 =	smov.u32 @p0 s0  }
0x4f5: {  	vm5 =	vmmov @p6 vm5;
	v26 =	vsel @p3 vm3, $0x1, v2;
	vm6 =	vmand @p1 vm8, vm6;
	s1 =	sshll.u32 @p0 s29, $0x4  }
0x4f6: {  	v20 =	vadd.s32 @p6 $0xFFFFFFFF, v20;
	v23 =	vor.u32 @p2 s3, v0;
	v28, _, _ =	vpop @p4 (xrf0);
	(xrf0) =	vadd.scan.msk.s32 @p3 $0xffff, v26;
	vm6 =	vmmov @p1 vm6;
	v26 =	vld @p0 [tilespmem:s1+$0x0]  }
0x4f7: {  	v59 =	vpsel p2, v23, v9;
	v19 =	vpsel p4, v28, v19;
	v28 =	vmpcnt.ones.xlane @p1 vm6  }
0x4f8: {  	v15 =	vpsel p6, v15, v0;
	v27 =	vpsel p6, v20, v0;
	v9 =	vpsel p2, v59, v0  }
0x4f9: {  	s31 =	sld [smem:$0x7F7];
	v9 =	vpsel p2, v9, v0;
	v12 =	vadd.s32 @p4 v19, v12;
	v19 =	vadd.s32 @p1 v22, v28  }
0x4fa: {  	v60 =	vpsel p2, v24, v10;
	vm7 =	vmmov @p4 vm2;
	v19 =	vpsel p1, v19, v6  }
0x4fb: {  	vm4 =	vmmov @p4 vm7;
	vm9 =	vlt.s32 @p0 v19, $0xFE1;
	vm7 =	vge.f32 @p0 v26, v5  }
0x4fc: {  	p5 =	seq.s32 s31, $0x1;
	vm2 =	vmmov @p6 vm5;
	v12 =	vadd.s32 @p4 $0xFFFFFFFF, v12;
	vm7 =	vmand @p0 vm9, vm7  }
0x4fd: {  	[tilespmem:v8+s20+$0x0] =	vst.idx.msk @p5 vm0, v7;
	v24 =	vor.u32 @p1 s2, v0;
	v23 =	vsel @p2 vm1, $0x1, v2;
	vm7 =	vmmov @p0 vm7  }
0x4fe: {  	vm4 =	vmmov @p4 vm4;
	v24 =	vpsel p1, v24, v0;
	s30 =	spop (v2sf);
	v28, _, _ =	vpop @p3 (xrf0);
	(xrf0) =	vadd.scan.msk.s32 @p2 $0xffff, v23;
	v23 =	vmpcnt.ones.xlane @p0 vm7  }
0x4ff: {  	v13 =	vpsel p3, v13, v0;
	v10 =	vpsel p2, v60, v0;
	v29 =	vpsel p4, v12, v0;
	v7 =	vmovc @p1 v24;
	s0 =	sshll.u32 s30, $0x4  }
0x500: {  	v7 =	vpsel p1, v7, v0;
	vm8 =	vmmov @p3 vm3;
	v30 =	vld [tilespmem:s0+$0x0];
	v23 =	vadd.s32 @p0 v19, v23  }
0x501: {  	[tilespmem:v20+s19+$0x0] =	vst.idx.msk @p6 vm5, v11;
	vm3 =	vmmov @p4 vm4;
	v6 =	vpsel p0, v23, v6;
	v23 =	vsel @p1 vm6, $0x1, v2  }
0x502: {  	v7 =	vpsel p1, v7, v0;
	v21 =	vpsel p1, v21, v0;
	v8 =	vmovc @p1 v22;
	(xrf0) =	vadd.scan.msk.s32 @p1 $0xffff, v23  }
0x503: {  	vm11 =	vmmov @p2 vm1;
	[tilespmem:v27+s20+$0x0] =	vst.idx.msk @p6 vm2, v15;
	v8 =	vpsel p1, v8, v0;
	v15 =	vmovc @p1 v21;
	vm8 =	vmmov @p3 vm8  }
0x504: {  	[tilespmem:v12+s19+$0x0] =	vst.idx.msk @p4 vm4, v16;
	v15 =	vpsel p1, v15, v0;
	vm8 =	vmmov @p3 vm8;
	v28 =	vpsel p3, v28, v0  }
0x505: {  	v13 =	vadd.s32 @p3 v28, v13;
	vm9 =	vge.f32 v30, v5;
	v5 =	vmovc @p2 v25;
	v28 =	vsel @p0 vm7, $0x1, v2  }
0x506: {  	v13 =	vadd.s32 @p3 $0xFFFFFFFF, v13;
	v5 =	vpsel p2, v5, v0;
	vm10 =	vlt.s32 v6, $0xFE1;
	v23, _, _ =	vpop @p2 (xrf0);
	(xrf0) =	vadd.scan.msk.s32 @p0 $0xffff, v28  }
0x507: {  	[tilespmem:v29+s20+$0x0] =	vst.idx.msk @p4 vm3, v14;
	v25 =	vpsel p3, v13, v0;
	vm3 =	vmmov @p0 vm7;
	vm14 =	vmand vm10, vm9  }
0x508: {  	vm3 =	vmmov @p0 vm3;
	vm6 =	vmmov @p1 vm6;
	v61 =	vsel vm14, $0x1, v2;
	v11, _, _ =	vpop @p1 (xrf0)  }
0x509: {  	vm10 =	vmmov @p2 vm11;
	v23 =	vpsel p2, v23, v0;
	(xrf0) =	vadd.scan.msk.s32 $0xffff, v61;
	v11 =	vpsel p1, v11, v0  }
0x50a: {  	v14 =	vmovc @p0 v19;
	vm2 =	vmmov @p1 vm6;
	vm10 =	vmmov @p2 vm10;
	v5 =	vadd.s32 @p2 v23, v5  }
0x50b: {  	[tilespmem:v13+s19+$0x0] =	vst.idx.msk @p3 vm8, v18;
	v13 =	vpsel p0, v14, v0;
	vm9 =	vmmov @p3 vm8;
	v5 =	vadd.s32 @p2 $0xFFFFFFFF, v5  }
0x50c: {  	vm2 =	vmmov @p1 vm2;
	vm0 =	vmmov @p2 vm10;
	v8 =	vadd.s32 @p1 v11, v8;
	v11, _, _ =	vpop @p0 (xrf0)  }
0x50d: {  	vm4 =	vmmov @p1 vm2;
	v20 =	vpsel p2, v5, v0;
	v11 =	vpsel p0, v11, v0  }
0x50e: {  	vm15 =	vmmov vm14;
	v8 =	vadd.s32 @p1 $0xFFFFFFFF, v8;
	v11 =	vadd.s32 @p0 v11, v13  }
0x50f: {  	vm3 =	vmmov @p0 vm3;
	vm5 =	vmmov vm15;
	v14 =	vpsel p1, v8, v0;
	v62, _, _ =	vpop (xrf0)  }
0x510: {  	v23 =	vor.u32 @p0 s1, v0;
	[tilespmem:v5+s19+$0x0] =	vst.idx.msk @p2 vm10, v10;
	v5 =	vadd.s32 @p0 $0xFFFFFFFF, v11;
	v10 =	vadd.s32 v62, v6  }
0x511: {  	vm6 =	vmmov @p0 vm3;
	v12 =	vpsel p0, v23, v0;
	[tilespmem:v25+s20+$0x0] =	vst.idx.msk @p3 vm9, v17;
	v10 =	vadd.s32 $0xFFFFFFFF, v10;
	v11 =	vmovc @p0 v26  }
0x512: {  	[tilespmem:v20+s20+$0x0] =	vst.idx.msk @p2 vm0, v9;
	v13 =	vpsel p0, v5, v0;
	v11 =	vpsel p0, v11, v0  }
0x513: {  	v9 =	vmov @p0 v12;
	[tilespmem:v8+s19+$0x0] =	vst.idx.msk @p1 vm2, v15;
	v8 =	vmov @p0 v11  }
0x514: {  	v9 =	vpsel p0, v9, v0;
	[tilespmem:v14+s20+$0x0] =	vst.idx.msk @p1 vm4, v7;
	v8 =	vpsel p0, v8, v0  }
0x515: {  	v7 =	vmov @p0 v9;
	[tilespmem:v5+s19+$0x0] =	vst.idx.msk @p0 vm3, v8  }
0x516: {  	v5 =	vpsel p0, v7, v0;
	v7 =	vmpcnt.ones.xlane vm14;
	[tilespmem:v10+s19+$0x0] =	vst.idx.msk vm5, v30  }
0x517: {  	v63 =	vor.u32 s0, v0;
	[tilespmem:v13+s20+$0x0] =	vst.idx.msk @p0 vm6, v5  }
0x518: {  	[tilespmem:v10+s20+$0x0] =	vst.idx.msk vm5, v63;
	v5 =	vadd.s32 v6, v7  }
.Ltmp100:
0x519: {  	(pc) =	sbr.rel .LBB2_154-.Ltmp100, $2  }
0x51a: {  	_ =	sdelay $0x2  }
0x51b: {  	v5 =	vxor.u32 $0x80000000, v5  }
.LBB2_152:
0x51c: {  	v5 =	vimm.s32 $0x80000000  }
.LBB2_154:
0x51d: {  	(xrf0) =	vmax.scan.msk.u32 $0xffff, v5;
	_ =	sdelay $0x5  }
0x51e: {  	v5, _, _ =	vpop (xrf0)  }
0x51f: {  	(v2sf) =	vpush v5, $0xF;
	_ =	sdelay $0xe  }
0x520: {  	s1 =	spop (v2sf)  }
0x521: {  	s0 =	sadd.s32 $0x7FFFFFC0, s1  }
0x522: {  	p0 =	slt.u32 s0, $0xFA1  }
.Ltmp101:
0x523: {  	_ = 	snop;
	(pc) =	sbr.rel @!p0 .LBB2_188-.Ltmp101, $2  }
0x524: {  	_ =	sdelay $0x2  }
0x525: {  	s2 =	simm.s32 $0xFFFFFFFC;
	s0 =	simm.s32 $0x18020  }
0x526: {  	s0 =	sadd.s32 $0x8000000F, s1  }
0x527: {  	s2 =	simm.s32 $0x19000;
	s0 =	sshrl.u32 s0, $0x4  }
0x528: {  	v7 =	vld [tilespmem:s2+$0x0];
	p0 =	seq.s32 s0, $0x1  }
.Ltmp102:
0x529: {  	_ = 	snop;
	(pc) =	sbr.rel @p0 .LBB2_157-.Ltmp102, $4  }
0x52a: {  	_ = 	snop  }
0x52b: {  	s29 =	sxor.u32 $0x80000000, s1;
	s1 =	simm.s32 $0x0  }
0x52c: {  	v5 =	vmov s29;
	v8 =	vor.u32 s1, v0  }
0x52d: {  	v6 =	vimm.s32 $0x0;
	s3 =	simm.s32 $0x19010;
	s2 =	sadd.s32 $0xFFFFFFFF, s0;
	vm1 =	vlt.s32 v8, v5;
	vm0 =	vgt.s32 v7, $0xFFFFFFFF  }
.LBB2_156:
0x52e: {  	v7 =	vld [tilespmem:s3+$0x0];
	p1 =	seq.s32 s2, $0x1;
	s2 =	sadd.s32 $0xFFFFFFFF, s2;
	vm0 =	vmand vm1, vm0  }
.Ltmp103:
0x52f: {  	v8 =	vsel vm0, $0x1, v2;
	(pc) =	sbr.rel @!p1 .LBB2_156-.Ltmp103, $4  }
0x530: {  	v6 =	vadd.s32 v8, v6  }
0x531: {  	s1 =	sadd.s32 $0x10, s1  }
0x532: {  	v8 =	vor.u32 s1, v0  }
0x533: {  	s3 =	sadd.s32 $0x10, s3;
	vm1 =	vlt.s32 v8, v5;
	vm0 =	vgt.s32 v7, $0xFFFFFFFF  }
.LBB2_157:
0x534: {  	vm0 =	vmand vm1, vm0  }
0x535: {  	v7 =	vsel vm0, $0x1, v2  }
0x536: {  	v6 =	vadd.s32 v7, v6  }
0x537: {  	(xrf0) =	vadd.scan.msk.s32 $0xffff, v6;
	_ =	sdelay $0x5  }
0x538: {  	v6, _, _ =	vpop (xrf0)  }
0x539: {  	(v2sf) =	vpush v6, $0xF;
	_ =	sdelay $0xe  }
0x53a: {  	s1 =	spop (v2sf)  }
0x53b: {  	s28 =	simm.s32 $0x0;
	p1 =	sgt.s32 s1, $0x3F  }
0x53c: {  	s2 =	simm.s32 $0x0;
	s1 =	simm.s32 $0x0;
	s28 =	simm.s32 @!p1 $0x80000000  }
.LBB2_158:
0x53d: {  	s31 =	simm.s32 $0x19000  }
0x53e: {  	v10 =	vld [tilespmem:s31+$0x0]  }
.Ltmp104:
0x53f: {  	_ = 	snop;
	(pc) =	sbr.rel @p0 .LBB2_159-.Ltmp104, $4  }
0x540: {  	_ = 	snop  }
0x541: {  	s3 =	sshrl.u32 s25, s2  }
0x542: {  	s30 =	sadd.s32 s3, s28  }
0x543: {  	v6 =	vimm.s32 $0x0;
	s15 =	simm.s32 $0x19010;
	p1 =	por $0x0, $0x0;
	s3 =	sadd.s32 $0xFFFFFFFF, s0;
	v7 =	vmov s30;
	v8 =	vshra.s32 v10, $0x1F  }
0x544: {  	v9 =	vld [tilespmem:s15+$0x0];
	v8 =	vand.u32 $0x7FFFFFFF, v8;
	p2 =	seq.s32 s3, $0x1  }
.Ltmp105:
0x545: {  	v8 =	vxor.u32 v10, v8;
	v10 =	vor.u32 s1, v0;
	(pc) =	sbr.rel @p2 .LBB2_184-.Ltmp105, $4  }
0x546: {  	vm0 =	vge.s32 v8, v7;
	vm1 =	vlt.s32 v10, v5  }
0x547: {  	vm0 =	vmand vm1, vm0  }
0x548: {  	s31 =	sadd.s32 $0xFFFFFFFF, s3;
	v10 =	vsel vm0, $0x1, v2  }
0x549: {  	s3 =	simm.s32 $0x19020;
	p1 =	por $0x1, $0x1;
	s15 =	simm.s32 $0x0;
	v8 =	vshra.s32 v9, $0x1F;
	v6 =	vadd.s32 v10, v6  }
.LBB2_185:
0x54a: {  	v10 =	vld [tilespmem:s3+$0x0];
	p2 =	seq.s32 s31, $0x1;
	s31 =	sadd.s32 $0xFFFFFFFF, s31;
	v8 =	vand.u32 $0x7FFFFFFF, v8;
	s15 =	sadd.s32 $0x10, s15  }
.Ltmp106:
0x54b: {  	v8 =	vxor.u32 v9, v8;
	v9 =	vor.u32 s15, v0;
	(pc) =	sbr.rel @!p2 .LBB2_185-.Ltmp106, $4  }
0x54c: {  	vm0 =	vge.s32 v8, v7;
	vm1 =	vlt.s32 v9, v5  }
0x54d: {  	vm0 =	vmand vm1, vm0  }
0x54e: {  	v11 =	vsel vm0, $0x1, v2  }
0x54f: {  	s3 =	sadd.s32 $0x10, s3;
	v8 =	vshra.s32 v10, $0x1F;
	v6 =	vadd.s32 v11, v6;
	v9 =	vmov v10  }
0x550: {  	v10 =	vmov v9  }
.LBB2_187:
0x551: {  	s3 =	sadd.s32 @p1 $0x10, s15;
	s15 =	simm.s32 $0x0  }
0x552: {  	v8 =	vand.u32 $0x7FFFFFFF, v8;
	s15 =	smov.u32 @p1 s3  }
0x553: {  	v8 =	vxor.u32 v10, v8;
	v9 =	vor.u32 s15, v0  }
0x554: {  	vm0 =	vge.s32 v8, v7;
	vm1 =	vlt.s32 v9, v5  }
0x555: {  	vm0 =	vmand vm1, vm0  }
0x556: {  	v7 =	vsel vm0, $0x1, v2  }
0x557: {  	v6 =	vadd.s32 v7, v6  }
0x558: {  	(xrf0) =	vadd.scan.msk.s32 $0xffff, v6;
	_ =	sdelay $0x5  }
0x559: {  	v6, _, _ =	vpop (xrf0)  }
0x55a: {  	(v2sf) =	vpush v6, $0xF;
	_ =	sdelay $0xa  }
0x55b: {  	s2 =	sadd.s32 $0x1, s2  }
0x55c: {  	p2 =	seq.s32 s2, $0x1F  }
.Ltmp107:
0x55d: {  	_ = 	snop;
	(pc) =	sbr.rel @!p2 .LBB2_158-.Ltmp107, $4  }
.Ltmp108:
0x55e: {  	_ = 	snop;
	(pc) =	sbr.rel @p2 .LBB2_180-.Ltmp108, $4  }
0x55f: {  	s3 =	spop (v2sf)  }
0x560: {  	p1 =	sgt.s32 s3, $0x3F  }
0x561: {  	s28 =	smov.u32 @p1 s30  }
0x562: {  	_ = 	snop  }
.LBB2_159:
.Ltmp109:
0x563: {  	(pc) =	sbr.rel .LBB2_187-.Ltmp109, $2  }
0x564: {  	_ =	sdelay $0x2  }
0x565: {  	s15 =	simm.s32 $0x0  }
.LBB2_184:
.Ltmp110:
0x566: {  	(pc) =	sbr.rel .LBB2_187-.Ltmp110, $2  }
0x567: {  	_ =	sdelay $0x2  }
0x568: {  	s15 =	simm.s32 $0x0;
	v10 =	vmov v9  }
.LBB2_188:
0x569: {  	[tilespmem:s0+$0xFFFFFFE0] =	vst v2  }
0x56a: {  	[tilespmem:s0+$0x10] =	vst v2  }
0x56b: {  	s1 =	sadd.s32 $0x4, s2;
	[tilespmem:s0+$0x0] =	vst v2  }
.LBB2_189:
0x56c: {  	s1 =	sadd.s32 $0x4, s1  }
0x56d: {  	[tilespmem:s0+$0xFFFFFFF0] =	vst v2;
	s0 =	sadd.s32 $0x40, s0;
	p0 =	slt.u32 s1, $0xFC  }
.Ltmp111:
0x56e: {  	[tilespmem:s0+$0xFFFFFFE0] =	vst v2;
	(pc) =	sbr.rel @p0 .LBB2_189-.Ltmp111, $3  }
0x56f: {  	_ =	sdelay $0x1  }
0x570: {  	[tilespmem:s0+$0x10] =	vst v2  }
0x571: {  	[tilespmem:s0+$0x0] =	vst v2  }
0x572: {  	[tilespmem:s0+$0xFFFFFFF0] =	vst v2;
	s30 =	simm.s32 $0x20  }
0x573: {  	v5 =	vld [tilespmem:s30+$0x10]  }
0x574: {  	v6 =	vld [tilespmem:s30+$0xFFFFFFF0]  }
0x575: {  	v8 =	vld [tilespmem:s30+$0x0]  }
0x576: {  	v9 =	vld [tilespmem:s30+$0xFFFFFFE0]  }
0x577: {  	s31 =	simm.s32 $0x60  }
0x578: {  	v13 =	vld [tilespmem:s31+$0x10];
	v7 =	vshra.s32 v5, $0x1F  }
0x579: {  	v10 =	vshra.s32 v6, $0x1F;
	v7 =	vand.u32 $0x7FF00000, v7  }
0x57a: {  	v11 =	vshra.s32 v8, $0x1F;
	v10 =	vand.u32 $0x7FF00000, v10;
	v5 =	vxor.u32 v5, v7  }
0x57b: {  	v7 =	vshra.s32 v9, $0x1F;
	v6 =	vxor.u32 v6, v10;
	v12 =	vshra.s32 v5, $0x14;
	v5 =	vld [tilespmem:s31+$0xFFFFFFF0]  }
0x57c: {  	v10 =	vand.u32 $0x7FF00000, v11;
	v14 =	vand.u32 $0x7FF00000, v7;
	v7 =	vld [tilespmem:s31+$0x0];
	v12 =	vadd.s32 $0x800, v12  }
0x57d: {  	v11 =	vshra.s32 v13, $0x1F;
	v8 =	vxor.u32 v8, v10;
	v10 =	vld [tilespmem:s31+$0xFFFFFFE0]  }
0x57e: {  	v6 =	vshra.s32 v6, $0x14;
	v15 =	vand.u32 $0x7FF00000, v11;
	v9 =	vxor.u32 v9, v14  }
0x57f: {  	v6 =	vadd.s32 $0x800, v6;
	v8 =	vshra.s32 v8, $0x14;
	v13 =	vxor.u32 v13, v15  }
0x580: {  	v9 =	vshra.s32 v9, $0x14;
	v8 =	vadd.s32 $0x800, v8;
	v14 =	vshra.s32 v5, $0x1F  }
0x581: {  	s0 =	simm.s32 $0x4;
	s1 =	simm.s32 $0xA0;
	v9 =	vadd.s32 $0x800, v9;
	[tilespmem:v12+s16+$0x0] =	vst.idx.add.s32.msk $0xffff, v3;
	v11 =	vand.u32 $0x7FF00000, v14;
	v12 =	vshra.s32 v7, $0x1F  }
.LBB2_191:
0x582: {  	v14 =	vld [tilespmem:s1+$0x10];
	s0 =	sadd.s32 $0x4, s0;
	v15 =	vshra.s32 v10, $0x1F;
	v12 =	vand.u32 $0x7FF00000, v12;
	v13 =	vshra.s32 v13, $0x14  }
0x583: {  	v11 =	vxor.u32 v5, v11;
	p0 =	slt.u32 s0, $0x7FC;
	v15 =	vand.u32 $0x7FF00000, v15;
	v5 =	vld [tilespmem:s1+$0xFFFFFFF0];
	v13 =	vadd.s32 $0x800, v13  }
0x584: {  	v11 =	vshra.s32 v11, $0x14;
	v12 =	vxor.u32 v7, v12;
	v15 =	vxor.u32 v10, v15;
	v7 =	vld [tilespmem:s1+$0x0]  }
.Ltmp112:
0x585: {  	v11 =	vadd.s32 $0x800, v11;
	v12 =	vshra.s32 v12, $0x14;
	v10 =	vld [tilespmem:s1+$0xFFFFFFE0];
	v15 =	vshra.s32 v15, $0x14;
	(pc) =	sbr.rel @p0 .LBB2_191-.Ltmp112, $4  }
0x586: {  	v16 =	vadd.s32 $0x800, v12;
	[tilespmem:v9+s16+$0x0] =	vst.idx.add.s32.msk $0xffff, v3;
	v9 =	vadd.s32 $0x800, v15  }
0x587: {  	v12 =	vshra.s32 v14, $0x1F;
	[tilespmem:v6+s16+$0x0] =	vst.idx.add.s32.msk $0xffff, v3;
	v6 =	vmov v11  }
0x588: {  	v11 =	vshra.s32 v5, $0x1F;
	v15 =	vand.u32 $0x7FF00000, v12;
	[tilespmem:v13+s16+$0x0] =	vst.idx.add.s32.msk $0xffff, v3  }
0x589: {  	s1 =	sadd.s32 $0x40, s1;
	v11 =	vand.u32 $0x7FF00000, v11;
	v12 =	vshra.s32 v7, $0x1F;
	v13 =	vxor.u32 v14, v15;
	[tilespmem:v8+s16+$0x0] =	vst.idx.add.s32.msk $0xffff, v3;
	v8 =	vmovc v16  }
0x58a: {  	v14 =	vshra.s32 v10, $0x1F;
	v13 =	vshra.s32 v13, $0x14  }
0x58b: {  	v12 =	vand.u32 $0x7FF00000, v12;
	v5 =	vxor.u32 v5, v11;
	v14 =	vand.u32 $0x7FF00000, v14  }
0x58c: {  	v13 =	vadd.s32 $0x800, v13;
	v5 =	vshra.s32 v5, $0x14;
	v7 =	vxor.u32 v7, v12  }
0x58d: {  	v63 =	vxor.u32 v10, v14;
	v5 =	vadd.s32 $0x800, v5;
	v7 =	vshra.s32 v7, $0x14  }
0x58e: {  	[tilespmem:v9+s16+$0x0] =	vst.idx.add.s32.msk $0xffff, v3;
	v10 =	vshra.s32 v63, $0x14;
	v7 =	vadd.s32 $0x800, v7  }
0x58f: {  	[tilespmem:v6+s16+$0x0] =	vst.idx.add.s32.msk $0xffff, v3;
	v10 =	vadd.s32 $0x800, v10  }
0x590: {  	[tilespmem:v8+s16+$0x0] =	vst.idx.add.s32.msk $0xffff, v3  }
0x591: {  	[tilespmem:v13+s16+$0x0] =	vst.idx.add.s32.msk $0xffff, v3  }
0x592: {  	[tilespmem:v5+s16+$0x0] =	vst.idx.add.s32.msk $0xffff, v3  }
0x593: {  	s28 =	simm.s32 $0x0;
	s0 =	simm.s32 $0xFEF;
	[tilespmem:v7+s16+$0x0] =	vst.idx.add.s32.msk $0xffff, v3  }
0x594: {  	s1 =	simm.s32 $0x18FF0;
	s2 =	simm.s32 $0x0;
	s15 =	simm.s32 $0x0;
	[tilespmem:v10+s16+$0x0] =	vst.idx.add.s32.msk $0xffff, v3  }
.LBB2_193:
0x595: {  	v5 =	vld [tilespmem:s1+$0x0];
	_ =	sdelay $0x4  }
0x596: {  	v6 =	vperm.xlane v5, v4;
	_ =	sdelay $0x1  }
0x597: {  	(xrf0) =	vadd.scan.msk.s32 $0xffff, v6;
	_ =	sdelay $0x5  }
0x598: {  	v6, _, _ =	vpop (xrf0)  }
0x599: {  	v6 =	vadd.s32 s15, v6  }
0x59a: {  	vm0 =	vgt.s32 v6, $0x3F  }
0x59b: {  	v6 =	vsel vm0, $0x3F800000, v1  }
0x59c: {  	(xrf0) =	vmax.scan.msk.f32 $0xffff, v6;
	v6 =	vsel vm0, $0x1, v2  }
0x59d: {  	(xrf0) =	vadd.scan.msk.s32 $0xffff, v6;
	_ =	sdelay $0x4  }
0x59e: {  	(xrf0) =	vadd.scan.msk.s32 $0xffff, v5;
	v5, _, _ =	vpop (xrf0)  }
0x59f: {  	v6, _, _ =	vpop (xrf0);
	(v2sf) =	vpush v5, $0xF  }
0x5a0: {  	(v2sf) =	vpush v6, $0xF;
	_ =	sdelay $0x5  }
0x5a1: {  	v5, _, _ =	vpop (xrf0)  }
0x5a2: {  	(v2sf) =	vpush v5, $0xF;
	_ =	sdelay $0x6  }
0x5a3: {  	s3 =	spop (v2sf)  }
0x5a4: {  	p1 =	sgt.u32 s28, $0xFE;
	s29 =	spop (v2sf)  }
0x5a5: {  	p0 =	sgt.f32 s3, $0.0e+00;
	p2 =	sgt.f32 @!p1 s3, $0.0e+00  }
0x5a6: {  	s29 =	sadd.s32 s0, s29  }
0x5a7: {  	s2 =	smov.u32 @p0 s29;
	p0 =	por p1, p2  }
.Ltmp113:
0x5a8: {  	_ = 	snop;
	(pc) =	sbr.rel @!p0 .LBB2_193-.Ltmp113, $3  }
0x5a9: {  	_ =	sdelay $0x1  }
0x5aa: {  	s28 =	sadd.s32 $0x1, s28;
	s31 =	spop (v2sf)  }
0x5ab: {  	s1 =	sadd.s32 $0xFFFFFFF0, s1;
	s0 =	sadd.s32 $0xFFFFFFF0, s0;
	s15 =	sadd.s32 s15, s31  }
0x5ac: {  	s0 =	sshll.u32 s2, $0x14;
	s1 =	simm.s32 $0x20;
	s15 =	simm.s32 $0x1  }
0x5ad: {  	s29 =	simm.s32 $0x2;
	s3 =	simm.s32 $0x0;
	s28 =	sxor.u32 $0x80000000, s0;
	v6 =	vmov s15  }
0x5ae: {  	v9 =	vld [tilespmem:s1+$0x0];
	v7 =	vmov s29;
	v10 =	vmov s3;
	v5 =	vmov s28  }
0x5af: {  	v13 =	vld [tilespmem:s1+$0xFFFFFFF0];
	v7 =	vand.u32 $0xFFFFFFFE, v7;
	v6 =	vand.u32 $0xFFFFFFFD, v6;
	v5 =	vshra.s32 v5, $0x1F  }
0x5b0: {  	v8 =	vbroadcast v7, $0x0;
	v7 =	vbroadcast v6, $0x0;
	v6 =	vand.u32 $0xFFFFFFFC, v10;
	v10 =	vld [tilespmem:s1+$0x10]  }
0x5b1: {  	v11 =	vld [tilespmem:s1+$0xFFFFFFE0];
	v5 =	vand.u32 $0x7FFFFFFF, v5  }
0x5b2: {  	s30 =	simm.s32 $0x3;
	v5 =	vxor.u32 s28, v5  }
0x5b3: {  	s31 =	simm.s32 $0x5;
	s2 =	simm.s32 $0x8;
	v6 =	vbroadcast v6, $0x0;
	vm1 =	vge.f32 v9, v5;
	v9 =	vmov s30  }
0x5b4: {  	s0 =	simm.s32 $0x4;
	v12 =	vmov s31;
	s3 =	simm.s32 $0x6;
	s1 =	simm.s32 $0x60;
	vm0 =	vge.f32 v13, v5;
	v13 =	vmpcnt.ones.xlane vm1  }
.LBB2_195:
0x5b5: {  	p0 =	slt.u32 s2, $0x7FC;
	v14 =	vld [tilespmem:s1+$0x0];
	v15 =	vmov s3;
	v16 =	vmpcnt.ones.xlane vm0;
	vm0 =	vge.f32 v10, v5  }
0x5b6: {  	v17 =	vld [tilespmem:s1+$0xFFFFFFF0];
	v10 =	vand.u32 $0xFFFFFFFE, v15;
	vm1 =	vge.f32 v11, v5;
	[tilespmem:v8+s17+$0x0] =	vst.idx.msk $0x1, v13;
	v13 =	vmpcnt.ones.xlane vm0  }
.Ltmp114:
0x5b7: {  	v12 =	vand.u32 $0xFFFFFFFD, v12;
	v8 =	vbroadcast v10, $0x0;
	v10 =	vld [tilespmem:s1+$0x10];
	v15 =	vmpcnt.ones.xlane vm1;
	[tilespmem:v7+s17+$0x0] =	vst.idx.msk $0x1, v16;
	(pc) =	sbr.rel @p0 .LBB2_195-.Ltmp114, $4  }
0x5b8: {  	v16 =	vmov s0;
	v7 =	vbroadcast v12, $0x0;
	v11 =	vld [tilespmem:s1+$0xFFFFFFE0];
	[tilespmem:v9+s17+$0x0] =	vst.idx.msk $0x1, v13  }
0x5b9: {  	s3 =	sadd.s32 $0x3, s0;
	s0 =	smov.u32 s2;
	v9 =	vand.u32 $0xFFFFFFFC, v16;
	[tilespmem:v6+s17+$0x0] =	vst.idx.msk $0x1, v15  }
0x5ba: {  	s15 =	sadd.s32 $0x1, s2;
	v6 =	vbroadcast v9, $0x0;
	v9 =	vmov s3;
	vm1 =	vge.f32 v14, v5  }
0x5bb: {  	v12 =	vmov s15;
	s2 =	sadd.s32 $0x4, s2;
	s1 =	sadd.s32 $0x40, s1;
	s3 =	sadd.s32 $0x2, s0;
	vm0 =	vge.f32 v17, v5;
	v13 =	vmpcnt.ones.xlane vm1  }
0x5bc: {  	_ = 	snop  }
0x5bd: {  	v14 =	vld [tilespmem:s1+$0x0];
	v15 =	vmov s3;
	v16 =	vmpcnt.ones.xlane vm0  }
0x5be: {  	v17 =	vld [tilespmem:s1+$0xFFFFFFF0];
	vm0 =	vge.f32 v10, v5;
	v10 =	vand.u32 $0xFFFFFFFD, v12;
	v15 =	vand.u32 $0xFFFFFFFE, v15  }
0x5bf: {  	v18 =	vmov s0;
	vm1 =	vge.f32 v11, v5;
	v11 =	vld [tilespmem:s1+$0xFFFFFFE0];
	v12 =	vbroadcast v15, $0x0  }
0x5c0: {  	v10 =	vbroadcast v10, $0x0;
	[tilespmem:v8+s17+$0x0] =	vst.idx.msk $0x1, v13;
	v18 =	vand.u32 $0xFFFFFFFC, v18;
	v15 =	vld [tilespmem:s1+$0x10]  }
0x5c1: {  	v8 =	vmpcnt.ones.xlane vm0;
	[tilespmem:v7+s17+$0x0] =	vst.idx.msk $0x1, v16;
	v7 =	vbroadcast v18, $0x0  }
0x5c2: {  	s3 =	sadd.s32 $0x3, s0;
	v13 =	vmpcnt.ones.xlane vm1;
	vm0 =	vge.f32 v14, v5  }
0x5c3: {  	[tilespmem:v9+s17+$0x0] =	vst.idx.msk $0x1, v8;
	v14 =	vmov s3;
	vm1 =	vge.f32 v17, v5;
	v8 =	vmpcnt.ones.xlane vm0  }
0x5c4: {  	[tilespmem:v6+s17+$0x0] =	vst.idx.msk $0x1, v13;
	v6 =	vmpcnt.ones.xlane vm1;
	vm1 =	vge.f32 v11, v5  }
0x5c5: {  	vm0 =	vge.f32 v15, v5;
	v9 =	vmpcnt.ones.xlane vm1;
	[tilespmem:v12+s17+$0x0] =	vst.idx.msk $0x1, v8  }
0x5c6: {  	v8 =	vmpcnt.ones.xlane vm0;
	[tilespmem:v10+s17+$0x0] =	vst.idx.msk $0x1, v6  }
0x5c7: {  	[tilespmem:v7+s17+$0x0] =	vst.idx.msk $0x1, v9  }
0x5c8: {  	s15 =	simm.s32 $0x1B010;
	[tilespmem:v14+s17+$0x0] =	vst.idx.msk $0x1, v8  }
0x5c9: {  	v6 =	vld [tilespmem:s15+$0x0];
	_ =	sdelay $0x1  }
0x5ca: {  	v7 =	vld [tilespmem:s15+$0xFFFFFFF0];
	_ =	sdelay $0x1  }
0x5cb: {  	s29 =	simm.s32 $0x1B030  }
0x5cc: {  	vm0 =	vgt.s32 v6, $0x0;
	v6 =	vld [tilespmem:s29+$0x0];
	_ =	sdelay $0x1  }
0x5cd: {  	s30 =	simm.s32 $0x1B050;
	v8 =	vld [tilespmem:s29+$0xFFFFFFF0];
	vm1 =	vgt.s32 v7, $0x0;
	v7 =	vsel vm0, $0x1, v2  }
0x5ce: {  	v10 =	vld [tilespmem:s30+$0x0];
	v9 =	vsel vm1, $0x1, v2;
	(xrf0) =	vadd.scan.msk.s32 $0xffff, v7  }
0x5cf: {  	(xrf0) =	vadd.scan.msk.s32 $0xffff, v9  }
0x5d0: {  	v9 =	vmpcnt.ones.xlane vm1;
	vm3 =	vgt.s32 v6, $0x0  }
0x5d1: {  	v7 =	vimm.s32 $0x0;
	v6 =	vsel vm3, $0x1, v2  }
0x5d2: {  	v11 =	vld [tilespmem:s30+$0xFFFFFFF0];
	vm2 =	vgt.s32 v8, $0x0;
	vm4 =	vmmov vm0;
	(xrf0) =	vadd.scan.msk.s32 $0xffff, v6;
	v6 =	vadd.s32 v7, v9  }
0x5d3: {  	vm5 =	vgt.s32 v10, $0x0;
	v12 =	vsel vm2, $0x1, v2;
	v8 =	vmpcnt.ones.xlane vm4  }
0x5d4: {  	vm0 =	vmmov vm1;
	v14 =	vmpcnt.ones.xlane vm2;
	vm2 =	vmmov vm2;
	v9, _, _ =	vpop (xrf0);
	(xrf0) =	vadd.scan.msk.s32 $0xffff, v12  }
0x5d5: {  	vm3 =	vmmov vm3;
	v12 =	vadd.s32 v9, v6;
	v9 =	vadd.s32 v6, v8;
	v6, _, _ =	vpop (xrf0)  }
0x5d6: {  	vm0 =	vmmov vm0;
	v16 =	vmpcnt.ones.xlane vm3;
	v6 =	vadd.s32 v6, v7  }
0x5d7: {  	vm1 =	vmmov vm4;
	vm4 =	vgt.s32 v11, $0x0;
	v8 =	vadd.s32 $0xFFFFFFFF, v6  }
0x5d8: {  	s0 =	simm.s32 $0x10;
	s1 =	simm.s32 $0x1B070;
	v10 =	vsel vm5, $0x1, v2;
	v11 =	vmpcnt.ones.xlane vm4;
	v6 =	vadd.s32 $0xFFFFFFFF, v12  }
0x5d9: {  	s31 =	simm.s32 $0x0;
	v13 =	vld [tilespmem:s1+$0x0];
	(xrf0) =	vadd.scan.msk.s32 $0xffff, v10;
	v10 =	vadd.s32 v9, v14;
	v7 =	vor.u32 s0, v0;
	v12 =	vsel vm4, $0x1, v2;
	v14, _, _ =	vpop (xrf0)  }
0x5da: {  	s2 =	simm.s32 $0x6;
	v15 =	vld [tilespmem:s1+$0xFFFFFFF0];
	(xrf0) =	vadd.scan.msk.s32 $0xffff, v12;
	v12 =	vadd.s32 v14, v10;
	v10 =	vadd.s32 v10, v16;
	v16, _, _ =	vpop (xrf0);
	v14 =	vor.u32 s31, v0  }
.LBB2_197:
0x5db: {  	s2 =	sadd.s32 $0x2, s2  }
0x5dc: {  	v16 =	vadd.s32 v16, v9;
	[tilespmem:v8+s18+$0x0] =	vst.idx.msk vm0, v14;
	s0 =	sadd.s32 $0x20, s0;
	v9 =	vmovc v10;
	vm0 =	vmmov vm2;
	vm2 =	vmmov vm4;
	p0 =	slt.u32 s2, $0x7E  }
.Ltmp115:
0x5dd: {  	v8 =	vadd.s32 $0xFFFFFFFF, v16;
	[tilespmem:v6+s18+$0x0] =	vst.idx.msk vm1, v7;
	v6 =	vadd.s32 $0xFFFFFFFF, v12;
	vm1 =	vmmov vm3;
	(pc) =	sbr.rel @p0 .LBB2_197-.Ltmp115, $4  }
0x5de: {  	s1 =	sadd.s32 $0x20, s1;
	v7 =	vor.u32 s0, v0;
	vm3 =	vmmov vm5;
	vm5 =	vgt.s32 v13, $0x0  }
0x5df: {  	v14 =	vmpcnt.ones.xlane vm3;
	v13 =	vld [tilespmem:s1+$0x0];
	vm4 =	vgt.s32 v15, $0x0;
	v17 =	vsel vm5, $0x1, v2  }
0x5e0: {  	v10 =	vadd.s32 v10, v11;
	s3 =	sadd.s32 $0xFFFFFFF0, s0;
	v15 =	vld [tilespmem:s1+$0xFFFFFFF0];
	v18 =	vsel vm4, $0x1, v2;
	(xrf0) =	vadd.scan.msk.s32 $0xffff, v17;
	v11 =	vmpcnt.ones.xlane vm4;
	v12, _, _ =	vpop (xrf0)  }
0x5e1: {  	(xrf0) =	vadd.scan.msk.s32 $0xffff, v18;
	v12 =	vadd.s32 v12, v10;
	v10 =	vadd.s32 v10, v14;
	v16, _, _ =	vpop (xrf0);
	v14 =	vor.u32 s3, v0  }
0x5e2: {  	_ =	sdelay $0x1  }
0x5e3: {  	vm6 =	vmmov vm5  }
0x5e4: {  	v53 =	vmpcnt.ones.xlane vm6;
	vm8 =	vgt.s32 v13, $0x0;
	vm7 =	vgt.s32 v15, $0x0  }
0x5e5: {  	v11 =	vadd.s32 v10, v11;
	vm13 =	vmmov vm8;
	v15 =	vmpcnt.ones.xlane vm7  }
0x5e6: {  	v13 =	vadd.s32 v11, v53;
	v17 =	vmpcnt.ones.xlane vm13  }
0x5e7: {  	v18 =	vsel vm8, $0x1, v2;
	v15 =	vadd.s32 v13, v15  }
0x5e8: {  	v19 =	vsel vm7, $0x1, v2;
	(xrf0) =	vadd.scan.msk.s32 $0xffff, v18;
	v17 =	vadd.s32 v15, v17  }
0x5e9: {  	(xrf0) =	vadd.scan.msk.s32 $0xffff, v19;
	v17 =	vxor.u32 $0x80000000, v17  }
0x5ea: {  	(xrf0) =	vmax.scan.msk.u32 $0xffff, v17;
	_ =	sdelay $0x1  }
0x5eb: {  	v54, _, _ =	vpop (xrf0)  }
0x5ec: {  	v55, _, _ =	vpop (xrf0)  }
0x5ed: {  	v56, _, _ =	vpop (xrf0)  }
0x5ee: {  	v20, _, _ =	vpop (xrf0)  }
0x5ef: {  	v21, _, _ =	vpop (xrf0)  }
0x5f0: {  	(v2sf) =	vpush v21, $0xF;
	_ =	sdelay $0xa  }
0x5f1: {  	v9 =	vadd.s32 v16, v9;
	vm2 =	vmmov vm2;
	vm4 =	vmmov vm4  }
0x5f2: {  	vm3 =	vmmov vm3;
	v12 =	vadd.s32 $0xFFFFFFFF, v12;
	v9 =	vadd.s32 $0xFFFFFFFF, v9  }
0x5f3: {  	s0 =	sadd.s32 $0x20, s0;
	vm4 =	vmmov vm4;
	vm6 =	vmmov vm6;
	v11 =	vadd.s32 v54, v11  }
0x5f4: {  	s1 =	sadd.s32 $0xFFFFFFF0, s0;
	v59 =	vor.u32 s0, v0;
	v57 =	vadd.s32 v55, v10;
	v11 =	vadd.s32 $0xFFFFFFFF, v11  }
0x5f5: {  	[tilespmem:v6+s18+$0x0] =	vst.idx.msk vm1, v7;
	v58 =	vor.u32 s1, v0;
	v10 =	vadd.s32 $0xFFFFFFFF, v57;
	v6 =	vadd.s32 v56, v15;
	s31 =	spop (v2sf)  }
0x5f6: {  	[tilespmem:v8+s18+$0x0] =	vst.idx.msk vm0, v14;
	s15 =	sadd.s32 $0x20, s0;
	vm7 =	vmmov vm7;
	v13 =	vadd.s32 v20, v13;
	v6 =	vadd.s32 $0xFFFFFFFF, v6;
	s0 =	sxor.u32 $0x80000000, s31  }
0x5f7: {  	[tilespmem:v9+s18+$0x0] =	vst.idx.msk vm2, v58;
	v7 =	vadd.s32 $0xFFFFFFFF, v13;
	p0 =	slt.s32 s0, $0x1  }
.Ltmp116:
0x5f8: {  	s29 =	sadd.s32 $0xFFFFFFF0, s15;
	v61 =	vor.u32 s15, v0;
	[tilespmem:v12+s18+$0x0] =	vst.idx.msk vm3, v59;
	(pc) =	sbr.rel @p0 .LBB2_199-.Ltmp116, $4  }
0x5f9: {  	s2 =	sadd.s32 $0x20, s15;
	v60 =	vor.u32 s29, v0;
	[tilespmem:v11+s18+$0x0] =	vst.idx.msk vm6, v61  }
0x5fa: {  	s30 =	sadd.s32 $0xFFFFFFF0, s2;
	v63 =	vor.u32 s2, v0;
	[tilespmem:v10+s18+$0x0] =	vst.idx.msk vm4, v60  }
0x5fb: {  	v62 =	vor.u32 s30, v0;
	[tilespmem:v6+s18+$0x0] =	vst.idx.msk vm13, v63  }
0x5fc: {  	vm15 =	vmmov vm13;
	vm14 =	vmmov vm7;
	[tilespmem:v7+s18+$0x0] =	vst.idx.msk vm7, v62  }
0x5fd: {  	p6 =	seq.s32 s0, $0x1;
	p5 =	por $0x0, $0x0  }
.Ltmp117:
0x5fe: {  	s29 =	simm.s32 $0x1B800;
	s1 =	simm.s32 @!p5 $0x0;
	(pc) =	sbr.rel @p6 .LBB2_206-.Ltmp117, $4  }
0x5ff: {  	s0 =	sadd.s32 $0xFFFFFFFF, s0;
	s1 =	simm.s32 @p5 $0x1;
	p5 =	por $0x0, $0x0  }
0x600: {  	p0 =	por $0x0, $0x0;
	[smem:$0x7F4] =	sst s1;
	s1 =	simm.s32 @!p5 $0x0  }
0x601: {  	p1 =	por $0x0, $0x0;
	p2 =	por $0x0, $0x0;
	s1 =	simm.s32 @p5 $0x1  }
0x602: {  	v6 =	vimm.s32 $0x0;
	p3 =	por $0x0, $0x0;
	p4 =	por $0x0, $0x0;
	[smem:$0x7F5] =	sst s1  }
0x603: {  	p6 =	seq.s32 s0, $0x1  }
.Ltmp118:
0x604: {  	_ = 	snop;
	(pc) =	sbr.rel @p6 .LBB2_208-.Ltmp118, $2  }
0x605: {  	_ =	sdelay $0x2  }
0x606: {  	s0 =	sadd.s32 $0xFFFFFFFF, s0;
	p0 =	por $0x1, $0x1  }
0x607: {  	p6 =	seq.s32 s0, $0x1  }
.Ltmp119:
0x608: {  	_ = 	snop;
	(pc) =	sbr.rel @p6 .LBB2_210-.Ltmp119, $2  }
0x609: {  	_ =	sdelay $0x2  }
0x60a: {  	v13 =	vld [tilespmem:s29+$0x0];
	s0 =	sadd.s32 $0xFFFFFFFF, s0;
	p1 =	por $0x1, $0x1  }
0x60b: {  	p6 =	seq.s32 s0, $0x1  }
.Ltmp120:
0x60c: {  	_ = 	snop;
	(pc) =	sbr.rel @p6 .LBB2_212-.Ltmp120, $3  }
0x60d: {  	_ =	sdelay $0x1  }
0x60e: {  	s31 =	simm.s32 $0x1B801  }
0x60f: {  	s0 =	sadd.s32 $0xFFFFFFFF, s0;
	p2 =	por $0x1, $0x1;
	(v2sf) =	vpush v13, $0x0;
	v13 =	vld [tilespmem:s31+$0x0]  }
0x610: {  	_ =	sdelay $0x8  }
0x611: {  	p6 =	seq.s32 s0, $0x1  }
.Ltmp121:
0x612: {  	_ = 	snop;
	(pc) =	sbr.rel @p6 .LBB2_214-.Ltmp121, $3  }
0x613: {  	_ =	sdelay $0x1  }
0x614: {  	s31 =	simm.s32 $0x1B802  }
0x615: {  	s0 =	sadd.s32 $0xFFFFFFFF, s0;
	p3 =	por $0x1, $0x1;
	(v2sf) =	vpush v13, $0x0;
	v13 =	vld [tilespmem:s31+$0x0];
	s30 =	spop (v2sf)  }
0x616: {  	_ =	sdelay $0x6  }
0x617: {  	s1 =	sshll.u32 s30, $0x4  }
0x618: {  	v10 =	vld [tilespmem:s1+$0x0]  }
0x619: {  	p6 =	seq.s32 s0, $0x1  }
.Ltmp122:
0x61a: {  	_ = 	snop;
	(pc) =	sbr.rel @p6 .LBB2_216-.Ltmp122, $3  }
0x61b: {  	_ =	sdelay $0x1  }
0x61c: {  	s31 =	simm.s32 $0x1B803;
	vm1 =	vlt.s32 v6, $0xFE1;
	vm0 =	vge.f32 v10, v5  }
0x61d: {  	s0 =	sadd.s32 $0xFFFFFFFF, s0;
	p4 =	por $0x1, $0x1;
	v9 =	vor.u32 s1, v0;
	(v2sf) =	vpush v13, $0x0;
	v13 =	vld [tilespmem:s31+$0x0];
	vm1 =	vmand vm1, vm0;
	s1 =	spop (v2sf)  }
0x61e: {  	_ =	sdelay $0x6  }
0x61f: {  	s2 =	sshll.u32 s1, $0x4;
	v7 =	vsel vm1, $0x1, v2  }
0x620: {  	v18 =	vld [tilespmem:s2+$0x0];
	(xrf0) =	vadd.scan.msk.s32 $0xffff, v7  }
0x621: {  	p6 =	seq.s32 s0, $0x1  }
.Ltmp123:
0x622: {  	v7 =	vmpcnt.ones.xlane vm1;
	(pc) =	sbr.rel @p6 .LBB2_218-.Ltmp123, $4  }
0x623: {  	p5 =	por $0x1, $0x1  }
0x624: {  	s3 =	simm.s32 @!p5 $0x0;
	v12 =	vadd.s32 v6, v7  }
0x625: {  	s31 =	simm.s32 $0x1B804;
	vm4 =	vmmov vm1;
	s3 =	simm.s32 @p5 $0x1;
	vm2 =	vlt.s32 v12, $0xFE1;
	vm0 =	vge.f32 v18, v5  }
0x626: {  	s0 =	sadd.s32 $0xFFFFFFFF, s0;
	v17 =	vor.u32 s2, v0;
	v21 =	vld [tilespmem:s31+$0x0];
	[smem:$0x7F4] =	sst s3;
	(v2sf) =	vpush v13, $0x0;
	vm3 =	vmand vm2, vm0;
	v19, _, _ =	vpop (xrf0);
	s2 =	spop (v2sf)  }
0x627: {  	_ =	sdelay $0x5  }
0x628: {  	v7 =	vsel vm3, $0x1, v2  }
0x629: {  	s3 =	sshll.u32 s2, $0x4;
	(xrf0) =	vadd.scan.msk.s32 $0xffff, v7;
	v7 =	vadd.s32 v19, v6;
	(v2sf) =	vpush v21, $0x0  }
0x62a: {  	v16 =	vld [tilespmem:s3+$0x0];
	v8 =	vadd.s32 $0xFFFFFFFF, v7  }
0x62b: {  	vm0 =	vmmov vm4;
	p6 =	seq.s32 s0, $0x1;
	s31 =	simm.s32 $0x1B805  }
.Ltmp124:
0x62c: {  	v13 =	vld [tilespmem:s31+$0x0];
	v7 =	vmpcnt.ones.xlane vm3;
	(pc) =	sbr.rel @p6 .LBB2_220-.Ltmp124, $4  }
0x62d: {  	p5 =	por $0x1, $0x1  }
0x62e: {  	v14 =	vor.u32 s3, v0;
	s3 =	simm.s32 @!p5 $0x0;
	v23 =	vadd.s32 v12, v7  }
0x62f: {  	vm5 =	vmmov vm3;
	v15 =	vmovc v17;
	s3 =	simm.s32 @p5 $0x1;
	vm6 =	vlt.s32 v23, $0xFE1;
	vm2 =	vge.f32 v16, v5;
	[tilespmem:v8+s19+$0x0] =	vst.idx.msk vm4, v10  }
0x630: {  	s15 =	sadd.s32 $0xFFFFFFFF, s0;
	v11 =	vmov v18;
	v7 =	vmov v9;
	vm2 =	vmand vm6, vm2;
	v20, _, _ =	vpop (xrf0);
	[smem:$0x7F5] =	sst s3;
	s0 =	spop (v2sf)  }
.LBB2_221:
0x631: {  	p6 =	seq.s32 s15, $0x1;
	(v2sf) =	vpush v13, $0x0;
	s0 =	sshll.u32 s0, $0x4;
	v13 =	vsel vm2, $0x1, v2;
	v22 =	vmpcnt.ones.xlane vm2;
	[tilespmem:v8+s20+$0x0] =	vst.idx.msk vm0, v7;
	v7 =	vmovc v15;
	v15 =	vmovc v14  }
0x632: {  	v8 =	vadd.s32 v20, v12;
	v12 =	vmovc v23;
	vm0 =	vmmov vm5;
	v24 =	vld [tilespmem:s0+$0x0];
	v14 =	vor.u32 s0, v0;
	(xrf0) =	vadd.scan.msk.s32 $0xffff, v13  }
0x633: {  	s31 =	sadd.s32 $0x1, s31;
	vm5 =	vmmov vm2;
	v8 =	vadd.s32 $0xFFFFFFFF, v8;
	v23 =	vadd.s32 v23, v22  }
.Ltmp125:
0x634: {  	v13 =	vld [tilespmem:s31+$0x0];
	(pc) =	sbr.rel @!p6 .LBB2_221-.Ltmp125, $3  }
0x635: {  	_ =	sdelay $0x1  }
0x636: {  	vm6 =	vlt.s32 v23, $0xFE1;
	vm2 =	vge.f32 v24, v5  }
0x637: {  	s15 =	sadd.s32 $0xFFFFFFFF, s15;
	s0 =	spop (v2sf);
	vm2 =	vmand vm6, vm2;
	v20, _, _ =	vpop (xrf0);
	[tilespmem:v8+s19+$0x0] =	vst.idx.msk vm0, v11;
	v11 =	vmov v16;
	v16 =	vmov v24  }
0x638: {  	v22 =	vmov v12;
	v12 =	vmov v23  }
.LBB2_223:
0x639: {  	s3 =	sadd.s32 @p1 $0x1, s31;
	s15 =	simm.s32 $0x1B800  }
0x63a: {  	(v2sf) =	vpush @p1 v13, $0x0;
	s15 =	smov.u32 @p1 s3  }
0x63b: {  	v13 =	vld @p0 [tilespmem:s15+$0x0];
	_ =	sdelay $0x1  }
0x63c: {  	s0 =	sshll.u32 @p3 s0, $0x4  }
0x63d: {  	v23 =	vld @p3 [tilespmem:s0+$0x0]  }
0x63e: {  	v24 =	vmpcnt.ones.xlane @p4 vm2  }
0x63f: {  	v13 =	vpsel p0, v13, v21  }
0x640: {  	v21 =	vadd.s32 @p4 v12, v24;
	(v2sf) =	vpush @p0 v13, $0x0  }
0x641: {  	s3 =	spop @p2 (v2sf);
	v13 =	vpsel p4, v21, v6  }
0x642: {  	vm6 =	vge.f32 @p3 v23, v5;
	s2 =	smov.u32 @p2 s3;
	vm7 =	vlt.s32 @p3 v13, $0xFE1  }
0x643: {  	s3 =	sshll.u32 @p2 s2, $0x4;
	vm6 =	vmand @p3 vm7, vm6  }
0x644: {  	s15 =	sadd.s32 @p0 $0x1, s15;
	v24 =	vld @p2 [tilespmem:s3+$0x0];
	vm3 =	vmmov @p3 vm6  }
0x645: {  	s29 =	smov.u32 @p0 s15;
	v25 =	vmpcnt.ones.xlane @p3 vm3  }
0x646: {  	v58 =	vld [tilespmem:s29+$0x0]  }
0x647: {  	v25 =	vadd.s32 @p3 v13, v25  }
0x648: {  	s29 =	sld [smem:$0x7F4];
	v25 =	vpsel p3, v25, v6;
	s2 =	spop @p1 (v2sf)  }
0x649: {  	vm6 =	vge.f32 @p2 v24, v5;
	vm7 =	vlt.s32 @p2 v25, $0xFE1;
	s1 =	smov.u32 @p1 s2  }
0x64a: {  	v21 =	vsel @p4 vm2, $0x1, v2;
	vm6 =	vmand @p2 vm7, vm6;
	s2 =	sshll.u32 @p1 s1, $0x4  }
0x64b: {  	v26 =	vor.u32 @p3 s0, v0;
	p6 =	seq.s32 s29, $0x1;
	(v2sf) =	vpush v58, $0x0;
	(xrf0) =	vadd.scan.msk.s32 @p4 $0xffff, v21;
	vm1 =	vmmov @p2 vm6;
	v21 =	vld @p1 [tilespmem:s2+$0x0]  }
0x64c: {  	v17 =	vpsel p3, v26, v17;
	v20 =	vadd.s32 @p6 v20, v22;
	v22 =	vmpcnt.ones.xlane @p2 vm1  }
0x64d: {  	v14 =	vpsel p4, v14, v9;
	v16 =	vpsel p4, v16, v10;
	v17 =	vpsel p3, v17, v0  }
0x64e: {  	v14 =	vpsel p4, v14, v0;
	v17 =	vpsel p3, v17, v0;
	v22 =	vadd.s32 @p2 v25, v22  }
0x64f: {  	v18 =	vpsel p3, v23, v18;
	v12 =	vpsel p4, v12, v6;
	v22 =	vpsel p2, v22, v6;
	s0 =	spop @p0 (v2sf)  }
0x650: {  	v18 =	vpsel p3, v18, v0;
	vm6 =	vge.f32 @p1 v21, v5;
	vm8 =	vlt.s32 @p1 v22, $0xFE1;
	s30 =	smov.u32 @p0 s0  }
0x651: {  	vm5 =	vmmov @p6 vm5;
	v26 =	vsel @p3 vm3, $0x1, v2;
	vm6 =	vmand @p1 vm8, vm6;
	s1 =	sshll.u32 @p0 s30, $0x4  }
0x652: {  	v20 =	vadd.s32 @p6 $0xFFFFFFFF, v20;
	v23 =	vor.u32 @p2 s3, v0;
	v28, _, _ =	vpop @p4 (xrf0);
	(xrf0) =	vadd.scan.msk.s32 @p3 $0xffff, v26;
	vm6 =	vmmov @p1 vm6;
	v26 =	vld @p0 [tilespmem:s1+$0x0]  }
0x653: {  	v59 =	vpsel p2, v23, v9;
	v19 =	vpsel p4, v28, v19;
	v28 =	vmpcnt.ones.xlane @p1 vm6  }
0x654: {  	v15 =	vpsel p6, v15, v0;
	v27 =	vpsel p6, v20, v0;
	v9 =	vpsel p2, v59, v0  }
0x655: {  	s31 =	sld [smem:$0x7F5];
	v9 =	vpsel p2, v9, v0;
	v12 =	vadd.s32 @p4 v19, v12;
	v19 =	vadd.s32 @p1 v22, v28  }
0x656: {  	v60 =	vpsel p2, v24, v10;
	vm7 =	vmmov @p4 vm2;
	v19 =	vpsel p1, v19, v6  }
0x657: {  	vm4 =	vmmov @p4 vm7;
	vm9 =	vlt.s32 @p0 v19, $0xFE1;
	vm7 =	vge.f32 @p0 v26, v5  }
0x658: {  	p5 =	seq.s32 s31, $0x1;
	vm2 =	vmmov @p6 vm5;
	v12 =	vadd.s32 @p4 $0xFFFFFFFF, v12;
	vm7 =	vmand @p0 vm9, vm7  }
0x659: {  	[tilespmem:v8+s20+$0x0] =	vst.idx.msk @p5 vm0, v7;
	v24 =	vor.u32 @p1 s2, v0;
	v23 =	vsel @p2 vm1, $0x1, v2;
	vm7 =	vmmov @p0 vm7  }
0x65a: {  	vm4 =	vmmov @p4 vm4;
	v24 =	vpsel p1, v24, v0;
	s30 =	spop (v2sf);
	v28, _, _ =	vpop @p3 (xrf0);
	(xrf0) =	vadd.scan.msk.s32 @p2 $0xffff, v23;
	v23 =	vmpcnt.ones.xlane @p0 vm7  }
0x65b: {  	v13 =	vpsel p3, v13, v0;
	v10 =	vpsel p2, v60, v0;
	v29 =	vpsel p4, v12, v0;
	v7 =	vmovc @p1 v24;
	s0 =	sshll.u32 s30, $0x4  }
0x65c: {  	v7 =	vpsel p1, v7, v0;
	vm8 =	vmmov @p3 vm3;
	v30 =	vld [tilespmem:s0+$0x0];
	v23 =	vadd.s32 @p0 v19, v23  }
0x65d: {  	[tilespmem:v20+s19+$0x0] =	vst.idx.msk @p6 vm5, v11;
	vm3 =	vmmov @p4 vm4;
	v6 =	vpsel p0, v23, v6;
	v23 =	vsel @p1 vm6, $0x1, v2  }
0x65e: {  	v7 =	vpsel p1, v7, v0;
	v21 =	vpsel p1, v21, v0;
	v8 =	vmovc @p1 v22;
	(xrf0) =	vadd.scan.msk.s32 @p1 $0xffff, v23  }
0x65f: {  	vm11 =	vmmov @p2 vm1;
	[tilespmem:v27+s20+$0x0] =	vst.idx.msk @p6 vm2, v15;
	v8 =	vpsel p1, v8, v0;
	v15 =	vmovc @p1 v21;
	vm8 =	vmmov @p3 vm8  }
0x660: {  	[tilespmem:v12+s19+$0x0] =	vst.idx.msk @p4 vm4, v16;
	v15 =	vpsel p1, v15, v0;
	vm8 =	vmmov @p3 vm8;
	v28 =	vpsel p3, v28, v0  }
0x661: {  	v13 =	vadd.s32 @p3 v28, v13;
	vm9 =	vge.f32 v30, v5;
	v5 =	vmovc @p2 v25;
	v28 =	vsel @p0 vm7, $0x1, v2  }
0x662: {  	v13 =	vadd.s32 @p3 $0xFFFFFFFF, v13;
	v5 =	vpsel p2, v5, v0;
	vm10 =	vlt.s32 v6, $0xFE1;
	v23, _, _ =	vpop @p2 (xrf0);
	(xrf0) =	vadd.scan.msk.s32 @p0 $0xffff, v28  }
0x663: {  	[tilespmem:v29+s20+$0x0] =	vst.idx.msk @p4 vm3, v14;
	v25 =	vpsel p3, v13, v0;
	vm3 =	vmmov @p0 vm7;
	vm14 =	vmand vm10, vm9  }
0x664: {  	vm3 =	vmmov @p0 vm3;
	vm6 =	vmmov @p1 vm6;
	v61 =	vsel vm14, $0x1, v2;
	v11, _, _ =	vpop @p1 (xrf0)  }
0x665: {  	vm10 =	vmmov @p2 vm11;
	v23 =	vpsel p2, v23, v0;
	(xrf0) =	vadd.scan.msk.s32 $0xffff, v61;
	v11 =	vpsel p1, v11, v0  }
0x666: {  	v14 =	vmovc @p0 v19;
	vm2 =	vmmov @p1 vm6;
	vm10 =	vmmov @p2 vm10;
	v5 =	vadd.s32 @p2 v23, v5  }
0x667: {  	[tilespmem:v13+s19+$0x0] =	vst.idx.msk @p3 vm8, v18;
	v13 =	vpsel p0, v14, v0;
	vm9 =	vmmov @p3 vm8;
	v5 =	vadd.s32 @p2 $0xFFFFFFFF, v5  }
0x668: {  	vm2 =	vmmov @p1 vm2;
	vm0 =	vmmov @p2 vm10;
	v8 =	vadd.s32 @p1 v11, v8;
	v11, _, _ =	vpop @p0 (xrf0)  }
0x669: {  	vm4 =	vmmov @p1 vm2;
	v20 =	vpsel p2, v5, v0;
	v11 =	vpsel p0, v11, v0  }
0x66a: {  	vm15 =	vmmov vm14;
	v8 =	vadd.s32 @p1 $0xFFFFFFFF, v8;
	v11 =	vadd.s32 @p0 v11, v13  }
0x66b: {  	vm3 =	vmmov @p0 vm3;
	vm5 =	vmmov vm15;
	v14 =	vpsel p1, v8, v0;
	v62, _, _ =	vpop (xrf0)  }
0x66c: {  	v23 =	vor.u32 @p0 s1, v0;
	[tilespmem:v5+s19+$0x0] =	vst.idx.msk @p2 vm10, v10;
	v5 =	vadd.s32 @p0 $0xFFFFFFFF, v11;
	v10 =	vadd.s32 v62, v6  }
0x66d: {  	vm6 =	vmmov @p0 vm3;
	v12 =	vpsel p0, v23, v0;
	[tilespmem:v25+s20+$0x0] =	vst.idx.msk @p3 vm9, v17;
	v10 =	vadd.s32 $0xFFFFFFFF, v10;
	v11 =	vmovc @p0 v26  }
0x66e: {  	[tilespmem:v20+s20+$0x0] =	vst.idx.msk @p2 vm0, v9;
	v13 =	vpsel p0, v5, v0;
	v11 =	vpsel p0, v11, v0  }
0x66f: {  	v9 =	vmov @p0 v12;
	[tilespmem:v8+s19+$0x0] =	vst.idx.msk @p1 vm2, v15;
	v8 =	vmov @p0 v11  }
0x670: {  	v9 =	vpsel p0, v9, v0;
	[tilespmem:v14+s20+$0x0] =	vst.idx.msk @p1 vm4, v7;
	v8 =	vpsel p0, v8, v0  }
0x671: {  	v7 =	vmov @p0 v9;
	[tilespmem:v5+s19+$0x0] =	vst.idx.msk @p0 vm3, v8  }
0x672: {  	v5 =	vpsel p0, v7, v0;
	v7 =	vmpcnt.ones.xlane vm14;
	[tilespmem:v10+s19+$0x0] =	vst.idx.msk vm5, v30  }
0x673: {  	v63 =	vor.u32 s0, v0;
	[tilespmem:v13+s20+$0x0] =	vst.idx.msk @p0 vm6, v5  }
0x674: {  	[tilespmem:v10+s20+$0x0] =	vst.idx.msk vm5, v63;
	v5 =	vadd.s32 v6, v7  }
.Ltmp126:
0x675: {  	(pc) =	sbr.rel .LBB2_201-.Ltmp126, $2  }
0x676: {  	_ =	sdelay $0x2  }
0x677: {  	v5 =	vxor.u32 $0x80000000, v5  }
.LBB2_199:
0x678: {  	v5 =	vimm.s32 $0x80000000  }
.LBB2_201:
0x679: {  	(xrf0) =	vmax.scan.msk.u32 $0xffff, v5;
	_ =	sdelay $0x5  }
0x67a: {  	v5, _, _ =	vpop (xrf0)  }
0x67b: {  	(v2sf) =	vpush v5, $0xF;
	_ =	sdelay $0xe  }
0x67c: {  	s0 =	spop (v2sf)  }
.Ltmp127:
0x67d: {  	s2 =	sadd.s32 $0x8000000F, s0;
	(pc) =	sbr.rel .LBB2_202-.Ltmp127, $4  }
0x67e: {  	s1 =	sshra.s32 s2, $0x1F  }
0x67f: {  	s1 =	sshrl.u32 s1, $0x1C  }
0x680: {  	s29 =	sxor.u32 $0x80000000, s0;
	s31 =	sadd.s32 s1, s2  }
0x681: {  	v5 =	vmov s29;
	p0 =	slt.s32 s2, $0x10;
	s1 =	simm.s32 $0x0;
	s0 =	sshra.s32 s31, $0x4  }
.LBB2_204:
0x682: {  	s15 =	simm.s32 $0x0  }
.LBB2_228:
0x683: {  	s3 =	sadd.s32 @p1 $0x10, s15  }
0x684: {  	v8 =	vand.u32 $0x7FFFFFFF, v8;
	s30 =	smov.u32 @p1 s3  }
0x685: {  	v8 =	vxor.u32 v10, v8;
	v9 =	vor.u32 s30, v0  }
0x686: {  	vm0 =	vge.s32 v8, v7;
	vm1 =	vlt.s32 v9, v5  }
0x687: {  	vm0 =	vmand vm1, vm0  }
0x688: {  	v7 =	vsel vm0, $0x1, v2  }
0x689: {  	v6 =	vadd.s32 v7, v6  }
.LBB2_229:
0x68a: {  	(xrf0) =	vadd.scan.msk.s32 $0xffff, v6;
	_ =	sdelay $0x5  }
0x68b: {  	v6, _, _ =	vpop (xrf0)  }
0x68c: {  	(v2sf) =	vpush v6, $0xF;
	_ =	sdelay $0xa  }
0x68d: {  	s1 =	sadd.s32 $0x1, s1  }
0x68e: {  	p2 =	seq.s32 s1, $0x14  }
.Ltmp128:
0x68f: {  	_ = 	snop;
	(pc) =	sbr.rel @p2 .LBB2_180-.Ltmp128, $4  }
0x690: {  	_ = 	snop  }
0x691: {  	s3 =	spop (v2sf)  }
0x692: {  	p1 =	sgt.s32 s3, $0x3F  }
0x693: {  	s28 =	smov.u32 @p1 s2  }
.LBB2_202:
.Ltmp129:
0x694: {  	(pc) =	sbr.rel @p0 .LBB2_229-.Ltmp129, $3  }
0x695: {  	_ =	sdelay $0x1  }
0x696: {  	s2 =	sshrl.u32 s21, s1  }
0x697: {  	v6 =	vimm.s32 $0x0;
	s2 =	sadd.s32 s2, s28  }
0x698: {  	s3 =	simm.s32 $0x19000  }
0x699: {  	p2 =	seq.s32 s0, $0x1;
	v10 =	vld [tilespmem:s3+$0x0]  }
.Ltmp130:
0x69a: {  	_ = 	snop;
	(pc) =	sbr.rel @p2 .LBB2_204-.Ltmp130, $3  }
0x69b: {  	_ =	sdelay $0x1  }
0x69c: {  	s30 =	simm.s32 $0x0  }
0x69d: {  	v7 =	vmov s2;
	v6 =	vimm.s32 $0x0;
	s15 =	simm.s32 $0x19010;
	p1 =	por $0x0, $0x0;
	s3 =	sadd.s32 $0xFFFFFFFF, s0;
	v8 =	vshra.s32 v10, $0x1F  }
0x69e: {  	v9 =	vld [tilespmem:s15+$0x0];
	v8 =	vand.u32 $0x7FFFFFFF, v8;
	p2 =	seq.s32 s3, $0x1  }
.Ltmp131:
0x69f: {  	v8 =	vxor.u32 v10, v8;
	v10 =	vor.u32 s30, v0;
	(pc) =	sbr.rel @p2 .LBB2_225-.Ltmp131, $4  }
0x6a0: {  	vm0 =	vge.s32 v8, v7;
	vm1 =	vlt.s32 v10, v5  }
0x6a1: {  	vm0 =	vmand vm1, vm0  }
0x6a2: {  	s31 =	sadd.s32 $0xFFFFFFFF, s3;
	v10 =	vsel vm0, $0x1, v2  }
0x6a3: {  	s3 =	simm.s32 $0x19020;
	p1 =	por $0x1, $0x1;
	s15 =	simm.s32 $0x0;
	v8 =	vshra.s32 v9, $0x1F;
	v6 =	vadd.s32 v10, v6  }
.LBB2_226:
0x6a4: {  	v10 =	vld [tilespmem:s3+$0x0];
	p2 =	seq.s32 s31, $0x1;
	s31 =	sadd.s32 $0xFFFFFFFF, s31;
	v8 =	vand.u32 $0x7FFFFFFF, v8;
	s15 =	sadd.s32 $0x10, s15  }
.Ltmp132:
0x6a5: {  	v8 =	vxor.u32 v9, v8;
	v9 =	vor.u32 s15, v0;
	(pc) =	sbr.rel @!p2 .LBB2_226-.Ltmp132, $4  }
0x6a6: {  	vm0 =	vge.s32 v8, v7;
	vm1 =	vlt.s32 v9, v5  }
0x6a7: {  	vm0 =	vmand vm1, vm0  }
0x6a8: {  	v11 =	vsel vm0, $0x1, v2  }
0x6a9: {  	s3 =	sadd.s32 $0x10, s3;
	v8 =	vshra.s32 v10, $0x1F;
	v6 =	vadd.s32 v11, v6;
	v9 =	vmov v10  }
.Ltmp133:
0x6aa: {  	(pc) =	sbr.rel .LBB2_228-.Ltmp133, $2  }
0x6ab: {  	_ =	sdelay $0x2  }
0x6ac: {  	v10 =	vmov v9  }
.LBB2_225:
.Ltmp134:
0x6ad: {  	(pc) =	sbr.rel .LBB2_228-.Ltmp134, $2  }
0x6ae: {  	_ =	sdelay $0x2  }
0x6af: {  	s15 =	simm.s32 $0x0;
	v10 =	vmov v9  }
.LBB2_180:
0x6b0: {  	s0 =	sadd.s32 $0xF, s29  }
0x6b1: {  	p0 =	slt.s32 s0, $0x10  }
.Ltmp135:
0x6b2: {  	_ = 	snop;
	(pc) =	sbr.rel @p0 .LBB2_234-.Ltmp135, $4  }
0x6b3: {  	v5 =	vmov s28;
	s1 =	sshra.s32 s0, $0x1F  }
0x6b4: {  	v5 =	vshra.s32 v5, $0x1F;
	s1 =	sshrl.u32 s1, $0x1C  }
0x6b5: {  	v5 =	vand.u32 $0x7FFFFFFF, v5;
	s1 =	sadd.s32 s1, s0  }
0x6b6: {  	v6 =	vmov s29;
	v5 =	vxor.u32 s28, v5;
	s28 =	sshra.s32 s1, $0x4  }
0x6b7: {  	p2 =	sne.s32 s28, $0x1  }
.Ltmp136:
0x6b8: {  	_ = 	snop;
	(pc) =	sbr.rel @!p2 .LBB2_182-.Ltmp136, $3  }
0x6b9: {  	_ =	sdelay $0x1  }
0x6ba: {  	s2 =	simm.s32 $0x19000;
	s0 =	simm.s32 $0x1A000  }
0x6bb: {  	s1 =	simm.s32 $0x0;
	p1 =	por $0x0, $0x0;
	v7 =	vld [tilespmem:s2+$0x0];
	s2 =	sadd.s32 $0xFFFFFFFF, s28  }
0x6bc: {  	_ =	sdelay $0x2  }
0x6bd: {  	v8 =	vld [tilespmem:s0+$0x0];
	v9 =	vor.u32 s1, v0  }
0x6be: {  	vm1 =	vlt.s32 v9, v6;
	vm0 =	vge.f32 v7, v5  }
0x6bf: {  	vm0 =	vmand vm1, vm0;
	_ =	sdelay $0x1  }
0x6c0: {  	p2 =	sne.s32 s2, $0x1  }
.Ltmp137:
0x6c1: {  	_ = 	snop;
	(pc) =	sbr.rel @!p2 .LBB2_231-.Ltmp137, $3  }
0x6c2: {  	_ =	sdelay $0x1  }
0x6c3: {  	s29 =	simm.s32 $0x19010;
	s30 =	sadd.s32 $0xFFFFFFFF, s2;
	[tilespmem:v8+s22+$0x0] =	vst.idx.msk vm0, v7  }
0x6c4: {  	p1 =	por $0x1, $0x1;
	s2 =	simm.s32 $0x1A000;
	s15 =	simm.s32 $0x0;
	v7 =	vld [tilespmem:s29+$0x0]  }
.LBB2_232:
0x6c5: {  	p2 =	sne.s32 s30, $0x1;
	_ =	sdelay $0x1  }
0x6c6: {  	s2 =	sadd.s32 $0x10, s2;
	s15 =	sadd.s32 $0x10, s15  }
0x6c7: {  	v9 =	vor.u32 s15, v0;
	v8 =	vld [tilespmem:s2+$0x0]  }
0x6c8: {  	vm1 =	vlt.s32 v9, v6;
	vm0 =	vge.f32 v7, v5  }
0x6c9: {  	vm0 =	vmand vm1, vm0;
	_ =	sdelay $0x2  }
.Ltmp138:
0x6ca: {  	(pc) =	sbr.rel @p2 .LBB2_232-.Ltmp138, $3  }
0x6cb: {  	_ =	sdelay $0x1  }
0x6cc: {  	s29 =	sadd.s32 $0x10, s29;
	[tilespmem:v8+s22+$0x0] =	vst.idx.msk vm0, v7  }
0x6cd: {  	s30 =	sadd.s32 $0xFFFFFFFF, s30;
	v7 =	vld [tilespmem:s29+$0x0]  }
.LBB2_233:
0x6ce: {  	_ = 	snop  }
0x6cf: {  	s2 =	sadd.s32 @p1 $0x10, s2;
	s3 =	sadd.s32 @p1 $0x10, s15  }
0x6d0: {  	s0 =	smov.u32 @p1 s2;
	s1 =	smov.u32 @p1 s3  }
0x6d1: {  	v8 =	vld [tilespmem:s0+$0x0];
	v9 =	vor.u32 s1, v0  }
0x6d2: {  	vm1 =	vlt.s32 v9, v6;
	vm0 =	vge.f32 v7, v5  }
0x6d3: {  	vm0 =	vmand vm1, vm0;
	_ =	sdelay $0x5  }
0x6d4: {  	[tilespmem:v8+s22+$0x0] =	vst.idx.msk vm0, v7  }
.LBB2_234:
0x6d5: {  	[hbm4b:s9+s12] =	stream.strided.scatter [tilespmem:s22], [sflag:$0x3], $0x8000, s13, s12, $0x38;
	[tilespmem:$0x1C080] =	vst v63  }
0x6d6: {  	_ =	swait.ge [sflag:s23], $0x8000  }
0x6d7: {  	s1 =	simm.s32 $0x8020;
	[sflag:s23] =	ssyncset.done $0x0  }
0x6d8: {  	s0 =	simm.s32 $0x1;
	s2 =	simm.s32 $0x2;
	[sflag:s23] =	ssyncadd.s32 $0xFFFF8000  }
0x6d9: {  	s3 =	simm.s32 $0x0;
	v7 =	vmov s0;
	v8 =	vmov s2;
	v10 =	vld [tilespmem:s1+$0x0]  }
0x6da: {  	v11 =	vmov s3;
	v8 =	vand.u32 $0xFFFFFFFE, v8;
	v7 =	vand.u32 $0xFFFFFFFD, v7;
	v14 =	vld [tilespmem:s1+$0xFFFFFFF0]  }
0x6db: {  	v9 =	vbroadcast v8, $0x0;
	v8 =	vbroadcast v7, $0x0;
	v7 =	vand.u32 $0xFFFFFFFC, v11;
	v11 =	vld [tilespmem:s1+$0x10]  }
0x6dc: {  	v5 =	vadd.f32 $-2.500000000e-01, v5;
	v12 =	vld [tilespmem:s1+$0xFFFFFFE0]  }
0x6dd: {  	s30 =	simm.s32 $0x3  }
0x6de: {  	s31 =	simm.s32 $0x5;
	s0 =	simm.s32 $0x4;
	v7 =	vbroadcast v7, $0x0;
	vm1 =	vge.f32 v10, v5;
	v10 =	vmov s30  }
0x6df: {  	v13 =	vmov s31;
	s3 =	simm.s32 $0x6;
	s2 =	simm.s32 $0x8;
	s1 =	simm.s32 $0x8060;
	vm0 =	vge.f32 v14, v5;
	v14 =	vmpcnt.ones.xlane vm1  }
.LBB2_235:
0x6e0: {  	p1 =	slt.u32 s2, $0x7FC;
	v15 =	vld [tilespmem:s1+$0x0];
	v16 =	vmov s3;
	v17 =	vmpcnt.ones.xlane vm0;
	vm0 =	vge.f32 v11, v5  }
0x6e1: {  	v18 =	vld [tilespmem:s1+$0xFFFFFFF0];
	v11 =	vand.u32 $0xFFFFFFFE, v16;
	vm1 =	vge.f32 v12, v5;
	[tilespmem:v9+s17+$0x0] =	vst.idx.msk $0x1, v14;
	v14 =	vmpcnt.ones.xlane vm0  }
.Ltmp139:
0x6e2: {  	v13 =	vand.u32 $0xFFFFFFFD, v13;
	v9 =	vbroadcast v11, $0x0;
	v11 =	vld [tilespmem:s1+$0x10];
	v16 =	vmpcnt.ones.xlane vm1;
	[tilespmem:v8+s17+$0x0] =	vst.idx.msk $0x1, v17;
	(pc) =	sbr.rel @p1 .LBB2_235-.Ltmp139, $4  }
0x6e3: {  	v17 =	vmov s0;
	v8 =	vbroadcast v13, $0x0;
	v12 =	vld [tilespmem:s1+$0xFFFFFFE0];
	[tilespmem:v10+s17+$0x0] =	vst.idx.msk $0x1, v14  }
0x6e4: {  	s3 =	sadd.s32 $0x3, s0;
	s0 =	smov.u32 s2;
	v10 =	vand.u32 $0xFFFFFFFC, v17;
	[tilespmem:v7+s17+$0x0] =	vst.idx.msk $0x1, v16  }
0x6e5: {  	s15 =	sadd.s32 $0x1, s2;
	v7 =	vbroadcast v10, $0x0;
	v10 =	vmov s3;
	vm1 =	vge.f32 v15, v5  }
0x6e6: {  	v13 =	vmov s15;
	s2 =	sadd.s32 $0x4, s2;
	s1 =	sadd.s32 $0x40, s1;
	s3 =	sadd.s32 $0x2, s0;
	vm0 =	vge.f32 v18, v5;
	v14 =	vmpcnt.ones.xlane vm1  }
0x6e7: {  	_ = 	snop  }
0x6e8: {  	v15 =	vld [tilespmem:s1+$0x0];
	v16 =	vmov s3;
	v17 =	vmpcnt.ones.xlane vm0  }
0x6e9: {  	v18 =	vld [tilespmem:s1+$0xFFFFFFF0];
	vm0 =	vge.f32 v11, v5;
	v11 =	vand.u32 $0xFFFFFFFD, v13;
	v16 =	vand.u32 $0xFFFFFFFE, v16  }
0x6ea: {  	v19 =	vmov s0;
	vm1 =	vge.f32 v12, v5;
	v12 =	vld [tilespmem:s1+$0xFFFFFFE0];
	v13 =	vbroadcast v16, $0x0  }
0x6eb: {  	v11 =	vbroadcast v11, $0x0;
	[tilespmem:v9+s17+$0x0] =	vst.idx.msk $0x1, v14;
	v19 =	vand.u32 $0xFFFFFFFC, v19;
	v16 =	vld [tilespmem:s1+$0x10]  }
0x6ec: {  	v9 =	vmpcnt.ones.xlane vm0;
	[tilespmem:v8+s17+$0x0] =	vst.idx.msk $0x1, v17;
	v8 =	vbroadcast v19, $0x0  }
0x6ed: {  	s3 =	sadd.s32 $0x3, s0;
	v14 =	vmpcnt.ones.xlane vm1;
	vm0 =	vge.f32 v15, v5  }
0x6ee: {  	[tilespmem:v10+s17+$0x0] =	vst.idx.msk $0x1, v9;
	v15 =	vmov s3;
	vm1 =	vge.f32 v18, v5;
	v9 =	vmpcnt.ones.xlane vm0  }
0x6ef: {  	[tilespmem:v7+s17+$0x0] =	vst.idx.msk $0x1, v14;
	v7 =	vmpcnt.ones.xlane vm1;
	vm1 =	vge.f32 v12, v5  }
0x6f0: {  	vm0 =	vge.f32 v16, v5;
	v10 =	vmpcnt.ones.xlane vm1;
	[tilespmem:v13+s17+$0x0] =	vst.idx.msk $0x1, v9  }
0x6f1: {  	v9 =	vmpcnt.ones.xlane vm0;
	[tilespmem:v11+s17+$0x0] =	vst.idx.msk $0x1, v7  }
0x6f2: {  	[tilespmem:v8+s17+$0x0] =	vst.idx.msk $0x1, v10  }
0x6f3: {  	s15 =	simm.s32 $0x1B010;
	[tilespmem:v15+s17+$0x0] =	vst.idx.msk $0x1, v9  }
0x6f4: {  	v7 =	vld [tilespmem:s15+$0x0];
	_ =	sdelay $0x1  }
0x6f5: {  	v8 =	vld [tilespmem:s15+$0xFFFFFFF0];
	_ =	sdelay $0x1  }
0x6f6: {  	s29 =	simm.s32 $0x1B030  }
0x6f7: {  	vm0 =	vgt.s32 v7, $0x0;
	v7 =	vld [tilespmem:s29+$0x0];
	_ =	sdelay $0x1  }
0x6f8: {  	s30 =	simm.s32 $0x1B050;
	v9 =	vld [tilespmem:s29+$0xFFFFFFF0];
	vm1 =	vgt.s32 v8, $0x0;
	v8 =	vsel vm0, $0x1, v2  }
0x6f9: {  	v11 =	vld [tilespmem:s30+$0x0];
	v10 =	vsel vm1, $0x1, v2;
	(xrf0) =	vadd.scan.msk.s32 $0xffff, v8  }
0x6fa: {  	(xrf0) =	vadd.scan.msk.s32 $0xffff, v10  }
0x6fb: {  	v10 =	vmpcnt.ones.xlane vm1;
	vm3 =	vgt.s32 v7, $0x0  }
0x6fc: {  	v8 =	vimm.s32 $0x0;
	v7 =	vsel vm3, $0x1, v2  }
0x6fd: {  	v12 =	vld [tilespmem:s30+$0xFFFFFFF0];
	vm2 =	vgt.s32 v9, $0x0;
	vm4 =	vmmov vm0;
	(xrf0) =	vadd.scan.msk.s32 $0xffff, v7;
	v7 =	vadd.s32 v8, v10  }
0x6fe: {  	vm5 =	vgt.s32 v11, $0x0;
	v13 =	vsel vm2, $0x1, v2;
	v9 =	vmpcnt.ones.xlane vm4  }
0x6ff: {  	vm0 =	vmmov vm1;
	v15 =	vmpcnt.ones.xlane vm2;
	vm2 =	vmmov vm2;
	v10, _, _ =	vpop (xrf0);
	(xrf0) =	vadd.scan.msk.s32 $0xffff, v13  }
0x700: {  	vm3 =	vmmov vm3;
	v13 =	vadd.s32 v10, v7;
	v10 =	vadd.s32 v7, v9;
	v7, _, _ =	vpop (xrf0)  }
0x701: {  	vm0 =	vmmov vm0;
	v17 =	vmpcnt.ones.xlane vm3;
	v7 =	vadd.s32 v7, v8  }
0x702: {  	vm1 =	vmmov vm4;
	vm4 =	vgt.s32 v12, $0x0;
	v9 =	vadd.s32 $0xFFFFFFFF, v7  }
0x703: {  	s0 =	simm.s32 $0x10;
	s1 =	simm.s32 $0x1B070;
	v11 =	vsel vm5, $0x1, v2;
	v12 =	vmpcnt.ones.xlane vm4;
	v7 =	vadd.s32 $0xFFFFFFFF, v13  }
0x704: {  	s31 =	simm.s32 $0x0;
	v14 =	vld [tilespmem:s1+$0x0];
	(xrf0) =	vadd.scan.msk.s32 $0xffff, v11;
	v11 =	vadd.s32 v10, v15;
	v8 =	vor.u32 s0, v0;
	v13 =	vsel vm4, $0x1, v2;
	v15, _, _ =	vpop (xrf0)  }
0x705: {  	s2 =	simm.s32 $0x6;
	v16 =	vld [tilespmem:s1+$0xFFFFFFF0];
	(xrf0) =	vadd.scan.msk.s32 $0xffff, v13;
	v13 =	vadd.s32 v15, v11;
	v11 =	vadd.s32 v11, v17;
	v17, _, _ =	vpop (xrf0);
	v15 =	vor.u32 s31, v0  }
.LBB2_237:
0x706: {  	s2 =	sadd.s32 $0x2, s2  }
0x707: {  	v17 =	vadd.s32 v17, v10;
	[tilespmem:v9+s18+$0x0] =	vst.idx.msk vm0, v15;
	s0 =	sadd.s32 $0x20, s0;
	v10 =	vmovc v11;
	vm0 =	vmmov vm2;
	vm2 =	vmmov vm4;
	p1 =	slt.u32 s2, $0x7E  }
.Ltmp140:
0x708: {  	v9 =	vadd.s32 $0xFFFFFFFF, v17;
	[tilespmem:v7+s18+$0x0] =	vst.idx.msk vm1, v8;
	v7 =	vadd.s32 $0xFFFFFFFF, v13;
	vm1 =	vmmov vm3;
	(pc) =	sbr.rel @p1 .LBB2_237-.Ltmp140, $4  }
0x709: {  	s1 =	sadd.s32 $0x20, s1;
	v8 =	vor.u32 s0, v0;
	vm3 =	vmmov vm5;
	vm5 =	vgt.s32 v14, $0x0  }
0x70a: {  	v15 =	vmpcnt.ones.xlane vm3;
	v14 =	vld [tilespmem:s1+$0x0];
	vm4 =	vgt.s32 v16, $0x0;
	v18 =	vsel vm5, $0x1, v2  }
0x70b: {  	v11 =	vadd.s32 v11, v12;
	s3 =	sadd.s32 $0xFFFFFFF0, s0;
	v16 =	vld [tilespmem:s1+$0xFFFFFFF0];
	v19 =	vsel vm4, $0x1, v2;
	(xrf0) =	vadd.scan.msk.s32 $0xffff, v18;
	v12 =	vmpcnt.ones.xlane vm4;
	v13, _, _ =	vpop (xrf0)  }
0x70c: {  	(xrf0) =	vadd.scan.msk.s32 $0xffff, v19;
	v13 =	vadd.s32 v13, v11;
	v11 =	vadd.s32 v11, v15;
	v17, _, _ =	vpop (xrf0);
	v15 =	vor.u32 s3, v0  }
0x70d: {  	_ =	sdelay $0x1  }
0x70e: {  	vm6 =	vmmov vm5  }
0x70f: {  	v53 =	vmpcnt.ones.xlane vm6;
	vm8 =	vgt.s32 v14, $0x0;
	vm7 =	vgt.s32 v16, $0x0  }
0x710: {  	v12 =	vadd.s32 v11, v12;
	vm13 =	vmmov vm8;
	v16 =	vmpcnt.ones.xlane vm7  }
0x711: {  	v14 =	vadd.s32 v12, v53;
	v18 =	vmpcnt.ones.xlane vm13  }
0x712: {  	v19 =	vsel vm8, $0x1, v2;
	v16 =	vadd.s32 v14, v16  }
0x713: {  	v20 =	vsel vm7, $0x1, v2;
	(xrf0) =	vadd.scan.msk.s32 $0xffff, v19;
	v18 =	vadd.s32 v16, v18  }
0x714: {  	(xrf0) =	vadd.scan.msk.s32 $0xffff, v20;
	v18 =	vxor.u32 $0x80000000, v18  }
0x715: {  	(xrf0) =	vmax.scan.msk.u32 $0xffff, v18;
	_ =	sdelay $0x1  }
0x716: {  	v54, _, _ =	vpop (xrf0)  }
0x717: {  	v55, _, _ =	vpop (xrf0)  }
0x718: {  	v56, _, _ =	vpop (xrf0)  }
0x719: {  	v21, _, _ =	vpop (xrf0)  }
0x71a: {  	v22, _, _ =	vpop (xrf0)  }
0x71b: {  	(v2sf) =	vpush v22, $0xF;
	_ =	sdelay $0x3  }
0x71c: {  	v10 =	vadd.s32 v17, v10;
	vm2 =	vmmov vm2  }
0x71d: {  	vm4 =	vmmov vm4;
	vm3 =	vmmov vm3;
	v10 =	vadd.s32 $0xFFFFFFFF, v10  }
0x71e: {  	s0 =	sadd.s32 $0x20, s0;
	v13 =	vadd.s32 $0xFFFFFFFF, v13;
	vm6 =	vmmov vm6;
	v12 =	vadd.s32 v54, v12  }
0x71f: {  	vm4 =	vmmov vm4;
	s1 =	sadd.s32 $0xFFFFFFF0, s0;
	v57 =	vadd.s32 v55, v11;
	v12 =	vadd.s32 $0xFFFFFFFF, v12  }
0x720: {  	[tilespmem:v7+s18+$0x0] =	vst.idx.msk vm1, v8;
	v58 =	vor.u32 s1, v0;
	v11 =	vadd.s32 $0xFFFFFFFF, v57;
	v7 =	vadd.s32 v56, v16  }
0x721: {  	[tilespmem:v9+s18+$0x0] =	vst.idx.msk vm0, v15;
	vm7 =	vmmov vm7;
	v14 =	vadd.s32 v21, v14;
	v7 =	vadd.s32 $0xFFFFFFFF, v7  }
0x722: {  	s15 =	sadd.s32 $0x20, s0;
	v59 =	vor.u32 s0, v0;
	[tilespmem:v10+s18+$0x0] =	vst.idx.msk vm2, v58;
	v8 =	vadd.s32 $0xFFFFFFFF, v14  }
0x723: {  	s29 =	sadd.s32 $0xFFFFFFF0, s15;
	v61 =	vor.u32 s15, v0;
	[tilespmem:v13+s18+$0x0] =	vst.idx.msk vm3, v59  }
0x724: {  	s30 =	sadd.s32 $0x20, s15;
	v60 =	vor.u32 s29, v0;
	[tilespmem:v12+s18+$0x0] =	vst.idx.msk vm6, v61  }
0x725: {  	s31 =	sadd.s32 $0xFFFFFFF0, s30;
	v63 =	vor.u32 s30, v0;
	[tilespmem:v11+s18+$0x0] =	vst.idx.msk vm4, v60  }
.Ltmp141:
0x726: {  	v62 =	vor.u32 s31, v0;
	[tilespmem:v7+s18+$0x0] =	vst.idx.msk vm13, v63;
	(pc) =	sbr.rel @p0 .LBB2_242-.Ltmp141, $4  }
0x727: {  	[tilespmem:v8+s18+$0x0] =	vst.idx.msk vm7, v62;
	s0 =	spop (v2sf)  }
0x728: {  	_ =	swait.ge [sflag:s24], $0x8000  }
0x729: {  	[sflag:s24] =	ssyncset.done $0x0  }
0x72a: {  	vm15 =	vmmov vm13;
	vm14 =	vmmov vm7;
	[sflag:s24] =	ssyncadd.s32 $0xFFFF8000  }
0x72b: {  	p0 =	seq.s32 s28, $0x1  }
.Ltmp142:
0x72c: {  	_ = 	snop;
	(pc) =	sbr.rel @p0 .LBB2_241-.Ltmp142, $3  }
0x72d: {  	_ =	sdelay $0x1  }
0x72e: {  	s2 =	simm.s32 $0x1A000  }
0x72f: {  	s1 =	simm.s32 $0x0;
	s3 =	sadd.s32 $0xFFFFFFFF, s28;
	v7 =	vld [tilespmem:s2+$0x0]  }
.LBB2_240:
0x730: {  	p0 =	seq.s32 s3, $0x1;
	v8 =	vor.u32 s1, v0  }
0x731: {  	vm0 =	vlt.s32 v8, v6;
	_ =	sdelay $0x2  }
.Ltmp143:
0x732: {  	(pc) =	sbr.rel @!p0 .LBB2_240-.Ltmp143, $3  }
0x733: {  	_ =	sdelay $0x1  }
0x734: {  	s2 =	sadd.s32 $0x10, s2;
	[tilespmem:v7+s22+$0x0] =	vst.idx.msk vm0, v1  }
0x735: {  	s3 =	sadd.s32 $0xFFFFFFFF, s3;
	s1 =	sadd.s32 $0x10, s1;
	v7 =	vld [tilespmem:s2+$0x0]  }
.LBB2_241:
0x736: {  	_ = 	snop  }
0x737: {  	v8 =	vor.u32 s1, v0  }
0x738: {  	vm0 =	vlt.s32 v8, v6;
	_ =	sdelay $0x5  }
0x739: {  	[tilespmem:v7+s22+$0x0] =	vst.idx.msk vm0, v1  }
.LBB2_242:
0x73a: {  	s0 =	sxor.u32 $0x80000000, s0  }
0x73b: {  	p0 =	slt.s32 s0, $0x1  }
.Ltmp144:
0x73c: {  	_ = 	snop;
	(pc) =	sbr.rel @p0 .LBB2_243-.Ltmp144, $1  }
0x73d: {  	_ =	sdelay $0x3  }
0x73e: {  	p6 =	seq.s32 s0, $0x1;
	p5 =	por $0x0, $0x0  }
.Ltmp145:
0x73f: {  	s28 =	simm.s32 $0x1B800;
	s1 =	simm.s32 @!p5 $0x0;
	(pc) =	sbr.rel @p6 .LBB2_252-.Ltmp145, $4  }
0x740: {  	s0 =	sadd.s32 $0xFFFFFFFF, s0;
	s1 =	simm.s32 @p5 $0x1;
	p5 =	por $0x0, $0x0  }
0x741: {  	p0 =	por $0x0, $0x0;
	[smem:$0x7F2] =	sst s1;
	s1 =	simm.s32 @!p5 $0x0  }
0x742: {  	p1 =	por $0x0, $0x0;
	p2 =	por $0x0, $0x0;
	s1 =	simm.s32 @p5 $0x1  }
0x743: {  	v6 =	vimm.s32 $0x0;
	p3 =	por $0x0, $0x0;
	p4 =	por $0x0, $0x0;
	[smem:$0x7F3] =	sst s1  }
0x744: {  	p6 =	seq.s32 s0, $0x1  }
.Ltmp146:
0x745: {  	_ = 	snop;
	(pc) =	sbr.rel @p6 .LBB2_254-.Ltmp146, $2  }
0x746: {  	_ =	sdelay $0x2  }
0x747: {  	s0 =	sadd.s32 $0xFFFFFFFF, s0;
	p0 =	por $0x1, $0x1  }
0x748: {  	p6 =	seq.s32 s0, $0x1  }
.Ltmp147:
0x749: {  	_ = 	snop;
	(pc) =	sbr.rel @p6 .LBB2_256-.Ltmp147, $2  }
0x74a: {  	_ =	sdelay $0x2  }
0x74b: {  	v13 =	vld [tilespmem:s28+$0x0];
	s0 =	sadd.s32 $0xFFFFFFFF, s0;
	p1 =	por $0x1, $0x1  }
0x74c: {  	p6 =	seq.s32 s0, $0x1  }
.Ltmp148:
0x74d: {  	_ = 	snop;
	(pc) =	sbr.rel @p6 .LBB2_258-.Ltmp148, $3  }
0x74e: {  	_ =	sdelay $0x1  }
0x74f: {  	s30 =	simm.s32 $0x1B801  }
0x750: {  	s0 =	sadd.s32 $0xFFFFFFFF, s0;
	p2 =	por $0x1, $0x1;
	(v2sf) =	vpush v13, $0x0;
	v13 =	vld [tilespmem:s30+$0x0]  }
0x751: {  	_ =	sdelay $0x8  }
0x752: {  	p6 =	seq.s32 s0, $0x1  }
.Ltmp149:
0x753: {  	_ = 	snop;
	(pc) =	sbr.rel @p6 .LBB2_260-.Ltmp149, $3  }
0x754: {  	_ =	sdelay $0x1  }
0x755: {  	s30 =	simm.s32 $0x1B802  }
0x756: {  	s0 =	sadd.s32 $0xFFFFFFFF, s0;
	p3 =	por $0x1, $0x1;
	(v2sf) =	vpush v13, $0x0;
	v13 =	vld [tilespmem:s30+$0x0];
	s29 =	spop (v2sf)  }
0x757: {  	_ =	sdelay $0x6  }
0x758: {  	s1 =	sshll.u32 s29, $0x4  }
0x759: {  	v10 =	vld [tilespmem:s1+$0x8000]  }
0x75a: {  	p6 =	seq.s32 s0, $0x1  }
.Ltmp150:
0x75b: {  	_ = 	snop;
	(pc) =	sbr.rel @p6 .LBB2_262-.Ltmp150, $3  }
0x75c: {  	_ =	sdelay $0x1  }
0x75d: {  	s30 =	simm.s32 $0x1B803;
	vm1 =	vlt.s32 v6, $0xFE1;
	vm0 =	vge.f32 v10, v5  }
0x75e: {  	s0 =	sadd.s32 $0xFFFFFFFF, s0;
	p4 =	por $0x1, $0x1;
	v9 =	vor.u32 s1, v0;
	(v2sf) =	vpush v13, $0x0;
	v13 =	vld [tilespmem:s30+$0x0];
	vm1 =	vmand vm1, vm0;
	s1 =	spop (v2sf)  }
0x75f: {  	_ =	sdelay $0x6  }
0x760: {  	s2 =	sshll.u32 s1, $0x4;
	v7 =	vsel vm1, $0x1, v2  }
0x761: {  	v18 =	vld [tilespmem:s2+$0x8000];
	(xrf0) =	vadd.scan.msk.s32 $0xffff, v7  }
0x762: {  	p6 =	seq.s32 s0, $0x1  }
.Ltmp151:
0x763: {  	v7 =	vmpcnt.ones.xlane vm1;
	(pc) =	sbr.rel @p6 .LBB2_264-.Ltmp151, $4  }
0x764: {  	p5 =	por $0x1, $0x1  }
0x765: {  	s3 =	simm.s32 @!p5 $0x0;
	v12 =	vadd.s32 v6, v7  }
0x766: {  	s30 =	simm.s32 $0x1B804;
	vm4 =	vmmov vm1;
	s3 =	simm.s32 @p5 $0x1;
	vm2 =	vlt.s32 v12, $0xFE1;
	vm0 =	vge.f32 v18, v5  }
0x767: {  	s0 =	sadd.s32 $0xFFFFFFFF, s0;
	v17 =	vor.u32 s2, v0;
	v21 =	vld [tilespmem:s30+$0x0];
	[smem:$0x7F2] =	sst s3;
	(v2sf) =	vpush v13, $0x0;
	vm3 =	vmand vm2, vm0;
	v19, _, _ =	vpop (xrf0);
	s2 =	spop (v2sf)  }
0x768: {  	_ =	sdelay $0x5  }
0x769: {  	v7 =	vsel vm3, $0x1, v2  }
0x76a: {  	s3 =	sshll.u32 s2, $0x4;
	(xrf0) =	vadd.scan.msk.s32 $0xffff, v7;
	v7 =	vadd.s32 v19, v6;
	(v2sf) =	vpush v21, $0x0  }
0x76b: {  	v16 =	vld [tilespmem:s3+$0x8000];
	v8 =	vadd.s32 $0xFFFFFFFF, v7  }
0x76c: {  	vm0 =	vmmov vm4;
	p6 =	seq.s32 s0, $0x1;
	s30 =	simm.s32 $0x1B805  }
.Ltmp152:
0x76d: {  	v13 =	vld [tilespmem:s30+$0x0];
	v7 =	vmpcnt.ones.xlane vm3;
	(pc) =	sbr.rel @p6 .LBB2_266-.Ltmp152, $4  }
0x76e: {  	p5 =	por $0x1, $0x1  }
0x76f: {  	v14 =	vor.u32 s3, v0;
	s3 =	simm.s32 @!p5 $0x0;
	v23 =	vadd.s32 v12, v7  }
0x770: {  	vm5 =	vmmov vm3;
	v15 =	vmovc v17;
	s3 =	simm.s32 @p5 $0x1;
	vm6 =	vlt.s32 v23, $0xFE1;
	vm2 =	vge.f32 v16, v5;
	[tilespmem:v8+s19+$0x0] =	vst.idx.msk vm4, v10  }
0x771: {  	s15 =	sadd.s32 $0xFFFFFFFF, s0;
	v11 =	vmov v18;
	v7 =	vmov v9;
	vm2 =	vmand vm6, vm2;
	v20, _, _ =	vpop (xrf0);
	[smem:$0x7F3] =	sst s3;
	s0 =	spop (v2sf)  }
.LBB2_267:
0x772: {  	p6 =	seq.s32 s15, $0x1;
	(v2sf) =	vpush v13, $0x0;
	s0 =	sshll.u32 s0, $0x4;
	v13 =	vsel vm2, $0x1, v2;
	v22 =	vmpcnt.ones.xlane vm2;
	[tilespmem:v8+s20+$0x0] =	vst.idx.msk vm0, v7;
	v7 =	vmovc v15;
	v15 =	vmovc v14  }
0x773: {  	v8 =	vadd.s32 v20, v12;
	v12 =	vmovc v23;
	vm0 =	vmmov vm5;
	v24 =	vld [tilespmem:s0+$0x8000];
	v14 =	vor.u32 s0, v0;
	(xrf0) =	vadd.scan.msk.s32 $0xffff, v13  }
0x774: {  	s30 =	sadd.s32 $0x1, s30;
	vm5 =	vmmov vm2;
	v8 =	vadd.s32 $0xFFFFFFFF, v8;
	v23 =	vadd.s32 v23, v22  }
.Ltmp153:
0x775: {  	v13 =	vld [tilespmem:s30+$0x0];
	(pc) =	sbr.rel @!p6 .LBB2_267-.Ltmp153, $3  }
0x776: {  	_ =	sdelay $0x1  }
0x777: {  	vm6 =	vlt.s32 v23, $0xFE1;
	vm2 =	vge.f32 v24, v5  }
0x778: {  	s15 =	sadd.s32 $0xFFFFFFFF, s15;
	s0 =	spop (v2sf);
	vm2 =	vmand vm6, vm2;
	v20, _, _ =	vpop (xrf0);
	[tilespmem:v8+s19+$0x0] =	vst.idx.msk vm0, v11;
	v11 =	vmov v16;
	v16 =	vmov v24  }
0x779: {  	v22 =	vmov v12;
	v12 =	vmov v23  }
.LBB2_269:
0x77a: {  	s3 =	sadd.s32 @p1 $0x1, s30;
	s15 =	simm.s32 $0x1B800  }
0x77b: {  	(v2sf) =	vpush @p1 v13, $0x0;
	s15 =	smov.u32 @p1 s3  }
0x77c: {  	v13 =	vld @p0 [tilespmem:s15+$0x0];
	_ =	sdelay $0x1  }
0x77d: {  	s0 =	sshll.u32 @p3 s0, $0x4  }
0x77e: {  	v23 =	vld @p3 [tilespmem:s0+$0x8000]  }
0x77f: {  	v24 =	vmpcnt.ones.xlane @p4 vm2  }
0x780: {  	v13 =	vpsel p0, v13, v21  }
0x781: {  	v21 =	vadd.s32 @p4 v12, v24;
	(v2sf) =	vpush @p0 v13, $0x0  }
0x782: {  	s3 =	spop @p2 (v2sf);
	v13 =	vpsel p4, v21, v6  }
0x783: {  	vm6 =	vge.f32 @p3 v23, v5;
	s2 =	smov.u32 @p2 s3;
	vm7 =	vlt.s32 @p3 v13, $0xFE1  }
0x784: {  	s3 =	sshll.u32 @p2 s2, $0x4;
	vm6 =	vmand @p3 vm7, vm6  }
0x785: {  	s15 =	sadd.s32 @p0 $0x1, s15;
	v24 =	vld @p2 [tilespmem:s3+$0x8000];
	vm3 =	vmmov @p3 vm6  }
0x786: {  	s28 =	smov.u32 @p0 s15;
	v25 =	vmpcnt.ones.xlane @p3 vm3  }
0x787: {  	v58 =	vld [tilespmem:s28+$0x0]  }
0x788: {  	v25 =	vadd.s32 @p3 v13, v25  }
0x789: {  	s28 =	sld [smem:$0x7F2];
	v25 =	vpsel p3, v25, v6;
	s2 =	spop @p1 (v2sf)  }
0x78a: {  	vm6 =	vge.f32 @p2 v24, v5;
	vm7 =	vlt.s32 @p2 v25, $0xFE1;
	s1 =	smov.u32 @p1 s2  }
0x78b: {  	v21 =	vsel @p4 vm2, $0x1, v2;
	vm6 =	vmand @p2 vm7, vm6;
	s2 =	sshll.u32 @p1 s1, $0x4  }
0x78c: {  	v26 =	vor.u32 @p3 s0, v0;
	p6 =	seq.s32 s28, $0x1;
	(v2sf) =	vpush v58, $0x0;
	(xrf0) =	vadd.scan.msk.s32 @p4 $0xffff, v21;
	vm1 =	vmmov @p2 vm6;
	v21 =	vld @p1 [tilespmem:s2+$0x8000]  }
0x78d: {  	v17 =	vpsel p3, v26, v17;
	v20 =	vadd.s32 @p6 v20, v22;
	v22 =	vmpcnt.ones.xlane @p2 vm1  }
0x78e: {  	v14 =	vpsel p4, v14, v9;
	v16 =	vpsel p4, v16, v10;
	v17 =	vpsel p3, v17, v0  }
0x78f: {  	v14 =	vpsel p4, v14, v0;
	v17 =	vpsel p3, v17, v0;
	v22 =	vadd.s32 @p2 v25, v22  }
0x790: {  	v18 =	vpsel p3, v23, v18;
	v12 =	vpsel p4, v12, v6;
	v22 =	vpsel p2, v22, v6;
	s0 =	spop @p0 (v2sf)  }
0x791: {  	v18 =	vpsel p3, v18, v0;
	vm6 =	vge.f32 @p1 v21, v5;
	vm8 =	vlt.s32 @p1 v22, $0xFE1;
	s29 =	smov.u32 @p0 s0  }
0x792: {  	vm5 =	vmmov @p6 vm5;
	v26 =	vsel @p3 vm3, $0x1, v2;
	vm6 =	vmand @p1 vm8, vm6;
	s1 =	sshll.u32 @p0 s29, $0x4  }
0x793: {  	v20 =	vadd.s32 @p6 $0xFFFFFFFF, v20;
	v23 =	vor.u32 @p2 s3, v0;
	v28, _, _ =	vpop @p4 (xrf0);
	(xrf0) =	vadd.scan.msk.s32 @p3 $0xffff, v26;
	vm6 =	vmmov @p1 vm6;
	v26 =	vld @p0 [tilespmem:s1+$0x8000]  }
0x794: {  	v59 =	vpsel p2, v23, v9;
	v19 =	vpsel p4, v28, v19;
	v28 =	vmpcnt.ones.xlane @p1 vm6  }
0x795: {  	v15 =	vpsel p6, v15, v0;
	v27 =	vpsel p6, v20, v0;
	v9 =	vpsel p2, v59, v0  }
0x796: {  	s31 =	sld [smem:$0x7F3];
	v9 =	vpsel p2, v9, v0;
	v12 =	vadd.s32 @p4 v19, v12;
	v19 =	vadd.s32 @p1 v22, v28  }
0x797: {  	v60 =	vpsel p2, v24, v10;
	vm7 =	vmmov @p4 vm2;
	v19 =	vpsel p1, v19, v6  }
0x798: {  	vm4 =	vmmov @p4 vm7;
	vm9 =	vlt.s32 @p0 v19, $0xFE1;
	vm7 =	vge.f32 @p0 v26, v5  }
0x799: {  	p5 =	seq.s32 s31, $0x1;
	vm2 =	vmmov @p6 vm5;
	v12 =	vadd.s32 @p4 $0xFFFFFFFF, v12;
	vm7 =	vmand @p0 vm9, vm7  }
0x79a: {  	[tilespmem:v8+s20+$0x0] =	vst.idx.msk @p5 vm0, v7;
	v24 =	vor.u32 @p1 s2, v0;
	v23 =	vsel @p2 vm1, $0x1, v2;
	vm7 =	vmmov @p0 vm7  }
0x79b: {  	vm4 =	vmmov @p4 vm4;
	v24 =	vpsel p1, v24, v0;
	s30 =	spop (v2sf);
	v28, _, _ =	vpop @p3 (xrf0);
	(xrf0) =	vadd.scan.msk.s32 @p2 $0xffff, v23;
	v23 =	vmpcnt.ones.xlane @p0 vm7  }
0x79c: {  	v13 =	vpsel p3, v13, v0;
	v10 =	vpsel p2, v60, v0;
	v29 =	vpsel p4, v12, v0;
	v7 =	vmovc @p1 v24;
	s0 =	sshll.u32 s30, $0x4  }
0x79d: {  	v7 =	vpsel p1, v7, v0;
	vm8 =	vmmov @p3 vm3;
	v30 =	vld [tilespmem:s0+$0x8000];
	v23 =	vadd.s32 @p0 v19, v23  }
0x79e: {  	[tilespmem:v20+s19+$0x0] =	vst.idx.msk @p6 vm5, v11;
	vm3 =	vmmov @p4 vm4;
	v6 =	vpsel p0, v23, v6;
	v23 =	vsel @p1 vm6, $0x1, v2  }
0x79f: {  	v7 =	vpsel p1, v7, v0;
	v21 =	vpsel p1, v21, v0;
	v8 =	vmovc @p1 v22;
	(xrf0) =	vadd.scan.msk.s32 @p1 $0xffff, v23  }
0x7a0: {  	vm11 =	vmmov @p2 vm1;
	[tilespmem:v27+s20+$0x0] =	vst.idx.msk @p6 vm2, v15;
	v8 =	vpsel p1, v8, v0;
	v15 =	vmovc @p1 v21;
	vm8 =	vmmov @p3 vm8  }
0x7a1: {  	[tilespmem:v12+s19+$0x0] =	vst.idx.msk @p4 vm4, v16;
	v15 =	vpsel p1, v15, v0;
	vm8 =	vmmov @p3 vm8;
	v28 =	vpsel p3, v28, v0  }
0x7a2: {  	v13 =	vadd.s32 @p3 v28, v13;
	vm9 =	vge.f32 v30, v5;
	v5 =	vmovc @p2 v25;
	v28 =	vsel @p0 vm7, $0x1, v2  }
0x7a3: {  	v13 =	vadd.s32 @p3 $0xFFFFFFFF, v13;
	v5 =	vpsel p2, v5, v0;
	vm10 =	vlt.s32 v6, $0xFE1;
	v23, _, _ =	vpop @p2 (xrf0);
	(xrf0) =	vadd.scan.msk.s32 @p0 $0xffff, v28  }
0x7a4: {  	[tilespmem:v29+s20+$0x0] =	vst.idx.msk @p4 vm3, v14;
	v25 =	vpsel p3, v13, v0;
	vm3 =	vmmov @p0 vm7;
	vm14 =	vmand vm10, vm9  }
0x7a5: {  	vm3 =	vmmov @p0 vm3;
	vm6 =	vmmov @p1 vm6;
	v61 =	vsel vm14, $0x1, v2;
	v11, _, _ =	vpop @p1 (xrf0)  }
0x7a6: {  	vm10 =	vmmov @p2 vm11;
	v23 =	vpsel p2, v23, v0;
	(xrf0) =	vadd.scan.msk.s32 $0xffff, v61;
	v11 =	vpsel p1, v11, v0  }
0x7a7: {  	v14 =	vmovc @p0 v19;
	vm2 =	vmmov @p1 vm6;
	vm10 =	vmmov @p2 vm10;
	v5 =	vadd.s32 @p2 v23, v5  }
0x7a8: {  	[tilespmem:v13+s19+$0x0] =	vst.idx.msk @p3 vm8, v18;
	v13 =	vpsel p0, v14, v0;
	vm9 =	vmmov @p3 vm8;
	v5 =	vadd.s32 @p2 $0xFFFFFFFF, v5  }
0x7a9: {  	vm2 =	vmmov @p1 vm2;
	vm0 =	vmmov @p2 vm10;
	v8 =	vadd.s32 @p1 v11, v8;
	v11, _, _ =	vpop @p0 (xrf0)  }
0x7aa: {  	vm4 =	vmmov @p1 vm2;
	v20 =	vpsel p2, v5, v0;
	v11 =	vpsel p0, v11, v0  }
0x7ab: {  	vm15 =	vmmov vm14;
	v8 =	vadd.s32 @p1 $0xFFFFFFFF, v8;
	v11 =	vadd.s32 @p0 v11, v13  }
0x7ac: {  	vm3 =	vmmov @p0 vm3;
	vm5 =	vmmov vm15;
	v14 =	vpsel p1, v8, v0;
	v62, _, _ =	vpop (xrf0)  }
0x7ad: {  	v23 =	vor.u32 @p0 s1, v0;
	[tilespmem:v5+s19+$0x0] =	vst.idx.msk @p2 vm10, v10;
	v5 =	vadd.s32 @p0 $0xFFFFFFFF, v11;
	v10 =	vadd.s32 v62, v6  }
0x7ae: {  	vm6 =	vmmov @p0 vm3;
	v12 =	vpsel p0, v23, v0;
	[tilespmem:v25+s20+$0x0] =	vst.idx.msk @p3 vm9, v17;
	v10 =	vadd.s32 $0xFFFFFFFF, v10;
	v11 =	vmovc @p0 v26  }
0x7af: {  	[tilespmem:v20+s20+$0x0] =	vst.idx.msk @p2 vm0, v9;
	v13 =	vpsel p0, v5, v0;
	v11 =	vpsel p0, v11, v0  }
0x7b0: {  	v9 =	vmov @p0 v12;
	[tilespmem:v8+s19+$0x0] =	vst.idx.msk @p1 vm2, v15;
	v8 =	vmov @p0 v11  }
0x7b1: {  	v9 =	vpsel p0, v9, v0;
	[tilespmem:v14+s20+$0x0] =	vst.idx.msk @p1 vm4, v7;
	v8 =	vpsel p0, v8, v0  }
0x7b2: {  	v7 =	vmov @p0 v9;
	[tilespmem:v5+s19+$0x0] =	vst.idx.msk @p0 vm3, v8  }
0x7b3: {  	v5 =	vpsel p0, v7, v0;
	v7 =	vmpcnt.ones.xlane vm14;
	[tilespmem:v10+s19+$0x0] =	vst.idx.msk vm5, v30  }
0x7b4: {  	v63 =	vor.u32 s0, v0;
	[tilespmem:v13+s20+$0x0] =	vst.idx.msk @p0 vm6, v5  }
0x7b5: {  	[tilespmem:v10+s20+$0x0] =	vst.idx.msk vm5, v63;
	v5 =	vadd.s32 v6, v7  }
.Ltmp154:
0x7b6: {  	(pc) =	sbr.rel .LBB2_245-.Ltmp154, $2  }
0x7b7: {  	_ =	sdelay $0x2  }
0x7b8: {  	v5 =	vxor.u32 $0x80000000, v5  }
.LBB2_243:
0x7b9: {  	v5 =	vimm.s32 $0x80000000  }
.LBB2_245:
0x7ba: {  	(xrf0) =	vmax.scan.msk.u32 $0xffff, v5;
	_ =	sdelay $0x5  }
0x7bb: {  	v5, _, _ =	vpop (xrf0)  }
0x7bc: {  	(v2sf) =	vpush v5, $0xF;
	_ =	sdelay $0xe  }
0x7bd: {  	s1 =	spop (v2sf)  }
0x7be: {  	s0 =	sadd.s32 $0x7FFFFFC0, s1  }
0x7bf: {  	p0 =	slt.u32 s0, $0xFA1  }
.Ltmp155:
0x7c0: {  	_ = 	snop;
	(pc) =	sbr.rel @!p0 .LBB2_279-.Ltmp155, $2  }
0x7c1: {  	_ =	sdelay $0x2  }
0x7c2: {  	s2 =	simm.s32 $0xFFFFFFFC;
	s0 =	simm.s32 $0x18020  }
0x7c3: {  	s0 =	sadd.s32 $0x8000000F, s1  }
0x7c4: {  	s2 =	simm.s32 $0x19000;
	s0 =	sshrl.u32 s0, $0x4  }
0x7c5: {  	v7 =	vld [tilespmem:s2+$0x0];
	p0 =	seq.s32 s0, $0x1  }
.Ltmp156:
0x7c6: {  	_ = 	snop;
	(pc) =	sbr.rel @p0 .LBB2_248-.Ltmp156, $4  }
0x7c7: {  	_ = 	snop  }
0x7c8: {  	s29 =	sxor.u32 $0x80000000, s1;
	s1 =	simm.s32 $0x0  }
0x7c9: {  	v5 =	vmov s29;
	v8 =	vor.u32 s1, v0  }
0x7ca: {  	v6 =	vimm.s32 $0x0;
	s3 =	simm.s32 $0x19010;
	s2 =	sadd.s32 $0xFFFFFFFF, s0;
	vm1 =	vlt.s32 v8, v5;
	vm0 =	vgt.s32 v7, $0xFFFFFFFF  }
.LBB2_247:
0x7cb: {  	v7 =	vld [tilespmem:s3+$0x0];
	p1 =	seq.s32 s2, $0x1;
	s2 =	sadd.s32 $0xFFFFFFFF, s2;
	vm0 =	vmand vm1, vm0  }
.Ltmp157:
0x7cc: {  	v8 =	vsel vm0, $0x1, v2;
	(pc) =	sbr.rel @!p1 .LBB2_247-.Ltmp157, $4  }
0x7cd: {  	v6 =	vadd.s32 v8, v6  }
0x7ce: {  	s1 =	sadd.s32 $0x10, s1  }
0x7cf: {  	v8 =	vor.u32 s1, v0  }
0x7d0: {  	s3 =	sadd.s32 $0x10, s3;
	vm1 =	vlt.s32 v8, v5;
	vm0 =	vgt.s32 v7, $0xFFFFFFFF  }
.LBB2_248:
0x7d1: {  	vm0 =	vmand vm1, vm0  }
0x7d2: {  	v7 =	vsel vm0, $0x1, v2  }
0x7d3: {  	v6 =	vadd.s32 v7, v6  }
0x7d4: {  	(xrf0) =	vadd.scan.msk.s32 $0xffff, v6;
	_ =	sdelay $0x5  }
0x7d5: {  	v6, _, _ =	vpop (xrf0)  }
0x7d6: {  	(v2sf) =	vpush v6, $0xF;
	_ =	sdelay $0xe  }
0x7d7: {  	s1 =	spop (v2sf)  }
0x7d8: {  	s28 =	simm.s32 $0x0;
	p1 =	sgt.s32 s1, $0x3F  }
0x7d9: {  	s2 =	simm.s32 $0x0;
	s1 =	simm.s32 $0x0;
	s28 =	simm.s32 @!p1 $0x80000000  }
.LBB2_249:
0x7da: {  	s31 =	simm.s32 $0x19000  }
0x7db: {  	v10 =	vld [tilespmem:s31+$0x0]  }
.Ltmp158:
0x7dc: {  	_ = 	snop;
	(pc) =	sbr.rel @p0 .LBB2_250-.Ltmp158, $4  }
0x7dd: {  	_ = 	snop  }
0x7de: {  	s3 =	sshrl.u32 s25, s2  }
0x7df: {  	s30 =	sadd.s32 s3, s28  }
0x7e0: {  	v6 =	vimm.s32 $0x0;
	s15 =	simm.s32 $0x19010;
	p1 =	por $0x0, $0x0;
	s3 =	sadd.s32 $0xFFFFFFFF, s0;
	v7 =	vmov s30;
	v8 =	vshra.s32 v10, $0x1F  }
0x7e1: {  	v9 =	vld [tilespmem:s15+$0x0];
	v8 =	vand.u32 $0x7FFFFFFF, v8;
	p2 =	seq.s32 s3, $0x1  }
.Ltmp159:
0x7e2: {  	v8 =	vxor.u32 v10, v8;
	v10 =	vor.u32 s1, v0;
	(pc) =	sbr.rel @p2 .LBB2_275-.Ltmp159, $4  }
0x7e3: {  	vm0 =	vge.s32 v8, v7;
	vm1 =	vlt.s32 v10, v5  }
0x7e4: {  	vm0 =	vmand vm1, vm0  }
0x7e5: {  	s31 =	sadd.s32 $0xFFFFFFFF, s3;
	v10 =	vsel vm0, $0x1, v2  }
0x7e6: {  	s3 =	simm.s32 $0x19020;
	p1 =	por $0x1, $0x1;
	s15 =	simm.s32 $0x0;
	v8 =	vshra.s32 v9, $0x1F;
	v6 =	vadd.s32 v10, v6  }
.LBB2_276:
0x7e7: {  	v10 =	vld [tilespmem:s3+$0x0];
	p2 =	seq.s32 s31, $0x1;
	s31 =	sadd.s32 $0xFFFFFFFF, s31;
	v8 =	vand.u32 $0x7FFFFFFF, v8;
	s15 =	sadd.s32 $0x10, s15  }
.Ltmp160:
0x7e8: {  	v8 =	vxor.u32 v9, v8;
	v9 =	vor.u32 s15, v0;
	(pc) =	sbr.rel @!p2 .LBB2_276-.Ltmp160, $4  }
0x7e9: {  	vm0 =	vge.s32 v8, v7;
	vm1 =	vlt.s32 v9, v5  }
0x7ea: {  	vm0 =	vmand vm1, vm0  }
0x7eb: {  	v11 =	vsel vm0, $0x1, v2  }
0x7ec: {  	s3 =	sadd.s32 $0x10, s3;
	v8 =	vshra.s32 v10, $0x1F;
	v6 =	vadd.s32 v11, v6;
	v9 =	vmov v10  }
0x7ed: {  	v10 =	vmov v9  }
.LBB2_278:
0x7ee: {  	s3 =	sadd.s32 @p1 $0x10, s15;
	s15 =	simm.s32 $0x0  }
0x7ef: {  	v8 =	vand.u32 $0x7FFFFFFF, v8;
	s15 =	smov.u32 @p1 s3  }
0x7f0: {  	v8 =	vxor.u32 v10, v8;
	v9 =	vor.u32 s15, v0  }
0x7f1: {  	vm0 =	vge.s32 v8, v7;
	vm1 =	vlt.s32 v9, v5  }
0x7f2: {  	vm0 =	vmand vm1, vm0  }
0x7f3: {  	v7 =	vsel vm0, $0x1, v2  }
0x7f4: {  	v6 =	vadd.s32 v7, v6  }
0x7f5: {  	(xrf0) =	vadd.scan.msk.s32 $0xffff, v6;
	_ =	sdelay $0x5  }
0x7f6: {  	v6, _, _ =	vpop (xrf0)  }
0x7f7: {  	(v2sf) =	vpush v6, $0xF;
	_ =	sdelay $0xa  }
0x7f8: {  	s2 =	sadd.s32 $0x1, s2  }
0x7f9: {  	p2 =	seq.s32 s2, $0x1F  }
.Ltmp161:
0x7fa: {  	_ = 	snop;
	(pc) =	sbr.rel @!p2 .LBB2_249-.Ltmp161, $4  }
.Ltmp162:
0x7fb: {  	_ = 	snop;
	(pc) =	sbr.rel @p2 .LBB2_271-.Ltmp162, $4  }
0x7fc: {  	s3 =	spop (v2sf)  }
0x7fd: {  	p1 =	sgt.s32 s3, $0x3F  }
0x7fe: {  	s28 =	smov.u32 @p1 s30  }
0x7ff: {  	_ = 	snop  }
.LBB2_250:
.Ltmp163:
0x800: {  	(pc) =	sbr.rel .LBB2_278-.Ltmp163, $2  }
0x801: {  	_ =	sdelay $0x2  }
0x802: {  	s15 =	simm.s32 $0x0  }
.LBB2_275:
.Ltmp164:
0x803: {  	(pc) =	sbr.rel .LBB2_278-.Ltmp164, $2  }
0x804: {  	_ =	sdelay $0x2  }
0x805: {  	s15 =	simm.s32 $0x0;
	v10 =	vmov v9  }
.LBB2_279:
0x806: {  	[tilespmem:s0+$0xFFFFFFE0] =	vst v2  }
0x807: {  	[tilespmem:s0+$0x10] =	vst v2  }
0x808: {  	s1 =	sadd.s32 $0x4, s2;
	[tilespmem:s0+$0x0] =	vst v2  }
.LBB2_280:
0x809: {  	s1 =	sadd.s32 $0x4, s1  }
0x80a: {  	[tilespmem:s0+$0xFFFFFFF0] =	vst v2;
	s0 =	sadd.s32 $0x40, s0;
	p0 =	slt.u32 s1, $0xFC  }
.Ltmp165:
0x80b: {  	[tilespmem:s0+$0xFFFFFFE0] =	vst v2;
	(pc) =	sbr.rel @p0 .LBB2_280-.Ltmp165, $3  }
0x80c: {  	_ =	sdelay $0x1  }
0x80d: {  	[tilespmem:s0+$0x10] =	vst v2  }
0x80e: {  	[tilespmem:s0+$0x0] =	vst v2  }
0x80f: {  	[tilespmem:s0+$0xFFFFFFF0] =	vst v2;
	s30 =	simm.s32 $0x8020  }
0x810: {  	v5 =	vld [tilespmem:s30+$0x10]  }
0x811: {  	v6 =	vld [tilespmem:s30+$0xFFFFFFF0]  }
0x812: {  	v8 =	vld [tilespmem:s30+$0x0]  }
0x813: {  	v9 =	vld [tilespmem:s30+$0xFFFFFFE0]  }
0x814: {  	s31 =	simm.s32 $0x8060  }
0x815: {  	v13 =	vld [tilespmem:s31+$0x10];
	v7 =	vshra.s32 v5, $0x1F  }
0x816: {  	v10 =	vshra.s32 v6, $0x1F;
	v7 =	vand.u32 $0x7FF00000, v7  }
0x817: {  	v11 =	vshra.s32 v8, $0x1F;
	v10 =	vand.u32 $0x7FF00000, v10;
	v5 =	vxor.u32 v5, v7  }
0x818: {  	v7 =	vshra.s32 v9, $0x1F;
	v6 =	vxor.u32 v6, v10;
	v12 =	vshra.s32 v5, $0x14;
	v5 =	vld [tilespmem:s31+$0xFFFFFFF0]  }
0x819: {  	v10 =	vand.u32 $0x7FF00000, v11;
	v14 =	vand.u32 $0x7FF00000, v7;
	v7 =	vld [tilespmem:s31+$0x0];
	v12 =	vadd.s32 $0x800, v12  }
0x81a: {  	v11 =	vshra.s32 v13, $0x1F;
	v8 =	vxor.u32 v8, v10;
	v10 =	vld [tilespmem:s31+$0xFFFFFFE0]  }
0x81b: {  	v6 =	vshra.s32 v6, $0x14;
	v15 =	vand.u32 $0x7FF00000, v11;
	v9 =	vxor.u32 v9, v14  }
0x81c: {  	v6 =	vadd.s32 $0x800, v6;
	v8 =	vshra.s32 v8, $0x14;
	v13 =	vxor.u32 v13, v15  }
0x81d: {  	v9 =	vshra.s32 v9, $0x14;
	v8 =	vadd.s32 $0x800, v8;
	v14 =	vshra.s32 v5, $0x1F  }
0x81e: {  	s0 =	simm.s32 $0x4;
	s1 =	simm.s32 $0x80A0;
	v9 =	vadd.s32 $0x800, v9;
	[tilespmem:v12+s16+$0x0] =	vst.idx.add.s32.msk $0xffff, v3;
	v11 =	vand.u32 $0x7FF00000, v14;
	v12 =	vshra.s32 v7, $0x1F  }
.LBB2_282:
0x81f: {  	v14 =	vld [tilespmem:s1+$0x10];
	s0 =	sadd.s32 $0x4, s0;
	v15 =	vshra.s32 v10, $0x1F;
	v12 =	vand.u32 $0x7FF00000, v12;
	v13 =	vshra.s32 v13, $0x14  }
0x820: {  	v11 =	vxor.u32 v5, v11;
	p0 =	slt.u32 s0, $0x7FC;
	v15 =	vand.u32 $0x7FF00000, v15;
	v5 =	vld [tilespmem:s1+$0xFFFFFFF0];
	v13 =	vadd.s32 $0x800, v13  }
0x821: {  	v11 =	vshra.s32 v11, $0x14;
	v12 =	vxor.u32 v7, v12;
	v15 =	vxor.u32 v10, v15;
	v7 =	vld [tilespmem:s1+$0x0]  }
.Ltmp166:
0x822: {  	v11 =	vadd.s32 $0x800, v11;
	v12 =	vshra.s32 v12, $0x14;
	v10 =	vld [tilespmem:s1+$0xFFFFFFE0];
	v15 =	vshra.s32 v15, $0x14;
	(pc) =	sbr.rel @p0 .LBB2_282-.Ltmp166, $4  }
0x823: {  	v16 =	vadd.s32 $0x800, v12;
	[tilespmem:v9+s16+$0x0] =	vst.idx.add.s32.msk $0xffff, v3;
	v9 =	vadd.s32 $0x800, v15  }
0x824: {  	v12 =	vshra.s32 v14, $0x1F;
	[tilespmem:v6+s16+$0x0] =	vst.idx.add.s32.msk $0xffff, v3;
	v6 =	vmov v11  }
0x825: {  	v11 =	vshra.s32 v5, $0x1F;
	v15 =	vand.u32 $0x7FF00000, v12;
	[tilespmem:v13+s16+$0x0] =	vst.idx.add.s32.msk $0xffff, v3  }
0x826: {  	s1 =	sadd.s32 $0x40, s1;
	v11 =	vand.u32 $0x7FF00000, v11;
	v12 =	vshra.s32 v7, $0x1F;
	v13 =	vxor.u32 v14, v15;
	[tilespmem:v8+s16+$0x0] =	vst.idx.add.s32.msk $0xffff, v3;
	v8 =	vmovc v16  }
0x827: {  	v14 =	vshra.s32 v10, $0x1F;
	v13 =	vshra.s32 v13, $0x14  }
0x828: {  	v12 =	vand.u32 $0x7FF00000, v12;
	v5 =	vxor.u32 v5, v11;
	v14 =	vand.u32 $0x7FF00000, v14  }
0x829: {  	v13 =	vadd.s32 $0x800, v13;
	v5 =	vshra.s32 v5, $0x14;
	v7 =	vxor.u32 v7, v12  }
0x82a: {  	v63 =	vxor.u32 v10, v14;
	v5 =	vadd.s32 $0x800, v5;
	v7 =	vshra.s32 v7, $0x14  }
0x82b: {  	[tilespmem:v9+s16+$0x0] =	vst.idx.add.s32.msk $0xffff, v3;
	v10 =	vshra.s32 v63, $0x14;
	v7 =	vadd.s32 $0x800, v7  }
0x82c: {  	[tilespmem:v6+s16+$0x0] =	vst.idx.add.s32.msk $0xffff, v3;
	v10 =	vadd.s32 $0x800, v10  }
0x82d: {  	[tilespmem:v8+s16+$0x0] =	vst.idx.add.s32.msk $0xffff, v3  }
0x82e: {  	[tilespmem:v13+s16+$0x0] =	vst.idx.add.s32.msk $0xffff, v3  }
0x82f: {  	[tilespmem:v5+s16+$0x0] =	vst.idx.add.s32.msk $0xffff, v3  }
0x830: {  	s28 =	simm.s32 $0x0;
	s0 =	simm.s32 $0xFEF;
	[tilespmem:v7+s16+$0x0] =	vst.idx.add.s32.msk $0xffff, v3  }
0x831: {  	s1 =	simm.s32 $0x18FF0;
	s2 =	simm.s32 $0x0;
	s15 =	simm.s32 $0x0;
	[tilespmem:v10+s16+$0x0] =	vst.idx.add.s32.msk $0xffff, v3  }
.LBB2_284:
0x832: {  	v5 =	vld [tilespmem:s1+$0x0];
	_ =	sdelay $0x4  }
0x833: {  	v6 =	vperm.xlane v5, v4;
	_ =	sdelay $0x1  }
0x834: {  	(xrf0) =	vadd.scan.msk.s32 $0xffff, v6;
	_ =	sdelay $0x5  }
0x835: {  	v6, _, _ =	vpop (xrf0)  }
0x836: {  	v6 =	vadd.s32 s15, v6  }
0x837: {  	vm0 =	vgt.s32 v6, $0x3F  }
0x838: {  	v6 =	vsel vm0, $0x3F800000, v1  }
0x839: {  	(xrf0) =	vmax.scan.msk.f32 $0xffff, v6;
	v6 =	vsel vm0, $0x1, v2  }
0x83a: {  	(xrf0) =	vadd.scan.msk.s32 $0xffff, v6;
	_ =	sdelay $0x4  }
0x83b: {  	(xrf0) =	vadd.scan.msk.s32 $0xffff, v5;
	v5, _, _ =	vpop (xrf0)  }
0x83c: {  	v6, _, _ =	vpop (xrf0);
	(v2sf) =	vpush v5, $0xF  }
0x83d: {  	(v2sf) =	vpush v6, $0xF;
	_ =	sdelay $0x5  }
0x83e: {  	v5, _, _ =	vpop (xrf0)  }
0x83f: {  	(v2sf) =	vpush v5, $0xF;
	_ =	sdelay $0x6  }
0x840: {  	s3 =	spop (v2sf)  }
0x841: {  	p1 =	sgt.u32 s28, $0xFE;
	s29 =	spop (v2sf)  }
0x842: {  	p0 =	sgt.f32 s3, $0.0e+00;
	p2 =	sgt.f32 @!p1 s3, $0.0e+00  }
0x843: {  	s29 =	sadd.s32 s0, s29  }
0x844: {  	s2 =	smov.u32 @p0 s29;
	p0 =	por p1, p2  }
.Ltmp167:
0x845: {  	_ = 	snop;
	(pc) =	sbr.rel @!p0 .LBB2_284-.Ltmp167, $3  }
0x846: {  	_ =	sdelay $0x1  }
0x847: {  	s28 =	sadd.s32 $0x1, s28;
	s31 =	spop (v2sf)  }
0x848: {  	s1 =	sadd.s32 $0xFFFFFFF0, s1;
	s0 =	sadd.s32 $0xFFFFFFF0, s0;
	s15 =	sadd.s32 s15, s31  }
0x849: {  	s0 =	sshll.u32 s2, $0x14;
	s1 =	simm.s32 $0x8020;
	s15 =	simm.s32 $0x1  }
0x84a: {  	s29 =	simm.s32 $0x2;
	s3 =	simm.s32 $0x0;
	s28 =	sxor.u32 $0x80000000, s0;
	v6 =	vmov s15  }
0x84b: {  	v9 =	vld [tilespmem:s1+$0x0];
	v7 =	vmov s29;
	v10 =	vmov s3;
	v5 =	vmov s28  }
0x84c: {  	v13 =	vld [tilespmem:s1+$0xFFFFFFF0];
	v7 =	vand.u32 $0xFFFFFFFE, v7;
	v6 =	vand.u32 $0xFFFFFFFD, v6;
	v5 =	vshra.s32 v5, $0x1F  }
0x84d: {  	v8 =	vbroadcast v7, $0x0;
	v7 =	vbroadcast v6, $0x0;
	v6 =	vand.u32 $0xFFFFFFFC, v10;
	v10 =	vld [tilespmem:s1+$0x10]  }
0x84e: {  	v11 =	vld [tilespmem:s1+$0xFFFFFFE0];
	v5 =	vand.u32 $0x7FFFFFFF, v5  }
0x84f: {  	s30 =	simm.s32 $0x3;
	v5 =	vxor.u32 s28, v5  }
0x850: {  	s31 =	simm.s32 $0x5;
	s2 =	simm.s32 $0x8;
	v6 =	vbroadcast v6, $0x0;
	vm1 =	vge.f32 v9, v5;
	v9 =	vmov s30  }
0x851: {  	s0 =	simm.s32 $0x4;
	v12 =	vmov s31;
	s3 =	simm.s32 $0x6;
	s1 =	simm.s32 $0x8060;
	vm0 =	vge.f32 v13, v5;
	v13 =	vmpcnt.ones.xlane vm1  }
.LBB2_286:
0x852: {  	p0 =	slt.u32 s2, $0x7FC;
	v14 =	vld [tilespmem:s1+$0x0];
	v15 =	vmov s3;
	v16 =	vmpcnt.ones.xlane vm0;
	vm0 =	vge.f32 v10, v5  }
0x853: {  	v17 =	vld [tilespmem:s1+$0xFFFFFFF0];
	v10 =	vand.u32 $0xFFFFFFFE, v15;
	vm1 =	vge.f32 v11, v5;
	[tilespmem:v8+s17+$0x0] =	vst.idx.msk $0x1, v13;
	v13 =	vmpcnt.ones.xlane vm0  }
.Ltmp168:
0x854: {  	v12 =	vand.u32 $0xFFFFFFFD, v12;
	v8 =	vbroadcast v10, $0x0;
	v10 =	vld [tilespmem:s1+$0x10];
	v15 =	vmpcnt.ones.xlane vm1;
	[tilespmem:v7+s17+$0x0] =	vst.idx.msk $0x1, v16;
	(pc) =	sbr.rel @p0 .LBB2_286-.Ltmp168, $4  }
0x855: {  	v16 =	vmov s0;
	v7 =	vbroadcast v12, $0x0;
	v11 =	vld [tilespmem:s1+$0xFFFFFFE0];
	[tilespmem:v9+s17+$0x0] =	vst.idx.msk $0x1, v13  }
0x856: {  	s3 =	sadd.s32 $0x3, s0;
	s0 =	smov.u32 s2;
	v9 =	vand.u32 $0xFFFFFFFC, v16;
	[tilespmem:v6+s17+$0x0] =	vst.idx.msk $0x1, v15  }
0x857: {  	s15 =	sadd.s32 $0x1, s2;
	v6 =	vbroadcast v9, $0x0;
	v9 =	vmov s3;
	vm1 =	vge.f32 v14, v5  }
0x858: {  	v12 =	vmov s15;
	s2 =	sadd.s32 $0x4, s2;
	s1 =	sadd.s32 $0x40, s1;
	s3 =	sadd.s32 $0x2, s0;
	vm0 =	vge.f32 v17, v5;
	v13 =	vmpcnt.ones.xlane vm1  }
0x859: {  	_ = 	snop  }
0x85a: {  	v14 =	vld [tilespmem:s1+$0x0];
	v15 =	vmov s3;
	v16 =	vmpcnt.ones.xlane vm0  }
0x85b: {  	v17 =	vld [tilespmem:s1+$0xFFFFFFF0];
	vm0 =	vge.f32 v10, v5;
	v10 =	vand.u32 $0xFFFFFFFD, v12;
	v15 =	vand.u32 $0xFFFFFFFE, v15  }
0x85c: {  	v18 =	vmov s0;
	vm1 =	vge.f32 v11, v5;
	v11 =	vld [tilespmem:s1+$0xFFFFFFE0];
	v12 =	vbroadcast v15, $0x0  }
0x85d: {  	v10 =	vbroadcast v10, $0x0;
	[tilespmem:v8+s17+$0x0] =	vst.idx.msk $0x1, v13;
	v18 =	vand.u32 $0xFFFFFFFC, v18;
	v15 =	vld [tilespmem:s1+$0x10]  }
0x85e: {  	v8 =	vmpcnt.ones.xlane vm0;
	[tilespmem:v7+s17+$0x0] =	vst.idx.msk $0x1, v16;
	v7 =	vbroadcast v18, $0x0  }
0x85f: {  	s3 =	sadd.s32 $0x3, s0;
	v13 =	vmpcnt.ones.xlane vm1;
	vm0 =	vge.f32 v14, v5  }
0x860: {  	[tilespmem:v9+s17+$0x0] =	vst.idx.msk $0x1, v8;
	v14 =	vmov s3;
	vm1 =	vge.f32 v17, v5;
	v8 =	vmpcnt.ones.xlane vm0  }
0x861: {  	[tilespmem:v6+s17+$0x0] =	vst.idx.msk $0x1, v13;
	v6 =	vmpcnt.ones.xlane vm1;
	vm1 =	vge.f32 v11, v5  }
0x862: {  	vm0 =	vge.f32 v15, v5;
	v9 =	vmpcnt.ones.xlane vm1;
	[tilespmem:v12+s17+$0x0] =	vst.idx.msk $0x1, v8  }
0x863: {  	v8 =	vmpcnt.ones.xlane vm0;
	[tilespmem:v10+s17+$0x0] =	vst.idx.msk $0x1, v6  }
0x864: {  	[tilespmem:v7+s17+$0x0] =	vst.idx.msk $0x1, v9  }
0x865: {  	s15 =	simm.s32 $0x1B010;
	[tilespmem:v14+s17+$0x0] =	vst.idx.msk $0x1, v8  }
0x866: {  	v6 =	vld [tilespmem:s15+$0x0];
	_ =	sdelay $0x1  }
0x867: {  	v7 =	vld [tilespmem:s15+$0xFFFFFFF0];
	_ =	sdelay $0x1  }
0x868: {  	s29 =	simm.s32 $0x1B030  }
0x869: {  	vm0 =	vgt.s32 v6, $0x0;
	v6 =	vld [tilespmem:s29+$0x0];
	_ =	sdelay $0x1  }
0x86a: {  	s30 =	simm.s32 $0x1B050;
	v8 =	vld [tilespmem:s29+$0xFFFFFFF0];
	vm1 =	vgt.s32 v7, $0x0;
	v7 =	vsel vm0, $0x1, v2  }
0x86b: {  	v10 =	vld [tilespmem:s30+$0x0];
	v9 =	vsel vm1, $0x1, v2;
	(xrf0) =	vadd.scan.msk.s32 $0xffff, v7  }
0x86c: {  	(xrf0) =	vadd.scan.msk.s32 $0xffff, v9  }
0x86d: {  	v9 =	vmpcnt.ones.xlane vm1;
	vm3 =	vgt.s32 v6, $0x0  }
0x86e: {  	v7 =	vimm.s32 $0x0;
	v6 =	vsel vm3, $0x1, v2  }
0x86f: {  	v11 =	vld [tilespmem:s30+$0xFFFFFFF0];
	vm2 =	vgt.s32 v8, $0x0;
	vm4 =	vmmov vm0;
	(xrf0) =	vadd.scan.msk.s32 $0xffff, v6;
	v6 =	vadd.s32 v7, v9  }
0x870: {  	vm5 =	vgt.s32 v10, $0x0;
	v12 =	vsel vm2, $0x1, v2;
	v8 =	vmpcnt.ones.xlane vm4  }
0x871: {  	vm0 =	vmmov vm1;
	v14 =	vmpcnt.ones.xlane vm2;
	vm2 =	vmmov vm2;
	v9, _, _ =	vpop (xrf0);
	(xrf0) =	vadd.scan.msk.s32 $0xffff, v12  }
0x872: {  	vm3 =	vmmov vm3;
	v12 =	vadd.s32 v9, v6;
	v9 =	vadd.s32 v6, v8;
	v6, _, _ =	vpop (xrf0)  }
0x873: {  	vm0 =	vmmov vm0;
	v16 =	vmpcnt.ones.xlane vm3;
	v6 =	vadd.s32 v6, v7  }
0x874: {  	vm1 =	vmmov vm4;
	vm4 =	vgt.s32 v11, $0x0;
	v8 =	vadd.s32 $0xFFFFFFFF, v6  }
0x875: {  	s0 =	simm.s32 $0x10;
	s1 =	simm.s32 $0x1B070;
	v10 =	vsel vm5, $0x1, v2;
	v11 =	vmpcnt.ones.xlane vm4;
	v6 =	vadd.s32 $0xFFFFFFFF, v12  }
0x876: {  	s31 =	simm.s32 $0x0;
	v13 =	vld [tilespmem:s1+$0x0];
	(xrf0) =	vadd.scan.msk.s32 $0xffff, v10;
	v10 =	vadd.s32 v9, v14;
	v7 =	vor.u32 s0, v0;
	v12 =	vsel vm4, $0x1, v2;
	v14, _, _ =	vpop (xrf0)  }
0x877: {  	s2 =	simm.s32 $0x6;
	v15 =	vld [tilespmem:s1+$0xFFFFFFF0];
	(xrf0) =	vadd.scan.msk.s32 $0xffff, v12;
	v12 =	vadd.s32 v14, v10;
	v10 =	vadd.s32 v10, v16;
	v16, _, _ =	vpop (xrf0);
	v14 =	vor.u32 s31, v0  }
.LBB2_288:
0x878: {  	s2 =	sadd.s32 $0x2, s2  }
0x879: {  	v16 =	vadd.s32 v16, v9;
	[tilespmem:v8+s18+$0x0] =	vst.idx.msk vm0, v14;
	s0 =	sadd.s32 $0x20, s0;
	v9 =	vmovc v10;
	vm0 =	vmmov vm2;
	vm2 =	vmmov vm4;
	p0 =	slt.u32 s2, $0x7E  }
.Ltmp169:
0x87a: {  	v8 =	vadd.s32 $0xFFFFFFFF, v16;
	[tilespmem:v6+s18+$0x0] =	vst.idx.msk vm1, v7;
	v6 =	vadd.s32 $0xFFFFFFFF, v12;
	vm1 =	vmmov vm3;
	(pc) =	sbr.rel @p0 .LBB2_288-.Ltmp169, $4  }
0x87b: {  	s1 =	sadd.s32 $0x20, s1;
	v7 =	vor.u32 s0, v0;
	vm3 =	vmmov vm5;
	vm5 =	vgt.s32 v13, $0x0  }
0x87c: {  	v14 =	vmpcnt.ones.xlane vm3;
	v13 =	vld [tilespmem:s1+$0x0];
	vm4 =	vgt.s32 v15, $0x0;
	v17 =	vsel vm5, $0x1, v2  }
0x87d: {  	v10 =	vadd.s32 v10, v11;
	s3 =	sadd.s32 $0xFFFFFFF0, s0;
	v15 =	vld [tilespmem:s1+$0xFFFFFFF0];
	v18 =	vsel vm4, $0x1, v2;
	(xrf0) =	vadd.scan.msk.s32 $0xffff, v17;
	v11 =	vmpcnt.ones.xlane vm4;
	v12, _, _ =	vpop (xrf0)  }
0x87e: {  	(xrf0) =	vadd.scan.msk.s32 $0xffff, v18;
	v12 =	vadd.s32 v12, v10;
	v10 =	vadd.s32 v10, v14;
	v16, _, _ =	vpop (xrf0);
	v14 =	vor.u32 s3, v0  }
0x87f: {  	_ =	sdelay $0x1  }
0x880: {  	vm6 =	vmmov vm5  }
0x881: {  	v53 =	vmpcnt.ones.xlane vm6;
	vm8 =	vgt.s32 v13, $0x0;
	vm7 =	vgt.s32 v15, $0x0  }
0x882: {  	v11 =	vadd.s32 v10, v11;
	vm13 =	vmmov vm8;
	v15 =	vmpcnt.ones.xlane vm7  }
0x883: {  	v13 =	vadd.s32 v11, v53;
	v17 =	vmpcnt.ones.xlane vm13  }
0x884: {  	v18 =	vsel vm8, $0x1, v2;
	v15 =	vadd.s32 v13, v15  }
0x885: {  	v19 =	vsel vm7, $0x1, v2;
	(xrf0) =	vadd.scan.msk.s32 $0xffff, v18;
	v17 =	vadd.s32 v15, v17  }
0x886: {  	(xrf0) =	vadd.scan.msk.s32 $0xffff, v19;
	v17 =	vxor.u32 $0x80000000, v17  }
0x887: {  	(xrf0) =	vmax.scan.msk.u32 $0xffff, v17;
	_ =	sdelay $0x1  }
0x888: {  	v54, _, _ =	vpop (xrf0)  }
0x889: {  	v55, _, _ =	vpop (xrf0)  }
0x88a: {  	v56, _, _ =	vpop (xrf0)  }
0x88b: {  	v20, _, _ =	vpop (xrf0)  }
0x88c: {  	v21, _, _ =	vpop (xrf0)  }
0x88d: {  	(v2sf) =	vpush v21, $0xF;
	_ =	sdelay $0xa  }
0x88e: {  	v9 =	vadd.s32 v16, v9;
	vm2 =	vmmov vm2;
	vm4 =	vmmov vm4  }
0x88f: {  	vm3 =	vmmov vm3;
	v12 =	vadd.s32 $0xFFFFFFFF, v12;
	v9 =	vadd.s32 $0xFFFFFFFF, v9  }
0x890: {  	s0 =	sadd.s32 $0x20, s0;
	vm4 =	vmmov vm4;
	vm6 =	vmmov vm6;
	v11 =	vadd.s32 v54, v11  }
0x891: {  	s1 =	sadd.s32 $0xFFFFFFF0, s0;
	v59 =	vor.u32 s0, v0;
	v57 =	vadd.s32 v55, v10;
	v11 =	vadd.s32 $0xFFFFFFFF, v11  }
0x892: {  	[tilespmem:v6+s18+$0x0] =	vst.idx.msk vm1, v7;
	v58 =	vor.u32 s1, v0;
	v10 =	vadd.s32 $0xFFFFFFFF, v57;
	v6 =	vadd.s32 v56, v15;
	s31 =	spop (v2sf)  }
0x893: {  	[tilespmem:v8+s18+$0x0] =	vst.idx.msk vm0, v14;
	s15 =	sadd.s32 $0x20, s0;
	vm7 =	vmmov vm7;
	v13 =	vadd.s32 v20, v13;
	v6 =	vadd.s32 $0xFFFFFFFF, v6;
	s0 =	sxor.u32 $0x80000000, s31  }
0x894: {  	[tilespmem:v9+s18+$0x0] =	vst.idx.msk vm2, v58;
	v7 =	vadd.s32 $0xFFFFFFFF, v13;
	p0 =	slt.s32 s0, $0x1  }
.Ltmp170:
0x895: {  	s29 =	sadd.s32 $0xFFFFFFF0, s15;
	v61 =	vor.u32 s15, v0;
	[tilespmem:v12+s18+$0x0] =	vst.idx.msk vm3, v59;
	(pc) =	sbr.rel @p0 .LBB2_290-.Ltmp170, $4  }
0x896: {  	s2 =	sadd.s32 $0x20, s15;
	v60 =	vor.u32 s29, v0;
	[tilespmem:v11+s18+$0x0] =	vst.idx.msk vm6, v61  }
0x897: {  	s30 =	sadd.s32 $0xFFFFFFF0, s2;
	v63 =	vor.u32 s2, v0;
	[tilespmem:v10+s18+$0x0] =	vst.idx.msk vm4, v60  }
0x898: {  	v62 =	vor.u32 s30, v0;
	[tilespmem:v6+s18+$0x0] =	vst.idx.msk vm13, v63  }
0x899: {  	vm15 =	vmmov vm13;
	vm14 =	vmmov vm7;
	[tilespmem:v7+s18+$0x0] =	vst.idx.msk vm7, v62  }
0x89a: {  	p6 =	seq.s32 s0, $0x1;
	p5 =	por $0x0, $0x0  }
.Ltmp171:
0x89b: {  	s29 =	simm.s32 $0x1B800;
	s1 =	simm.s32 @!p5 $0x0;
	(pc) =	sbr.rel @p6 .LBB2_297-.Ltmp171, $4  }
0x89c: {  	s0 =	sadd.s32 $0xFFFFFFFF, s0;
	s1 =	simm.s32 @p5 $0x1;
	p5 =	por $0x0, $0x0  }
0x89d: {  	p0 =	por $0x0, $0x0;
	[smem:$0x7F0] =	sst s1;
	s1 =	simm.s32 @!p5 $0x0  }
0x89e: {  	p1 =	por $0x0, $0x0;
	p2 =	por $0x0, $0x0;
	s1 =	simm.s32 @p5 $0x1  }
0x89f: {  	v6 =	vimm.s32 $0x0;
	p3 =	por $0x0, $0x0;
	p4 =	por $0x0, $0x0;
	[smem:$0x7F1] =	sst s1  }
0x8a0: {  	p6 =	seq.s32 s0, $0x1  }
.Ltmp172:
0x8a1: {  	_ = 	snop;
	(pc) =	sbr.rel @p6 .LBB2_299-.Ltmp172, $2  }
0x8a2: {  	_ =	sdelay $0x2  }
0x8a3: {  	s0 =	sadd.s32 $0xFFFFFFFF, s0;
	p0 =	por $0x1, $0x1  }
0x8a4: {  	p6 =	seq.s32 s0, $0x1  }
.Ltmp173:
0x8a5: {  	_ = 	snop;
	(pc) =	sbr.rel @p6 .LBB2_301-.Ltmp173, $2  }
0x8a6: {  	_ =	sdelay $0x2  }
0x8a7: {  	v13 =	vld [tilespmem:s29+$0x0];
	s0 =	sadd.s32 $0xFFFFFFFF, s0;
	p1 =	por $0x1, $0x1  }
0x8a8: {  	p6 =	seq.s32 s0, $0x1  }
.Ltmp174:
0x8a9: {  	_ = 	snop;
	(pc) =	sbr.rel @p6 .LBB2_303-.Ltmp174, $3  }
0x8aa: {  	_ =	sdelay $0x1  }
0x8ab: {  	s31 =	simm.s32 $0x1B801  }
0x8ac: {  	s0 =	sadd.s32 $0xFFFFFFFF, s0;
	p2 =	por $0x1, $0x1;
	(v2sf) =	vpush v13, $0x0;
	v13 =	vld [tilespmem:s31+$0x0]  }
0x8ad: {  	_ =	sdelay $0x8  }
0x8ae: {  	p6 =	seq.s32 s0, $0x1  }
.Ltmp175:
0x8af: {  	_ = 	snop;
	(pc) =	sbr.rel @p6 .LBB2_305-.Ltmp175, $3  }
0x8b0: {  	_ =	sdelay $0x1  }
0x8b1: {  	s31 =	simm.s32 $0x1B802  }
0x8b2: {  	s0 =	sadd.s32 $0xFFFFFFFF, s0;
	p3 =	por $0x1, $0x1;
	(v2sf) =	vpush v13, $0x0;
	v13 =	vld [tilespmem:s31+$0x0];
	s30 =	spop (v2sf)  }
0x8b3: {  	_ =	sdelay $0x6  }
0x8b4: {  	s1 =	sshll.u32 s30, $0x4  }
0x8b5: {  	v10 =	vld [tilespmem:s1+$0x8000]  }
0x8b6: {  	p6 =	seq.s32 s0, $0x1  }
.Ltmp176:
0x8b7: {  	_ = 	snop;
	(pc) =	sbr.rel @p6 .LBB2_307-.Ltmp176, $3  }
0x8b8: {  	_ =	sdelay $0x1  }
0x8b9: {  	s31 =	simm.s32 $0x1B803;
	vm1 =	vlt.s32 v6, $0xFE1;
	vm0 =	vge.f32 v10, v5  }
0x8ba: {  	s0 =	sadd.s32 $0xFFFFFFFF, s0;
	p4 =	por $0x1, $0x1;
	v9 =	vor.u32 s1, v0;
	(v2sf) =	vpush v13, $0x0;
	v13 =	vld [tilespmem:s31+$0x0];
	vm1 =	vmand vm1, vm0;
	s1 =	spop (v2sf)  }
0x8bb: {  	_ =	sdelay $0x6  }
0x8bc: {  	s2 =	sshll.u32 s1, $0x4;
	v7 =	vsel vm1, $0x1, v2  }
0x8bd: {  	v18 =	vld [tilespmem:s2+$0x8000];
	(xrf0) =	vadd.scan.msk.s32 $0xffff, v7  }
0x8be: {  	p6 =	seq.s32 s0, $0x1  }
.Ltmp177:
0x8bf: {  	v7 =	vmpcnt.ones.xlane vm1;
	(pc) =	sbr.rel @p6 .LBB2_309-.Ltmp177, $4  }
0x8c0: {  	p5 =	por $0x1, $0x1  }
0x8c1: {  	s3 =	simm.s32 @!p5 $0x0;
	v12 =	vadd.s32 v6, v7  }
0x8c2: {  	s31 =	simm.s32 $0x1B804;
	vm4 =	vmmov vm1;
	s3 =	simm.s32 @p5 $0x1;
	vm2 =	vlt.s32 v12, $0xFE1;
	vm0 =	vge.f32 v18, v5  }
0x8c3: {  	s0 =	sadd.s32 $0xFFFFFFFF, s0;
	v17 =	vor.u32 s2, v0;
	v21 =	vld [tilespmem:s31+$0x0];
	[smem:$0x7F0] =	sst s3;
	(v2sf) =	vpush v13, $0x0;
	vm3 =	vmand vm2, vm0;
	v19, _, _ =	vpop (xrf0);
	s2 =	spop (v2sf)  }
0x8c4: {  	_ =	sdelay $0x5  }
0x8c5: {  	v7 =	vsel vm3, $0x1, v2  }
0x8c6: {  	s3 =	sshll.u32 s2, $0x4;
	(xrf0) =	vadd.scan.msk.s32 $0xffff, v7;
	v7 =	vadd.s32 v19, v6;
	(v2sf) =	vpush v21, $0x0  }
0x8c7: {  	v16 =	vld [tilespmem:s3+$0x8000];
	v8 =	vadd.s32 $0xFFFFFFFF, v7  }
0x8c8: {  	vm0 =	vmmov vm4;
	p6 =	seq.s32 s0, $0x1;
	s31 =	simm.s32 $0x1B805  }
.Ltmp178:
0x8c9: {  	v13 =	vld [tilespmem:s31+$0x0];
	v7 =	vmpcnt.ones.xlane vm3;
	(pc) =	sbr.rel @p6 .LBB2_311-.Ltmp178, $4  }
0x8ca: {  	p5 =	por $0x1, $0x1  }
0x8cb: {  	v14 =	vor.u32 s3, v0;
	s3 =	simm.s32 @!p5 $0x0;
	v23 =	vadd.s32 v12, v7  }
0x8cc: {  	vm5 =	vmmov vm3;
	v15 =	vmovc v17;
	s3 =	simm.s32 @p5 $0x1;
	vm6 =	vlt.s32 v23, $0xFE1;
	vm2 =	vge.f32 v16, v5;
	[tilespmem:v8+s19+$0x0] =	vst.idx.msk vm4, v10  }
0x8cd: {  	s15 =	sadd.s32 $0xFFFFFFFF, s0;
	v11 =	vmov v18;
	v7 =	vmov v9;
	vm2 =	vmand vm6, vm2;
	v20, _, _ =	vpop (xrf0);
	[smem:$0x7F1] =	sst s3;
	s0 =	spop (v2sf)  }
.LBB2_312:
0x8ce: {  	p6 =	seq.s32 s15, $0x1;
	(v2sf) =	vpush v13, $0x0;
	s0 =	sshll.u32 s0, $0x4;
	v13 =	vsel vm2, $0x1, v2;
	v22 =	vmpcnt.ones.xlane vm2;
	[tilespmem:v8+s20+$0x0] =	vst.idx.msk vm0, v7;
	v7 =	vmovc v15;
	v15 =	vmovc v14  }
0x8cf: {  	v8 =	vadd.s32 v20, v12;
	v12 =	vmovc v23;
	vm0 =	vmmov vm5;
	v24 =	vld [tilespmem:s0+$0x8000];
	v14 =	vor.u32 s0, v0;
	(xrf0) =	vadd.scan.msk.s32 $0xffff, v13  }
0x8d0: {  	s31 =	sadd.s32 $0x1, s31;
	vm5 =	vmmov vm2;
	v8 =	vadd.s32 $0xFFFFFFFF, v8;
	v23 =	vadd.s32 v23, v22  }
.Ltmp179:
0x8d1: {  	v13 =	vld [tilespmem:s31+$0x0];
	(pc) =	sbr.rel @!p6 .LBB2_312-.Ltmp179, $3  }
0x8d2: {  	_ =	sdelay $0x1  }
0x8d3: {  	vm6 =	vlt.s32 v23, $0xFE1;
	vm2 =	vge.f32 v24, v5  }
0x8d4: {  	s15 =	sadd.s32 $0xFFFFFFFF, s15;
	s0 =	spop (v2sf);
	vm2 =	vmand vm6, vm2;
	v20, _, _ =	vpop (xrf0);
	[tilespmem:v8+s19+$0x0] =	vst.idx.msk vm0, v11;
	v11 =	vmov v16;
	v16 =	vmov v24  }
0x8d5: {  	v22 =	vmov v12;
	v12 =	vmov v23  }
.LBB2_314:
0x8d6: {  	s3 =	sadd.s32 @p1 $0x1, s31;
	s15 =	simm.s32 $0x1B800  }
0x8d7: {  	(v2sf) =	vpush @p1 v13, $0x0;
	s15 =	smov.u32 @p1 s3  }
0x8d8: {  	v13 =	vld @p0 [tilespmem:s15+$0x0];
	_ =	sdelay $0x1  }
0x8d9: {  	s0 =	sshll.u32 @p3 s0, $0x4  }
0x8da: {  	v23 =	vld @p3 [tilespmem:s0+$0x8000]  }
0x8db: {  	v24 =	vmpcnt.ones.xlane @p4 vm2  }
0x8dc: {  	v13 =	vpsel p0, v13, v21  }
0x8dd: {  	v21 =	vadd.s32 @p4 v12, v24;
	(v2sf) =	vpush @p0 v13, $0x0  }
0x8de: {  	s3 =	spop @p2 (v2sf);
	v13 =	vpsel p4, v21, v6  }
0x8df: {  	vm6 =	vge.f32 @p3 v23, v5;
	s2 =	smov.u32 @p2 s3;
	vm7 =	vlt.s32 @p3 v13, $0xFE1  }
0x8e0: {  	s3 =	sshll.u32 @p2 s2, $0x4;
	vm6 =	vmand @p3 vm7, vm6  }
0x8e1: {  	s15 =	sadd.s32 @p0 $0x1, s15;
	v24 =	vld @p2 [tilespmem:s3+$0x8000];
	vm3 =	vmmov @p3 vm6  }
0x8e2: {  	s29 =	smov.u32 @p0 s15;
	v25 =	vmpcnt.ones.xlane @p3 vm3  }
0x8e3: {  	v58 =	vld [tilespmem:s29+$0x0]  }
0x8e4: {  	v25 =	vadd.s32 @p3 v13, v25  }
0x8e5: {  	s29 =	sld [smem:$0x7F0];
	v25 =	vpsel p3, v25, v6;
	s2 =	spop @p1 (v2sf)  }
0x8e6: {  	vm6 =	vge.f32 @p2 v24, v5;
	vm7 =	vlt.s32 @p2 v25, $0xFE1;
	s1 =	smov.u32 @p1 s2  }
0x8e7: {  	v21 =	vsel @p4 vm2, $0x1, v2;
	vm6 =	vmand @p2 vm7, vm6;
	s2 =	sshll.u32 @p1 s1, $0x4  }
0x8e8: {  	v26 =	vor.u32 @p3 s0, v0;
	p6 =	seq.s32 s29, $0x1;
	(v2sf) =	vpush v58, $0x0;
	(xrf0) =	vadd.scan.msk.s32 @p4 $0xffff, v21;
	vm1 =	vmmov @p2 vm6;
	v21 =	vld @p1 [tilespmem:s2+$0x8000]  }
0x8e9: {  	v17 =	vpsel p3, v26, v17;
	v20 =	vadd.s32 @p6 v20, v22;
	v22 =	vmpcnt.ones.xlane @p2 vm1  }
0x8ea: {  	v14 =	vpsel p4, v14, v9;
	v16 =	vpsel p4, v16, v10;
	v17 =	vpsel p3, v17, v0  }
0x8eb: {  	v14 =	vpsel p4, v14, v0;
	v17 =	vpsel p3, v17, v0;
	v22 =	vadd.s32 @p2 v25, v22  }
0x8ec: {  	v18 =	vpsel p3, v23, v18;
	v12 =	vpsel p4, v12, v6;
	v22 =	vpsel p2, v22, v6;
	s0 =	spop @p0 (v2sf)  }
0x8ed: {  	v18 =	vpsel p3, v18, v0;
	vm6 =	vge.f32 @p1 v21, v5;
	vm8 =	vlt.s32 @p1 v22, $0xFE1;
	s30 =	smov.u32 @p0 s0  }
0x8ee: {  	vm5 =	vmmov @p6 vm5;
	v26 =	vsel @p3 vm3, $0x1, v2;
	vm6 =	vmand @p1 vm8, vm6;
	s1 =	sshll.u32 @p0 s30, $0x4  }
0x8ef: {  	v20 =	vadd.s32 @p6 $0xFFFFFFFF, v20;
	v23 =	vor.u32 @p2 s3, v0;
	v28, _, _ =	vpop @p4 (xrf0);
	(xrf0) =	vadd.scan.msk.s32 @p3 $0xffff, v26;
	vm6 =	vmmov @p1 vm6;
	v26 =	vld @p0 [tilespmem:s1+$0x8000]  }
0x8f0: {  	v59 =	vpsel p2, v23, v9;
	v19 =	vpsel p4, v28, v19;
	v28 =	vmpcnt.ones.xlane @p1 vm6  }
0x8f1: {  	v15 =	vpsel p6, v15, v0;
	v27 =	vpsel p6, v20, v0;
	v9 =	vpsel p2, v59, v0  }
0x8f2: {  	s31 =	sld [smem:$0x7F1];
	v9 =	vpsel p2, v9, v0;
	v12 =	vadd.s32 @p4 v19, v12;
	v19 =	vadd.s32 @p1 v22, v28  }
0x8f3: {  	v60 =	vpsel p2, v24, v10;
	vm7 =	vmmov @p4 vm2;
	v19 =	vpsel p1, v19, v6  }
0x8f4: {  	vm4 =	vmmov @p4 vm7;
	vm9 =	vlt.s32 @p0 v19, $0xFE1;
	vm7 =	vge.f32 @p0 v26, v5  }
0x8f5: {  	p5 =	seq.s32 s31, $0x1;
	vm2 =	vmmov @p6 vm5;
	v12 =	vadd.s32 @p4 $0xFFFFFFFF, v12;
	vm7 =	vmand @p0 vm9, vm7  }
0x8f6: {  	[tilespmem:v8+s20+$0x0] =	vst.idx.msk @p5 vm0, v7;
	v24 =	vor.u32 @p1 s2, v0;
	v23 =	vsel @p2 vm1, $0x1, v2;
	vm7 =	vmmov @p0 vm7  }
0x8f7: {  	vm4 =	vmmov @p4 vm4;
	v24 =	vpsel p1, v24, v0;
	s30 =	spop (v2sf);
	v28, _, _ =	vpop @p3 (xrf0);
	(xrf0) =	vadd.scan.msk.s32 @p2 $0xffff, v23;
	v23 =	vmpcnt.ones.xlane @p0 vm7  }
0x8f8: {  	v13 =	vpsel p3, v13, v0;
	v10 =	vpsel p2, v60, v0;
	v29 =	vpsel p4, v12, v0;
	v7 =	vmovc @p1 v24;
	s0 =	sshll.u32 s30, $0x4  }
0x8f9: {  	v7 =	vpsel p1, v7, v0;
	vm8 =	vmmov @p3 vm3;
	v30 =	vld [tilespmem:s0+$0x8000];
	v23 =	vadd.s32 @p0 v19, v23  }
0x8fa: {  	[tilespmem:v20+s19+$0x0] =	vst.idx.msk @p6 vm5, v11;
	vm3 =	vmmov @p4 vm4;
	v6 =	vpsel p0, v23, v6;
	v23 =	vsel @p1 vm6, $0x1, v2  }
0x8fb: {  	v7 =	vpsel p1, v7, v0;
	v21 =	vpsel p1, v21, v0;
	v8 =	vmovc @p1 v22;
	(xrf0) =	vadd.scan.msk.s32 @p1 $0xffff, v23  }
0x8fc: {  	vm11 =	vmmov @p2 vm1;
	[tilespmem:v27+s20+$0x0] =	vst.idx.msk @p6 vm2, v15;
	v8 =	vpsel p1, v8, v0;
	v15 =	vmovc @p1 v21;
	vm8 =	vmmov @p3 vm8  }
0x8fd: {  	[tilespmem:v12+s19+$0x0] =	vst.idx.msk @p4 vm4, v16;
	v15 =	vpsel p1, v15, v0;
	vm8 =	vmmov @p3 vm8;
	v28 =	vpsel p3, v28, v0  }
0x8fe: {  	v13 =	vadd.s32 @p3 v28, v13;
	vm9 =	vge.f32 v30, v5;
	v5 =	vmovc @p2 v25;
	v28 =	vsel @p0 vm7, $0x1, v2  }
0x8ff: {  	v13 =	vadd.s32 @p3 $0xFFFFFFFF, v13;
	v5 =	vpsel p2, v5, v0;
	vm10 =	vlt.s32 v6, $0xFE1;
	v23, _, _ =	vpop @p2 (xrf0);
	(xrf0) =	vadd.scan.msk.s32 @p0 $0xffff, v28  }
0x900: {  	[tilespmem:v29+s20+$0x0] =	vst.idx.msk @p4 vm3, v14;
	v25 =	vpsel p3, v13, v0;
	vm3 =	vmmov @p0 vm7;
	vm14 =	vmand vm10, vm9  }
0x901: {  	vm3 =	vmmov @p0 vm3;
	vm6 =	vmmov @p1 vm6;
	v61 =	vsel vm14, $0x1, v2;
	v11, _, _ =	vpop @p1 (xrf0)  }
0x902: {  	vm10 =	vmmov @p2 vm11;
	v23 =	vpsel p2, v23, v0;
	(xrf0) =	vadd.scan.msk.s32 $0xffff, v61;
	v11 =	vpsel p1, v11, v0  }
0x903: {  	v14 =	vmovc @p0 v19;
	vm2 =	vmmov @p1 vm6;
	vm10 =	vmmov @p2 vm10;
	v5 =	vadd.s32 @p2 v23, v5  }
0x904: {  	[tilespmem:v13+s19+$0x0] =	vst.idx.msk @p3 vm8, v18;
	v13 =	vpsel p0, v14, v0;
	vm9 =	vmmov @p3 vm8;
	v5 =	vadd.s32 @p2 $0xFFFFFFFF, v5  }
0x905: {  	vm2 =	vmmov @p1 vm2;
	vm0 =	vmmov @p2 vm10;
	v8 =	vadd.s32 @p1 v11, v8;
	v11, _, _ =	vpop @p0 (xrf0)  }
0x906: {  	vm4 =	vmmov @p1 vm2;
	v20 =	vpsel p2, v5, v0;
	v11 =	vpsel p0, v11, v0  }
0x907: {  	vm15 =	vmmov vm14;
	v8 =	vadd.s32 @p1 $0xFFFFFFFF, v8;
	v11 =	vadd.s32 @p0 v11, v13  }
0x908: {  	vm3 =	vmmov @p0 vm3;
	vm5 =	vmmov vm15;
	v14 =	vpsel p1, v8, v0;
	v62, _, _ =	vpop (xrf0)  }
0x909: {  	v23 =	vor.u32 @p0 s1, v0;
	[tilespmem:v5+s19+$0x0] =	vst.idx.msk @p2 vm10, v10;
	v5 =	vadd.s32 @p0 $0xFFFFFFFF, v11;
	v10 =	vadd.s32 v62, v6  }
0x90a: {  	vm6 =	vmmov @p0 vm3;
	v12 =	vpsel p0, v23, v0;
	[tilespmem:v25+s20+$0x0] =	vst.idx.msk @p3 vm9, v17;
	v10 =	vadd.s32 $0xFFFFFFFF, v10;
	v11 =	vmovc @p0 v26  }
0x90b: {  	[tilespmem:v20+s20+$0x0] =	vst.idx.msk @p2 vm0, v9;
	v13 =	vpsel p0, v5, v0;
	v11 =	vpsel p0, v11, v0  }
0x90c: {  	v9 =	vmov @p0 v12;
	[tilespmem:v8+s19+$0x0] =	vst.idx.msk @p1 vm2, v15;
	v8 =	vmov @p0 v11  }
0x90d: {  	v9 =	vpsel p0, v9, v0;
	[tilespmem:v14+s20+$0x0] =	vst.idx.msk @p1 vm4, v7;
	v8 =	vpsel p0, v8, v0  }
0x90e: {  	v7 =	vmov @p0 v9;
	[tilespmem:v5+s19+$0x0] =	vst.idx.msk @p0 vm3, v8  }
0x90f: {  	v5 =	vpsel p0, v7, v0;
	v7 =	vmpcnt.ones.xlane vm14;
	[tilespmem:v10+s19+$0x0] =	vst.idx.msk vm5, v30  }
0x910: {  	v63 =	vor.u32 s0, v0;
	[tilespmem:v13+s20+$0x0] =	vst.idx.msk @p0 vm6, v5  }
0x911: {  	[tilespmem:v10+s20+$0x0] =	vst.idx.msk vm5, v63;
	v5 =	vadd.s32 v6, v7  }
.Ltmp180:
0x912: {  	(pc) =	sbr.rel .LBB2_292-.Ltmp180, $2  }
0x913: {  	_ =	sdelay $0x2  }
0x914: {  	v5 =	vxor.u32 $0x80000000, v5  }
.LBB2_290:
0x915: {  	v5 =	vimm.s32 $0x80000000  }
.LBB2_292:
0x916: {  	(xrf0) =	vmax.scan.msk.u32 $0xffff, v5;
	_ =	sdelay $0x5  }
0x917: {  	v5, _, _ =	vpop (xrf0)  }
0x918: {  	(v2sf) =	vpush v5, $0xF;
	_ =	sdelay $0xe  }
0x919: {  	s0 =	spop (v2sf)  }
.Ltmp181:
0x91a: {  	s2 =	sadd.s32 $0x8000000F, s0;
	(pc) =	sbr.rel .LBB2_293-.Ltmp181, $4  }
0x91b: {  	s1 =	sshra.s32 s2, $0x1F  }
0x91c: {  	s1 =	sshrl.u32 s1, $0x1C  }
0x91d: {  	s29 =	sxor.u32 $0x80000000, s0;
	s31 =	sadd.s32 s1, s2  }
0x91e: {  	v5 =	vmov s29;
	p0 =	slt.s32 s2, $0x10;
	s1 =	simm.s32 $0x0;
	s0 =	sshra.s32 s31, $0x4  }
.LBB2_295:
0x91f: {  	s15 =	simm.s32 $0x0  }
.LBB2_319:
0x920: {  	s3 =	sadd.s32 @p1 $0x10, s15  }
0x921: {  	v8 =	vand.u32 $0x7FFFFFFF, v8;
	s30 =	smov.u32 @p1 s3  }
0x922: {  	v8 =	vxor.u32 v10, v8;
	v9 =	vor.u32 s30, v0  }
0x923: {  	vm0 =	vge.s32 v8, v7;
	vm1 =	vlt.s32 v9, v5  }
0x924: {  	vm0 =	vmand vm1, vm0  }
0x925: {  	v7 =	vsel vm0, $0x1, v2  }
0x926: {  	v6 =	vadd.s32 v7, v6  }
.LBB2_320:
0x927: {  	(xrf0) =	vadd.scan.msk.s32 $0xffff, v6;
	_ =	sdelay $0x5  }
0x928: {  	v6, _, _ =	vpop (xrf0)  }
0x929: {  	(v2sf) =	vpush v6, $0xF;
	_ =	sdelay $0xa  }
0x92a: {  	s1 =	sadd.s32 $0x1, s1  }
0x92b: {  	p2 =	seq.s32 s1, $0x14  }
.Ltmp182:
0x92c: {  	_ = 	snop;
	(pc) =	sbr.rel @p2 .LBB2_271-.Ltmp182, $4  }
0x92d: {  	_ = 	snop  }
0x92e: {  	s3 =	spop (v2sf)  }
0x92f: {  	p1 =	sgt.s32 s3, $0x3F  }
0x930: {  	s28 =	smov.u32 @p1 s2  }
.LBB2_293:
.Ltmp183:
0x931: {  	(pc) =	sbr.rel @p0 .LBB2_320-.Ltmp183, $3  }
0x932: {  	_ =	sdelay $0x1  }
0x933: {  	s2 =	sshrl.u32 s21, s1  }
0x934: {  	v6 =	vimm.s32 $0x0;
	s2 =	sadd.s32 s2, s28  }
0x935: {  	s3 =	simm.s32 $0x19000  }
0x936: {  	p2 =	seq.s32 s0, $0x1;
	v10 =	vld [tilespmem:s3+$0x0]  }
.Ltmp184:
0x937: {  	_ = 	snop;
	(pc) =	sbr.rel @p2 .LBB2_295-.Ltmp184, $3  }
0x938: {  	_ =	sdelay $0x1  }
0x939: {  	s30 =	simm.s32 $0x0  }
0x93a: {  	v7 =	vmov s2;
	v6 =	vimm.s32 $0x0;
	s15 =	simm.s32 $0x19010;
	p1 =	por $0x0, $0x0;
	s3 =	sadd.s32 $0xFFFFFFFF, s0;
	v8 =	vshra.s32 v10, $0x1F  }
0x93b: {  	v9 =	vld [tilespmem:s15+$0x0];
	v8 =	vand.u32 $0x7FFFFFFF, v8;
	p2 =	seq.s32 s3, $0x1  }
.Ltmp185:
0x93c: {  	v8 =	vxor.u32 v10, v8;
	v10 =	vor.u32 s30, v0;
	(pc) =	sbr.rel @p2 .LBB2_316-.Ltmp185, $4  }
0x93d: {  	vm0 =	vge.s32 v8, v7;
	vm1 =	vlt.s32 v10, v5  }
0x93e: {  	vm0 =	vmand vm1, vm0  }
0x93f: {  	s31 =	sadd.s32 $0xFFFFFFFF, s3;
	v10 =	vsel vm0, $0x1, v2  }
0x940: {  	s3 =	simm.s32 $0x19020;
	p1 =	por $0x1, $0x1;
	s15 =	simm.s32 $0x0;
	v8 =	vshra.s32 v9, $0x1F;
	v6 =	vadd.s32 v10, v6  }
.LBB2_317:
0x941: {  	v10 =	vld [tilespmem:s3+$0x0];
	p2 =	seq.s32 s31, $0x1;
	s31 =	sadd.s32 $0xFFFFFFFF, s31;
	v8 =	vand.u32 $0x7FFFFFFF, v8;
	s15 =	sadd.s32 $0x10, s15  }
.Ltmp186:
0x942: {  	v8 =	vxor.u32 v9, v8;
	v9 =	vor.u32 s15, v0;
	(pc) =	sbr.rel @!p2 .LBB2_317-.Ltmp186, $4  }
0x943: {  	vm0 =	vge.s32 v8, v7;
	vm1 =	vlt.s32 v9, v5  }
0x944: {  	vm0 =	vmand vm1, vm0  }
0x945: {  	v11 =	vsel vm0, $0x1, v2  }
0x946: {  	s3 =	sadd.s32 $0x10, s3;
	v8 =	vshra.s32 v10, $0x1F;
	v6 =	vadd.s32 v11, v6;
	v9 =	vmov v10  }
.Ltmp187:
0x947: {  	(pc) =	sbr.rel .LBB2_319-.Ltmp187, $2  }
0x948: {  	_ =	sdelay $0x2  }
0x949: {  	v10 =	vmov v9  }
.LBB2_316:
.Ltmp188:
0x94a: {  	(pc) =	sbr.rel .LBB2_319-.Ltmp188, $2  }
0x94b: {  	_ =	sdelay $0x2  }
0x94c: {  	s15 =	simm.s32 $0x0;
	v10 =	vmov v9  }
.LBB2_271:
0x94d: {  	s0 =	sadd.s32 $0xF, s29  }
0x94e: {  	p0 =	slt.s32 s0, $0x10  }
.Ltmp189:
0x94f: {  	_ = 	snop;
	(pc) =	sbr.rel @p0 .LBB2_325-.Ltmp189, $1  }
0x950: {  	_ =	sdelay $0x3  }
0x951: {  	s1 =	sshra.s32 s0, $0x1F  }
0x952: {  	s1 =	sshrl.u32 s1, $0x1C  }
0x953: {  	s31 =	sadd.s32 s1, s0  }
0x954: {  	s2 =	sshra.s32 s31, $0x4  }
0x955: {  	p1 =	sne.s32 s2, $0x1  }
.Ltmp190:
0x956: {  	_ = 	snop;
	(pc) =	sbr.rel @!p1 .LBB2_273-.Ltmp190, $4  }
0x957: {  	v5 =	vmov s28  }
0x958: {  	s3 =	simm.s32 $0x19000;
	v5 =	vshra.s32 v5, $0x1F  }
0x959: {  	p0 =	por $0x0, $0x0;
	v7 =	vld [tilespmem:s3+$0x0];
	v5 =	vand.u32 $0x7FFFFFFF, v5  }
0x95a: {  	v6 =	vmov s29;
	s0 =	simm.s32 $0x1A000;
	s1 =	simm.s32 $0x0;
	v5 =	vxor.u32 s28, v5;
	s2 =	sadd.s32 $0xFFFFFFFF, s2  }
0x95b: {  	_ =	sdelay $0x1  }
0x95c: {  	v8 =	vld [tilespmem:s0+$0x0];
	v9 =	vor.u32 s1, v0  }
0x95d: {  	vm1 =	vlt.s32 v9, v6;
	vm0 =	vge.f32 v7, v5  }
0x95e: {  	vm0 =	vmand vm1, vm0;
	_ =	sdelay $0x2  }
0x95f: {  	p1 =	sne.s32 s2, $0x1  }
.Ltmp191:
0x960: {  	_ = 	snop;
	(pc) =	sbr.rel @!p1 .LBB2_322-.Ltmp191, $4  }
0x961: {  	_ = 	snop  }
0x962: {  	s28 =	simm.s32 $0x19010;
	[tilespmem:v8+s22+$0x0] =	vst.idx.msk vm0, v7  }
0x963: {  	s29 =	sadd.s32 $0xFFFFFFFF, s2;
	v7 =	vld [tilespmem:s28+$0x0]  }
0x964: {  	p0 =	por $0x1, $0x1;
	s2 =	simm.s32 $0x1A000;
	s15 =	simm.s32 $0x0  }
.LBB2_323:
0x965: {  	p1 =	sne.s32 s29, $0x1;
	_ =	sdelay $0x1  }
0x966: {  	s2 =	sadd.s32 $0x10, s2;
	s15 =	sadd.s32 $0x10, s15  }
0x967: {  	v9 =	vor.u32 s15, v0;
	v8 =	vld [tilespmem:s2+$0x0]  }
0x968: {  	vm0 =	vge.f32 v7, v5;
	vm1 =	vlt.s32 v9, v6  }
0x969: {  	vm0 =	vmand vm1, vm0;
	_ =	sdelay $0x2  }
.Ltmp192:
0x96a: {  	(pc) =	sbr.rel @p1 .LBB2_323-.Ltmp192, $3  }
0x96b: {  	_ =	sdelay $0x1  }
0x96c: {  	s28 =	sadd.s32 $0x10, s28;
	[tilespmem:v8+s22+$0x0] =	vst.idx.msk vm0, v7  }
0x96d: {  	s29 =	sadd.s32 $0xFFFFFFFF, s29;
	v7 =	vld [tilespmem:s28+$0x0]  }
.Ltmp193:
0x96e: {  	_ = 	snop;
	(pc) =	sbr.rel .LBB2_324-.Ltmp193, $1  }
0x96f: {  	_ =	sdelay $0x3  }
.LBB2_21:
.Ltmp194:
0x970: {  	(pc) =	sbr.rel .LBB2_38-.Ltmp194, $2  }
0x971: {  	_ =	sdelay $0x2  }
0x972: {  	v12 =	vimm.s32 $0x0;
	s31 =	simm.s32 $0x1B800  }
.LBB2_70:
.Ltmp195:
0x973: {  	(pc) =	sbr.rel .LBB2_87-.Ltmp195, $2  }
0x974: {  	_ =	sdelay $0x2  }
0x975: {  	v12 =	vimm.s32 $0x0;
	s30 =	simm.s32 $0x1B800  }
.LBB2_161:
.Ltmp196:
0x976: {  	(pc) =	sbr.rel .LBB2_178-.Ltmp196, $2  }
0x977: {  	_ =	sdelay $0x2  }
0x978: {  	v12 =	vimm.s32 $0x0;
	s30 =	simm.s32 $0x1B800  }
.LBB2_252:
.Ltmp197:
0x979: {  	(pc) =	sbr.rel .LBB2_269-.Ltmp197, $2  }
0x97a: {  	_ =	sdelay $0x2  }
0x97b: {  	v12 =	vimm.s32 $0x0;
	s30 =	simm.s32 $0x1B800  }
.LBB2_23:
.Ltmp198:
0x97c: {  	(pc) =	sbr.rel .LBB2_38-.Ltmp198, $2  }
0x97d: {  	_ =	sdelay $0x2  }
0x97e: {  	v12 =	vimm.s32 $0x0;
	s31 =	simm.s32 $0x1B800  }
.LBB2_72:
.Ltmp199:
0x97f: {  	(pc) =	sbr.rel .LBB2_87-.Ltmp199, $2  }
0x980: {  	_ =	sdelay $0x2  }
0x981: {  	v12 =	vimm.s32 $0x0;
	s30 =	simm.s32 $0x1B800  }
.LBB2_163:
.Ltmp200:
0x982: {  	(pc) =	sbr.rel .LBB2_178-.Ltmp200, $2  }
0x983: {  	_ =	sdelay $0x2  }
0x984: {  	v12 =	vimm.s32 $0x0;
	s30 =	simm.s32 $0x1B800  }
.LBB2_254:
.Ltmp201:
0x985: {  	(pc) =	sbr.rel .LBB2_269-.Ltmp201, $2  }
0x986: {  	_ =	sdelay $0x2  }
0x987: {  	v12 =	vimm.s32 $0x0;
	s30 =	simm.s32 $0x1B800  }
.LBB2_25:
.Ltmp202:
0x988: {  	(pc) =	sbr.rel .LBB2_38-.Ltmp202, $2  }
0x989: {  	_ =	sdelay $0x2  }
0x98a: {  	v12 =	vimm.s32 $0x0;
	s31 =	simm.s32 $0x1B800  }
.LBB2_74:
.Ltmp203:
0x98b: {  	(pc) =	sbr.rel .LBB2_87-.Ltmp203, $2  }
0x98c: {  	_ =	sdelay $0x2  }
0x98d: {  	v12 =	vimm.s32 $0x0;
	s30 =	simm.s32 $0x1B800  }
.LBB2_165:
.Ltmp204:
0x98e: {  	(pc) =	sbr.rel .LBB2_178-.Ltmp204, $2  }
0x98f: {  	_ =	sdelay $0x2  }
0x990: {  	v12 =	vimm.s32 $0x0;
	s30 =	simm.s32 $0x1B800  }
.LBB2_256:
.Ltmp205:
0x991: {  	(pc) =	sbr.rel .LBB2_269-.Ltmp205, $2  }
0x992: {  	_ =	sdelay $0x2  }
0x993: {  	v12 =	vimm.s32 $0x0;
	s30 =	simm.s32 $0x1B800  }
.LBB2_27:
.Ltmp206:
0x994: {  	(pc) =	sbr.rel .LBB2_38-.Ltmp206, $2  }
0x995: {  	_ =	sdelay $0x2  }
0x996: {  	v12 =	vimm.s32 $0x0  }
.LBB2_76:
.Ltmp207:
0x997: {  	(pc) =	sbr.rel .LBB2_87-.Ltmp207, $2  }
0x998: {  	_ =	sdelay $0x2  }
0x999: {  	v12 =	vimm.s32 $0x0  }
.LBB2_167:
.Ltmp208:
0x99a: {  	(pc) =	sbr.rel .LBB2_178-.Ltmp208, $2  }
0x99b: {  	_ =	sdelay $0x2  }
0x99c: {  	v12 =	vimm.s32 $0x0  }
.LBB2_258:
.Ltmp209:
0x99d: {  	(pc) =	sbr.rel .LBB2_269-.Ltmp209, $2  }
0x99e: {  	_ =	sdelay $0x2  }
0x99f: {  	v12 =	vimm.s32 $0x0  }
.LBB2_29:
.Ltmp210:
0x9a0: {  	(pc) =	sbr.rel .LBB2_38-.Ltmp210, $2  }
0x9a1: {  	_ =	sdelay $0x2  }
0x9a2: {  	s30 =	smov.u32 s0;
	v12 =	vimm.s32 $0x0  }
.LBB2_78:
.Ltmp211:
0x9a3: {  	(pc) =	sbr.rel .LBB2_87-.Ltmp211, $2  }
0x9a4: {  	_ =	sdelay $0x2  }
0x9a5: {  	s0 =	smov.u32 s29;
	v12 =	vimm.s32 $0x0  }
.LBB2_169:
.Ltmp212:
0x9a6: {  	(pc) =	sbr.rel .LBB2_178-.Ltmp212, $2  }
0x9a7: {  	_ =	sdelay $0x2  }
0x9a8: {  	s0 =	smov.u32 s29;
	v12 =	vimm.s32 $0x0  }
.LBB2_260:
.Ltmp213:
0x9a9: {  	(pc) =	sbr.rel .LBB2_269-.Ltmp213, $2  }
0x9aa: {  	_ =	sdelay $0x2  }
0x9ab: {  	s0 =	smov.u32 s29;
	v12 =	vimm.s32 $0x0  }
.LBB2_31:
.Ltmp214:
0x9ac: {  	(pc) =	sbr.rel .LBB2_38-.Ltmp214, $2  }
0x9ad: {  	_ =	sdelay $0x2  }
0x9ae: {  	s30 =	smov.u32 s1;
	vm2 =	vmmov vm1;
	v14 =	vmovc v9;
	v12 =	vimm.s32 $0x0;
	v16 =	vmov v10  }
.LBB2_80:
.Ltmp215:
0x9af: {  	(pc) =	sbr.rel .LBB2_87-.Ltmp215, $2  }
0x9b0: {  	_ =	sdelay $0x2  }
0x9b1: {  	s0 =	smov.u32 s1;
	vm2 =	vmmov vm1;
	v14 =	vmovc v9;
	v12 =	vimm.s32 $0x0;
	v16 =	vmov v10  }
.LBB2_171:
.Ltmp216:
0x9b2: {  	(pc) =	sbr.rel .LBB2_178-.Ltmp216, $2  }
0x9b3: {  	_ =	sdelay $0x2  }
0x9b4: {  	s0 =	smov.u32 s1;
	vm2 =	vmmov vm1;
	v14 =	vmovc v9;
	v12 =	vimm.s32 $0x0;
	v16 =	vmov v10  }
.LBB2_262:
.Ltmp217:
0x9b5: {  	(pc) =	sbr.rel .LBB2_269-.Ltmp217, $2  }
0x9b6: {  	_ =	sdelay $0x2  }
0x9b7: {  	s0 =	smov.u32 s1;
	vm2 =	vmmov vm1;
	v14 =	vmovc v9;
	v12 =	vimm.s32 $0x0;
	v16 =	vmov v10  }
.LBB2_33:
.Ltmp218:
0x9b8: {  	_ = 	snop;
	(pc) =	sbr.rel .LBB2_38-.Ltmp218, $3  }
0x9b9: {  	_ =	sdelay $0x1  }
0x9ba: {  	vm2 =	vmmov vm3;
	v15 =	vmovc v9;
	v14 =	vmov v17;
	v22 =	vimm.s32 $0x0  }
0x9bb: {  	s30 =	smov.u32 s2;
	v20 =	vmovc v19;
	vm5 =	vmmov vm4;
	v11 =	vmovc v10;
	v16 =	vmov v18;
	v13 =	vmov v21  }
.LBB2_82:
.Ltmp219:
0x9bc: {  	_ = 	snop;
	(pc) =	sbr.rel .LBB2_87-.Ltmp219, $3  }
0x9bd: {  	_ =	sdelay $0x1  }
0x9be: {  	vm2 =	vmmov vm3;
	v15 =	vmovc v9;
	v14 =	vmov v17;
	v22 =	vimm.s32 $0x0  }
0x9bf: {  	s0 =	smov.u32 s2;
	v20 =	vmovc v19;
	vm5 =	vmmov vm4;
	v11 =	vmovc v10;
	v16 =	vmov v18;
	v13 =	vmov v21  }
.LBB2_173:
.Ltmp220:
0x9c0: {  	_ = 	snop;
	(pc) =	sbr.rel .LBB2_178-.Ltmp220, $3  }
0x9c1: {  	_ =	sdelay $0x1  }
0x9c2: {  	vm2 =	vmmov vm3;
	v15 =	vmovc v9;
	v14 =	vmov v17;
	v22 =	vimm.s32 $0x0  }
0x9c3: {  	s0 =	smov.u32 s2;
	v20 =	vmovc v19;
	vm5 =	vmmov vm4;
	v11 =	vmovc v10;
	v16 =	vmov v18;
	v13 =	vmov v21  }
.LBB2_264:
.Ltmp221:
0x9c4: {  	_ = 	snop;
	(pc) =	sbr.rel .LBB2_269-.Ltmp221, $3  }
0x9c5: {  	_ =	sdelay $0x1  }
0x9c6: {  	vm2 =	vmmov vm3;
	v15 =	vmovc v9;
	v14 =	vmov v17;
	v22 =	vimm.s32 $0x0  }
0x9c7: {  	s0 =	smov.u32 s2;
	v20 =	vmovc v19;
	vm5 =	vmmov vm4;
	v11 =	vmovc v10;
	v16 =	vmov v18;
	v13 =	vmov v21  }
.LBB2_35:
.Ltmp222:
0x9c8: {  	(pc) =	sbr.rel .LBB2_38-.Ltmp222, $2  }
0x9c9: {  	_ =	sdelay $0x2  }
0x9ca: {  	v22 =	vmovc v12;
	v7 =	vmovc v9;
	v15 =	vmov v17;
	v12 =	vmov v23;
	v11 =	vmov v18  }
.LBB2_84:
.Ltmp223:
0x9cb: {  	(pc) =	sbr.rel .LBB2_87-.Ltmp223, $2  }
0x9cc: {  	_ =	sdelay $0x2  }
0x9cd: {  	v22 =	vmovc v12;
	v7 =	vmovc v9;
	v15 =	vmov v17;
	v12 =	vmov v23;
	v11 =	vmov v18  }
.LBB2_175:
.Ltmp224:
0x9ce: {  	(pc) =	sbr.rel .LBB2_178-.Ltmp224, $2  }
0x9cf: {  	_ =	sdelay $0x2  }
0x9d0: {  	v22 =	vmovc v12;
	v7 =	vmovc v9;
	v15 =	vmov v17;
	v12 =	vmov v23;
	v11 =	vmov v18  }
.LBB2_266:
.Ltmp225:
0x9d1: {  	(pc) =	sbr.rel .LBB2_269-.Ltmp225, $2  }
0x9d2: {  	_ =	sdelay $0x2  }
0x9d3: {  	v22 =	vmovc v12;
	v7 =	vmovc v9;
	v15 =	vmov v17;
	v12 =	vmov v23;
	v11 =	vmov v18  }
.LBB2_47:
.Ltmp226:
0x9d4: {  	(pc) =	sbr.rel .LBB2_51-.Ltmp226, $2  }
0x9d5: {  	_ =	sdelay $0x2  }
0x9d6: {  	s2 =	simm.s32 $0x1A000;
	s15 =	simm.s32 $0x0  }
.LBB2_91:
.Ltmp227:
0x9d7: {  	(pc) =	sbr.rel .LBB2_142-.Ltmp227, $2  }
0x9d8: {  	_ =	sdelay $0x2  }
0x9d9: {  	s2 =	simm.s32 $0x1A000;
	s15 =	simm.s32 $0x0  }
.LBB2_182:
.Ltmp228:
0x9da: {  	(pc) =	sbr.rel .LBB2_233-.Ltmp228, $2  }
0x9db: {  	_ =	sdelay $0x2  }
0x9dc: {  	s2 =	simm.s32 $0x1A000;
	s15 =	simm.s32 $0x0  }
.LBB2_49:
.Ltmp229:
0x9dd: {  	(pc) =	sbr.rel .LBB2_51-.Ltmp229, $2  }
0x9de: {  	_ =	sdelay $0x2  }
0x9df: {  	s2 =	simm.s32 $0x1A000;
	s15 =	simm.s32 $0x0  }
.LBB2_140:
.Ltmp230:
0x9e0: {  	(pc) =	sbr.rel .LBB2_142-.Ltmp230, $2  }
0x9e1: {  	_ =	sdelay $0x2  }
0x9e2: {  	s2 =	simm.s32 $0x1A000;
	s15 =	simm.s32 $0x0  }
.LBB2_231:
.Ltmp231:
0x9e3: {  	(pc) =	sbr.rel .LBB2_233-.Ltmp231, $2  }
0x9e4: {  	_ =	sdelay $0x2  }
0x9e5: {  	s2 =	simm.s32 $0x1A000;
	s15 =	simm.s32 $0x0  }
.LBB2_322:
.Ltmp232:
0x9e6: {  	(pc) =	sbr.rel .LBB2_324-.Ltmp232, $2  }
0x9e7: {  	_ =	sdelay $0x2  }
0x9e8: {  	s2 =	simm.s32 $0x1A000;
	s15 =	simm.s32 $0x0  }
.LBB2_115:
.Ltmp233:
0x9e9: {  	(pc) =	sbr.rel .LBB2_132-.Ltmp233, $2  }
0x9ea: {  	_ =	sdelay $0x2  }
0x9eb: {  	v12 =	vimm.s32 $0x0;
	s31 =	simm.s32 $0x1B800  }
.LBB2_206:
.Ltmp234:
0x9ec: {  	(pc) =	sbr.rel .LBB2_223-.Ltmp234, $2  }
0x9ed: {  	_ =	sdelay $0x2  }
0x9ee: {  	v12 =	vimm.s32 $0x0;
	s31 =	simm.s32 $0x1B800  }
.LBB2_297:
.Ltmp235:
0x9ef: {  	(pc) =	sbr.rel .LBB2_314-.Ltmp235, $2  }
0x9f0: {  	_ =	sdelay $0x2  }
0x9f1: {  	v12 =	vimm.s32 $0x0;
	s31 =	simm.s32 $0x1B800  }
.LBB2_117:
.Ltmp236:
0x9f2: {  	(pc) =	sbr.rel .LBB2_132-.Ltmp236, $2  }
0x9f3: {  	_ =	sdelay $0x2  }
0x9f4: {  	v12 =	vimm.s32 $0x0;
	s31 =	simm.s32 $0x1B800  }
.LBB2_208:
.Ltmp237:
0x9f5: {  	(pc) =	sbr.rel .LBB2_223-.Ltmp237, $2  }
0x9f6: {  	_ =	sdelay $0x2  }
0x9f7: {  	v12 =	vimm.s32 $0x0;
	s31 =	simm.s32 $0x1B800  }
.LBB2_299:
.Ltmp238:
0x9f8: {  	(pc) =	sbr.rel .LBB2_314-.Ltmp238, $2  }
0x9f9: {  	_ =	sdelay $0x2  }
0x9fa: {  	v12 =	vimm.s32 $0x0;
	s31 =	simm.s32 $0x1B800  }
.LBB2_119:
.Ltmp239:
0x9fb: {  	(pc) =	sbr.rel .LBB2_132-.Ltmp239, $2  }
0x9fc: {  	_ =	sdelay $0x2  }
0x9fd: {  	v12 =	vimm.s32 $0x0;
	s31 =	simm.s32 $0x1B800  }
.LBB2_210:
.Ltmp240:
0x9fe: {  	(pc) =	sbr.rel .LBB2_223-.Ltmp240, $2  }
0x9ff: {  	_ =	sdelay $0x2  }
0xa00: {  	v12 =	vimm.s32 $0x0;
	s31 =	simm.s32 $0x1B800  }
.LBB2_301:
.Ltmp241:
0xa01: {  	(pc) =	sbr.rel .LBB2_314-.Ltmp241, $2  }
0xa02: {  	_ =	sdelay $0x2  }
0xa03: {  	v12 =	vimm.s32 $0x0;
	s31 =	simm.s32 $0x1B800  }
.LBB2_121:
.Ltmp242:
0xa04: {  	(pc) =	sbr.rel .LBB2_132-.Ltmp242, $2  }
0xa05: {  	_ =	sdelay $0x2  }
0xa06: {  	v12 =	vimm.s32 $0x0  }
.LBB2_212:
.Ltmp243:
0xa07: {  	(pc) =	sbr.rel .LBB2_223-.Ltmp243, $2  }
0xa08: {  	_ =	sdelay $0x2  }
0xa09: {  	v12 =	vimm.s32 $0x0  }
.LBB2_303:
.Ltmp244:
0xa0a: {  	(pc) =	sbr.rel .LBB2_314-.Ltmp244, $2  }
0xa0b: {  	_ =	sdelay $0x2  }
0xa0c: {  	v12 =	vimm.s32 $0x0  }
.LBB2_123:
.Ltmp245:
0xa0d: {  	(pc) =	sbr.rel .LBB2_132-.Ltmp245, $2  }
0xa0e: {  	_ =	sdelay $0x2  }
0xa0f: {  	s0 =	smov.u32 s30;
	v12 =	vimm.s32 $0x0  }
.LBB2_214:
.Ltmp246:
0xa10: {  	(pc) =	sbr.rel .LBB2_223-.Ltmp246, $2  }
0xa11: {  	_ =	sdelay $0x2  }
0xa12: {  	s0 =	smov.u32 s30;
	v12 =	vimm.s32 $0x0  }
.LBB2_305:
.Ltmp247:
0xa13: {  	(pc) =	sbr.rel .LBB2_314-.Ltmp247, $2  }
0xa14: {  	_ =	sdelay $0x2  }
0xa15: {  	s0 =	smov.u32 s30;
	v12 =	vimm.s32 $0x0  }
.LBB2_125:
.Ltmp248:
0xa16: {  	(pc) =	sbr.rel .LBB2_132-.Ltmp248, $2  }
0xa17: {  	_ =	sdelay $0x2  }
0xa18: {  	s0 =	smov.u32 s1;
	vm2 =	vmmov vm1;
	v14 =	vmovc v9;
	v12 =	vimm.s32 $0x0;
	v16 =	vmov v10  }
.LBB2_216:
.Ltmp249:
0xa19: {  	(pc) =	sbr.rel .LBB2_223-.Ltmp249, $2  }
0xa1a: {  	_ =	sdelay $0x2  }
0xa1b: {  	s0 =	smov.u32 s1;
	vm2 =	vmmov vm1;
	v14 =	vmovc v9;
	v12 =	vimm.s32 $0x0;
	v16 =	vmov v10  }
.LBB2_307:
.Ltmp250:
0xa1c: {  	(pc) =	sbr.rel .LBB2_314-.Ltmp250, $2  }
0xa1d: {  	_ =	sdelay $0x2  }
0xa1e: {  	s0 =	smov.u32 s1;
	vm2 =	vmmov vm1;
	v14 =	vmovc v9;
	v12 =	vimm.s32 $0x0;
	v16 =	vmov v10  }
.LBB2_127:
.Ltmp251:
0xa1f: {  	_ = 	snop;
	(pc) =	sbr.rel .LBB2_132-.Ltmp251, $3  }
0xa20: {  	_ =	sdelay $0x1  }
0xa21: {  	vm2 =	vmmov vm3;
	v15 =	vmovc v9;
	v14 =	vmov v17;
	v22 =	vimm.s32 $0x0  }
0xa22: {  	s0 =	smov.u32 s2;
	v20 =	vmovc v19;
	vm5 =	vmmov vm4;
	v11 =	vmovc v10;
	v16 =	vmov v18;
	v13 =	vmov v21  }
.LBB2_218:
.Ltmp252:
0xa23: {  	_ = 	snop;
	(pc) =	sbr.rel .LBB2_223-.Ltmp252, $3  }
0xa24: {  	_ =	sdelay $0x1  }
0xa25: {  	vm2 =	vmmov vm3;
	v15 =	vmovc v9;
	v14 =	vmov v17;
	v22 =	vimm.s32 $0x0  }
0xa26: {  	s0 =	smov.u32 s2;
	v20 =	vmovc v19;
	vm5 =	vmmov vm4;
	v11 =	vmovc v10;
	v16 =	vmov v18;
	v13 =	vmov v21  }
.LBB2_309:
.Ltmp253:
0xa27: {  	_ = 	snop;
	(pc) =	sbr.rel .LBB2_314-.Ltmp253, $3  }
0xa28: {  	_ =	sdelay $0x1  }
0xa29: {  	vm2 =	vmmov vm3;
	v15 =	vmovc v9;
	v14 =	vmov v17;
	v22 =	vimm.s32 $0x0  }
0xa2a: {  	s0 =	smov.u32 s2;
	v20 =	vmovc v19;
	vm5 =	vmmov vm4;
	v11 =	vmovc v10;
	v16 =	vmov v18;
	v13 =	vmov v21  }
.LBB2_129:
.Ltmp254:
0xa2b: {  	(pc) =	sbr.rel .LBB2_132-.Ltmp254, $2  }
0xa2c: {  	_ =	sdelay $0x2  }
0xa2d: {  	v22 =	vmovc v12;
	v7 =	vmovc v9;
	v15 =	vmov v17;
	v12 =	vmov v23;
	v11 =	vmov v18  }
.LBB2_220:
.Ltmp255:
0xa2e: {  	(pc) =	sbr.rel .LBB2_223-.Ltmp255, $2  }
0xa2f: {  	_ =	sdelay $0x2  }
0xa30: {  	v22 =	vmovc v12;
	v7 =	vmovc v9;
	v15 =	vmov v17;
	v12 =	vmov v23;
	v11 =	vmov v18  }
.LBB2_311:
.Ltmp256:
0xa31: {  	(pc) =	sbr.rel .LBB2_314-.Ltmp256, $2  }
0xa32: {  	_ =	sdelay $0x2  }
0xa33: {  	v22 =	vmovc v12;
	v7 =	vmovc v9;
	v15 =	vmov v17;
	v12 =	vmov v23;
	v11 =	vmov v18  }
.LBB2_326:
0xa34: {  	_ =	sfence.sel $0x180000  }
0xa35: {  	[bflag:$0x0] =	sbarrier.arrive $0xFFFF  }
0xa36: {  	_ =	strace $0x90000047  }
0xa37: {  	s0 =	stileid.u32;
	[bflag:$0x2] =	sbarrier.arrive $0xFFFF  }
0xa38: {  	p0 =	sne.s32 s0, $0x0;
	s0 =	rddreg [dreg:$0x2]  }
0xa39: {  	s0 =	sadd.s32 @!p0 $0x100000, s0  }
0xa3a: {  	[sflag:s0] =	ssyncadd.tile.s32 @!p0 $0x1;
	_ =	shalt  }
.Lfunc_end2:
_tile_overlayer_lowered:
.L_overlay_start_2:
0xa3b: {  	(tag) =	ssettag $0x2  }
0xa3c: {  	s0 =	rddreg [dreg:$0x0];
	s2 =	stileid.u32  }
0xa3d: {  	s1 =	rddreg [dreg:$0x1];
	p0 =	sne.s32 s2, $0x0  }
0xa3e: {  	s3 =	rddreg [dreg:$0x2];
	[bflag:$0x3] =	sbarrier.arrive $0xFFFF;
	s2 =	simm.s32 @!p0 $0x1C04  }
0xa3f: {  	[timem:s3], [sflag:s2] =	dma.local @!p0 [hbm:s0], s1  }
0xa40: {  	s0 =	simm.s32 @!p0 $0x4  }
0xa41: {  	_ =	swait.ge @!p0 [sflag:s0], s1  }
0xa42: {  	s1 =	ssub.s32 @!p0 $0x0, s1;
	[sflag:s0] =	ssyncset.done @!p0 $0x0  }
0xa43: {  	[sflag:s0] =	ssyncadd.s32 @!p0 s1  }
0xa44: {  	[bflag:$0x3] =	sbarrier.arrive $0xFFFF  }
0xa45: {  	_ =	shalt  }

</sc_bundles>
